<compile_context>
chip_gen: v7x
topology: tpu7x:2x2x1
jax: 0.10.2.dev20260603
libtpu: 0.0.44.dev20260713+nightly
codegen_flags: <defaults>
</compile_context>

<pallas_src>
import jax
import jax.numpy as jnp
from jax import lax
from jax.experimental import pallas as pl
from jax.experimental.pallas import tpu as pltpu
from jax.experimental.pallas import tpu_sc as plsc

_N = 10000
_E = 320000
_D = 128
_DH = _D // 2

_NC = 2
_NS = 16
_EC = _E // _NS
_B = 128
_NB = 160
_ECP = _NB * _B
_NP = 10240
_RPT = _NP // _NS
_DD = 16
_BR = 512


def _mesh():
    return plsc.VectorSubcoreMesh(core_axis_name="c", subcore_axis_name="s")


def _deg_kernel():
    return pl.kernel(
        _deg_body,
        out_type=jax.ShapeDtypeStruct((_NC, _NP, _DD), jnp.float32),
        mesh=_mesh(),
        compiler_params=pltpu.CompilerParams(use_tc_tiling_on_sc=False),
        scratch_types=[
            pltpu.VMEM((_NB, _B), jnp.int32),
            pltpu.VMEM((_B, _DD), jnp.float32),
            pltpu.VMEM((_B, _DD), jnp.float32),
            pltpu.VMEM_SHARED((_NP, _DD), jnp.float32),
        ],
    )


def _deg_body(dst_hbm, out_hbm, dst_v, ones_v, zero_v, acc):
    c = lax.axis_index("c")
    s = lax.axis_index("s")
    pltpu.sync_copy(dst_hbm.at[s], dst_v)

    ov = jnp.ones((16,), jnp.float32)
    zv = jnp.zeros((16,), jnp.float32)

    def _fill(i, carry):
        ones_v[i, pl.ds(0, _DD)] = ov
        zero_v[i, pl.ds(0, _DD)] = zv
        return carry

    lax.fori_loop(0, _B, _fill, 0)
    rbase = s * _RPT
    for r in range(_RPT // _B):
        pltpu.sync_copy(zero_v, acc.at[pl.ds(rbase + r * _B, _B)])
    plsc.subcore_barrier()

    half = _NB // 2

    def _body(b, carry):
        pltpu.sync_copy(ones_v, acc.at[dst_v.at[c * half + b]], add=True)
        return carry

    lax.fori_loop(0, half, _body, 0)
    plsc.subcore_barrier()
    pltpu.sync_copy(acc.at[pl.ds(rbase, _RPT)], out_hbm.at[c, pl.ds(rbase, _RPT)])


def _scatter_kernel():
    return pl.kernel(
        _scatter_body,
        out_type=jax.ShapeDtypeStruct((_NC, _NP, _DH), jnp.float32),
        mesh=_mesh(),
        compiler_params=pltpu.CompilerParams(use_tc_tiling_on_sc=False),
        scratch_types=[
            pltpu.VMEM((_ECP,), jnp.int32),
            pltpu.VMEM((_NB, _B), jnp.int32),
            pltpu.VMEM((4, _B, _DH), jnp.float32),
            pltpu.VMEM_SHARED((_NP, _DH), jnp.float32),
            [pltpu.SemaphoreType.DMA] * 4,
            [pltpu.SemaphoreType.DMA] * 4,
        ],
    )


def _scatter_body(y_hbm, src_hbm, dst_hbm, out_hbm, src_v, dst_v, stage, acc, gsem, ssem):
    c = lax.axis_index("c")
    s = lax.axis_index("s")
    pltpu.sync_copy(src_hbm.at[s], src_v)
    pltpu.sync_copy(dst_hbm.at[s], dst_v)

    def _xform(i, carry):
        v = src_v[pl.ds(i * 16, 16)]
        src_v[pl.ds(i * 16, 16)] = v * 2 + c
        return carry

    lax.fori_loop(0, _ECP // 16, _xform, 0)

    zv = jnp.zeros((16,), jnp.float32)

    def _zrow(i, carry):
        for k in range(4):
            for j in range(_DH // 16):
                stage[k, i, pl.ds(j * 16, 16)] = zv
        return carry

    lax.fori_loop(0, _B, _zrow, 0)
    rbase = s * _RPT
    for r in range(_RPT // _B):
        pltpu.sync_copy(stage.at[0], acc.at[pl.ds(rbase + r * _B, _B)])
    plsc.subcore_barrier()

    def _g_start(bb, k):
        pltpu.make_async_copy(
            y_hbm.at[src_v.at[pl.ds(bb * _B, _B)]], stage.at[k], gsem[k]
        ).start()

    def _g_wait(k):
        pltpu.make_async_copy(
            y_hbm.at[pl.ds(0, _B)], stage.at[k], gsem[k]
        ).wait()

    def _s_start(bb, k):
        pltpu.async_copy(stage.at[k], acc.at[dst_v.at[bb]], ssem[k], add=True)

    def _s_wait(k):
        pltpu.make_async_copy(
            y_hbm.at[pl.ds(0, _B)], stage.at[k], ssem[k]
        ).wait()

    _g_start(0, 0)
    _g_start(1, 1)
    _g_wait(0); _s_start(0, 0); _g_start(2, 2)
    _g_wait(1); _s_start(1, 1); _g_start(3, 3)
    _g_wait(2); _s_start(2, 2); _s_wait(0); _g_start(4, 0)
    _g_wait(3); _s_start(3, 3); _s_wait(1); _g_start(5, 1)

    def _body(g, carry):
        bb = g * 4
        for kk in range(4):
            k2 = (kk + 2) % 4
            _g_wait(kk)
            _s_start(bb + kk, kk)
            _s_wait(k2)
            _g_start(bb + kk + 2, k2)
        return carry

    lax.fori_loop(1, _NB // 4 - 1, _body, 0)
    t = _NB - 4
    _g_wait(0); _s_start(t + 0, 0); _s_wait(2); _g_start(t + 2, 2)
    _g_wait(1); _s_start(t + 1, 1); _s_wait(3); _g_start(t + 3, 3)
    _g_wait(2); _s_start(t + 2, 2); _s_wait(0)
    _g_wait(3); _s_start(t + 3, 3); _s_wait(1)
    _s_wait(2)
    _s_wait(3)

    plsc.subcore_barrier()
    pltpu.sync_copy(acc.at[pl.ds(rbase, _RPT)], out_hbm.at[c, pl.ds(rbase, _RPT)])


def _dis_from(pd):
    deg = pd[0, :, 0:1] + pd[1, :, 0:1] + 1.0
    return lax.rsqrt(deg)


def _halves(p):
    return jnp.concatenate((p[0], p[1]), axis=-1)


def _tc1_body(pd_ref, x_ref, w_ref, y_ref):
    dis = _dis_from(pd_ref[...])
    y_ref[...] = jnp.dot(
        x_ref[...], w_ref[...], preferred_element_type=jnp.float32
    ) * dis


def _tc2_body(pd_ref, p_ref, y1_ref, b1_ref, w_ref, y2_ref):
    dis = _dis_from(pd_ref[...])
    pre = (_halves(p_ref[...]) + y1_ref[...]) * dis + b1_ref[...]
    h = jnp.maximum(pre, 0.0)
    y2_ref[...] = jnp.dot(
        h, w_ref[...], preferred_element_type=jnp.float32
    ) * dis


def _tc3_body(pd_ref, p_ref, y2_ref, b2_ref, o_ref):
    dis = _dis_from(pd_ref[...])
    o_ref[...] = (_halves(p_ref[...]) + y2_ref[...]) * dis + b2_ref[...]


_pd_spec = pl.BlockSpec((2, _BR, _DD), lambda i: (0, i, 0))
_row_spec = pl.BlockSpec((_BR, _D), lambda i: (i, 0))
_p_spec = pl.BlockSpec((2, _BR, _DH), lambda i: (0, i, 0))
_w_spec = pl.BlockSpec((_D, _D), lambda i: (0, 0))
_b_spec = pl.BlockSpec((1, _D), lambda i: (0, 0))
_rows_out = jax.ShapeDtypeStruct((_NP, _D), jnp.float32)
_grid = (_NP // _BR,)


def _tc1(pdeg, xp, w1):
    return pl.pallas_call(
        _tc1_body,
        grid=_grid,
        in_specs=[_pd_spec, _row_spec, _w_spec],
        out_specs=_row_spec,
        out_shape=_rows_out,
    )(pdeg, xp, w1)


def _tc2(pdeg, p1, y1, b1, w2):
    return pl.pallas_call(
        _tc2_body,
        grid=_grid,
        in_specs=[_pd_spec, _p_spec, _row_spec, _b_spec, _w_spec],
        out_specs=_row_spec,
        out_shape=_rows_out,
    )(pdeg, p1, y1, b1, w2)


def _tc3(pdeg, p2, y2, b2):
    return pl.pallas_call(
        _tc3_body,
        grid=_grid,
        in_specs=[_pd_spec, _p_spec, _row_spec, _b_spec],
        out_specs=_row_spec,
        out_shape=_rows_out,
    )(pdeg, p2, y2, b2)


def kernel(x, edge_index, W1, b1, W2, b2):
    src = edge_index[0].astype(jnp.int32).reshape(_NS, _EC)
    dst = edge_index[1].astype(jnp.int32).reshape(_NS, _EC)
    pad = _ECP - _EC
    srcp = jnp.pad(src, ((0, 0), (0, pad)), constant_values=0)
    dstp = jnp.pad(dst, ((0, 0), (0, pad)), constant_values=_N)
    dstp = dstp.reshape(_NS, _NB, _B)
    xp = jnp.pad(x, ((0, _NP - _N), (0, 0)))

    pdeg = _deg_kernel()(dstp)
    y1 = _tc1(pdeg, xp, W1)
    p1 = _scatter_kernel()(y1.reshape(_NP * 2, _DH), srcp, dstp)
    y2 = _tc2(pdeg, p1, y1, b1.reshape(1, _D), W2)
    p2 = _scatter_kernel()(y2.reshape(_NP * 2, _DH), srcp, dstp)
    out = _tc3(pdeg, p2, y2, b2.reshape(1, _D))
    return out[:_N]

# --- scband reference (transcript-rebuilt; emitter-appended) ---
"""Pipeline reference for scband-gcn-8967891714538 (READ-ONLY COPY).

The authoritative reference and input builder live on the scoring server;
editing this copy changes nothing except your own understanding.
"""

import jax, jax.numpy as jnp
import numpy as np

N = 10000
E = 320000
D_IN = 128
D_HID = 128
D_OUT = 128


def setup_inputs(seed: int = 0):
    key = jax.random.key(seed)
    k1, k2, k3, k4, k5, k6 = jax.random.split(key, 6)
    x = jax.random.normal(k1, (N, D_IN), dtype=jnp.float32)
    edge_index = jax.random.randint(k2, (2, E), 0, N, dtype=jnp.int32)
    W1 = jax.random.normal(k3, (D_IN, D_HID), dtype=jnp.float32) * (1.0 / np.sqrt(D_IN))
    b1 = jnp.zeros((D_HID,), dtype=jnp.float32)
    W2 = jax.random.normal(k4, (D_HID, D_OUT), dtype=jnp.float32) * (1.0 / np.sqrt(D_HID))
    b2 = jnp.zeros((D_OUT,), dtype=jnp.float32)
    return {"x": x, "edge_index": edge_index, "W1": W1, "b1": b1, "W2": W2, "b2": b2}


def _gcn_conv(x, edge_index, W, b, num_nodes):
    # GCNConv: add self-loops, symmetric normalization D^{-1/2}(A+I)D^{-1/2} x W + b
    src = edge_index[0]
    dst = edge_index[1]
    loop = jnp.arange(num_nodes, dtype=src.dtype)
    src = jnp.concatenate([src, loop], axis=0)
    dst = jnp.concatenate([dst, loop], axis=0)
    ones = jnp.ones(src.shape[0], dtype=x.dtype)
    deg = jax.ops.segment_sum(ones, dst, num_segments=num_nodes)
    deg_inv_sqrt = jnp.where(deg > 0, 1.0 / jnp.sqrt(deg), 0.0)
    norm = deg_inv_sqrt[src] * deg_inv_sqrt[dst]
    xw = x @ W
    msg = xw[src] * norm[:, None]
    out = jax.ops.segment_sum(msg, dst, num_segments=num_nodes)
    return out + b


def reference(x, edge_index, W1, b1, W2, b2):
    h = _gcn_conv(x, edge_index, W1, b1, N)
    h = jax.nn.relu(h)
    # dropout is identity in eval/inference mode
    out = _gcn_conv(h, edge_index, W2, b2, N)
    return out

if __name__ == "__main__":
    import jax
    _d = setup_inputs()
    print(jax.jit(kernel)(*tuple(_d.values())))

</pallas_src>

<mosaic_0001>
#map = affine_map<(d0, d1) -> (0, 0, 0)>
module attributes {stable_mosaic.version = 14 : i64} {
  func.func @_deg_body(%arg0: i32, %arg1: i32, %arg2: memref<16x160x128xi32, #tpu.memory_space<hbm>>, %arg3: memref<2x10240x16xf32, #tpu.memory_space<hbm>>, %arg4: memref<160x128xi32, #tpu.memory_space<vmem>>, %arg5: memref<128x16xf32, #tpu.memory_space<vmem>>, %arg6: memref<128x16xf32, #tpu.memory_space<vmem>>, %arg7: memref<10240x16xf32, #tpu.memory_space<vmem_shared>>) attributes {dimension_semantics = [#tpu.dimension_semantics<core_parallel>, #tpu.dimension_semantics<subcore_parallel>], iteration_bounds = array<i64: 2, 16>, scalar_prefetch = 0 : i64, scratch_operands = 4 : i64, tpu.core_type = #tpu.core_type<sc_vector_subcore>, window_params = [{transform_indices = #map}, {transform_indices = #map}]} {
    "tpu.region"() ({
      %run_scoped3A = tpu.sem_alloc : memref<!tpu.dma_semaphore, #tpu.memory_space<semaphore_mem>>
      %dma_start3A = arith.constant 0 : i32
      %dma_start3A_25 = arith.constant 0 : i32
      %dma_start3A_26 = tpu.memref_slice %arg2[%arg1, %dma_start3A, %dma_start3A_25] : memref<16x160x128xi32, #tpu.memory_space<hbm>> -> memref<1x160x128xi32, #tpu.memory_space<hbm>>
      %dma_start3A_27 = tpu.memref_squeeze %dma_start3A_26 : memref<1x160x128xi32, #tpu.memory_space<hbm>> -> memref<160x128xi32, #tpu.memory_space<hbm>>
      %dma_start3A_28 = arith.constant 0 : i32
      %dma_start3A_29 = arith.constant 0 : i32
      %dma_start3A_30 = tpu.memref_slice %arg2[%arg1, %dma_start3A_28, %dma_start3A_29] : memref<16x160x128xi32, #tpu.memory_space<hbm>> -> memref<1x160x128xi32, #tpu.memory_space<hbm>>
      %dma_start3A_31 = tpu.memref_squeeze %dma_start3A_30 : memref<1x160x128xi32, #tpu.memory_space<hbm>> -> memref<160x128xi32, #tpu.memory_space<hbm>>
      tpu.enqueue_dma source(%dma_start3A_31 : memref<160x128xi32, #tpu.memory_space<hbm>>) target(%arg4 : memref<160x128xi32, #tpu.memory_space<vmem>>) target_semaphore(%run_scoped3A : memref<!tpu.dma_semaphore, #tpu.memory_space<semaphore_mem>>)
      %dma_wait3A = arith.constant 0 : i32
      %dma_wait3A_32 = arith.constant 0 : i32
      %dma_wait3A_33 = tpu.memref_slice %arg2[%arg1, %dma_wait3A, %dma_wait3A_32] : memref<16x160x128xi32, #tpu.memory_space<hbm>> -> memref<1x160x128xi32, #tpu.memory_space<hbm>>
      %dma_wait3A_34 = tpu.memref_squeeze %dma_wait3A_33 : memref<1x160x128xi32, #tpu.memory_space<hbm>> -> memref<160x128xi32, #tpu.memory_space<hbm>>
      %dma_wait3A_35 = arith.constant 0 : i32
      %dma_wait3A_36 = arith.constant 0 : i32
      %dma_wait3A_37 = tpu.memref_slice %arg2[%arg1, %dma_wait3A_35, %dma_wait3A_36] : memref<16x160x128xi32, #tpu.memory_space<hbm>> -> memref<1x160x128xi32, #tpu.memory_space<hbm>>
      %dma_wait3A_38 = tpu.memref_squeeze %dma_wait3A_37 : memref<1x160x128xi32, #tpu.memory_space<hbm>> -> memref<160x128xi32, #tpu.memory_space<hbm>>
      tpu.wait_dma2 semaphore(%run_scoped3A : memref<!tpu.dma_semaphore, #tpu.memory_space<semaphore_mem>>) src(%dma_wait3A_38 : memref<160x128xi32, #tpu.memory_space<hbm>>) dst(%arg4 : memref<160x128xi32, #tpu.memory_space<vmem>>)
      tpu.yield
    }) : () -> ()
    %broadcast_in_dim3A = arith.constant 1.000000e+00 : f32
    %broadcast_in_dim3A_0 = vector.broadcast %broadcast_in_dim3A : f32 to vector<16xf32>
    %broadcast_in_dim3A_1 = arith.constant 0.000000e+00 : f32
    %broadcast_in_dim3A_2 = vector.broadcast %broadcast_in_dim3A_1 : f32 to vector<16xf32>
    %scan3A = arith.constant 0 : i32
    %scan3A_3 = arith.constant 0 : i32
    %scan3A_4 = arith.constant 128 : i32
    %scan3A_5 = arith.addi %scan3A_3, %scan3A_4 : i32
    %scan3A_6 = arith.constant 1 : i32
    scf.for %scan3A_25 = %scan3A_3 to %scan3A_5 step %scan3A_6  : i32 {
      %swap3A = arith.index_cast %scan3A_25 : i32 to index
      %swap3A_26 = arith.constant 0 : index
      %swap3A_27 = tpu.vector_load %arg5[%swap3A, %swap3A_26] {strides = array<i32>} : memref<128x16xf32, #tpu.memory_space<vmem>>, vector<1x16xf32>,
      %swap3A_28 = vector.shape_cast %swap3A_27 : vector<1x16xf32> to vector<16xf32>
      %swap3A_29 = vector.shape_cast %broadcast_in_dim3A_0 : vector<16xf32> to vector<1x16xf32>
      tpu.vector_store %arg5[%swap3A, %swap3A_26], %swap3A_29 {strides = array<i32>} : memref<128x16xf32, #tpu.memory_space<vmem>>, vector<1x16xf32>,
      %swap3A_30 = arith.index_cast %scan3A_25 : i32 to index
      %swap3A_31 = arith.constant 0 : index
      %swap3A_32 = tpu.vector_load %arg6[%swap3A_30, %swap3A_31] {strides = array<i32>} : memref<128x16xf32, #tpu.memory_space<vmem>>, vector<1x16xf32>,
      %swap3A_33 = vector.shape_cast %swap3A_32 : vector<1x16xf32> to vector<16xf32>
      %swap3A_34 = vector.shape_cast %broadcast_in_dim3A_2 : vector<16xf32> to vector<1x16xf32>
      tpu.vector_store %arg6[%swap3A_30, %swap3A_31], %swap3A_34 {strides = array<i32>} : memref<128x16xf32, #tpu.memory_space<vmem>>, vector<1x16xf32>,
    }
    %scan3A_7 = arith.constant 128 : i32
    %mul3A = arith.constant 640 : i32
    %mul3A_8 = arith.muli %arg1, %mul3A : i32
    %add3A = arith.constant 0 : i32
    %add3A_9 = arith.addi %mul3A_8, %add3A : i32
    "tpu.region"() ({
      %run_scoped3A = tpu.sem_alloc : memref<!tpu.dma_semaphore, #tpu.memory_space<semaphore_mem>>
      %dma_start3A = arith.constant 0 : i32
      %dma_start3A_25 = tpu.memref_slice %arg7[%add3A_9, %dma_start3A] : memref<10240x16xf32, #tpu.memory_space<vmem_shared>> -> memref<128x16xf32, #tpu.memory_space<vmem_shared>>
      %dma_start3A_26 = arith.constant 0 : i32
      %dma_start3A_27 = tpu.memref_slice %arg7[%add3A_9, %dma_start3A_26] : memref<10240x16xf32, #tpu.memory_space<vmem_shared>> -> memref<128x16xf32, #tpu.memory_space<vmem_shared>>
      tpu.enqueue_dma source(%arg6 : memref<128x16xf32, #tpu.memory_space<vmem>>) target(%dma_start3A_27 : memref<128x16xf32, #tpu.memory_space<vmem_shared>>) target_semaphore(%run_scoped3A : memref<!tpu.dma_semaphore, #tpu.memory_space<semaphore_mem>>)
      %dma_wait3A = arith.constant 0 : i32
      %dma_wait3A_28 = tpu.memref_slice %arg7[%add3A_9, %dma_wait3A] : memref<10240x16xf32, #tpu.memory_space<vmem_shared>> -> memref<128x16xf32, #tpu.memory_space<vmem_shared>>
      %dma_wait3A_29 = arith.constant 0 : i32
      %dma_wait3A_30 = tpu.memref_slice %arg7[%add3A_9, %dma_wait3A_29] : memref<10240x16xf32, #tpu.memory_space<vmem_shared>> -> memref<128x16xf32, #tpu.memory_space<vmem_shared>>
      tpu.wait_dma2 semaphore(%run_scoped3A : memref<!tpu.dma_semaphore, #tpu.memory_space<semaphore_mem>>) src(%arg6 : memref<128x16xf32, #tpu.memory_space<vmem>>) dst(%dma_wait3A_30 : memref<128x16xf32, #tpu.memory_space<vmem_shared>>)
      tpu.yield
    }) : () -> ()
    %add3A_10 = arith.constant 128 : i32
    %add3A_11 = arith.addi %mul3A_8, %add3A_10 : i32
    "tpu.region"() ({
      %run_scoped3A = tpu.sem_alloc : memref<!tpu.dma_semaphore, #tpu.memory_space<semaphore_mem>>
      %dma_start3A = arith.constant 0 : i32
      %dma_start3A_25 = tpu.memref_slice %arg7[%add3A_11, %dma_start3A] : memref<10240x16xf32, #tpu.memory_space<vmem_shared>> -> memref<128x16xf32, #tpu.memory_space<vmem_shared>>
      %dma_start3A_26 = arith.constant 0 : i32
      %dma_start3A_27 = tpu.memref_slice %arg7[%add3A_11, %dma_start3A_26] : memref<10240x16xf32, #tpu.memory_space<vmem_shared>> -> memref<128x16xf32, #tpu.memory_space<vmem_shared>>
      tpu.enqueue_dma source(%arg6 : memref<128x16xf32, #tpu.memory_space<vmem>>) target(%dma_start3A_27 : memref<128x16xf32, #tpu.memory_space<vmem_shared>>) target_semaphore(%run_scoped3A : memref<!tpu.dma_semaphore, #tpu.memory_space<semaphore_mem>>)
      %dma_wait3A = arith.constant 0 : i32
      %dma_wait3A_28 = tpu.memref_slice %arg7[%add3A_11, %dma_wait3A] : memref<10240x16xf32, #tpu.memory_space<vmem_shared>> -> memref<128x16xf32, #tpu.memory_space<vmem_shared>>
      %dma_wait3A_29 = arith.constant 0 : i32
      %dma_wait3A_30 = tpu.memref_slice %arg7[%add3A_11, %dma_wait3A_29] : memref<10240x16xf32, #tpu.memory_space<vmem_shared>> -> memref<128x16xf32, #tpu.memory_space<vmem_shared>>
      tpu.wait_dma2 semaphore(%run_scoped3A : memref<!tpu.dma_semaphore, #tpu.memory_space<semaphore_mem>>) src(%arg6 : memref<128x16xf32, #tpu.memory_space<vmem>>) dst(%dma_wait3A_30 : memref<128x16xf32, #tpu.memory_space<vmem_shared>>)
      tpu.yield
    }) : () -> ()
    %add3A_12 = arith.constant 256 : i32
    %add3A_13 = arith.addi %mul3A_8, %add3A_12 : i32
    "tpu.region"() ({
      %run_scoped3A = tpu.sem_alloc : memref<!tpu.dma_semaphore, #tpu.memory_space<semaphore_mem>>
      %dma_start3A = arith.constant 0 : i32
      %dma_start3A_25 = tpu.memref_slice %arg7[%add3A_13, %dma_start3A] : memref<10240x16xf32, #tpu.memory_space<vmem_shared>> -> memref<128x16xf32, #tpu.memory_space<vmem_shared>>
      %dma_start3A_26 = arith.constant 0 : i32
      %dma_start3A_27 = tpu.memref_slice %arg7[%add3A_13, %dma_start3A_26] : memref<10240x16xf32, #tpu.memory_space<vmem_shared>> -> memref<128x16xf32, #tpu.memory_space<vmem_shared>>
      tpu.enqueue_dma source(%arg6 : memref<128x16xf32, #tpu.memory_space<vmem>>) target(%dma_start3A_27 : memref<128x16xf32, #tpu.memory_space<vmem_shared>>) target_semaphore(%run_scoped3A : memref<!tpu.dma_semaphore, #tpu.memory_space<semaphore_mem>>)
      %dma_wait3A = arith.constant 0 : i32
      %dma_wait3A_28 = tpu.memref_slice %arg7[%add3A_13, %dma_wait3A] : memref<10240x16xf32, #tpu.memory_space<vmem_shared>> -> memref<128x16xf32, #tpu.memory_space<vmem_shared>>
      %dma_wait3A_29 = arith.constant 0 : i32
      %dma_wait3A_30 = tpu.memref_slice %arg7[%add3A_13, %dma_wait3A_29] : memref<10240x16xf32, #tpu.memory_space<vmem_shared>> -> memref<128x16xf32, #tpu.memory_space<vmem_shared>>
      tpu.wait_dma2 semaphore(%run_scoped3A : memref<!tpu.dma_semaphore, #tpu.memory_space<semaphore_mem>>) src(%arg6 : memref<128x16xf32, #tpu.memory_space<vmem>>) dst(%dma_wait3A_30 : memref<128x16xf32, #tpu.memory_space<vmem_shared>>)
      tpu.yield
    }) : () -> ()
    %add3A_14 = arith.constant 384 : i32
    %add3A_15 = arith.addi %mul3A_8, %add3A_14 : i32
    "tpu.region"() ({
      %run_scoped3A = tpu.sem_alloc : memref<!tpu.dma_semaphore, #tpu.memory_space<semaphore_mem>>
      %dma_start3A = arith.constant 0 : i32
      %dma_start3A_25 = tpu.memref_slice %arg7[%add3A_15, %dma_start3A] : memref<10240x16xf32, #tpu.memory_space<vmem_shared>> -> memref<128x16xf32, #tpu.memory_space<vmem_shared>>
      %dma_start3A_26 = arith.constant 0 : i32
      %dma_start3A_27 = tpu.memref_slice %arg7[%add3A_15, %dma_start3A_26] : memref<10240x16xf32, #tpu.memory_space<vmem_shared>> -> memref<128x16xf32, #tpu.memory_space<vmem_shared>>
      tpu.enqueue_dma source(%arg6 : memref<128x16xf32, #tpu.memory_space<vmem>>) target(%dma_start3A_27 : memref<128x16xf32, #tpu.memory_space<vmem_shared>>) target_semaphore(%run_scoped3A : memref<!tpu.dma_semaphore, #tpu.memory_space<semaphore_mem>>)
      %dma_wait3A = arith.constant 0 : i32
      %dma_wait3A_28 = tpu.memref_slice %arg7[%add3A_15, %dma_wait3A] : memref<10240x16xf32, #tpu.memory_space<vmem_shared>> -> memref<128x16xf32, #tpu.memory_space<vmem_shared>>
      %dma_wait3A_29 = arith.constant 0 : i32
      %dma_wait3A_30 = tpu.memref_slice %arg7[%add3A_15, %dma_wait3A_29] : memref<10240x16xf32, #tpu.memory_space<vmem_shared>> -> memref<128x16xf32, #tpu.memory_space<vmem_shared>>
      tpu.wait_dma2 semaphore(%run_scoped3A : memref<!tpu.dma_semaphore, #tpu.memory_space<semaphore_mem>>) src(%arg6 : memref<128x16xf32, #tpu.memory_space<vmem>>) dst(%dma_wait3A_30 : memref<128x16xf32, #tpu.memory_space<vmem_shared>>)
      tpu.yield
    }) : () -> ()
    %add3A_16 = arith.constant 512 : i32
    %add3A_17 = arith.addi %mul3A_8, %add3A_16 : i32
    "tpu.region"() ({
      %run_scoped3A = tpu.sem_alloc : memref<!tpu.dma_semaphore, #tpu.memory_space<semaphore_mem>>
      %dma_start3A = arith.constant 0 : i32
      %dma_start3A_25 = tpu.memref_slice %arg7[%add3A_17, %dma_start3A] : memref<10240x16xf32, #tpu.memory_space<vmem_shared>> -> memref<128x16xf32, #tpu.memory_space<vmem_shared>>
      %dma_start3A_26 = arith.constant 0 : i32
      %dma_start3A_27 = tpu.memref_slice %arg7[%add3A_17, %dma_start3A_26] : memref<10240x16xf32, #tpu.memory_space<vmem_shared>> -> memref<128x16xf32, #tpu.memory_space<vmem_shared>>
      tpu.enqueue_dma source(%arg6 : memref<128x16xf32, #tpu.memory_space<vmem>>) target(%dma_start3A_27 : memref<128x16xf32, #tpu.memory_space<vmem_shared>>) target_semaphore(%run_scoped3A : memref<!tpu.dma_semaphore, #tpu.memory_space<semaphore_mem>>)
      %dma_wait3A = arith.constant 0 : i32
      %dma_wait3A_28 = tpu.memref_slice %arg7[%add3A_17, %dma_wait3A] : memref<10240x16xf32, #tpu.memory_space<vmem_shared>> -> memref<128x16xf32, #tpu.memory_space<vmem_shared>>
      %dma_wait3A_29 = arith.constant 0 : i32
      %dma_wait3A_30 = tpu.memref_slice %arg7[%add3A_17, %dma_wait3A_29] : memref<10240x16xf32, #tpu.memory_space<vmem_shared>> -> memref<128x16xf32, #tpu.memory_space<vmem_shared>>
      tpu.wait_dma2 semaphore(%run_scoped3A : memref<!tpu.dma_semaphore, #tpu.memory_space<semaphore_mem>>) src(%arg6 : memref<128x16xf32, #tpu.memory_space<vmem>>) dst(%dma_wait3A_30 : memref<128x16xf32, #tpu.memory_space<vmem_shared>>)
      tpu.yield
    }) : () -> ()
    %barrier3A = arith.constant 0 : index
    tpu.barrier barrier_id(%barrier3A)
    %scan3A_18 = arith.constant 0 : i32
    %scan3A_19 = arith.constant 0 : i32
    %scan3A_20 = arith.constant 80 : i32
    %scan3A_21 = arith.addi %scan3A_19, %scan3A_20 : i32
    %scan3A_22 = arith.constant 1 : i32
    scf.for %scan3A_25 = %scan3A_19 to %scan3A_21 step %scan3A_22  : i32 {
      %mul3A_26 = arith.constant 80 : i32
      %mul3A_27 = arith.muli %arg0, %mul3A_26 : i32
      %add3A_28 = arith.addi %mul3A_27, %scan3A_25 : i32
      "tpu.region"() ({
        %run_scoped3A = tpu.sem_alloc : memref<!tpu.dma_semaphore, #tpu.memory_space<semaphore_mem>>
        %dma_start3A = arith.constant 0 : i32
        %dma_start3A_29 = tpu.memref_slice %arg4[%add3A_28, %dma_start3A] : memref<160x128xi32, #tpu.memory_space<vmem>> -> memref<1x128xi32, #tpu.memory_space<vmem>>
        %dma_start3A_30 = tpu.memref_squeeze %dma_start3A_29 : memref<1x128xi32, #tpu.memory_space<vmem>> -> memref<128xi32, #tpu.memory_space<vmem>>
        %dma_start3A_31 = arith.constant 0 : i32
        %dma_start3A_32 = arith.constant 0 : i32
        %dma_start3A_33 = tpu.memref_slice %arg7[%dma_start3A_31, %dma_start3A_32] : memref<10240x16xf32, #tpu.memory_space<vmem_shared>> -> memref<10240x16xf32, #tpu.memory_space<vmem_shared>>
        tpu.enqueue_indirect_dma source(%arg5 : memref<128x16xf32, #tpu.memory_space<vmem>>) target(%dma_start3A_33 : memref<10240x16xf32, #tpu.memory_space<vmem_shared>>) offsets(%dma_start3A_30 : memref<128xi32, #tpu.memory_space<vmem>>) semaphore(%run_scoped3A : memref<!tpu.dma_semaphore, #tpu.memory_space<semaphore_mem>>) {add = true}
        %dma_wait3A = arith.constant 0 : i32
        %dma_wait3A_34 = tpu.memref_slice %arg4[%add3A_28, %dma_wait3A] : memref<160x128xi32, #tpu.memory_space<vmem>> -> memref<1x128xi32, #tpu.memory_space<vmem>>
        %dma_wait3A_35 = tpu.memref_squeeze %dma_wait3A_34 : memref<1x128xi32, #tpu.memory_space<vmem>> -> memref<128xi32, #tpu.memory_space<vmem>>
        %dma_wait3A_36 = arith.constant 0 : i32
        %dma_wait3A_37 = arith.constant 0 : i32
        %dma_wait3A_38 = tpu.memref_slice %arg7[%dma_wait3A_36, %dma_wait3A_37] : memref<10240x16xf32, #tpu.memory_space<vmem_shared>> -> memref<10240x16xf32, #tpu.memory_space<vmem_shared>>
        tpu.wait_indirect_dma semaphore(%run_scoped3A : memref<!tpu.dma_semaphore, #tpu.memory_space<semaphore_mem>>) src(%arg5 : memref<128x16xf32, #tpu.memory_space<vmem>>) dst(%dma_wait3A_38 : memref<10240x16xf32, #tpu.memory_space<vmem_shared>>)
        tpu.yield
      }) : () -> ()
    }
    %scan3A_23 = arith.constant 80 : i32
    %barrier3A_24 = arith.constant 0 : index
    tpu.barrier barrier_id(%barrier3A_24)
    "tpu.region"() ({
      %run_scoped3A = tpu.sem_alloc : memref<!tpu.dma_semaphore, #tpu.memory_space<semaphore_mem>>
      %dma_start3A = arith.constant 0 : i32
      %dma_start3A_25 = tpu.memref_slice %arg3[%arg0, %mul3A_8, %dma_start3A] : memref<2x10240x16xf32, #tpu.memory_space<hbm>> -> memref<1x640x16xf32, #tpu.memory_space<hbm>>
      %dma_start3A_26 = tpu.memref_squeeze %dma_start3A_25 : memref<1x640x16xf32, #tpu.memory_space<hbm>> -> memref<640x16xf32, #tpu.memory_space<hbm>>
      %dma_start3A_27 = arith.constant 0 : i32
      %dma_start3A_28 = tpu.memref_slice %arg7[%mul3A_8, %dma_start3A_27] : memref<10240x16xf32, #tpu.memory_space<vmem_shared>> -> memref<640x16xf32, #tpu.memory_space<vmem_shared>>
      tpu.enqueue_dma source(%dma_start3A_28 : memref<640x16xf32, #tpu.memory_space<vmem_shared>>) target(%dma_start3A_26 : memref<640x16xf32, #tpu.memory_space<hbm>>) target_semaphore(%run_scoped3A : memref<!tpu.dma_semaphore, #tpu.memory_space<semaphore_mem>>)
      %dma_wait3A = arith.constant 0 : i32
      %dma_wait3A_29 = tpu.memref_slice %arg3[%arg0, %mul3A_8, %dma_wait3A] : memref<2x10240x16xf32, #tpu.memory_space<hbm>> -> memref<1x640x16xf32, #tpu.memory_space<hbm>>
      %dma_wait3A_30 = tpu.memref_squeeze %dma_wait3A_29 : memref<1x640x16xf32, #tpu.memory_space<hbm>> -> memref<640x16xf32, #tpu.memory_space<hbm>>
      %dma_wait3A_31 = arith.constant 0 : i32
      %dma_wait3A_32 = tpu.memref_slice %arg7[%mul3A_8, %dma_wait3A_31] : memref<10240x16xf32, #tpu.memory_space<vmem_shared>> -> memref<640x16xf32, #tpu.memory_space<vmem_shared>>
      tpu.wait_dma2 semaphore(%run_scoped3A : memref<!tpu.dma_semaphore, #tpu.memory_space<semaphore_mem>>) src(%dma_wait3A_32 : memref<640x16xf32, #tpu.memory_space<vmem_shared>>) dst(%dma_wait3A_30 : memref<640x16xf32, #tpu.memory_space<hbm>>)
      tpu.yield
    }) : () -> ()
    return
  }
}

#map = affine_map<(d0, d1) -> (0, 0)>
#map1 = affine_map<(d0, d1) -> (0, 0, 0)>
module attributes {stable_mosaic.version = 14 : i64} {
  func.func @_scatter_body(%arg0: i32, %arg1: i32, %arg2: memref<20480x64xf32, #tpu.memory_space<hbm>>, %arg3: memref<16x20480xi32, #tpu.memory_space<hbm>>, %arg4: memref<16x160x128xi32, #tpu.memory_space<hbm>>, %arg5: memref<2x10240x64xf32, #tpu.memory_space<hbm>>, %arg6: memref<20480xi32, #tpu.memory_space<vmem>>, %arg7: memref<160x128xi32, #tpu.memory_space<vmem>>, %arg8: memref<4x128x64xf32, #tpu.memory_space<vmem>>, %arg9: memref<10240x64xf32, #tpu.memory_space<vmem_shared>>, %arg10: memref<!tpu.dma_semaphore, #tpu.memory_space<semaphore_mem>>, %arg11: memref<!tpu.dma_semaphore, #tpu.memory_space<semaphore_mem>>, %arg12: memref<!tpu.dma_semaphore, #tpu.memory_space<semaphore_mem>>, %arg13: memref<!tpu.dma_semaphore, #tpu.memory_space<semaphore_mem>>, %arg14: memref<!tpu.dma_semaphore, #tpu.memory_space<semaphore_mem>>, %arg15: memref<!tpu.dma_semaphore, #tpu.memory_space<semaphore_mem>>, %arg16: memref<!tpu.dma_semaphore, #tpu.memory_space<semaphore_mem>>, %arg17: memref<!tpu.dma_semaphore, #tpu.memory_space<semaphore_mem>>) attributes {dimension_semantics = [#tpu.dimension_semantics<core_parallel>, #tpu.dimension_semantics<subcore_parallel>], iteration_bounds = array<i64: 2, 16>, scalar_prefetch = 0 : i64, scratch_operands = 12 : i64, tpu.core_type = #tpu.core_type<sc_vector_subcore>, window_params = [{transform_indices = #map}, {transform_indices = #map}, {transform_indices = #map1}, {transform_indices = #map1}]} {
    "tpu.region"() ({
      %run_scoped3A_447 = tpu.sem_alloc : memref<!tpu.dma_semaphore, #tpu.memory_space<semaphore_mem>>
      %dma_start3A_448 = arith.constant 0 : i32
      %dma_start3A_449 = tpu.memref_slice %arg3[%arg1, %dma_start3A_448] : memref<16x20480xi32, #tpu.memory_space<hbm>> -> memref<1x20480xi32, #tpu.memory_space<hbm>>
      %dma_start3A_450 = tpu.memref_squeeze %dma_start3A_449 : memref<1x20480xi32, #tpu.memory_space<hbm>> -> memref<20480xi32, #tpu.memory_space<hbm>>
      %dma_start3A_451 = arith.constant 0 : i32
      %dma_start3A_452 = tpu.memref_slice %arg3[%arg1, %dma_start3A_451] : memref<16x20480xi32, #tpu.memory_space<hbm>> -> memref<1x20480xi32, #tpu.memory_space<hbm>>
      %dma_start3A_453 = tpu.memref_squeeze %dma_start3A_452 : memref<1x20480xi32, #tpu.memory_space<hbm>> -> memref<20480xi32, #tpu.memory_space<hbm>>
      tpu.enqueue_dma source(%dma_start3A_453 : memref<20480xi32, #tpu.memory_space<hbm>>) target(%arg6 : memref<20480xi32, #tpu.memory_space<vmem>>) target_semaphore(%run_scoped3A_447 : memref<!tpu.dma_semaphore, #tpu.memory_space<semaphore_mem>>)
      %dma_wait3A_454 = arith.constant 0 : i32
      %dma_wait3A_455 = tpu.memref_slice %arg3[%arg1, %dma_wait3A_454] : memref<16x20480xi32, #tpu.memory_space<hbm>> -> memref<1x20480xi32, #tpu.memory_space<hbm>>
      %dma_wait3A_456 = tpu.memref_squeeze %dma_wait3A_455 : memref<1x20480xi32, #tpu.memory_space<hbm>> -> memref<20480xi32, #tpu.memory_space<hbm>>
      %dma_wait3A_457 = arith.constant 0 : i32
      %dma_wait3A_458 = tpu.memref_slice %arg3[%arg1, %dma_wait3A_457] : memref<16x20480xi32, #tpu.memory_space<hbm>> -> memref<1x20480xi32, #tpu.memory_space<hbm>>
      %dma_wait3A_459 = tpu.memref_squeeze %dma_wait3A_458 : memref<1x20480xi32, #tpu.memory_space<hbm>> -> memref<20480xi32, #tpu.memory_space<hbm>>
      tpu.wait_dma2 semaphore(%run_scoped3A_447 : memref<!tpu.dma_semaphore, #tpu.memory_space<semaphore_mem>>) src(%dma_wait3A_459 : memref<20480xi32, #tpu.memory_space<hbm>>) dst(%arg6 : memref<20480xi32, #tpu.memory_space<vmem>>)
      tpu.yield
    }) : () -> ()
    "tpu.region"() ({
      %run_scoped3A_447 = tpu.sem_alloc : memref<!tpu.dma_semaphore, #tpu.memory_space<semaphore_mem>>
      %dma_start3A_448 = arith.constant 0 : i32
      %dma_start3A_449 = arith.constant 0 : i32
      %dma_start3A_450 = tpu.memref_slice %arg4[%arg1, %dma_start3A_448, %dma_start3A_449] : memref<16x160x128xi32, #tpu.memory_space<hbm>> -> memref<1x160x128xi32, #tpu.memory_space<hbm>>
      %dma_start3A_451 = tpu.memref_squeeze %dma_start3A_450 : memref<1x160x128xi32, #tpu.memory_space<hbm>> -> memref<160x128xi32, #tpu.memory_space<hbm>>
      %dma_start3A_452 = arith.constant 0 : i32
      %dma_start3A_453 = arith.constant 0 : i32
      %dma_start3A_454 = tpu.memref_slice %arg4[%arg1, %dma_start3A_452, %dma_start3A_453] : memref<16x160x128xi32, #tpu.memory_space<hbm>> -> memref<1x160x128xi32, #tpu.memory_space<hbm>>
      %dma_start3A_455 = tpu.memref_squeeze %dma_start3A_454 : memref<1x160x128xi32, #tpu.memory_space<hbm>> -> memref<160x128xi32, #tpu.memory_space<hbm>>
      tpu.enqueue_dma source(%dma_start3A_455 : memref<160x128xi32, #tpu.memory_space<hbm>>) target(%arg7 : memref<160x128xi32, #tpu.memory_space<vmem>>) target_semaphore(%run_scoped3A_447 : memref<!tpu.dma_semaphore, #tpu.memory_space<semaphore_mem>>)
      %dma_wait3A_456 = arith.constant 0 : i32
      %dma_wait3A_457 = arith.constant 0 : i32
      %dma_wait3A_458 = tpu.memref_slice %arg4[%arg1, %dma_wait3A_456, %dma_wait3A_457] : memref<16x160x128xi32, #tpu.memory_space<hbm>> -> memref<1x160x128xi32, #tpu.memory_space<hbm>>
      %dma_wait3A_459 = tpu.memref_squeeze %dma_wait3A_458 : memref<1x160x128xi32, #tpu.memory_space<hbm>> -> memref<160x128xi32, #tpu.memory_space<hbm>>
      %dma_wait3A_460 = arith.constant 0 : i32
      %dma_wait3A_461 = arith.constant 0 : i32
      %dma_wait3A_462 = tpu.memref_slice %arg4[%arg1, %dma_wait3A_460, %dma_wait3A_461] : memref<16x160x128xi32, #tpu.memory_space<hbm>> -> memref<1x160x128xi32, #tpu.memory_space<hbm>>
      %dma_wait3A_463 = tpu.memref_squeeze %dma_wait3A_462 : memref<1x160x128xi32, #tpu.memory_space<hbm>> -> memref<160x128xi32, #tpu.memory_space<hbm>>
      tpu.wait_dma2 semaphore(%run_scoped3A_447 : memref<!tpu.dma_semaphore, #tpu.memory_space<semaphore_mem>>) src(%dma_wait3A_463 : memref<160x128xi32, #tpu.memory_space<hbm>>) dst(%arg7 : memref<160x128xi32, #tpu.memory_space<vmem>>)
      tpu.yield
    }) : () -> ()
    %scan3A = arith.constant 0 : i32
    %scan3A_0 = arith.constant 0 : i32
    %scan3A_1 = arith.constant 1280 : i32
    %scan3A_2 = arith.addi %scan3A_0, %scan3A_1 : i32
    %scan3A_3 = arith.constant 1 : i32
    scf.for %scan3A_447 = %scan3A_0 to %scan3A_2 step %scan3A_3  : i32 {
      %mul3A_448 = arith.constant 16 : i32
      %mul3A_449 = arith.muli %scan3A_447, %mul3A_448 : i32
      %get3A = arith.index_cast %mul3A_449 : i32 to index
      %get3A_450 = tpu.vector_load %arg6[%get3A] {strides = array<i32>} : memref<20480xi32, #tpu.memory_space<vmem>>, vector<16xi32>,
      %get3A_451 = vector.shape_cast %get3A_450 : vector<16xi32> to vector<16xi32>
      %mul3A_452 = arith.constant 2 : i32
      %mul3A_453 = vector.broadcast %mul3A_452 : i32 to vector<16xi32>
      %mul3A_454 = arith.muli %get3A_451, %mul3A_453 : vector<16xi32>
      %add3A_455 = vector.broadcast %arg0 : i32 to vector<16xi32>
      %add3A_456 = arith.addi %mul3A_454, %add3A_455 : vector<16xi32>
      %mul3A_457 = arith.constant 16 : i32
      %mul3A_458 = arith.muli %scan3A_447, %mul3A_457 : i32
      %swap3A = arith.index_cast %mul3A_458 : i32 to index
      %swap3A_459 = tpu.vector_load %arg6[%swap3A] {strides = array<i32>} : memref<20480xi32, #tpu.memory_space<vmem>>, vector<16xi32>,
      %swap3A_460 = vector.shape_cast %swap3A_459 : vector<16xi32> to vector<16xi32>
      %swap3A_461 = vector.shape_cast %add3A_456 : vector<16xi32> to vector<16xi32>
      tpu.vector_store %arg6[%swap3A], %swap3A_461 {strides = array<i32>} : memref<20480xi32, #tpu.memory_space<vmem>>, vector<16xi32>,
    }
    %scan3A_4 = arith.constant 1280 : i32
    %broadcast_in_dim3A = arith.constant 0.000000e+00 : f32
    %broadcast_in_dim3A_5 = vector.broadcast %broadcast_in_dim3A : f32 to vector<16xf32>
    %scan3A_6 = arith.constant 0 : i32
    %scan3A_7 = arith.constant 0 : i32
    %scan3A_8 = arith.constant 128 : i32
    %scan3A_9 = arith.addi %scan3A_7, %scan3A_8 : i32
    %scan3A_10 = arith.constant 1 : i32
    scf.for %scan3A_447 = %scan3A_7 to %scan3A_9 step %scan3A_10  : i32 {
      %swap3A = arith.constant 0 : i32
      %swap3A_448 = arith.index_cast %swap3A : i32 to index
      %swap3A_449 = arith.index_cast %scan3A_447 : i32 to index
      %swap3A_450 = arith.constant 0 : index
      %swap3A_451 = tpu.vector_load %arg8[%swap3A_448, %swap3A_449, %swap3A_450] {strides = array<i32>} : memref<4x128x64xf32, #tpu.memory_space<vmem>>, vector<1x1x16xf32>,
      %swap3A_452 = vector.shape_cast %swap3A_451 : vector<1x1x16xf32> to vector<16xf32>
      %swap3A_453 = vector.shape_cast %broadcast_in_dim3A_5 : vector<16xf32> to vector<1x1x16xf32>
      tpu.vector_store %arg8[%swap3A_448, %swap3A_449, %swap3A_450], %swap3A_453 {strides = array<i32>} : memref<4x128x64xf32, #tpu.memory_space<vmem>>, vector<1x1x16xf32>,
      %swap3A_454 = arith.constant 0 : i32
      %swap3A_455 = arith.index_cast %swap3A_454 : i32 to index
      %swap3A_456 = arith.index_cast %scan3A_447 : i32 to index
      %swap3A_457 = arith.constant 16 : index
      %swap3A_458 = tpu.vector_load %arg8[%swap3A_455, %swap3A_456, %swap3A_457] {strides = array<i32>} : memref<4x128x64xf32, #tpu.memory_space<vmem>>, vector<1x1x16xf32>,
      %swap3A_459 = vector.shape_cast %swap3A_458 : vector<1x1x16xf32> to vector<16xf32>
      %swap3A_460 = vector.shape_cast %broadcast_in_dim3A_5 : vector<16xf32> to vector<1x1x16xf32>
      tpu.vector_store %arg8[%swap3A_455, %swap3A_456, %swap3A_457], %swap3A_460 {strides = array<i32>} : memref<4x128x64xf32, #tpu.memory_space<vmem>>, vector<1x1x16xf32>,
      %swap3A_461 = arith.constant 0 : i32
      %swap3A_462 = arith.index_cast %swap3A_461 : i32 to index
      %swap3A_463 = arith.index_cast %scan3A_447 : i32 to index
      %swap3A_464 = arith.constant 32 : index
      %swap3A_465 = tpu.vector_load %arg8[%swap3A_462, %swap3A_463, %swap3A_464] {strides = array<i32>} : memref<4x128x64xf32, #tpu.memory_space<vmem>>, vector<1x1x16xf32>,
      %swap3A_466 = vector.shape_cast %swap3A_465 : vector<1x1x16xf32> to vector<16xf32>
      %swap3A_467 = vector.shape_cast %broadcast_in_dim3A_5 : vector<16xf32> to vector<1x1x16xf32>
      tpu.vector_store %arg8[%swap3A_462, %swap3A_463, %swap3A_464], %swap3A_467 {strides = array<i32>} : memref<4x128x64xf32, #tpu.memory_space<vmem>>, vector<1x1x16xf32>,
      %swap3A_468 = arith.constant 0 : i32
      %swap3A_469 = arith.index_cast %swap3A_468 : i32 to index
      %swap3A_470 = arith.index_cast %scan3A_447 : i32 to index
      %swap3A_471 = arith.constant 48 : index
      %swap3A_472 = tpu.vector_load %arg8[%swap3A_469, %swap3A_470, %swap3A_471] {strides = array<i32>} : memref<4x128x64xf32, #tpu.memory_space<vmem>>, vector<1x1x16xf32>,
      %swap3A_473 = vector.shape_cast %swap3A_472 : vector<1x1x16xf32> to vector<16xf32>
      %swap3A_474 = vector.shape_cast %broadcast_in_dim3A_5 : vector<16xf32> to vector<1x1x16xf32>
      tpu.vector_store %arg8[%swap3A_469, %swap3A_470, %swap3A_471], %swap3A_474 {strides = array<i32>} : memref<4x128x64xf32, #tpu.memory_space<vmem>>, vector<1x1x16xf32>,
      %swap3A_475 = arith.constant 1 : i32
      %swap3A_476 = arith.index_cast %swap3A_475 : i32 to index
      %swap3A_477 = arith.index_cast %scan3A_447 : i32 to index
      %swap3A_478 = arith.constant 0 : index
      %swap3A_479 = tpu.vector_load %arg8[%swap3A_476, %swap3A_477, %swap3A_478] {strides = array<i32>} : memref<4x128x64xf32, #tpu.memory_space<vmem>>, vector<1x1x16xf32>,
      %swap3A_480 = vector.shape_cast %swap3A_479 : vector<1x1x16xf32> to vector<16xf32>
      %swap3A_481 = vector.shape_cast %broadcast_in_dim3A_5 : vector<16xf32> to vector<1x1x16xf32>
      tpu.vector_store %arg8[%swap3A_476, %swap3A_477, %swap3A_478], %swap3A_481 {strides = array<i32>} : memref<4x128x64xf32, #tpu.memory_space<vmem>>, vector<1x1x16xf32>,
      %swap3A_482 = arith.constant 1 : i32
      %swap3A_483 = arith.index_cast %swap3A_482 : i32 to index
      %swap3A_484 = arith.index_cast %scan3A_447 : i32 to index
      %swap3A_485 = arith.constant 16 : index
      %swap3A_486 = tpu.vector_load %arg8[%swap3A_483, %swap3A_484, %swap3A_485] {strides = array<i32>} : memref<4x128x64xf32, #tpu.memory_space<vmem>>, vector<1x1x16xf32>,
      %swap3A_487 = vector.shape_cast %swap3A_486 : vector<1x1x16xf32> to vector<16xf32>
      %swap3A_488 = vector.shape_cast %broadcast_in_dim3A_5 : vector<16xf32> to vector<1x1x16xf32>
      tpu.vector_store %arg8[%swap3A_483, %swap3A_484, %swap3A_485], %swap3A_488 {strides = array<i32>} : memref<4x128x64xf32, #tpu.memory_space<vmem>>, vector<1x1x16xf32>,
      %swap3A_489 = arith.constant 1 : i32
      %swap3A_490 = arith.index_cast %swap3A_489 : i32 to index
      %swap3A_491 = arith.index_cast %scan3A_447 : i32 to index
      %swap3A_492 = arith.constant 32 : index
      %swap3A_493 = tpu.vector_load %arg8[%swap3A_490, %swap3A_491, %swap3A_492] {strides = array<i32>} : memref<4x128x64xf32, #tpu.memory_space<vmem>>, vector<1x1x16xf32>,
      %swap3A_494 = vector.shape_cast %swap3A_493 : vector<1x1x16xf32> to vector<16xf32>
      %swap3A_495 = vector.shape_cast %broadcast_in_dim3A_5 : vector<16xf32> to vector<1x1x16xf32>
      tpu.vector_store %arg8[%swap3A_490, %swap3A_491, %swap3A_492], %swap3A_495 {strides = array<i32>} : memref<4x128x64xf32, #tpu.memory_space<vmem>>, vector<1x1x16xf32>,
      %swap3A_496 = arith.constant 1 : i32
      %swap3A_497 = arith.index_cast %swap3A_496 : i32 to index
      %swap3A_498 = arith.index_cast %scan3A_447 : i32 to index
      %swap3A_499 = arith.constant 48 : index
      %swap3A_500 = tpu.vector_load %arg8[%swap3A_497, %swap3A_498, %swap3A_499] {strides = array<i32>} : memref<4x128x64xf32, #tpu.memory_space<vmem>>, vector<1x1x16xf32>,
      %swap3A_501 = vector.shape_cast %swap3A_500 : vector<1x1x16xf32> to vector<16xf32>
      %swap3A_502 = vector.shape_cast %broadcast_in_dim3A_5 : vector<16xf32> to vector<1x1x16xf32>
      tpu.vector_store %arg8[%swap3A_497, %swap3A_498, %swap3A_499], %swap3A_502 {strides = array<i32>} : memref<4x128x64xf32, #tpu.memory_space<vmem>>, vector<1x1x16xf32>,
      %swap3A_503 = arith.constant 2 : i32
      %swap3A_504 = arith.index_cast %swap3A_503 : i32 to index
      %swap3A_505 = arith.index_cast %scan3A_447 : i32 to index
      %swap3A_506 = arith.constant 0 : index
      %swap3A_507 = tpu.vector_load %arg8[%swap3A_504, %swap3A_505, %swap3A_506] {strides = array<i32>} : memref<4x128x64xf32, #tpu.memory_space<vmem>>, vector<1x1x16xf32>,
      %swap3A_508 = vector.shape_cast %swap3A_507 : vector<1x1x16xf32> to vector<16xf32>
      %swap3A_509 = vector.shape_cast %broadcast_in_dim3A_5 : vector<16xf32> to vector<1x1x16xf32>
      tpu.vector_store %arg8[%swap3A_504, %swap3A_505, %swap3A_506], %swap3A_509 {strides = array<i32>} : memref<4x128x64xf32, #tpu.memory_space<vmem>>, vector<1x1x16xf32>,
      %swap3A_510 = arith.constant 2 : i32
      %swap3A_511 = arith.index_cast %swap3A_510 : i32 to index
      %swap3A_512 = arith.index_cast %scan3A_447 : i32 to index
      %swap3A_513 = arith.constant 16 : index
      %swap3A_514 = tpu.vector_load %arg8[%swap3A_511, %swap3A_512, %swap3A_513] {strides = array<i32>} : memref<4x128x64xf32, #tpu.memory_space<vmem>>, vector<1x1x16xf32>,
      %swap3A_515 = vector.shape_cast %swap3A_514 : vector<1x1x16xf32> to vector<16xf32>
      %swap3A_516 = vector.shape_cast %broadcast_in_dim3A_5 : vector<16xf32> to vector<1x1x16xf32>
      tpu.vector_store %arg8[%swap3A_511, %swap3A_512, %swap3A_513], %swap3A_516 {strides = array<i32>} : memref<4x128x64xf32, #tpu.memory_space<vmem>>, vector<1x1x16xf32>,
      %swap3A_517 = arith.constant 2 : i32
      %swap3A_518 = arith.index_cast %swap3A_517 : i32 to index
      %swap3A_519 = arith.index_cast %scan3A_447 : i32 to index
      %swap3A_520 = arith.constant 32 : index
      %swap3A_521 = tpu.vector_load %arg8[%swap3A_518, %swap3A_519, %swap3A_520] {strides = array<i32>} : memref<4x128x64xf32, #tpu.memory_space<vmem>>, vector<1x1x16xf32>,
      %swap3A_522 = vector.shape_cast %swap3A_521 : vector<1x1x16xf32> to vector<16xf32>
      %swap3A_523 = vector.shape_cast %broadcast_in_dim3A_5 : vector<16xf32> to vector<1x1x16xf32>
      tpu.vector_store %arg8[%swap3A_518, %swap3A_519, %swap3A_520], %swap3A_523 {strides = array<i32>} : memref<4x128x64xf32, #tpu.memory_space<vmem>>, vector<1x1x16xf32>,
      %swap3A_524 = arith.constant 2 : i32
      %swap3A_525 = arith.index_cast %swap3A_524 : i32 to index
      %swap3A_526 = arith.index_cast %scan3A_447 : i32 to index
      %swap3A_527 = arith.constant 48 : index
      %swap3A_528 = tpu.vector_load %arg8[%swap3A_525, %swap3A_526, %swap3A_527] {strides = array<i32>} : memref<4x128x64xf32, #tpu.memory_space<vmem>>, vector<1x1x16xf32>,
      %swap3A_529 = vector.shape_cast %swap3A_528 : vector<1x1x16xf32> to vector<16xf32>
      %swap3A_530 = vector.shape_cast %broadcast_in_dim3A_5 : vector<16xf32> to vector<1x1x16xf32>
      tpu.vector_store %arg8[%swap3A_525, %swap3A_526, %swap3A_527], %swap3A_530 {strides = array<i32>} : memref<4x128x64xf32, #tpu.memory_space<vmem>>, vector<1x1x16xf32>,
      %swap3A_531 = arith.constant 3 : i32
      %swap3A_532 = arith.index_cast %swap3A_531 : i32 to index
      %swap3A_533 = arith.index_cast %scan3A_447 : i32 to index
      %swap3A_534 = arith.constant 0 : index
      %swap3A_535 = tpu.vector_load %arg8[%swap3A_532, %swap3A_533, %swap3A_534] {strides = array<i32>} : memref<4x128x64xf32, #tpu.memory_space<vmem>>, vector<1x1x16xf32>,
      %swap3A_536 = vector.shape_cast %swap3A_535 : vector<1x1x16xf32> to vector<16xf32>
      %swap3A_537 = vector.shape_cast %broadcast_in_dim3A_5 : vector<16xf32> to vector<1x1x16xf32>
      tpu.vector_store %arg8[%swap3A_532, %swap3A_533, %swap3A_534], %swap3A_537 {strides = array<i32>} : memref<4x128x64xf32, #tpu.memory_space<vmem>>, vector<1x1x16xf32>,
      %swap3A_538 = arith.constant 3 : i32
      %swap3A_539 = arith.index_cast %swap3A_538 : i32 to index
      %swap3A_540 = arith.index_cast %scan3A_447 : i32 to index
      %swap3A_541 = arith.constant 16 : index
      %swap3A_542 = tpu.vector_load %arg8[%swap3A_539, %swap3A_540, %swap3A_541] {strides = array<i32>} : memref<4x128x64xf32, #tpu.memory_space<vmem>>, vector<1x1x16xf32>,
      %swap3A_543 = vector.shape_cast %swap3A_542 : vector<1x1x16xf32> to vector<16xf32>
      %swap3A_544 = vector.shape_cast %broadcast_in_dim3A_5 : vector<16xf32> to vector<1x1x16xf32>
      tpu.vector_store %arg8[%swap3A_539, %swap3A_540, %swap3A_541], %swap3A_544 {strides = array<i32>} : memref<4x128x64xf32, #tpu.memory_space<vmem>>, vector<1x1x16xf32>,
      %swap3A_545 = arith.constant 3 : i32
      %swap3A_546 = arith.index_cast %swap3A_545 : i32 to index
      %swap3A_547 = arith.index_cast %scan3A_447 : i32 to index
      %swap3A_548 = arith.constant 32 : index
      %swap3A_549 = tpu.vector_load %arg8[%swap3A_546, %swap3A_547, %swap3A_548] {strides = array<i32>} : memref<4x128x64xf32, #tpu.memory_space<vmem>>, vector<1x1x16xf32>,
      %swap3A_550 = vector.shape_cast %swap3A_549 : vector<1x1x16xf32> to vector<16xf32>
      %swap3A_551 = vector.shape_cast %broadcast_in_dim3A_5 : vector<16xf32> to vector<1x1x16xf32>
      tpu.vector_store %arg8[%swap3A_546, %swap3A_547, %swap3A_548], %swap3A_551 {strides = array<i32>} : memref<4x128x64xf32, #tpu.memory_space<vmem>>, vector<1x1x16xf32>,
      %swap3A_552 = arith.constant 3 : i32
      %swap3A_553 = arith.index_cast %swap3A_552 : i32 to index
      %swap3A_554 = arith.index_cast %scan3A_447 : i32 to index
      %swap3A_555 = arith.constant 48 : index
      %swap3A_556 = tpu.vector_load %arg8[%swap3A_553, %swap3A_554, %swap3A_555] {strides = array<i32>} : memref<4x128x64xf32, #tpu.memory_space<vmem>>, vector<1x1x16xf32>,
      %swap3A_557 = vector.shape_cast %swap3A_556 : vector<1x1x16xf32> to vector<16xf32>
      %swap3A_558 = vector.shape_cast %broadcast_in_dim3A_5 : vector<16xf32> to vector<1x1x16xf32>
      tpu.vector_store %arg8[%swap3A_553, %swap3A_554, %swap3A_555], %swap3A_558 {strides = array<i32>} : memref<4x128x64xf32, #tpu.memory_space<vmem>>, vector<1x1x16xf32>,
    }
    %scan3A_11 = arith.constant 128 : i32
    %mul3A = arith.constant 640 : i32
    %mul3A_12 = arith.muli %arg1, %mul3A : i32
    %add3A = arith.constant 0 : i32
    %add3A_13 = arith.addi %mul3A_12, %add3A : i32
    %run_scoped3A = arith.constant 0 : i32
    "tpu.region"() ({
      %run_scoped3A_447 = tpu.sem_alloc : memref<!tpu.dma_semaphore, #tpu.memory_space<semaphore_mem>>
      %dma_start3A_448 = arith.constant 0 : i32
      %dma_start3A_449 = arith.constant 0 : i32
      %dma_start3A_450 = tpu.memref_slice %arg8[%run_scoped3A, %dma_start3A_448, %dma_start3A_449] : memref<4x128x64xf32, #tpu.memory_space<vmem>> -> memref<1x128x64xf32, #tpu.memory_space<vmem>>
      %dma_start3A_451 = tpu.memref_squeeze %dma_start3A_450 : memref<1x128x64xf32, #tpu.memory_space<vmem>> -> memref<128x64xf32, #tpu.memory_space<vmem>>
      %dma_start3A_452 = arith.constant 0 : i32
      %dma_start3A_453 = tpu.memref_slice %arg9[%add3A_13, %dma_start3A_452] : memref<10240x64xf32, #tpu.memory_space<vmem_shared>> -> memref<128x64xf32, #tpu.memory_space<vmem_shared>>
      %dma_start3A_454 = arith.constant 0 : i32
      %dma_start3A_455 = tpu.memref_slice %arg9[%add3A_13, %dma_start3A_454] : memref<10240x64xf32, #tpu.memory_space<vmem_shared>> -> memref<128x64xf32, #tpu.memory_space<vmem_shared>>
      %dma_start3A_456 = arith.constant 0 : i32
      %dma_start3A_457 = arith.constant 0 : i32
      %dma_start3A_458 = tpu.memref_slice %arg8[%run_scoped3A, %dma_start3A_456, %dma_start3A_457] : memref<4x128x64xf32, #tpu.memory_space<vmem>> -> memref<1x128x64xf32, #tpu.memory_space<vmem>>
      %dma_start3A_459 = tpu.memref_squeeze %dma_start3A_458 : memref<1x128x64xf32, #tpu.memory_space<vmem>> -> memref<128x64xf32, #tpu.memory_space<vmem>>
      tpu.enqueue_dma source(%dma_start3A_459 : memref<128x64xf32, #tpu.memory_space<vmem>>) target(%dma_start3A_455 : memref<128x64xf32, #tpu.memory_space<vmem_shared>>) target_semaphore(%run_scoped3A_447 : memref<!tpu.dma_semaphore, #tpu.memory_space<semaphore_mem>>)
      %dma_wait3A_460 = arith.constant 0 : i32
      %dma_wait3A_461 = arith.constant 0 : i32
      %dma_wait3A_462 = tpu.memref_slice %arg8[%run_scoped3A, %dma_wait3A_460, %dma_wait3A_461] : memref<4x128x64xf32, #tpu.memory_space<vmem>> -> memref<1x128x64xf32, #tpu.memory_space<vmem>>
      %dma_wait3A_463 = tpu.memref_squeeze %dma_wait3A_462 : memref<1x128x64xf32, #tpu.memory_space<vmem>> -> memref<128x64xf32, #tpu.memory_space<vmem>>
      %dma_wait3A_464 = arith.constant 0 : i32
      %dma_wait3A_465 = tpu.memref_slice %arg9[%add3A_13, %dma_wait3A_464] : memref<10240x64xf32, #tpu.memory_space<vmem_shared>> -> memref<128x64xf32, #tpu.memory_space<vmem_shared>>
      %dma_wait3A_466 = arith.constant 0 : i32
      %dma_wait3A_467 = tpu.memref_slice %arg9[%add3A_13, %dma_wait3A_466] : memref<10240x64xf32, #tpu.memory_space<vmem_shared>> -> memref<128x64xf32, #tpu.memory_space<vmem_shared>>
      %dma_wait3A_468 = arith.constant 0 : i32
      %dma_wait3A_469 = arith.constant 0 : i32
      %dma_wait3A_470 = tpu.memref_slice %arg8[%run_scoped3A, %dma_wait3A_468, %dma_wait3A_469] : memref<4x128x64xf32, #tpu.memory_space<vmem>> -> memref<1x128x64xf32, #tpu.memory_space<vmem>>
      %dma_wait3A_471 = tpu.memref_squeeze %dma_wait3A_470 : memref<1x128x64xf32, #tpu.memory_space<vmem>> -> memref<128x64xf32, #tpu.memory_space<vmem>>
      tpu.wait_dma2 semaphore(%run_scoped3A_447 : memref<!tpu.dma_semaphore, #tpu.memory_space<semaphore_mem>>) src(%dma_wait3A_471 : memref<128x64xf32, #tpu.memory_space<vmem>>) dst(%dma_wait3A_467 : memref<128x64xf32, #tpu.memory_space<vmem_shared>>)
      tpu.yield
    }) : () -> ()
    %add3A_14 = arith.constant 128 : i32
    %add3A_15 = arith.addi %mul3A_12, %add3A_14 : i32
    %run_scoped3A_16 = arith.constant 0 : i32
    "tpu.region"() ({
      %run_scoped3A_447 = tpu.sem_alloc : memref<!tpu.dma_semaphore, #tpu.memory_space<semaphore_mem>>
      %dma_start3A_448 = arith.constant 0 : i32
      %dma_start3A_449 = arith.constant 0 : i32
      %dma_start3A_450 = tpu.memref_slice %arg8[%run_scoped3A_16, %dma_start3A_448, %dma_start3A_449] : memref<4x128x64xf32, #tpu.memory_space<vmem>> -> memref<1x128x64xf32, #tpu.memory_space<vmem>>
      %dma_start3A_451 = tpu.memref_squeeze %dma_start3A_450 : memref<1x128x64xf32, #tpu.memory_space<vmem>> -> memref<128x64xf32, #tpu.memory_space<vmem>>
      %dma_start3A_452 = arith.constant 0 : i32
      %dma_start3A_453 = tpu.memref_slice %arg9[%add3A_15, %dma_start3A_452] : memref<10240x64xf32, #tpu.memory_space<vmem_shared>> -> memref<128x64xf32, #tpu.memory_space<vmem_shared>>
      %dma_start3A_454 = arith.constant 0 : i32
      %dma_start3A_455 = tpu.memref_slice %arg9[%add3A_15, %dma_start3A_454] : memref<10240x64xf32, #tpu.memory_space<vmem_shared>> -> memref<128x64xf32, #tpu.memory_space<vmem_shared>>
      %dma_start3A_456 = arith.constant 0 : i32
      %dma_start3A_457 = arith.constant 0 : i32
      %dma_start3A_458 = tpu.memref_slice %arg8[%run_scoped3A_16, %dma_start3A_456, %dma_start3A_457] : memref<4x128x64xf32, #tpu.memory_space<vmem>> -> memref<1x128x64xf32, #tpu.memory_space<vmem>>
      %dma_start3A_459 = tpu.memref_squeeze %dma_start3A_458 : memref<1x128x64xf32, #tpu.memory_space<vmem>> -> memref<128x64xf32, #tpu.memory_space<vmem>>
      tpu.enqueue_dma source(%dma_start3A_459 : memref<128x64xf32, #tpu.memory_space<vmem>>) target(%dma_start3A_455 : memref<128x64xf32, #tpu.memory_space<vmem_shared>>) target_semaphore(%run_scoped3A_447 : memref<!tpu.dma_semaphore, #tpu.memory_space<semaphore_mem>>)
      %dma_wait3A_460 = arith.constant 0 : i32
      %dma_wait3A_461 = arith.constant 0 : i32
      %dma_wait3A_462 = tpu.memref_slice %arg8[%run_scoped3A_16, %dma_wait3A_460, %dma_wait3A_461] : memref<4x128x64xf32, #tpu.memory_space<vmem>> -> memref<1x128x64xf32, #tpu.memory_space<vmem>>
      %dma_wait3A_463 = tpu.memref_squeeze %dma_wait3A_462 : memref<1x128x64xf32, #tpu.memory_space<vmem>> -> memref<128x64xf32, #tpu.memory_space<vmem>>
      %dma_wait3A_464 = arith.constant 0 : i32
      %dma_wait3A_465 = tpu.memref_slice %arg9[%add3A_15, %dma_wait3A_464] : memref<10240x64xf32, #tpu.memory_space<vmem_shared>> -> memref<128x64xf32, #tpu.memory_space<vmem_shared>>
      %dma_wait3A_466 = arith.constant 0 : i32
      %dma_wait3A_467 = tpu.memref_slice %arg9[%add3A_15, %dma_wait3A_466] : memref<10240x64xf32, #tpu.memory_space<vmem_shared>> -> memref<128x64xf32, #tpu.memory_space<vmem_shared>>
      %dma_wait3A_468 = arith.constant 0 : i32
      %dma_wait3A_469 = arith.constant 0 : i32
      %dma_wait3A_470 = tpu.memref_slice %arg8[%run_scoped3A_16, %dma_wait3A_468, %dma_wait3A_469] : memref<4x128x64xf32, #tpu.memory_space<vmem>> -> memref<1x128x64xf32, #tpu.memory_space<vmem>>
      %dma_wait3A_471 = tpu.memref_squeeze %dma_wait3A_470 : memref<1x128x64xf32, #tpu.memory_space<vmem>> -> memref<128x64xf32, #tpu.memory_space<vmem>>
      tpu.wait_dma2 semaphore(%run_scoped3A_447 : memref<!tpu.dma_semaphore, #tpu.memory_space<semaphore_mem>>) src(%dma_wait3A_471 : memref<128x64xf32, #tpu.memory_space<vmem>>) dst(%dma_wait3A_467 : memref<128x64xf32, #tpu.memory_space<vmem_shared>>)
      tpu.yield
    }) : () -> ()
    %add3A_17 = arith.constant 256 : i32
    %add3A_18 = arith.addi %mul3A_12, %add3A_17 : i32
    %run_scoped3A_19 = arith.constant 0 : i32
    "tpu.region"() ({
      %run_scoped3A_447 = tpu.sem_alloc : memref<!tpu.dma_semaphore, #tpu.memory_space<semaphore_mem>>
      %dma_start3A_448 = arith.constant 0 : i32
      %dma_start3A_449 = arith.constant 0 : i32
      %dma_start3A_450 = tpu.memref_slice %arg8[%run_scoped3A_19, %dma_start3A_448, %dma_start3A_449] : memref<4x128x64xf32, #tpu.memory_space<vmem>> -> memref<1x128x64xf32, #tpu.memory_space<vmem>>
      %dma_start3A_451 = tpu.memref_squeeze %dma_start3A_450 : memref<1x128x64xf32, #tpu.memory_space<vmem>> -> memref<128x64xf32, #tpu.memory_space<vmem>>
      %dma_start3A_452 = arith.constant 0 : i32
      %dma_start3A_453 = tpu.memref_slice %arg9[%add3A_18, %dma_start3A_452] : memref<10240x64xf32, #tpu.memory_space<vmem_shared>> -> memref<128x64xf32, #tpu.memory_space<vmem_shared>>
      %dma_start3A_454 = arith.constant 0 : i32
      %dma_start3A_455 = tpu.memref_slice %arg9[%add3A_18, %dma_start3A_454] : memref<10240x64xf32, #tpu.memory_space<vmem_shared>> -> memref<128x64xf32, #tpu.memory_space<vmem_shared>>
      %dma_start3A_456 = arith.constant 0 : i32
      %dma_start3A_457 = arith.constant 0 : i32
      %dma_start3A_458 = tpu.memref_slice %arg8[%run_scoped3A_19, %dma_start3A_456, %dma_start3A_457] : memref<4x128x64xf32, #tpu.memory_space<vmem>> -> memref<1x128x64xf32, #tpu.memory_space<vmem>>
      %dma_start3A_459 = tpu.memref_squeeze %dma_start3A_458 : memref<1x128x64xf32, #tpu.memory_space<vmem>> -> memref<128x64xf32, #tpu.memory_space<vmem>>
      tpu.enqueue_dma source(%dma_start3A_459 : memref<128x64xf32, #tpu.memory_space<vmem>>) target(%dma_start3A_455 : memref<128x64xf32, #tpu.memory_space<vmem_shared>>) target_semaphore(%run_scoped3A_447 : memref<!tpu.dma_semaphore, #tpu.memory_space<semaphore_mem>>)
      %dma_wait3A_460 = arith.constant 0 : i32
      %dma_wait3A_461 = arith.constant 0 : i32
      %dma_wait3A_462 = tpu.memref_slice %arg8[%run_scoped3A_19, %dma_wait3A_460, %dma_wait3A_461] : memref<4x128x64xf32, #tpu.memory_space<vmem>> -> memref<1x128x64xf32, #tpu.memory_space<vmem>>
      %dma_wait3A_463 = tpu.memref_squeeze %dma_wait3A_462 : memref<1x128x64xf32, #tpu.memory_space<vmem>> -> memref<128x64xf32, #tpu.memory_space<vmem>>
      %dma_wait3A_464 = arith.constant 0 : i32
      %dma_wait3A_465 = tpu.memref_slice %arg9[%add3A_18, %dma_wait3A_464] : memref<10240x64xf32, #tpu.memory_space<vmem_shared>> -> memref<128x64xf32, #tpu.memory_space<vmem_shared>>
      %dma_wait3A_466 = arith.constant 0 : i32
      %dma_wait3A_467 = tpu.memref_slice %arg9[%add3A_18, %dma_wait3A_466] : memref<10240x64xf32, #tpu.memory_space<vmem_shared>> -> memref<128x64xf32, #tpu.memory_space<vmem_shared>>
      %dma_wait3A_468 = arith.constant 0 : i32
      %dma_wait3A_469 = arith.constant 0 : i32
      %dma_wait3A_470 = tpu.memref_slice %arg8[%run_scoped3A_19, %dma_wait3A_468, %dma_wait3A_469] : memref<4x128x64xf32, #tpu.memory_space<vmem>> -> memref<1x128x64xf32, #tpu.memory_space<vmem>>
      %dma_wait3A_471 = tpu.memref_squeeze %dma_wait3A_470 : memref<1x128x64xf32, #tpu.memory_space<vmem>> -> memref<128x64xf32, #tpu.memory_space<vmem>>
      tpu.wait_dma2 semaphore(%run_scoped3A_447 : memref<!tpu.dma_semaphore, #tpu.memory_space<semaphore_mem>>) src(%dma_wait3A_471 : memref<128x64xf32, #tpu.memory_space<vmem>>) dst(%dma_wait3A_467 : memref<128x64xf32, #tpu.memory_space<vmem_shared>>)
      tpu.yield
    }) : () -> ()
    %add3A_20 = arith.constant 384 : i32
    %add3A_21 = arith.addi %mul3A_12, %add3A_20 : i32
    %run_scoped3A_22 = arith.constant 0 : i32
    "tpu.region"() ({
      %run_scoped3A_447 = tpu.sem_alloc : memref<!tpu.dma_semaphore, #tpu.memory_space<semaphore_mem>>
      %dma_start3A_448 = arith.constant 0 : i32
      %dma_start3A_449 = arith.constant 0 : i32
      %dma_start3A_450 = tpu.memref_slice %arg8[%run_scoped3A_22, %dma_start3A_448, %dma_start3A_449] : memref<4x128x64xf32, #tpu.memory_space<vmem>> -> memref<1x128x64xf32, #tpu.memory_space<vmem>>
      %dma_start3A_451 = tpu.memref_squeeze %dma_start3A_450 : memref<1x128x64xf32, #tpu.memory_space<vmem>> -> memref<128x64xf32, #tpu.memory_space<vmem>>
      %dma_start3A_452 = arith.constant 0 : i32
      %dma_start3A_453 = tpu.memref_slice %arg9[%add3A_21, %dma_start3A_452] : memref<10240x64xf32, #tpu.memory_space<vmem_shared>> -> memref<128x64xf32, #tpu.memory_space<vmem_shared>>
      %dma_start3A_454 = arith.constant 0 : i32
      %dma_start3A_455 = tpu.memref_slice %arg9[%add3A_21, %dma_start3A_454] : memref<10240x64xf32, #tpu.memory_space<vmem_shared>> -> memref<128x64xf32, #tpu.memory_space<vmem_shared>>
      %dma_start3A_456 = arith.constant 0 : i32
      %dma_start3A_457 = arith.constant 0 : i32
      %dma_start3A_458 = tpu.memref_slice %arg8[%run_scoped3A_22, %dma_start3A_456, %dma_start3A_457] : memref<4x128x64xf32, #tpu.memory_space<vmem>> -> memref<1x128x64xf32, #tpu.memory_space<vmem>>
      %dma_start3A_459 = tpu.memref_squeeze %dma_start3A_458 : memref<1x128x64xf32, #tpu.memory_space<vmem>> -> memref<128x64xf32, #tpu.memory_space<vmem>>
      tpu.enqueue_dma source(%dma_start3A_459 : memref<128x64xf32, #tpu.memory_space<vmem>>) target(%dma_start3A_455 : memref<128x64xf32, #tpu.memory_space<vmem_shared>>) target_semaphore(%run_scoped3A_447 : memref<!tpu.dma_semaphore, #tpu.memory_space<semaphore_mem>>)
      %dma_wait3A_460 = arith.constant 0 : i32
      %dma_wait3A_461 = arith.constant 0 : i32
      %dma_wait3A_462 = tpu.memref_slice %arg8[%run_scoped3A_22, %dma_wait3A_460, %dma_wait3A_461] : memref<4x128x64xf32, #tpu.memory_space<vmem>> -> memref<1x128x64xf32, #tpu.memory_space<vmem>>
      %dma_wait3A_463 = tpu.memref_squeeze %dma_wait3A_462 : memref<1x128x64xf32, #tpu.memory_space<vmem>> -> memref<128x64xf32, #tpu.memory_space<vmem>>
      %dma_wait3A_464 = arith.constant 0 : i32
      %dma_wait3A_465 = tpu.memref_slice %arg9[%add3A_21, %dma_wait3A_464] : memref<10240x64xf32, #tpu.memory_space<vmem_shared>> -> memref<128x64xf32, #tpu.memory_space<vmem_shared>>
      %dma_wait3A_466 = arith.constant 0 : i32
      %dma_wait3A_467 = tpu.memref_slice %arg9[%add3A_21, %dma_wait3A_466] : memref<10240x64xf32, #tpu.memory_space<vmem_shared>> -> memref<128x64xf32, #tpu.memory_space<vmem_shared>>
      %dma_wait3A_468 = arith.constant 0 : i32
      %dma_wait3A_469 = arith.constant 0 : i32
      %dma_wait3A_470 = tpu.memref_slice %arg8[%run_scoped3A_22, %dma_wait3A_468, %dma_wait3A_469] : memref<4x128x64xf32, #tpu.memory_space<vmem>> -> memref<1x128x64xf32, #tpu.memory_space<vmem>>
      %dma_wait3A_471 = tpu.memref_squeeze %dma_wait3A_470 : memref<1x128x64xf32, #tpu.memory_space<vmem>> -> memref<128x64xf32, #tpu.memory_space<vmem>>
      tpu.wait_dma2 semaphore(%run_scoped3A_447 : memref<!tpu.dma_semaphore, #tpu.memory_space<semaphore_mem>>) src(%dma_wait3A_471 : memref<128x64xf32, #tpu.memory_space<vmem>>) dst(%dma_wait3A_467 : memref<128x64xf32, #tpu.memory_space<vmem_shared>>)
      tpu.yield
    }) : () -> ()
    %add3A_23 = arith.constant 512 : i32
    %add3A_24 = arith.addi %mul3A_12, %add3A_23 : i32
    %run_scoped3A_25 = arith.constant 0 : i32
    "tpu.region"() ({
      %run_scoped3A_447 = tpu.sem_alloc : memref<!tpu.dma_semaphore, #tpu.memory_space<semaphore_mem>>
      %dma_start3A_448 = arith.constant 0 : i32
      %dma_start3A_449 = arith.constant 0 : i32
      %dma_start3A_450 = tpu.memref_slice %arg8[%run_scoped3A_25, %dma_start3A_448, %dma_start3A_449] : memref<4x128x64xf32, #tpu.memory_space<vmem>> -> memref<1x128x64xf32, #tpu.memory_space<vmem>>
      %dma_start3A_451 = tpu.memref_squeeze %dma_start3A_450 : memref<1x128x64xf32, #tpu.memory_space<vmem>> -> memref<128x64xf32, #tpu.memory_space<vmem>>
      %dma_start3A_452 = arith.constant 0 : i32
      %dma_start3A_453 = tpu.memref_slice %arg9[%add3A_24, %dma_start3A_452] : memref<10240x64xf32, #tpu.memory_space<vmem_shared>> -> memref<128x64xf32, #tpu.memory_space<vmem_shared>>
      %dma_start3A_454 = arith.constant 0 : i32
      %dma_start3A_455 = tpu.memref_slice %arg9[%add3A_24, %dma_start3A_454] : memref<10240x64xf32, #tpu.memory_space<vmem_shared>> -> memref<128x64xf32, #tpu.memory_space<vmem_shared>>
      %dma_start3A_456 = arith.constant 0 : i32
      %dma_start3A_457 = arith.constant 0 : i32
      %dma_start3A_458 = tpu.memref_slice %arg8[%run_scoped3A_25, %dma_start3A_456, %dma_start3A_457] : memref<4x128x64xf32, #tpu.memory_space<vmem>> -> memref<1x128x64xf32, #tpu.memory_space<vmem>>
      %dma_start3A_459 = tpu.memref_squeeze %dma_start3A_458 : memref<1x128x64xf32, #tpu.memory_space<vmem>> -> memref<128x64xf32, #tpu.memory_space<vmem>>
      tpu.enqueue_dma source(%dma_start3A_459 : memref<128x64xf32, #tpu.memory_space<vmem>>) target(%dma_start3A_455 : memref<128x64xf32, #tpu.memory_space<vmem_shared>>) target_semaphore(%run_scoped3A_447 : memref<!tpu.dma_semaphore, #tpu.memory_space<semaphore_mem>>)
      %dma_wait3A_460 = arith.constant 0 : i32
      %dma_wait3A_461 = arith.constant 0 : i32
      %dma_wait3A_462 = tpu.memref_slice %arg8[%run_scoped3A_25, %dma_wait3A_460, %dma_wait3A_461] : memref<4x128x64xf32, #tpu.memory_space<vmem>> -> memref<1x128x64xf32, #tpu.memory_space<vmem>>
      %dma_wait3A_463 = tpu.memref_squeeze %dma_wait3A_462 : memref<1x128x64xf32, #tpu.memory_space<vmem>> -> memref<128x64xf32, #tpu.memory_space<vmem>>
      %dma_wait3A_464 = arith.constant 0 : i32
      %dma_wait3A_465 = tpu.memref_slice %arg9[%add3A_24, %dma_wait3A_464] : memref<10240x64xf32, #tpu.memory_space<vmem_shared>> -> memref<128x64xf32, #tpu.memory_space<vmem_shared>>
      %dma_wait3A_466 = arith.constant 0 : i32
      %dma_wait3A_467 = tpu.memref_slice %arg9[%add3A_24, %dma_wait3A_466] : memref<10240x64xf32, #tpu.memory_space<vmem_shared>> -> memref<128x64xf32, #tpu.memory_space<vmem_shared>>
      %dma_wait3A_468 = arith.constant 0 : i32
      %dma_wait3A_469 = arith.constant 0 : i32
      %dma_wait3A_470 = tpu.memref_slice %arg8[%run_scoped3A_25, %dma_wait3A_468, %dma_wait3A_469] : memref<4x128x64xf32, #tpu.memory_space<vmem>> -> memref<1x128x64xf32, #tpu.memory_space<vmem>>
      %dma_wait3A_471 = tpu.memref_squeeze %dma_wait3A_470 : memref<1x128x64xf32, #tpu.memory_space<vmem>> -> memref<128x64xf32, #tpu.memory_space<vmem>>
      tpu.wait_dma2 semaphore(%run_scoped3A_447 : memref<!tpu.dma_semaphore, #tpu.memory_space<semaphore_mem>>) src(%dma_wait3A_471 : memref<128x64xf32, #tpu.memory_space<vmem>>) dst(%dma_wait3A_467 : memref<128x64xf32, #tpu.memory_space<vmem_shared>>)
      tpu.yield
    }) : () -> ()
    %barrier3A = arith.constant 0 : index
    tpu.barrier barrier_id(%barrier3A)
    %dma_start3A = arith.constant 0 : i32
    %dma_start3A_26 = arith.constant 0 : i32
    %dma_start3A_27 = arith.constant 0 : i32
    %dma_start3A_28 = tpu.memref_slice %arg8[%dma_start3A, %dma_start3A_26, %dma_start3A_27] : memref<4x128x64xf32, #tpu.memory_space<vmem>> -> memref<1x128x64xf32, #tpu.memory_space<vmem>>
    %dma_start3A_29 = tpu.memref_squeeze %dma_start3A_28 : memref<1x128x64xf32, #tpu.memory_space<vmem>> -> memref<128x64xf32, #tpu.memory_space<vmem>>
    %dma_start3A_30 = arith.constant 0 : i32
    %dma_start3A_31 = tpu.memref_slice %arg6[%dma_start3A_30] : memref<20480xi32, #tpu.memory_space<vmem>> -> memref<128xi32, #tpu.memory_space<vmem>>
    %dma_start3A_32 = arith.constant 0 : i32
    %dma_start3A_33 = arith.constant 0 : i32
    %dma_start3A_34 = tpu.memref_slice %arg2[%dma_start3A_32, %dma_start3A_33] : memref<20480x64xf32, #tpu.memory_space<hbm>> -> memref<20480x64xf32, #tpu.memory_space<hbm>>
    tpu.enqueue_indirect_dma source(%dma_start3A_34 : memref<20480x64xf32, #tpu.memory_space<hbm>>) target(%dma_start3A_29 : memref<128x64xf32, #tpu.memory_space<vmem>>) offsets(%dma_start3A_31 : memref<128xi32, #tpu.memory_space<vmem>>) semaphore(%arg10 : memref<!tpu.dma_semaphore, #tpu.memory_space<semaphore_mem>>)
    %dma_start3A_35 = arith.constant 1 : i32
    %dma_start3A_36 = arith.constant 0 : i32
    %dma_start3A_37 = arith.constant 0 : i32
    %dma_start3A_38 = tpu.memref_slice %arg8[%dma_start3A_35, %dma_start3A_36, %dma_start3A_37] : memref<4x128x64xf32, #tpu.memory_space<vmem>> -> memref<1x128x64xf32, #tpu.memory_space<vmem>>
    %dma_start3A_39 = tpu.memref_squeeze %dma_start3A_38 : memref<1x128x64xf32, #tpu.memory_space<vmem>> -> memref<128x64xf32, #tpu.memory_space<vmem>>
    %dma_start3A_40 = arith.constant 128 : i32
    %dma_start3A_41 = tpu.memref_slice %arg6[%dma_start3A_40] : memref<20480xi32, #tpu.memory_space<vmem>> -> memref<128xi32, #tpu.memory_space<vmem>>
    %dma_start3A_42 = arith.constant 0 : i32
    %dma_start3A_43 = arith.constant 0 : i32
    %dma_start3A_44 = tpu.memref_slice %arg2[%dma_start3A_42, %dma_start3A_43] : memref<20480x64xf32, #tpu.memory_space<hbm>> -> memref<20480x64xf32, #tpu.memory_space<hbm>>
    tpu.enqueue_indirect_dma source(%dma_start3A_44 : memref<20480x64xf32, #tpu.memory_space<hbm>>) target(%dma_start3A_39 : memref<128x64xf32, #tpu.memory_space<vmem>>) offsets(%dma_start3A_41 : memref<128xi32, #tpu.memory_space<vmem>>) semaphore(%arg11 : memref<!tpu.dma_semaphore, #tpu.memory_space<semaphore_mem>>)
    %dma_wait3A = arith.constant 0 : i32
    %dma_wait3A_45 = arith.constant 0 : i32
    %dma_wait3A_46 = arith.constant 0 : i32
    %dma_wait3A_47 = tpu.memref_slice %arg8[%dma_wait3A, %dma_wait3A_45, %dma_wait3A_46] : memref<4x128x64xf32, #tpu.memory_space<vmem>> -> memref<1x128x64xf32, #tpu.memory_space<vmem>>
    %dma_wait3A_48 = tpu.memref_squeeze %dma_wait3A_47 : memref<1x128x64xf32, #tpu.memory_space<vmem>> -> memref<128x64xf32, #tpu.memory_space<vmem>>
    %dma_wait3A_49 = arith.constant 0 : i32
    %dma_wait3A_50 = arith.constant 0 : i32
    %dma_wait3A_51 = tpu.memref_slice %arg2[%dma_wait3A_49, %dma_wait3A_50] : memref<20480x64xf32, #tpu.memory_space<hbm>> -> memref<128x64xf32, #tpu.memory_space<hbm>>
    %dma_wait3A_52 = arith.constant 0 : i32
    %dma_wait3A_53 = arith.constant 0 : i32
    %dma_wait3A_54 = tpu.memref_slice %arg8[%dma_wait3A, %dma_wait3A_52, %dma_wait3A_53] : memref<4x128x64xf32, #tpu.memory_space<vmem>> -> memref<1x128x64xf32, #tpu.memory_space<vmem>>
    %dma_wait3A_55 = tpu.memref_squeeze %dma_wait3A_54 : memref<1x128x64xf32, #tpu.memory_space<vmem>> -> memref<128x64xf32, #tpu.memory_space<vmem>>
    %dma_wait3A_56 = arith.constant 0 : i32
    %dma_wait3A_57 = arith.constant 0 : i32
    %dma_wait3A_58 = tpu.memref_slice %arg2[%dma_wait3A_56, %dma_wait3A_57] : memref<20480x64xf32, #tpu.memory_space<hbm>> -> memref<128x64xf32, #tpu.memory_space<hbm>>
    tpu.wait_dma2 semaphore(%arg10 : memref<!tpu.dma_semaphore, #tpu.memory_space<semaphore_mem>>) src(%dma_wait3A_58 : memref<128x64xf32, #tpu.memory_space<hbm>>) dst(%dma_wait3A_55 : memref<128x64xf32, #tpu.memory_space<vmem>>)
    %dma_start3A_59 = arith.constant 0 : i32
    %dma_start3A_60 = arith.constant 0 : i32
    %dma_start3A_61 = arith.constant 0 : i32
    %dma_start3A_62 = arith.constant 0 : i32
    %dma_start3A_63 = tpu.memref_slice %arg8[%dma_start3A_59, %dma_start3A_61, %dma_start3A_62] : memref<4x128x64xf32, #tpu.memory_space<vmem>> -> memref<1x128x64xf32, #tpu.memory_space<vmem>>
    %dma_start3A_64 = tpu.memref_squeeze %dma_start3A_63 : memref<1x128x64xf32, #tpu.memory_space<vmem>> -> memref<128x64xf32, #tpu.memory_space<vmem>>
    %dma_start3A_65 = arith.constant 0 : i32
    %dma_start3A_66 = tpu.memref_slice %arg7[%dma_start3A_60, %dma_start3A_65] : memref<160x128xi32, #tpu.memory_space<vmem>> -> memref<1x128xi32, #tpu.memory_space<vmem>>
    %dma_start3A_67 = tpu.memref_squeeze %dma_start3A_66 : memref<1x128xi32, #tpu.memory_space<vmem>> -> memref<128xi32, #tpu.memory_space<vmem>>
    %dma_start3A_68 = arith.constant 0 : i32
    %dma_start3A_69 = arith.constant 0 : i32
    %dma_start3A_70 = tpu.memref_slice %arg9[%dma_start3A_68, %dma_start3A_69] : memref<10240x64xf32, #tpu.memory_space<vmem_shared>> -> memref<10240x64xf32, #tpu.memory_space<vmem_shared>>
    tpu.enqueue_indirect_dma source(%dma_start3A_64 : memref<128x64xf32, #tpu.memory_space<vmem>>) target(%dma_start3A_70 : memref<10240x64xf32, #tpu.memory_space<vmem_shared>>) offsets(%dma_start3A_67 : memref<128xi32, #tpu.memory_space<vmem>>) semaphore(%arg14 : memref<!tpu.dma_semaphore, #tpu.memory_space<semaphore_mem>>) {add = true}
    %dma_start3A_71 = arith.constant 2 : i32
    %dma_start3A_72 = arith.constant 0 : i32
    %dma_start3A_73 = arith.constant 0 : i32
    %dma_start3A_74 = tpu.memref_slice %arg8[%dma_start3A_71, %dma_start3A_72, %dma_start3A_73] : memref<4x128x64xf32, #tpu.memory_space<vmem>> -> memref<1x128x64xf32, #tpu.memory_space<vmem>>
    %dma_start3A_75 = tpu.memref_squeeze %dma_start3A_74 : memref<1x128x64xf32, #tpu.memory_space<vmem>> -> memref<128x64xf32, #tpu.memory_space<vmem>>
    %dma_start3A_76 = arith.constant 256 : i32
    %dma_start3A_77 = tpu.memref_slice %arg6[%dma_start3A_76] : memref<20480xi32, #tpu.memory_space<vmem>> -> memref<128xi32, #tpu.memory_space<vmem>>
    %dma_start3A_78 = arith.constant 0 : i32
    %dma_start3A_79 = arith.constant 0 : i32
    %dma_start3A_80 = tpu.memref_slice %arg2[%dma_start3A_78, %dma_start3A_79] : memref<20480x64xf32, #tpu.memory_space<hbm>> -> memref<20480x64xf32, #tpu.memory_space<hbm>>
    tpu.enqueue_indirect_dma source(%dma_start3A_80 : memref<20480x64xf32, #tpu.memory_space<hbm>>) target(%dma_start3A_75 : memref<128x64xf32, #tpu.memory_space<vmem>>) offsets(%dma_start3A_77 : memref<128xi32, #tpu.memory_space<vmem>>) semaphore(%arg12 : memref<!tpu.dma_semaphore, #tpu.memory_space<semaphore_mem>>)
    %dma_wait3A_81 = arith.constant 1 : i32
    %dma_wait3A_82 = arith.constant 0 : i32
    %dma_wait3A_83 = arith.constant 0 : i32
    %dma_wait3A_84 = tpu.memref_slice %arg8[%dma_wait3A_81, %dma_wait3A_82, %dma_wait3A_83] : memref<4x128x64xf32, #tpu.memory_space<vmem>> -> memref<1x128x64xf32, #tpu.memory_space<vmem>>
    %dma_wait3A_85 = tpu.memref_squeeze %dma_wait3A_84 : memref<1x128x64xf32, #tpu.memory_space<vmem>> -> memref<128x64xf32, #tpu.memory_space<vmem>>
    %dma_wait3A_86 = arith.constant 0 : i32
    %dma_wait3A_87 = arith.constant 0 : i32
    %dma_wait3A_88 = tpu.memref_slice %arg2[%dma_wait3A_86, %dma_wait3A_87] : memref<20480x64xf32, #tpu.memory_space<hbm>> -> memref<128x64xf32, #tpu.memory_space<hbm>>
    %dma_wait3A_89 = arith.constant 0 : i32
    %dma_wait3A_90 = arith.constant 0 : i32
    %dma_wait3A_91 = tpu.memref_slice %arg8[%dma_wait3A_81, %dma_wait3A_89, %dma_wait3A_90] : memref<4x128x64xf32, #tpu.memory_space<vmem>> -> memref<1x128x64xf32, #tpu.memory_space<vmem>>
    %dma_wait3A_92 = tpu.memref_squeeze %dma_wait3A_91 : memref<1x128x64xf32, #tpu.memory_space<vmem>> -> memref<128x64xf32, #tpu.memory_space<vmem>>
    %dma_wait3A_93 = arith.constant 0 : i32
    %dma_wait3A_94 = arith.constant 0 : i32
    %dma_wait3A_95 = tpu.memref_slice %arg2[%dma_wait3A_93, %dma_wait3A_94] : memref<20480x64xf32, #tpu.memory_space<hbm>> -> memref<128x64xf32, #tpu.memory_space<hbm>>
    tpu.wait_dma2 semaphore(%arg11 : memref<!tpu.dma_semaphore, #tpu.memory_space<semaphore_mem>>) src(%dma_wait3A_95 : memref<128x64xf32, #tpu.memory_space<hbm>>) dst(%dma_wait3A_92 : memref<128x64xf32, #tpu.memory_space<vmem>>)
    %dma_start3A_96 = arith.constant 1 : i32
    %dma_start3A_97 = arith.constant 1 : i32
    %dma_start3A_98 = arith.constant 0 : i32
    %dma_start3A_99 = arith.constant 0 : i32
    %dma_start3A_100 = tpu.memref_slice %arg8[%dma_start3A_96, %dma_start3A_98, %dma_start3A_99] : memref<4x128x64xf32, #tpu.memory_space<vmem>> -> memref<1x128x64xf32, #tpu.memory_space<vmem>>
    %dma_start3A_101 = tpu.memref_squeeze %dma_start3A_100 : memref<1x128x64xf32, #tpu.memory_space<vmem>> -> memref<128x64xf32, #tpu.memory_space<vmem>>
    %dma_start3A_102 = arith.constant 0 : i32
    %dma_start3A_103 = tpu.memref_slice %arg7[%dma_start3A_97, %dma_start3A_102] : memref<160x128xi32, #tpu.memory_space<vmem>> -> memref<1x128xi32, #tpu.memory_space<vmem>>
    %dma_start3A_104 = tpu.memref_squeeze %dma_start3A_103 : memref<1x128xi32, #tpu.memory_space<vmem>> -> memref<128xi32, #tpu.memory_space<vmem>>
    %dma_start3A_105 = arith.constant 0 : i32
    %dma_start3A_106 = arith.constant 0 : i32
    %dma_start3A_107 = tpu.memref_slice %arg9[%dma_start3A_105, %dma_start3A_106] : memref<10240x64xf32, #tpu.memory_space<vmem_shared>> -> memref<10240x64xf32, #tpu.memory_space<vmem_shared>>
    tpu.enqueue_indirect_dma source(%dma_start3A_101 : memref<128x64xf32, #tpu.memory_space<vmem>>) target(%dma_start3A_107 : memref<10240x64xf32, #tpu.memory_space<vmem_shared>>) offsets(%dma_start3A_104 : memref<128xi32, #tpu.memory_space<vmem>>) semaphore(%arg15 : memref<!tpu.dma_semaphore, #tpu.memory_space<semaphore_mem>>) {add = true}
    %dma_start3A_108 = arith.constant 3 : i32
    %dma_start3A_109 = arith.constant 0 : i32
    %dma_start3A_110 = arith.constant 0 : i32
    %dma_start3A_111 = tpu.memref_slice %arg8[%dma_start3A_108, %dma_start3A_109, %dma_start3A_110] : memref<4x128x64xf32, #tpu.memory_space<vmem>> -> memref<1x128x64xf32, #tpu.memory_space<vmem>>
    %dma_start3A_112 = tpu.memref_squeeze %dma_start3A_111 : memref<1x128x64xf32, #tpu.memory_space<vmem>> -> memref<128x64xf32, #tpu.memory_space<vmem>>
    %dma_start3A_113 = arith.constant 384 : i32
    %dma_start3A_114 = tpu.memref_slice %arg6[%dma_start3A_113] : memref<20480xi32, #tpu.memory_space<vmem>> -> memref<128xi32, #tpu.memory_space<vmem>>
    %dma_start3A_115 = arith.constant 0 : i32
    %dma_start3A_116 = arith.constant 0 : i32
    %dma_start3A_117 = tpu.memref_slice %arg2[%dma_start3A_115, %dma_start3A_116] : memref<20480x64xf32, #tpu.memory_space<hbm>> -> memref<20480x64xf32, #tpu.memory_space<hbm>>
    tpu.enqueue_indirect_dma source(%dma_start3A_117 : memref<20480x64xf32, #tpu.memory_space<hbm>>) target(%dma_start3A_112 : memref<128x64xf32, #tpu.memory_space<vmem>>) offsets(%dma_start3A_114 : memref<128xi32, #tpu.memory_space<vmem>>) semaphore(%arg13 : memref<!tpu.dma_semaphore, #tpu.memory_space<semaphore_mem>>)
    %dma_wait3A_118 = arith.constant 2 : i32
    %dma_wait3A_119 = arith.constant 0 : i32
    %dma_wait3A_120 = arith.constant 0 : i32
    %dma_wait3A_121 = tpu.memref_slice %arg8[%dma_wait3A_118, %dma_wait3A_119, %dma_wait3A_120] : memref<4x128x64xf32, #tpu.memory_space<vmem>> -> memref<1x128x64xf32, #tpu.memory_space<vmem>>
    %dma_wait3A_122 = tpu.memref_squeeze %dma_wait3A_121 : memref<1x128x64xf32, #tpu.memory_space<vmem>> -> memref<128x64xf32, #tpu.memory_space<vmem>>
    %dma_wait3A_123 = arith.constant 0 : i32
    %dma_wait3A_124 = arith.constant 0 : i32
    %dma_wait3A_125 = tpu.memref_slice %arg2[%dma_wait3A_123, %dma_wait3A_124] : memref<20480x64xf32, #tpu.memory_space<hbm>> -> memref<128x64xf32, #tpu.memory_space<hbm>>
    %dma_wait3A_126 = arith.constant 0 : i32
    %dma_wait3A_127 = arith.constant 0 : i32
    %dma_wait3A_128 = tpu.memref_slice %arg8[%dma_wait3A_118, %dma_wait3A_126, %dma_wait3A_127] : memref<4x128x64xf32, #tpu.memory_space<vmem>> -> memref<1x128x64xf32, #tpu.memory_space<vmem>>
    %dma_wait3A_129 = tpu.memref_squeeze %dma_wait3A_128 : memref<1x128x64xf32, #tpu.memory_space<vmem>> -> memref<128x64xf32, #tpu.memory_space<vmem>>
    %dma_wait3A_130 = arith.constant 0 : i32
    %dma_wait3A_131 = arith.constant 0 : i32
    %dma_wait3A_132 = tpu.memref_slice %arg2[%dma_wait3A_130, %dma_wait3A_131] : memref<20480x64xf32, #tpu.memory_space<hbm>> -> memref<128x64xf32, #tpu.memory_space<hbm>>
    tpu.wait_dma2 semaphore(%arg12 : memref<!tpu.dma_semaphore, #tpu.memory_space<semaphore_mem>>) src(%dma_wait3A_132 : memref<128x64xf32, #tpu.memory_space<hbm>>) dst(%dma_wait3A_129 : memref<128x64xf32, #tpu.memory_space<vmem>>)
    %dma_start3A_133 = arith.constant 2 : i32
    %dma_start3A_134 = arith.constant 2 : i32
    %dma_start3A_135 = arith.constant 0 : i32
    %dma_start3A_136 = arith.constant 0 : i32
    %dma_start3A_137 = tpu.memref_slice %arg8[%dma_start3A_133, %dma_start3A_135, %dma_start3A_136] : memref<4x128x64xf32, #tpu.memory_space<vmem>> -> memref<1x128x64xf32, #tpu.memory_space<vmem>>
    %dma_start3A_138 = tpu.memref_squeeze %dma_start3A_137 : memref<1x128x64xf32, #tpu.memory_space<vmem>> -> memref<128x64xf32, #tpu.memory_space<vmem>>
    %dma_start3A_139 = arith.constant 0 : i32
    %dma_start3A_140 = tpu.memref_slice %arg7[%dma_start3A_134, %dma_start3A_139] : memref<160x128xi32, #tpu.memory_space<vmem>> -> memref<1x128xi32, #tpu.memory_space<vmem>>
    %dma_start3A_141 = tpu.memref_squeeze %dma_start3A_140 : memref<1x128xi32, #tpu.memory_space<vmem>> -> memref<128xi32, #tpu.memory_space<vmem>>
    %dma_start3A_142 = arith.constant 0 : i32
    %dma_start3A_143 = arith.constant 0 : i32
    %dma_start3A_144 = tpu.memref_slice %arg9[%dma_start3A_142, %dma_start3A_143] : memref<10240x64xf32, #tpu.memory_space<vmem_shared>> -> memref<10240x64xf32, #tpu.memory_space<vmem_shared>>
    tpu.enqueue_indirect_dma source(%dma_start3A_138 : memref<128x64xf32, #tpu.memory_space<vmem>>) target(%dma_start3A_144 : memref<10240x64xf32, #tpu.memory_space<vmem_shared>>) offsets(%dma_start3A_141 : memref<128xi32, #tpu.memory_space<vmem>>) semaphore(%arg16 : memref<!tpu.dma_semaphore, #tpu.memory_space<semaphore_mem>>) {add = true}
    %dma_wait3A_145 = arith.constant 0 : i32
    %dma_wait3A_146 = arith.constant 0 : i32
    %dma_wait3A_147 = arith.constant 0 : i32
    %dma_wait3A_148 = tpu.memref_slice %arg8[%dma_wait3A_145, %dma_wait3A_146, %dma_wait3A_147] : memref<4x128x64xf32, #tpu.memory_space<vmem>> -> memref<1x128x64xf32, #tpu.memory_space<vmem>>
    %dma_wait3A_149 = tpu.memref_squeeze %dma_wait3A_148 : memref<1x128x64xf32, #tpu.memory_space<vmem>> -> memref<128x64xf32, #tpu.memory_space<vmem>>
    %dma_wait3A_150 = arith.constant 0 : i32
    %dma_wait3A_151 = arith.constant 0 : i32
    %dma_wait3A_152 = tpu.memref_slice %arg2[%dma_wait3A_150, %dma_wait3A_151] : memref<20480x64xf32, #tpu.memory_space<hbm>> -> memref<128x64xf32, #tpu.memory_space<hbm>>
    %dma_wait3A_153 = arith.constant 0 : i32
    %dma_wait3A_154 = arith.constant 0 : i32
    %dma_wait3A_155 = tpu.memref_slice %arg8[%dma_wait3A_145, %dma_wait3A_153, %dma_wait3A_154] : memref<4x128x64xf32, #tpu.memory_space<vmem>> -> memref<1x128x64xf32, #tpu.memory_space<vmem>>
    %dma_wait3A_156 = tpu.memref_squeeze %dma_wait3A_155 : memref<1x128x64xf32, #tpu.memory_space<vmem>> -> memref<128x64xf32, #tpu.memory_space<vmem>>
    %dma_wait3A_157 = arith.constant 0 : i32
    %dma_wait3A_158 = arith.constant 0 : i32
    %dma_wait3A_159 = tpu.memref_slice %arg2[%dma_wait3A_157, %dma_wait3A_158] : memref<20480x64xf32, #tpu.memory_space<hbm>> -> memref<128x64xf32, #tpu.memory_space<hbm>>
    tpu.wait_dma2 semaphore(%arg14 : memref<!tpu.dma_semaphore, #tpu.memory_space<semaphore_mem>>) src(%dma_wait3A_159 : memref<128x64xf32, #tpu.memory_space<hbm>>) dst(%dma_wait3A_156 : memref<128x64xf32, #tpu.memory_space<vmem>>)
    %dma_start3A_160 = arith.constant 0 : i32
    %dma_start3A_161 = arith.constant 0 : i32
    %dma_start3A_162 = arith.constant 0 : i32
    %dma_start3A_163 = tpu.memref_slice %arg8[%dma_start3A_160, %dma_start3A_161, %dma_start3A_162] : memref<4x128x64xf32, #tpu.memory_space<vmem>> -> memref<1x128x64xf32, #tpu.memory_space<vmem>>
    %dma_start3A_164 = tpu.memref_squeeze %dma_start3A_163 : memref<1x128x64xf32, #tpu.memory_space<vmem>> -> memref<128x64xf32, #tpu.memory_space<vmem>>
    %dma_start3A_165 = arith.constant 512 : i32
    %dma_start3A_166 = tpu.memref_slice %arg6[%dma_start3A_165] : memref<20480xi32, #tpu.memory_space<vmem>> -> memref<128xi32, #tpu.memory_space<vmem>>
    %dma_start3A_167 = arith.constant 0 : i32
    %dma_start3A_168 = arith.constant 0 : i32
    %dma_start3A_169 = tpu.memref_slice %arg2[%dma_start3A_167, %dma_start3A_168] : memref<20480x64xf32, #tpu.memory_space<hbm>> -> memref<20480x64xf32, #tpu.memory_space<hbm>>
    tpu.enqueue_indirect_dma source(%dma_start3A_169 : memref<20480x64xf32, #tpu.memory_space<hbm>>) target(%dma_start3A_164 : memref<128x64xf32, #tpu.memory_space<vmem>>) offsets(%dma_start3A_166 : memref<128xi32, #tpu.memory_space<vmem>>) semaphore(%arg10 : memref<!tpu.dma_semaphore, #tpu.memory_space<semaphore_mem>>)
    %dma_wait3A_170 = arith.constant 3 : i32
    %dma_wait3A_171 = arith.constant 0 : i32
    %dma_wait3A_172 = arith.constant 0 : i32
    %dma_wait3A_173 = tpu.memref_slice %arg8[%dma_wait3A_170, %dma_wait3A_171, %dma_wait3A_172] : memref<4x128x64xf32, #tpu.memory_space<vmem>> -> memref<1x128x64xf32, #tpu.memory_space<vmem>>
    %dma_wait3A_174 = tpu.memref_squeeze %dma_wait3A_173 : memref<1x128x64xf32, #tpu.memory_space<vmem>> -> memref<128x64xf32, #tpu.memory_space<vmem>>
    %dma_wait3A_175 = arith.constant 0 : i32
    %dma_wait3A_176 = arith.constant 0 : i32
    %dma_wait3A_177 = tpu.memref_slice %arg2[%dma_wait3A_175, %dma_wait3A_176] : memref<20480x64xf32, #tpu.memory_space<hbm>> -> memref<128x64xf32, #tpu.memory_space<hbm>>
    %dma_wait3A_178 = arith.constant 0 : i32
    %dma_wait3A_179 = arith.constant 0 : i32
    %dma_wait3A_180 = tpu.memref_slice %arg8[%dma_wait3A_170, %dma_wait3A_178, %dma_wait3A_179] : memref<4x128x64xf32, #tpu.memory_space<vmem>> -> memref<1x128x64xf32, #tpu.memory_space<vmem>>
    %dma_wait3A_181 = tpu.memref_squeeze %dma_wait3A_180 : memref<1x128x64xf32, #tpu.memory_space<vmem>> -> memref<128x64xf32, #tpu.memory_space<vmem>>
    %dma_wait3A_182 = arith.constant 0 : i32
    %dma_wait3A_183 = arith.constant 0 : i32
    %dma_wait3A_184 = tpu.memref_slice %arg2[%dma_wait3A_182, %dma_wait3A_183] : memref<20480x64xf32, #tpu.memory_space<hbm>> -> memref<128x64xf32, #tpu.memory_space<hbm>>
    tpu.wait_dma2 semaphore(%arg13 : memref<!tpu.dma_semaphore, #tpu.memory_space<semaphore_mem>>) src(%dma_wait3A_184 : memref<128x64xf32, #tpu.memory_space<hbm>>) dst(%dma_wait3A_181 : memref<128x64xf32, #tpu.memory_space<vmem>>)
    %dma_start3A_185 = arith.constant 3 : i32
    %dma_start3A_186 = arith.constant 3 : i32
    %dma_start3A_187 = arith.constant 0 : i32
    %dma_start3A_188 = arith.constant 0 : i32
    %dma_start3A_189 = tpu.memref_slice %arg8[%dma_start3A_185, %dma_start3A_187, %dma_start3A_188] : memref<4x128x64xf32, #tpu.memory_space<vmem>> -> memref<1x128x64xf32, #tpu.memory_space<vmem>>
    %dma_start3A_190 = tpu.memref_squeeze %dma_start3A_189 : memref<1x128x64xf32, #tpu.memory_space<vmem>> -> memref<128x64xf32, #tpu.memory_space<vmem>>
    %dma_start3A_191 = arith.constant 0 : i32
    %dma_start3A_192 = tpu.memref_slice %arg7[%dma_start3A_186, %dma_start3A_191] : memref<160x128xi32, #tpu.memory_space<vmem>> -> memref<1x128xi32, #tpu.memory_space<vmem>>
    %dma_start3A_193 = tpu.memref_squeeze %dma_start3A_192 : memref<1x128xi32, #tpu.memory_space<vmem>> -> memref<128xi32, #tpu.memory_space<vmem>>
    %dma_start3A_194 = arith.constant 0 : i32
    %dma_start3A_195 = arith.constant 0 : i32
    %dma_start3A_196 = tpu.memref_slice %arg9[%dma_start3A_194, %dma_start3A_195] : memref<10240x64xf32, #tpu.memory_space<vmem_shared>> -> memref<10240x64xf32, #tpu.memory_space<vmem_shared>>
    tpu.enqueue_indirect_dma source(%dma_start3A_190 : memref<128x64xf32, #tpu.memory_space<vmem>>) target(%dma_start3A_196 : memref<10240x64xf32, #tpu.memory_space<vmem_shared>>) offsets(%dma_start3A_193 : memref<128xi32, #tpu.memory_space<vmem>>) semaphore(%arg17 : memref<!tpu.dma_semaphore, #tpu.memory_space<semaphore_mem>>) {add = true}
    %dma_wait3A_197 = arith.constant 1 : i32
    %dma_wait3A_198 = arith.constant 0 : i32
    %dma_wait3A_199 = arith.constant 0 : i32
    %dma_wait3A_200 = tpu.memref_slice %arg8[%dma_wait3A_197, %dma_wait3A_198, %dma_wait3A_199] : memref<4x128x64xf32, #tpu.memory_space<vmem>> -> memref<1x128x64xf32, #tpu.memory_space<vmem>>
    %dma_wait3A_201 = tpu.memref_squeeze %dma_wait3A_200 : memref<1x128x64xf32, #tpu.memory_space<vmem>> -> memref<128x64xf32, #tpu.memory_space<vmem>>
    %dma_wait3A_202 = arith.constant 0 : i32
    %dma_wait3A_203 = arith.constant 0 : i32
    %dma_wait3A_204 = tpu.memref_slice %arg2[%dma_wait3A_202, %dma_wait3A_203] : memref<20480x64xf32, #tpu.memory_space<hbm>> -> memref<128x64xf32, #tpu.memory_space<hbm>>
    %dma_wait3A_205 = arith.constant 0 : i32
    %dma_wait3A_206 = arith.constant 0 : i32
    %dma_wait3A_207 = tpu.memref_slice %arg8[%dma_wait3A_197, %dma_wait3A_205, %dma_wait3A_206] : memref<4x128x64xf32, #tpu.memory_space<vmem>> -> memref<1x128x64xf32, #tpu.memory_space<vmem>>
    %dma_wait3A_208 = tpu.memref_squeeze %dma_wait3A_207 : memref<1x128x64xf32, #tpu.memory_space<vmem>> -> memref<128x64xf32, #tpu.memory_space<vmem>>
    %dma_wait3A_209 = arith.constant 0 : i32
    %dma_wait3A_210 = arith.constant 0 : i32
    %dma_wait3A_211 = tpu.memref_slice %arg2[%dma_wait3A_209, %dma_wait3A_210] : memref<20480x64xf32, #tpu.memory_space<hbm>> -> memref<128x64xf32, #tpu.memory_space<hbm>>
    tpu.wait_dma2 semaphore(%arg15 : memref<!tpu.dma_semaphore, #tpu.memory_space<semaphore_mem>>) src(%dma_wait3A_211 : memref<128x64xf32, #tpu.memory_space<hbm>>) dst(%dma_wait3A_208 : memref<128x64xf32, #tpu.memory_space<vmem>>)
    %dma_start3A_212 = arith.constant 1 : i32
    %dma_start3A_213 = arith.constant 0 : i32
    %dma_start3A_214 = arith.constant 0 : i32
    %dma_start3A_215 = tpu.memref_slice %arg8[%dma_start3A_212, %dma_start3A_213, %dma_start3A_214] : memref<4x128x64xf32, #tpu.memory_space<vmem>> -> memref<1x128x64xf32, #tpu.memory_space<vmem>>
    %dma_start3A_216 = tpu.memref_squeeze %dma_start3A_215 : memref<1x128x64xf32, #tpu.memory_space<vmem>> -> memref<128x64xf32, #tpu.memory_space<vmem>>
    %dma_start3A_217 = arith.constant 640 : i32
    %dma_start3A_218 = tpu.memref_slice %arg6[%dma_start3A_217] : memref<20480xi32, #tpu.memory_space<vmem>> -> memref<128xi32, #tpu.memory_space<vmem>>
    %dma_start3A_219 = arith.constant 0 : i32
    %dma_start3A_220 = arith.constant 0 : i32
    %dma_start3A_221 = tpu.memref_slice %arg2[%dma_start3A_219, %dma_start3A_220] : memref<20480x64xf32, #tpu.memory_space<hbm>> -> memref<20480x64xf32, #tpu.memory_space<hbm>>
    tpu.enqueue_indirect_dma source(%dma_start3A_221 : memref<20480x64xf32, #tpu.memory_space<hbm>>) target(%dma_start3A_216 : memref<128x64xf32, #tpu.memory_space<vmem>>) offsets(%dma_start3A_218 : memref<128xi32, #tpu.memory_space<vmem>>) semaphore(%arg11 : memref<!tpu.dma_semaphore, #tpu.memory_space<semaphore_mem>>)
    %scan3A_222 = arith.constant 0 : i32
    %scan3A_223 = arith.constant 1 : i32
    %scan3A_224 = arith.constant 38 : i32
    %scan3A_225 = arith.addi %scan3A_223, %scan3A_224 : i32
    %scan3A_226 = arith.constant 1 : i32
    scf.for %scan3A_447 = %scan3A_223 to %scan3A_225 step %scan3A_226  : i32 {
      %mul3A_448 = arith.constant 4 : i32
      %mul3A_449 = arith.muli %scan3A_447, %mul3A_448 : i32
      %dma_wait3A_450 = arith.constant 0 : i32
      %dma_wait3A_451 = arith.constant 0 : i32
      %dma_wait3A_452 = arith.constant 0 : i32
      %dma_wait3A_453 = tpu.memref_slice %arg8[%dma_wait3A_450, %dma_wait3A_451, %dma_wait3A_452] : memref<4x128x64xf32, #tpu.memory_space<vmem>> -> memref<1x128x64xf32, #tpu.memory_space<vmem>>
      %dma_wait3A_454 = tpu.memref_squeeze %dma_wait3A_453 : memref<1x128x64xf32, #tpu.memory_space<vmem>> -> memref<128x64xf32, #tpu.memory_space<vmem>>
      %dma_wait3A_455 = arith.constant 0 : i32
      %dma_wait3A_456 = arith.constant 0 : i32
      %dma_wait3A_457 = tpu.memref_slice %arg2[%dma_wait3A_455, %dma_wait3A_456] : memref<20480x64xf32, #tpu.memory_space<hbm>> -> memref<128x64xf32, #tpu.memory_space<hbm>>
      %dma_wait3A_458 = arith.constant 0 : i32
      %dma_wait3A_459 = arith.constant 0 : i32
      %dma_wait3A_460 = tpu.memref_slice %arg8[%dma_wait3A_450, %dma_wait3A_458, %dma_wait3A_459] : memref<4x128x64xf32, #tpu.memory_space<vmem>> -> memref<1x128x64xf32, #tpu.memory_space<vmem>>
      %dma_wait3A_461 = tpu.memref_squeeze %dma_wait3A_460 : memref<1x128x64xf32, #tpu.memory_space<vmem>> -> memref<128x64xf32, #tpu.memory_space<vmem>>
      %dma_wait3A_462 = arith.constant 0 : i32
      %dma_wait3A_463 = arith.constant 0 : i32
      %dma_wait3A_464 = tpu.memref_slice %arg2[%dma_wait3A_462, %dma_wait3A_463] : memref<20480x64xf32, #tpu.memory_space<hbm>> -> memref<128x64xf32, #tpu.memory_space<hbm>>
      tpu.wait_dma2 semaphore(%arg10 : memref<!tpu.dma_semaphore, #tpu.memory_space<semaphore_mem>>) src(%dma_wait3A_464 : memref<128x64xf32, #tpu.memory_space<hbm>>) dst(%dma_wait3A_461 : memref<128x64xf32, #tpu.memory_space<vmem>>)
      %add3A_465 = arith.constant 0 : i32
      %add3A_466 = arith.addi %mul3A_449, %add3A_465 : i32
      %dma_start3A_467 = arith.constant 0 : i32
      %dma_start3A_468 = arith.constant 0 : i32
      %dma_start3A_469 = arith.constant 0 : i32
      %dma_start3A_470 = tpu.memref_slice %arg8[%dma_start3A_467, %dma_start3A_468, %dma_start3A_469] : memref<4x128x64xf32, #tpu.memory_space<vmem>> -> memref<1x128x64xf32, #tpu.memory_space<vmem>>
      %dma_start3A_471 = tpu.memref_squeeze %dma_start3A_470 : memref<1x128x64xf32, #tpu.memory_space<vmem>> -> memref<128x64xf32, #tpu.memory_space<vmem>>
      %dma_start3A_472 = arith.constant 0 : i32
      %dma_start3A_473 = tpu.memref_slice %arg7[%add3A_466, %dma_start3A_472] : memref<160x128xi32, #tpu.memory_space<vmem>> -> memref<1x128xi32, #tpu.memory_space<vmem>>
      %dma_start3A_474 = tpu.memref_squeeze %dma_start3A_473 : memref<1x128xi32, #tpu.memory_space<vmem>> -> memref<128xi32, #tpu.memory_space<vmem>>
      %dma_start3A_475 = arith.constant 0 : i32
      %dma_start3A_476 = arith.constant 0 : i32
      %dma_start3A_477 = tpu.memref_slice %arg9[%dma_start3A_475, %dma_start3A_476] : memref<10240x64xf32, #tpu.memory_space<vmem_shared>> -> memref<10240x64xf32, #tpu.memory_space<vmem_shared>>
      tpu.enqueue_indirect_dma source(%dma_start3A_471 : memref<128x64xf32, #tpu.memory_space<vmem>>) target(%dma_start3A_477 : memref<10240x64xf32, #tpu.memory_space<vmem_shared>>) offsets(%dma_start3A_474 : memref<128xi32, #tpu.memory_space<vmem>>) semaphore(%arg14 : memref<!tpu.dma_semaphore, #tpu.memory_space<semaphore_mem>>) {add = true}
      %dma_wait3A_478 = arith.constant 2 : i32
      %dma_wait3A_479 = arith.constant 0 : i32
      %dma_wait3A_480 = arith.constant 0 : i32
      %dma_wait3A_481 = tpu.memref_slice %arg8[%dma_wait3A_478, %dma_wait3A_479, %dma_wait3A_480] : memref<4x128x64xf32, #tpu.memory_space<vmem>> -> memref<1x128x64xf32, #tpu.memory_space<vmem>>
      %dma_wait3A_482 = tpu.memref_squeeze %dma_wait3A_481 : memref<1x128x64xf32, #tpu.memory_space<vmem>> -> memref<128x64xf32, #tpu.memory_space<vmem>>
      %dma_wait3A_483 = arith.constant 0 : i32
      %dma_wait3A_484 = arith.constant 0 : i32
      %dma_wait3A_485 = tpu.memref_slice %arg2[%dma_wait3A_483, %dma_wait3A_484] : memref<20480x64xf32, #tpu.memory_space<hbm>> -> memref<128x64xf32, #tpu.memory_space<hbm>>
      %dma_wait3A_486 = arith.constant 0 : i32
      %dma_wait3A_487 = arith.constant 0 : i32
      %dma_wait3A_488 = tpu.memref_slice %arg8[%dma_wait3A_478, %dma_wait3A_486, %dma_wait3A_487] : memref<4x128x64xf32, #tpu.memory_space<vmem>> -> memref<1x128x64xf32, #tpu.memory_space<vmem>>
      %dma_wait3A_489 = tpu.memref_squeeze %dma_wait3A_488 : memref<1x128x64xf32, #tpu.memory_space<vmem>> -> memref<128x64xf32, #tpu.memory_space<vmem>>
      %dma_wait3A_490 = arith.constant 0 : i32
      %dma_wait3A_491 = arith.constant 0 : i32
      %dma_wait3A_492 = tpu.memref_slice %arg2[%dma_wait3A_490, %dma_wait3A_491] : memref<20480x64xf32, #tpu.memory_space<hbm>> -> memref<128x64xf32, #tpu.memory_space<hbm>>
      tpu.wait_dma2 semaphore(%arg16 : memref<!tpu.dma_semaphore, #tpu.memory_space<semaphore_mem>>) src(%dma_wait3A_492 : memref<128x64xf32, #tpu.memory_space<hbm>>) dst(%dma_wait3A_489 : memref<128x64xf32, #tpu.memory_space<vmem>>)
      %add3A_493 = arith.constant 0 : i32
      %add3A_494 = arith.addi %mul3A_449, %add3A_493 : i32
      %add3A_495 = arith.constant 2 : i32
      %add3A_496 = arith.addi %add3A_494, %add3A_495 : i32
      %mul3A_497 = arith.constant 128 : i32
      %mul3A_498 = arith.muli %add3A_496, %mul3A_497 : i32
      %dma_start3A_499 = arith.constant 2 : i32
      %dma_start3A_500 = arith.constant 0 : i32
      %dma_start3A_501 = arith.constant 0 : i32
      %dma_start3A_502 = tpu.memref_slice %arg8[%dma_start3A_499, %dma_start3A_500, %dma_start3A_501] : memref<4x128x64xf32, #tpu.memory_space<vmem>> -> memref<1x128x64xf32, #tpu.memory_space<vmem>>
      %dma_start3A_503 = tpu.memref_squeeze %dma_start3A_502 : memref<1x128x64xf32, #tpu.memory_space<vmem>> -> memref<128x64xf32, #tpu.memory_space<vmem>>
      %dma_start3A_504 = tpu.memref_slice %arg6[%mul3A_498] : memref<20480xi32, #tpu.memory_space<vmem>> -> memref<128xi32, #tpu.memory_space<vmem>>
      %dma_start3A_505 = arith.constant 0 : i32
      %dma_start3A_506 = arith.constant 0 : i32
      %dma_start3A_507 = tpu.memref_slice %arg2[%dma_start3A_505, %dma_start3A_506] : memref<20480x64xf32, #tpu.memory_space<hbm>> -> memref<20480x64xf32, #tpu.memory_space<hbm>>
      tpu.enqueue_indirect_dma source(%dma_start3A_507 : memref<20480x64xf32, #tpu.memory_space<hbm>>) target(%dma_start3A_503 : memref<128x64xf32, #tpu.memory_space<vmem>>) offsets(%dma_start3A_504 : memref<128xi32, #tpu.memory_space<vmem>>) semaphore(%arg12 : memref<!tpu.dma_semaphore, #tpu.memory_space<semaphore_mem>>)
      %dma_wait3A_508 = arith.constant 1 : i32
      %dma_wait3A_509 = arith.constant 0 : i32
      %dma_wait3A_510 = arith.constant 0 : i32
      %dma_wait3A_511 = tpu.memref_slice %arg8[%dma_wait3A_508, %dma_wait3A_509, %dma_wait3A_510] : memref<4x128x64xf32, #tpu.memory_space<vmem>> -> memref<1x128x64xf32, #tpu.memory_space<vmem>>
      %dma_wait3A_512 = tpu.memref_squeeze %dma_wait3A_511 : memref<1x128x64xf32, #tpu.memory_space<vmem>> -> memref<128x64xf32, #tpu.memory_space<vmem>>
      %dma_wait3A_513 = arith.constant 0 : i32
      %dma_wait3A_514 = arith.constant 0 : i32
      %dma_wait3A_515 = tpu.memref_slice %arg2[%dma_wait3A_513, %dma_wait3A_514] : memref<20480x64xf32, #tpu.memory_space<hbm>> -> memref<128x64xf32, #tpu.memory_space<hbm>>
      %dma_wait3A_516 = arith.constant 0 : i32
      %dma_wait3A_517 = arith.constant 0 : i32
      %dma_wait3A_518 = tpu.memref_slice %arg8[%dma_wait3A_508, %dma_wait3A_516, %dma_wait3A_517] : memref<4x128x64xf32, #tpu.memory_space<vmem>> -> memref<1x128x64xf32, #tpu.memory_space<vmem>>
      %dma_wait3A_519 = tpu.memref_squeeze %dma_wait3A_518 : memref<1x128x64xf32, #tpu.memory_space<vmem>> -> memref<128x64xf32, #tpu.memory_space<vmem>>
      %dma_wait3A_520 = arith.constant 0 : i32
      %dma_wait3A_521 = arith.constant 0 : i32
      %dma_wait3A_522 = tpu.memref_slice %arg2[%dma_wait3A_520, %dma_wait3A_521] : memref<20480x64xf32, #tpu.memory_space<hbm>> -> memref<128x64xf32, #tpu.memory_space<hbm>>
      tpu.wait_dma2 semaphore(%arg11 : memref<!tpu.dma_semaphore, #tpu.memory_space<semaphore_mem>>) src(%dma_wait3A_522 : memref<128x64xf32, #tpu.memory_space<hbm>>) dst(%dma_wait3A_519 : memref<128x64xf32, #tpu.memory_space<vmem>>)
      %add3A_523 = arith.constant 1 : i32
      %add3A_524 = arith.addi %mul3A_449, %add3A_523 : i32
      %dma_start3A_525 = arith.constant 1 : i32
      %dma_start3A_526 = arith.constant 0 : i32
      %dma_start3A_527 = arith.constant 0 : i32
      %dma_start3A_528 = tpu.memref_slice %arg8[%dma_start3A_525, %dma_start3A_526, %dma_start3A_527] : memref<4x128x64xf32, #tpu.memory_space<vmem>> -> memref<1x128x64xf32, #tpu.memory_space<vmem>>
      %dma_start3A_529 = tpu.memref_squeeze %dma_start3A_528 : memref<1x128x64xf32, #tpu.memory_space<vmem>> -> memref<128x64xf32, #tpu.memory_space<vmem>>
      %dma_start3A_530 = arith.constant 0 : i32
      %dma_start3A_531 = tpu.memref_slice %arg7[%add3A_524, %dma_start3A_530] : memref<160x128xi32, #tpu.memory_space<vmem>> -> memref<1x128xi32, #tpu.memory_space<vmem>>
      %dma_start3A_532 = tpu.memref_squeeze %dma_start3A_531 : memref<1x128xi32, #tpu.memory_space<vmem>> -> memref<128xi32, #tpu.memory_space<vmem>>
      %dma_start3A_533 = arith.constant 0 : i32
      %dma_start3A_534 = arith.constant 0 : i32
      %dma_start3A_535 = tpu.memref_slice %arg9[%dma_start3A_533, %dma_start3A_534] : memref<10240x64xf32, #tpu.memory_space<vmem_shared>> -> memref<10240x64xf32, #tpu.memory_space<vmem_shared>>
      tpu.enqueue_indirect_dma source(%dma_start3A_529 : memref<128x64xf32, #tpu.memory_space<vmem>>) target(%dma_start3A_535 : memref<10240x64xf32, #tpu.memory_space<vmem_shared>>) offsets(%dma_start3A_532 : memref<128xi32, #tpu.memory_space<vmem>>) semaphore(%arg15 : memref<!tpu.dma_semaphore, #tpu.memory_space<semaphore_mem>>) {add = true}
      %dma_wait3A_536 = arith.constant 3 : i32
      %dma_wait3A_537 = arith.constant 0 : i32
      %dma_wait3A_538 = arith.constant 0 : i32
      %dma_wait3A_539 = tpu.memref_slice %arg8[%dma_wait3A_536, %dma_wait3A_537, %dma_wait3A_538] : memref<4x128x64xf32, #tpu.memory_space<vmem>> -> memref<1x128x64xf32, #tpu.memory_space<vmem>>
      %dma_wait3A_540 = tpu.memref_squeeze %dma_wait3A_539 : memref<1x128x64xf32, #tpu.memory_space<vmem>> -> memref<128x64xf32, #tpu.memory_space<vmem>>
      %dma_wait3A_541 = arith.constant 0 : i32
      %dma_wait3A_542 = arith.constant 0 : i32
      %dma_wait3A_543 = tpu.memref_slice %arg2[%dma_wait3A_541, %dma_wait3A_542] : memref<20480x64xf32, #tpu.memory_space<hbm>> -> memref<128x64xf32, #tpu.memory_space<hbm>>
      %dma_wait3A_544 = arith.constant 0 : i32
      %dma_wait3A_545 = arith.constant 0 : i32
      %dma_wait3A_546 = tpu.memref_slice %arg8[%dma_wait3A_536, %dma_wait3A_544, %dma_wait3A_545] : memref<4x128x64xf32, #tpu.memory_space<vmem>> -> memref<1x128x64xf32, #tpu.memory_space<vmem>>
      %dma_wait3A_547 = tpu.memref_squeeze %dma_wait3A_546 : memref<1x128x64xf32, #tpu.memory_space<vmem>> -> memref<128x64xf32, #tpu.memory_space<vmem>>
      %dma_wait3A_548 = arith.constant 0 : i32
      %dma_wait3A_549 = arith.constant 0 : i32
      %dma_wait3A_550 = tpu.memref_slice %arg2[%dma_wait3A_548, %dma_wait3A_549] : memref<20480x64xf32, #tpu.memory_space<hbm>> -> memref<128x64xf32, #tpu.memory_space<hbm>>
      tpu.wait_dma2 semaphore(%arg17 : memref<!tpu.dma_semaphore, #tpu.memory_space<semaphore_mem>>) src(%dma_wait3A_550 : memref<128x64xf32, #tpu.memory_space<hbm>>) dst(%dma_wait3A_547 : memref<128x64xf32, #tpu.memory_space<vmem>>)
      %add3A_551 = arith.constant 1 : i32
      %add3A_552 = arith.addi %mul3A_449, %add3A_551 : i32
      %add3A_553 = arith.constant 2 : i32
      %add3A_554 = arith.addi %add3A_552, %add3A_553 : i32
      %mul3A_555 = arith.constant 128 : i32
      %mul3A_556 = arith.muli %add3A_554, %mul3A_555 : i32
      %dma_start3A_557 = arith.constant 3 : i32
      %dma_start3A_558 = arith.constant 0 : i32
      %dma_start3A_559 = arith.constant 0 : i32
      %dma_start3A_560 = tpu.memref_slice %arg8[%dma_start3A_557, %dma_start3A_558, %dma_start3A_559] : memref<4x128x64xf32, #tpu.memory_space<vmem>> -> memref<1x128x64xf32, #tpu.memory_space<vmem>>
      %dma_start3A_561 = tpu.memref_squeeze %dma_start3A_560 : memref<1x128x64xf32, #tpu.memory_space<vmem>> -> memref<128x64xf32, #tpu.memory_space<vmem>>
      %dma_start3A_562 = tpu.memref_slice %arg6[%mul3A_556] : memref<20480xi32, #tpu.memory_space<vmem>> -> memref<128xi32, #tpu.memory_space<vmem>>
      %dma_start3A_563 = arith.constant 0 : i32
      %dma_start3A_564 = arith.constant 0 : i32
      %dma_start3A_565 = tpu.memref_slice %arg2[%dma_start3A_563, %dma_start3A_564] : memref<20480x64xf32, #tpu.memory_space<hbm>> -> memref<20480x64xf32, #tpu.memory_space<hbm>>
      tpu.enqueue_indirect_dma source(%dma_start3A_565 : memref<20480x64xf32, #tpu.memory_space<hbm>>) target(%dma_start3A_561 : memref<128x64xf32, #tpu.memory_space<vmem>>) offsets(%dma_start3A_562 : memref<128xi32, #tpu.memory_space<vmem>>) semaphore(%arg13 : memref<!tpu.dma_semaphore, #tpu.memory_space<semaphore_mem>>)
      %dma_wait3A_566 = arith.constant 2 : i32
      %dma_wait3A_567 = arith.constant 0 : i32
      %dma_wait3A_568 = arith.constant 0 : i32
      %dma_wait3A_569 = tpu.memref_slice %arg8[%dma_wait3A_566, %dma_wait3A_567, %dma_wait3A_568] : memref<4x128x64xf32, #tpu.memory_space<vmem>> -> memref<1x128x64xf32, #tpu.memory_space<vmem>>
      %dma_wait3A_570 = tpu.memref_squeeze %dma_wait3A_569 : memref<1x128x64xf32, #tpu.memory_space<vmem>> -> memref<128x64xf32, #tpu.memory_space<vmem>>
      %dma_wait3A_571 = arith.constant 0 : i32
      %dma_wait3A_572 = arith.constant 0 : i32
      %dma_wait3A_573 = tpu.memref_slice %arg2[%dma_wait3A_571, %dma_wait3A_572] : memref<20480x64xf32, #tpu.memory_space<hbm>> -> memref<128x64xf32, #tpu.memory_space<hbm>>
      %dma_wait3A_574 = arith.constant 0 : i32
      %dma_wait3A_575 = arith.constant 0 : i32
      %dma_wait3A_576 = tpu.memref_slice %arg8[%dma_wait3A_566, %dma_wait3A_574, %dma_wait3A_575] : memref<4x128x64xf32, #tpu.memory_space<vmem>> -> memref<1x128x64xf32, #tpu.memory_space<vmem>>
      %dma_wait3A_577 = tpu.memref_squeeze %dma_wait3A_576 : memref<1x128x64xf32, #tpu.memory_space<vmem>> -> memref<128x64xf32, #tpu.memory_space<vmem>>
      %dma_wait3A_578 = arith.constant 0 : i32
      %dma_wait3A_579 = arith.constant 0 : i32
      %dma_wait3A_580 = tpu.memref_slice %arg2[%dma_wait3A_578, %dma_wait3A_579] : memref<20480x64xf32, #tpu.memory_space<hbm>> -> memref<128x64xf32, #tpu.memory_space<hbm>>
      tpu.wait_dma2 semaphore(%arg12 : memref<!tpu.dma_semaphore, #tpu.memory_space<semaphore_mem>>) src(%dma_wait3A_580 : memref<128x64xf32, #tpu.memory_space<hbm>>) dst(%dma_wait3A_577 : memref<128x64xf32, #tpu.memory_space<vmem>>)
      %add3A_581 = arith.constant 2 : i32
      %add3A_582 = arith.addi %mul3A_449, %add3A_581 : i32
      %dma_start3A_583 = arith.constant 2 : i32
      %dma_start3A_584 = arith.constant 0 : i32
      %dma_start3A_585 = arith.constant 0 : i32
      %dma_start3A_586 = tpu.memref_slice %arg8[%dma_start3A_583, %dma_start3A_584, %dma_start3A_585] : memref<4x128x64xf32, #tpu.memory_space<vmem>> -> memref<1x128x64xf32, #tpu.memory_space<vmem>>
      %dma_start3A_587 = tpu.memref_squeeze %dma_start3A_586 : memref<1x128x64xf32, #tpu.memory_space<vmem>> -> memref<128x64xf32, #tpu.memory_space<vmem>>
      %dma_start3A_588 = arith.constant 0 : i32
      %dma_start3A_589 = tpu.memref_slice %arg7[%add3A_582, %dma_start3A_588] : memref<160x128xi32, #tpu.memory_space<vmem>> -> memref<1x128xi32, #tpu.memory_space<vmem>>
      %dma_start3A_590 = tpu.memref_squeeze %dma_start3A_589 : memref<1x128xi32, #tpu.memory_space<vmem>> -> memref<128xi32, #tpu.memory_space<vmem>>
      %dma_start3A_591 = arith.constant 0 : i32
      %dma_start3A_592 = arith.constant 0 : i32
      %dma_start3A_593 = tpu.memref_slice %arg9[%dma_start3A_591, %dma_start3A_592] : memref<10240x64xf32, #tpu.memory_space<vmem_shared>> -> memref<10240x64xf32, #tpu.memory_space<vmem_shared>>
      tpu.enqueue_indirect_dma source(%dma_start3A_587 : memref<128x64xf32, #tpu.memory_space<vmem>>) target(%dma_start3A_593 : memref<10240x64xf32, #tpu.memory_space<vmem_shared>>) offsets(%dma_start3A_590 : memref<128xi32, #tpu.memory_space<vmem>>) semaphore(%arg16 : memref<!tpu.dma_semaphore, #tpu.memory_space<semaphore_mem>>) {add = true}
      %dma_wait3A_594 = arith.constant 0 : i32
      %dma_wait3A_595 = arith.constant 0 : i32
      %dma_wait3A_596 = arith.constant 0 : i32
      %dma_wait3A_597 = tpu.memref_slice %arg8[%dma_wait3A_594, %dma_wait3A_595, %dma_wait3A_596] : memref<4x128x64xf32, #tpu.memory_space<vmem>> -> memref<1x128x64xf32, #tpu.memory_space<vmem>>
      %dma_wait3A_598 = tpu.memref_squeeze %dma_wait3A_597 : memref<1x128x64xf32, #tpu.memory_space<vmem>> -> memref<128x64xf32, #tpu.memory_space<vmem>>
      %dma_wait3A_599 = arith.constant 0 : i32
      %dma_wait3A_600 = arith.constant 0 : i32
      %dma_wait3A_601 = tpu.memref_slice %arg2[%dma_wait3A_599, %dma_wait3A_600] : memref<20480x64xf32, #tpu.memory_space<hbm>> -> memref<128x64xf32, #tpu.memory_space<hbm>>
      %dma_wait3A_602 = arith.constant 0 : i32
      %dma_wait3A_603 = arith.constant 0 : i32
      %dma_wait3A_604 = tpu.memref_slice %arg8[%dma_wait3A_594, %dma_wait3A_602, %dma_wait3A_603] : memref<4x128x64xf32, #tpu.memory_space<vmem>> -> memref<1x128x64xf32, #tpu.memory_space<vmem>>
      %dma_wait3A_605 = tpu.memref_squeeze %dma_wait3A_604 : memref<1x128x64xf32, #tpu.memory_space<vmem>> -> memref<128x64xf32, #tpu.memory_space<vmem>>
      %dma_wait3A_606 = arith.constant 0 : i32
      %dma_wait3A_607 = arith.constant 0 : i32
      %dma_wait3A_608 = tpu.memref_slice %arg2[%dma_wait3A_606, %dma_wait3A_607] : memref<20480x64xf32, #tpu.memory_space<hbm>> -> memref<128x64xf32, #tpu.memory_space<hbm>>
      tpu.wait_dma2 semaphore(%arg14 : memref<!tpu.dma_semaphore, #tpu.memory_space<semaphore_mem>>) src(%dma_wait3A_608 : memref<128x64xf32, #tpu.memory_space<hbm>>) dst(%dma_wait3A_605 : memref<128x64xf32, #tpu.memory_space<vmem>>)
      %add3A_609 = arith.constant 2 : i32
      %add3A_610 = arith.addi %mul3A_449, %add3A_609 : i32
      %add3A_611 = arith.constant 2 : i32
      %add3A_612 = arith.addi %add3A_610, %add3A_611 : i32
      %mul3A_613 = arith.constant 128 : i32
      %mul3A_614 = arith.muli %add3A_612, %mul3A_613 : i32
      %dma_start3A_615 = arith.constant 0 : i32
      %dma_start3A_616 = arith.constant 0 : i32
      %dma_start3A_617 = arith.constant 0 : i32
      %dma_start3A_618 = tpu.memref_slice %arg8[%dma_start3A_615, %dma_start3A_616, %dma_start3A_617] : memref<4x128x64xf32, #tpu.memory_space<vmem>> -> memref<1x128x64xf32, #tpu.memory_space<vmem>>
      %dma_start3A_619 = tpu.memref_squeeze %dma_start3A_618 : memref<1x128x64xf32, #tpu.memory_space<vmem>> -> memref<128x64xf32, #tpu.memory_space<vmem>>
      %dma_start3A_620 = tpu.memref_slice %arg6[%mul3A_614] : memref<20480xi32, #tpu.memory_space<vmem>> -> memref<128xi32, #tpu.memory_space<vmem>>
      %dma_start3A_621 = arith.constant 0 : i32
      %dma_start3A_622 = arith.constant 0 : i32
      %dma_start3A_623 = tpu.memref_slice %arg2[%dma_start3A_621, %dma_start3A_622] : memref<20480x64xf32, #tpu.memory_space<hbm>> -> memref<20480x64xf32, #tpu.memory_space<hbm>>
      tpu.enqueue_indirect_dma source(%dma_start3A_623 : memref<20480x64xf32, #tpu.memory_space<hbm>>) target(%dma_start3A_619 : memref<128x64xf32, #tpu.memory_space<vmem>>) offsets(%dma_start3A_620 : memref<128xi32, #tpu.memory_space<vmem>>) semaphore(%arg10 : memref<!tpu.dma_semaphore, #tpu.memory_space<semaphore_mem>>)
      %dma_wait3A_624 = arith.constant 3 : i32
      %dma_wait3A_625 = arith.constant 0 : i32
      %dma_wait3A_626 = arith.constant 0 : i32
      %dma_wait3A_627 = tpu.memref_slice %arg8[%dma_wait3A_624, %dma_wait3A_625, %dma_wait3A_626] : memref<4x128x64xf32, #tpu.memory_space<vmem>> -> memref<1x128x64xf32, #tpu.memory_space<vmem>>
      %dma_wait3A_628 = tpu.memref_squeeze %dma_wait3A_627 : memref<1x128x64xf32, #tpu.memory_space<vmem>> -> memref<128x64xf32, #tpu.memory_space<vmem>>
      %dma_wait3A_629 = arith.constant 0 : i32
      %dma_wait3A_630 = arith.constant 0 : i32
      %dma_wait3A_631 = tpu.memref_slice %arg2[%dma_wait3A_629, %dma_wait3A_630] : memref<20480x64xf32, #tpu.memory_space<hbm>> -> memref<128x64xf32, #tpu.memory_space<hbm>>
      %dma_wait3A_632 = arith.constant 0 : i32
      %dma_wait3A_633 = arith.constant 0 : i32
      %dma_wait3A_634 = tpu.memref_slice %arg8[%dma_wait3A_624, %dma_wait3A_632, %dma_wait3A_633] : memref<4x128x64xf32, #tpu.memory_space<vmem>> -> memref<1x128x64xf32, #tpu.memory_space<vmem>>
      %dma_wait3A_635 = tpu.memref_squeeze %dma_wait3A_634 : memref<1x128x64xf32, #tpu.memory_space<vmem>> -> memref<128x64xf32, #tpu.memory_space<vmem>>
      %dma_wait3A_636 = arith.constant 0 : i32
      %dma_wait3A_637 = arith.constant 0 : i32
      %dma_wait3A_638 = tpu.memref_slice %arg2[%dma_wait3A_636, %dma_wait3A_637] : memref<20480x64xf32, #tpu.memory_space<hbm>> -> memref<128x64xf32, #tpu.memory_space<hbm>>
      tpu.wait_dma2 semaphore(%arg13 : memref<!tpu.dma_semaphore, #tpu.memory_space<semaphore_mem>>) src(%dma_wait3A_638 : memref<128x64xf32, #tpu.memory_space<hbm>>) dst(%dma_wait3A_635 : memref<128x64xf32, #tpu.memory_space<vmem>>)
      %add3A_639 = arith.constant 3 : i32
      %add3A_640 = arith.addi %mul3A_449, %add3A_639 : i32
      %dma_start3A_641 = arith.constant 3 : i32
      %dma_start3A_642 = arith.constant 0 : i32
      %dma_start3A_643 = arith.constant 0 : i32
      %dma_start3A_644 = tpu.memref_slice %arg8[%dma_start3A_641, %dma_start3A_642, %dma_start3A_643] : memref<4x128x64xf32, #tpu.memory_space<vmem>> -> memref<1x128x64xf32, #tpu.memory_space<vmem>>
      %dma_start3A_645 = tpu.memref_squeeze %dma_start3A_644 : memref<1x128x64xf32, #tpu.memory_space<vmem>> -> memref<128x64xf32, #tpu.memory_space<vmem>>
      %dma_start3A_646 = arith.constant 0 : i32
      %dma_start3A_647 = tpu.memref_slice %arg7[%add3A_640, %dma_start3A_646] : memref<160x128xi32, #tpu.memory_space<vmem>> -> memref<1x128xi32, #tpu.memory_space<vmem>>
      %dma_start3A_648 = tpu.memref_squeeze %dma_start3A_647 : memref<1x128xi32, #tpu.memory_space<vmem>> -> memref<128xi32, #tpu.memory_space<vmem>>
      %dma_start3A_649 = arith.constant 0 : i32
      %dma_start3A_650 = arith.constant 0 : i32
      %dma_start3A_651 = tpu.memref_slice %arg9[%dma_start3A_649, %dma_start3A_650] : memref<10240x64xf32, #tpu.memory_space<vmem_shared>> -> memref<10240x64xf32, #tpu.memory_space<vmem_shared>>
      tpu.enqueue_indirect_dma source(%dma_start3A_645 : memref<128x64xf32, #tpu.memory_space<vmem>>) target(%dma_start3A_651 : memref<10240x64xf32, #tpu.memory_space<vmem_shared>>) offsets(%dma_start3A_648 : memref<128xi32, #tpu.memory_space<vmem>>) semaphore(%arg17 : memref<!tpu.dma_semaphore, #tpu.memory_space<semaphore_mem>>) {add = true}
      %dma_wait3A_652 = arith.constant 1 : i32
      %dma_wait3A_653 = arith.constant 0 : i32
      %dma_wait3A_654 = arith.constant 0 : i32
      %dma_wait3A_655 = tpu.memref_slice %arg8[%dma_wait3A_652, %dma_wait3A_653, %dma_wait3A_654] : memref<4x128x64xf32, #tpu.memory_space<vmem>> -> memref<1x128x64xf32, #tpu.memory_space<vmem>>
      %dma_wait3A_656 = tpu.memref_squeeze %dma_wait3A_655 : memref<1x128x64xf32, #tpu.memory_space<vmem>> -> memref<128x64xf32, #tpu.memory_space<vmem>>
      %dma_wait3A_657 = arith.constant 0 : i32
      %dma_wait3A_658 = arith.constant 0 : i32
      %dma_wait3A_659 = tpu.memref_slice %arg2[%dma_wait3A_657, %dma_wait3A_658] : memref<20480x64xf32, #tpu.memory_space<hbm>> -> memref<128x64xf32, #tpu.memory_space<hbm>>
      %dma_wait3A_660 = arith.constant 0 : i32
      %dma_wait3A_661 = arith.constant 0 : i32
      %dma_wait3A_662 = tpu.memref_slice %arg8[%dma_wait3A_652, %dma_wait3A_660, %dma_wait3A_661] : memref<4x128x64xf32, #tpu.memory_space<vmem>> -> memref<1x128x64xf32, #tpu.memory_space<vmem>>
      %dma_wait3A_663 = tpu.memref_squeeze %dma_wait3A_662 : memref<1x128x64xf32, #tpu.memory_space<vmem>> -> memref<128x64xf32, #tpu.memory_space<vmem>>
      %dma_wait3A_664 = arith.constant 0 : i32
      %dma_wait3A_665 = arith.constant 0 : i32
      %dma_wait3A_666 = tpu.memref_slice %arg2[%dma_wait3A_664, %dma_wait3A_665] : memref<20480x64xf32, #tpu.memory_space<hbm>> -> memref<128x64xf32, #tpu.memory_space<hbm>>
      tpu.wait_dma2 semaphore(%arg15 : memref<!tpu.dma_semaphore, #tpu.memory_space<semaphore_mem>>) src(%dma_wait3A_666 : memref<128x64xf32, #tpu.memory_space<hbm>>) dst(%dma_wait3A_663 : memref<128x64xf32, #tpu.memory_space<vmem>>)
      %add3A_667 = arith.constant 3 : i32
      %add3A_668 = arith.addi %mul3A_449, %add3A_667 : i32
      %add3A_669 = arith.constant 2 : i32
      %add3A_670 = arith.addi %add3A_668, %add3A_669 : i32
      %mul3A_671 = arith.constant 128 : i32
      %mul3A_672 = arith.muli %add3A_670, %mul3A_671 : i32
      %dma_start3A_673 = arith.constant 1 : i32
      %dma_start3A_674 = arith.constant 0 : i32
      %dma_start3A_675 = arith.constant 0 : i32
      %dma_start3A_676 = tpu.memref_slice %arg8[%dma_start3A_673, %dma_start3A_674, %dma_start3A_675] : memref<4x128x64xf32, #tpu.memory_space<vmem>> -> memref<1x128x64xf32, #tpu.memory_space<vmem>>
      %dma_start3A_677 = tpu.memref_squeeze %dma_start3A_676 : memref<1x128x64xf32, #tpu.memory_space<vmem>> -> memref<128x64xf32, #tpu.memory_space<vmem>>
      %dma_start3A_678 = tpu.memref_slice %arg6[%mul3A_672] : memref<20480xi32, #tpu.memory_space<vmem>> -> memref<128xi32, #tpu.memory_space<vmem>>
      %dma_start3A_679 = arith.constant 0 : i32
      %dma_start3A_680 = arith.constant 0 : i32
      %dma_start3A_681 = tpu.memref_slice %arg2[%dma_start3A_679, %dma_start3A_680] : memref<20480x64xf32, #tpu.memory_space<hbm>> -> memref<20480x64xf32, #tpu.memory_space<hbm>>
      tpu.enqueue_indirect_dma source(%dma_start3A_681 : memref<20480x64xf32, #tpu.memory_space<hbm>>) target(%dma_start3A_677 : memref<128x64xf32, #tpu.memory_space<vmem>>) offsets(%dma_start3A_678 : memref<128xi32, #tpu.memory_space<vmem>>) semaphore(%arg11 : memref<!tpu.dma_semaphore, #tpu.memory_space<semaphore_mem>>)
    }
    %scan3A_227 = arith.constant 38 : i32
    %dma_wait3A_228 = arith.constant 0 : i32
    %dma_wait3A_229 = arith.constant 0 : i32
    %dma_wait3A_230 = arith.constant 0 : i32
    %dma_wait3A_231 = tpu.memref_slice %arg8[%dma_wait3A_228, %dma_wait3A_229, %dma_wait3A_230] : memref<4x128x64xf32, #tpu.memory_space<vmem>> -> memref<1x128x64xf32, #tpu.memory_space<vmem>>
    %dma_wait3A_232 = tpu.memref_squeeze %dma_wait3A_231 : memref<1x128x64xf32, #tpu.memory_space<vmem>> -> memref<128x64xf32, #tpu.memory_space<vmem>>
    %dma_wait3A_233 = arith.constant 0 : i32
    %dma_wait3A_234 = arith.constant 0 : i32
    %dma_wait3A_235 = tpu.memref_slice %arg2[%dma_wait3A_233, %dma_wait3A_234] : memref<20480x64xf32, #tpu.memory_space<hbm>> -> memref<128x64xf32, #tpu.memory_space<hbm>>
    %dma_wait3A_236 = arith.constant 0 : i32
    %dma_wait3A_237 = arith.constant 0 : i32
    %dma_wait3A_238 = tpu.memref_slice %arg8[%dma_wait3A_228, %dma_wait3A_236, %dma_wait3A_237] : memref<4x128x64xf32, #tpu.memory_space<vmem>> -> memref<1x128x64xf32, #tpu.memory_space<vmem>>
    %dma_wait3A_239 = tpu.memref_squeeze %dma_wait3A_238 : memref<1x128x64xf32, #tpu.memory_space<vmem>> -> memref<128x64xf32, #tpu.memory_space<vmem>>
    %dma_wait3A_240 = arith.constant 0 : i32
    %dma_wait3A_241 = arith.constant 0 : i32
    %dma_wait3A_242 = tpu.memref_slice %arg2[%dma_wait3A_240, %dma_wait3A_241] : memref<20480x64xf32, #tpu.memory_space<hbm>> -> memref<128x64xf32, #tpu.memory_space<hbm>>
    tpu.wait_dma2 semaphore(%arg10 : memref<!tpu.dma_semaphore, #tpu.memory_space<semaphore_mem>>) src(%dma_wait3A_242 : memref<128x64xf32, #tpu.memory_space<hbm>>) dst(%dma_wait3A_239 : memref<128x64xf32, #tpu.memory_space<vmem>>)
    %dma_start3A_243 = arith.constant 0 : i32
    %dma_start3A_244 = arith.constant 156 : i32
    %dma_start3A_245 = arith.constant 0 : i32
    %dma_start3A_246 = arith.constant 0 : i32
    %dma_start3A_247 = tpu.memref_slice %arg8[%dma_start3A_243, %dma_start3A_245, %dma_start3A_246] : memref<4x128x64xf32, #tpu.memory_space<vmem>> -> memref<1x128x64xf32, #tpu.memory_space<vmem>>
    %dma_start3A_248 = tpu.memref_squeeze %dma_start3A_247 : memref<1x128x64xf32, #tpu.memory_space<vmem>> -> memref<128x64xf32, #tpu.memory_space<vmem>>
    %dma_start3A_249 = arith.constant 0 : i32
    %dma_start3A_250 = tpu.memref_slice %arg7[%dma_start3A_244, %dma_start3A_249] : memref<160x128xi32, #tpu.memory_space<vmem>> -> memref<1x128xi32, #tpu.memory_space<vmem>>
    %dma_start3A_251 = tpu.memref_squeeze %dma_start3A_250 : memref<1x128xi32, #tpu.memory_space<vmem>> -> memref<128xi32, #tpu.memory_space<vmem>>
    %dma_start3A_252 = arith.constant 0 : i32
    %dma_start3A_253 = arith.constant 0 : i32
    %dma_start3A_254 = tpu.memref_slice %arg9[%dma_start3A_252, %dma_start3A_253] : memref<10240x64xf32, #tpu.memory_space<vmem_shared>> -> memref<10240x64xf32, #tpu.memory_space<vmem_shared>>
    tpu.enqueue_indirect_dma source(%dma_start3A_248 : memref<128x64xf32, #tpu.memory_space<vmem>>) target(%dma_start3A_254 : memref<10240x64xf32, #tpu.memory_space<vmem_shared>>) offsets(%dma_start3A_251 : memref<128xi32, #tpu.memory_space<vmem>>) semaphore(%arg14 : memref<!tpu.dma_semaphore, #tpu.memory_space<semaphore_mem>>) {add = true}
    %dma_wait3A_255 = arith.constant 2 : i32
    %dma_wait3A_256 = arith.constant 0 : i32
    %dma_wait3A_257 = arith.constant 0 : i32
    %dma_wait3A_258 = tpu.memref_slice %arg8[%dma_wait3A_255, %dma_wait3A_256, %dma_wait3A_257] : memref<4x128x64xf32, #tpu.memory_space<vmem>> -> memref<1x128x64xf32, #tpu.memory_space<vmem>>
    %dma_wait3A_259 = tpu.memref_squeeze %dma_wait3A_258 : memref<1x128x64xf32, #tpu.memory_space<vmem>> -> memref<128x64xf32, #tpu.memory_space<vmem>>
    %dma_wait3A_260 = arith.constant 0 : i32
    %dma_wait3A_261 = arith.constant 0 : i32
    %dma_wait3A_262 = tpu.memref_slice %arg2[%dma_wait3A_260, %dma_wait3A_261] : memref<20480x64xf32, #tpu.memory_space<hbm>> -> memref<128x64xf32, #tpu.memory_space<hbm>>
    %dma_wait3A_263 = arith.constant 0 : i32
    %dma_wait3A_264 = arith.constant 0 : i32
    %dma_wait3A_265 = tpu.memref_slice %arg8[%dma_wait3A_255, %dma_wait3A_263, %dma_wait3A_264] : memref<4x128x64xf32, #tpu.memory_space<vmem>> -> memref<1x128x64xf32, #tpu.memory_space<vmem>>
    %dma_wait3A_266 = tpu.memref_squeeze %dma_wait3A_265 : memref<1x128x64xf32, #tpu.memory_space<vmem>> -> memref<128x64xf32, #tpu.memory_space<vmem>>
    %dma_wait3A_267 = arith.constant 0 : i32
    %dma_wait3A_268 = arith.constant 0 : i32
    %dma_wait3A_269 = tpu.memref_slice %arg2[%dma_wait3A_267, %dma_wait3A_268] : memref<20480x64xf32, #tpu.memory_space<hbm>> -> memref<128x64xf32, #tpu.memory_space<hbm>>
    tpu.wait_dma2 semaphore(%arg16 : memref<!tpu.dma_semaphore, #tpu.memory_space<semaphore_mem>>) src(%dma_wait3A_269 : memref<128x64xf32, #tpu.memory_space<hbm>>) dst(%dma_wait3A_266 : memref<128x64xf32, #tpu.memory_space<vmem>>)
    %dma_start3A_270 = arith.constant 2 : i32
    %dma_start3A_271 = arith.constant 0 : i32
    %dma_start3A_272 = arith.constant 0 : i32
    %dma_start3A_273 = tpu.memref_slice %arg8[%dma_start3A_270, %dma_start3A_271, %dma_start3A_272] : memref<4x128x64xf32, #tpu.memory_space<vmem>> -> memref<1x128x64xf32, #tpu.memory_space<vmem>>
    %dma_start3A_274 = tpu.memref_squeeze %dma_start3A_273 : memref<1x128x64xf32, #tpu.memory_space<vmem>> -> memref<128x64xf32, #tpu.memory_space<vmem>>
    %dma_start3A_275 = arith.constant 20224 : i32
    %dma_start3A_276 = tpu.memref_slice %arg6[%dma_start3A_275] : memref<20480xi32, #tpu.memory_space<vmem>> -> memref<128xi32, #tpu.memory_space<vmem>>
    %dma_start3A_277 = arith.constant 0 : i32
    %dma_start3A_278 = arith.constant 0 : i32
    %dma_start3A_279 = tpu.memref_slice %arg2[%dma_start3A_277, %dma_start3A_278] : memref<20480x64xf32, #tpu.memory_space<hbm>> -> memref<20480x64xf32, #tpu.memory_space<hbm>>
    tpu.enqueue_indirect_dma source(%dma_start3A_279 : memref<20480x64xf32, #tpu.memory_space<hbm>>) target(%dma_start3A_274 : memref<128x64xf32, #tpu.memory_space<vmem>>) offsets(%dma_start3A_276 : memref<128xi32, #tpu.memory_space<vmem>>) semaphore(%arg12 : memref<!tpu.dma_semaphore, #tpu.memory_space<semaphore_mem>>)
    %dma_wait3A_280 = arith.constant 1 : i32
    %dma_wait3A_281 = arith.constant 0 : i32
    %dma_wait3A_282 = arith.constant 0 : i32
    %dma_wait3A_283 = tpu.memref_slice %arg8[%dma_wait3A_280, %dma_wait3A_281, %dma_wait3A_282] : memref<4x128x64xf32, #tpu.memory_space<vmem>> -> memref<1x128x64xf32, #tpu.memory_space<vmem>>
    %dma_wait3A_284 = tpu.memref_squeeze %dma_wait3A_283 : memref<1x128x64xf32, #tpu.memory_space<vmem>> -> memref<128x64xf32, #tpu.memory_space<vmem>>
    %dma_wait3A_285 = arith.constant 0 : i32
    %dma_wait3A_286 = arith.constant 0 : i32
    %dma_wait3A_287 = tpu.memref_slice %arg2[%dma_wait3A_285, %dma_wait3A_286] : memref<20480x64xf32, #tpu.memory_space<hbm>> -> memref<128x64xf32, #tpu.memory_space<hbm>>
    %dma_wait3A_288 = arith.constant 0 : i32
    %dma_wait3A_289 = arith.constant 0 : i32
    %dma_wait3A_290 = tpu.memref_slice %arg8[%dma_wait3A_280, %dma_wait3A_288, %dma_wait3A_289] : memref<4x128x64xf32, #tpu.memory_space<vmem>> -> memref<1x128x64xf32, #tpu.memory_space<vmem>>
    %dma_wait3A_291 = tpu.memref_squeeze %dma_wait3A_290 : memref<1x128x64xf32, #tpu.memory_space<vmem>> -> memref<128x64xf32, #tpu.memory_space<vmem>>
    %dma_wait3A_292 = arith.constant 0 : i32
    %dma_wait3A_293 = arith.constant 0 : i32
    %dma_wait3A_294 = tpu.memref_slice %arg2[%dma_wait3A_292, %dma_wait3A_293] : memref<20480x64xf32, #tpu.memory_space<hbm>> -> memref<128x64xf32, #tpu.memory_space<hbm>>
    tpu.wait_dma2 semaphore(%arg11 : memref<!tpu.dma_semaphore, #tpu.memory_space<semaphore_mem>>) src(%dma_wait3A_294 : memref<128x64xf32, #tpu.memory_space<hbm>>) dst(%dma_wait3A_291 : memref<128x64xf32, #tpu.memory_space<vmem>>)
    %dma_start3A_295 = arith.constant 1 : i32
    %dma_start3A_296 = arith.constant 157 : i32
    %dma_start3A_297 = arith.constant 0 : i32
    %dma_start3A_298 = arith.constant 0 : i32
    %dma_start3A_299 = tpu.memref_slice %arg8[%dma_start3A_295, %dma_start3A_297, %dma_start3A_298] : memref<4x128x64xf32, #tpu.memory_space<vmem>> -> memref<1x128x64xf32, #tpu.memory_space<vmem>>
    %dma_start3A_300 = tpu.memref_squeeze %dma_start3A_299 : memref<1x128x64xf32, #tpu.memory_space<vmem>> -> memref<128x64xf32, #tpu.memory_space<vmem>>
    %dma_start3A_301 = arith.constant 0 : i32
    %dma_start3A_302 = tpu.memref_slice %arg7[%dma_start3A_296, %dma_start3A_301] : memref<160x128xi32, #tpu.memory_space<vmem>> -> memref<1x128xi32, #tpu.memory_space<vmem>>
    %dma_start3A_303 = tpu.memref_squeeze %dma_start3A_302 : memref<1x128xi32, #tpu.memory_space<vmem>> -> memref<128xi32, #tpu.memory_space<vmem>>
    %dma_start3A_304 = arith.constant 0 : i32
    %dma_start3A_305 = arith.constant 0 : i32
    %dma_start3A_306 = tpu.memref_slice %arg9[%dma_start3A_304, %dma_start3A_305] : memref<10240x64xf32, #tpu.memory_space<vmem_shared>> -> memref<10240x64xf32, #tpu.memory_space<vmem_shared>>
    tpu.enqueue_indirect_dma source(%dma_start3A_300 : memref<128x64xf32, #tpu.memory_space<vmem>>) target(%dma_start3A_306 : memref<10240x64xf32, #tpu.memory_space<vmem_shared>>) offsets(%dma_start3A_303 : memref<128xi32, #tpu.memory_space<vmem>>) semaphore(%arg15 : memref<!tpu.dma_semaphore, #tpu.memory_space<semaphore_mem>>) {add = true}
    %dma_wait3A_307 = arith.constant 3 : i32
    %dma_wait3A_308 = arith.constant 0 : i32
    %dma_wait3A_309 = arith.constant 0 : i32
    %dma_wait3A_310 = tpu.memref_slice %arg8[%dma_wait3A_307, %dma_wait3A_308, %dma_wait3A_309] : memref<4x128x64xf32, #tpu.memory_space<vmem>> -> memref<1x128x64xf32, #tpu.memory_space<vmem>>
    %dma_wait3A_311 = tpu.memref_squeeze %dma_wait3A_310 : memref<1x128x64xf32, #tpu.memory_space<vmem>> -> memref<128x64xf32, #tpu.memory_space<vmem>>
    %dma_wait3A_312 = arith.constant 0 : i32
    %dma_wait3A_313 = arith.constant 0 : i32
    %dma_wait3A_314 = tpu.memref_slice %arg2[%dma_wait3A_312, %dma_wait3A_313] : memref<20480x64xf32, #tpu.memory_space<hbm>> -> memref<128x64xf32, #tpu.memory_space<hbm>>
    %dma_wait3A_315 = arith.constant 0 : i32
    %dma_wait3A_316 = arith.constant 0 : i32
    %dma_wait3A_317 = tpu.memref_slice %arg8[%dma_wait3A_307, %dma_wait3A_315, %dma_wait3A_316] : memref<4x128x64xf32, #tpu.memory_space<vmem>> -> memref<1x128x64xf32, #tpu.memory_space<vmem>>
    %dma_wait3A_318 = tpu.memref_squeeze %dma_wait3A_317 : memref<1x128x64xf32, #tpu.memory_space<vmem>> -> memref<128x64xf32, #tpu.memory_space<vmem>>
    %dma_wait3A_319 = arith.constant 0 : i32
    %dma_wait3A_320 = arith.constant 0 : i32
    %dma_wait3A_321 = tpu.memref_slice %arg2[%dma_wait3A_319, %dma_wait3A_320] : memref<20480x64xf32, #tpu.memory_space<hbm>> -> memref<128x64xf32, #tpu.memory_space<hbm>>
    tpu.wait_dma2 semaphore(%arg17 : memref<!tpu.dma_semaphore, #tpu.memory_space<semaphore_mem>>) src(%dma_wait3A_321 : memref<128x64xf32, #tpu.memory_space<hbm>>) dst(%dma_wait3A_318 : memref<128x64xf32, #tpu.memory_space<vmem>>)
    %dma_start3A_322 = arith.constant 3 : i32
    %dma_start3A_323 = arith.constant 0 : i32
    %dma_start3A_324 = arith.constant 0 : i32
    %dma_start3A_325 = tpu.memref_slice %arg8[%dma_start3A_322, %dma_start3A_323, %dma_start3A_324] : memref<4x128x64xf32, #tpu.memory_space<vmem>> -> memref<1x128x64xf32, #tpu.memory_space<vmem>>
    %dma_start3A_326 = tpu.memref_squeeze %dma_start3A_325 : memref<1x128x64xf32, #tpu.memory_space<vmem>> -> memref<128x64xf32, #tpu.memory_space<vmem>>
    %dma_start3A_327 = arith.constant 20352 : i32
    %dma_start3A_328 = tpu.memref_slice %arg6[%dma_start3A_327] : memref<20480xi32, #tpu.memory_space<vmem>> -> memref<128xi32, #tpu.memory_space<vmem>>
    %dma_start3A_329 = arith.constant 0 : i32
    %dma_start3A_330 = arith.constant 0 : i32
    %dma_start3A_331 = tpu.memref_slice %arg2[%dma_start3A_329, %dma_start3A_330] : memref<20480x64xf32, #tpu.memory_space<hbm>> -> memref<20480x64xf32, #tpu.memory_space<hbm>>
    tpu.enqueue_indirect_dma source(%dma_start3A_331 : memref<20480x64xf32, #tpu.memory_space<hbm>>) target(%dma_start3A_326 : memref<128x64xf32, #tpu.memory_space<vmem>>) offsets(%dma_start3A_328 : memref<128xi32, #tpu.memory_space<vmem>>) semaphore(%arg13 : memref<!tpu.dma_semaphore, #tpu.memory_space<semaphore_mem>>)
    %dma_wait3A_332 = arith.constant 2 : i32
    %dma_wait3A_333 = arith.constant 0 : i32
    %dma_wait3A_334 = arith.constant 0 : i32
    %dma_wait3A_335 = tpu.memref_slice %arg8[%dma_wait3A_332, %dma_wait3A_333, %dma_wait3A_334] : memref<4x128x64xf32, #tpu.memory_space<vmem>> -> memref<1x128x64xf32, #tpu.memory_space<vmem>>
    %dma_wait3A_336 = tpu.memref_squeeze %dma_wait3A_335 : memref<1x128x64xf32, #tpu.memory_space<vmem>> -> memref<128x64xf32, #tpu.memory_space<vmem>>
    %dma_wait3A_337 = arith.constant 0 : i32
    %dma_wait3A_338 = arith.constant 0 : i32
    %dma_wait3A_339 = tpu.memref_slice %arg2[%dma_wait3A_337, %dma_wait3A_338] : memref<20480x64xf32, #tpu.memory_space<hbm>> -> memref<128x64xf32, #tpu.memory_space<hbm>>
    %dma_wait3A_340 = arith.constant 0 : i32
    %dma_wait3A_341 = arith.constant 0 : i32
    %dma_wait3A_342 = tpu.memref_slice %arg8[%dma_wait3A_332, %dma_wait3A_340, %dma_wait3A_341] : memref<4x128x64xf32, #tpu.memory_space<vmem>> -> memref<1x128x64xf32, #tpu.memory_space<vmem>>
    %dma_wait3A_343 = tpu.memref_squeeze %dma_wait3A_342 : memref<1x128x64xf32, #tpu.memory_space<vmem>> -> memref<128x64xf32, #tpu.memory_space<vmem>>
    %dma_wait3A_344 = arith.constant 0 : i32
    %dma_wait3A_345 = arith.constant 0 : i32
    %dma_wait3A_346 = tpu.memref_slice %arg2[%dma_wait3A_344, %dma_wait3A_345] : memref<20480x64xf32, #tpu.memory_space<hbm>> -> memref<128x64xf32, #tpu.memory_space<hbm>>
    tpu.wait_dma2 semaphore(%arg12 : memref<!tpu.dma_semaphore, #tpu.memory_space<semaphore_mem>>) src(%dma_wait3A_346 : memref<128x64xf32, #tpu.memory_space<hbm>>) dst(%dma_wait3A_343 : memref<128x64xf32, #tpu.memory_space<vmem>>)
    %dma_start3A_347 = arith.constant 2 : i32
    %dma_start3A_348 = arith.constant 158 : i32
    %dma_start3A_349 = arith.constant 0 : i32
    %dma_start3A_350 = arith.constant 0 : i32
    %dma_start3A_351 = tpu.memref_slice %arg8[%dma_start3A_347, %dma_start3A_349, %dma_start3A_350] : memref<4x128x64xf32, #tpu.memory_space<vmem>> -> memref<1x128x64xf32, #tpu.memory_space<vmem>>
    %dma_start3A_352 = tpu.memref_squeeze %dma_start3A_351 : memref<1x128x64xf32, #tpu.memory_space<vmem>> -> memref<128x64xf32, #tpu.memory_space<vmem>>
    %dma_start3A_353 = arith.constant 0 : i32
    %dma_start3A_354 = tpu.memref_slice %arg7[%dma_start3A_348, %dma_start3A_353] : memref<160x128xi32, #tpu.memory_space<vmem>> -> memref<1x128xi32, #tpu.memory_space<vmem>>
    %dma_start3A_355 = tpu.memref_squeeze %dma_start3A_354 : memref<1x128xi32, #tpu.memory_space<vmem>> -> memref<128xi32, #tpu.memory_space<vmem>>
    %dma_start3A_356 = arith.constant 0 : i32
    %dma_start3A_357 = arith.constant 0 : i32
    %dma_start3A_358 = tpu.memref_slice %arg9[%dma_start3A_356, %dma_start3A_357] : memref<10240x64xf32, #tpu.memory_space<vmem_shared>> -> memref<10240x64xf32, #tpu.memory_space<vmem_shared>>
    tpu.enqueue_indirect_dma source(%dma_start3A_352 : memref<128x64xf32, #tpu.memory_space<vmem>>) target(%dma_start3A_358 : memref<10240x64xf32, #tpu.memory_space<vmem_shared>>) offsets(%dma_start3A_355 : memref<128xi32, #tpu.memory_space<vmem>>) semaphore(%arg16 : memref<!tpu.dma_semaphore, #tpu.memory_space<semaphore_mem>>) {add = true}
    %dma_wait3A_359 = arith.constant 0 : i32
    %dma_wait3A_360 = arith.constant 0 : i32
    %dma_wait3A_361 = arith.constant 0 : i32
    %dma_wait3A_362 = tpu.memref_slice %arg8[%dma_wait3A_359, %dma_wait3A_360, %dma_wait3A_361] : memref<4x128x64xf32, #tpu.memory_space<vmem>> -> memref<1x128x64xf32, #tpu.memory_space<vmem>>
    %dma_wait3A_363 = tpu.memref_squeeze %dma_wait3A_362 : memref<1x128x64xf32, #tpu.memory_space<vmem>> -> memref<128x64xf32, #tpu.memory_space<vmem>>
    %dma_wait3A_364 = arith.constant 0 : i32
    %dma_wait3A_365 = arith.constant 0 : i32
    %dma_wait3A_366 = tpu.memref_slice %arg2[%dma_wait3A_364, %dma_wait3A_365] : memref<20480x64xf32, #tpu.memory_space<hbm>> -> memref<128x64xf32, #tpu.memory_space<hbm>>
    %dma_wait3A_367 = arith.constant 0 : i32
    %dma_wait3A_368 = arith.constant 0 : i32
    %dma_wait3A_369 = tpu.memref_slice %arg8[%dma_wait3A_359, %dma_wait3A_367, %dma_wait3A_368] : memref<4x128x64xf32, #tpu.memory_space<vmem>> -> memref<1x128x64xf32, #tpu.memory_space<vmem>>
    %dma_wait3A_370 = tpu.memref_squeeze %dma_wait3A_369 : memref<1x128x64xf32, #tpu.memory_space<vmem>> -> memref<128x64xf32, #tpu.memory_space<vmem>>
    %dma_wait3A_371 = arith.constant 0 : i32
    %dma_wait3A_372 = arith.constant 0 : i32
    %dma_wait3A_373 = tpu.memref_slice %arg2[%dma_wait3A_371, %dma_wait3A_372] : memref<20480x64xf32, #tpu.memory_space<hbm>> -> memref<128x64xf32, #tpu.memory_space<hbm>>
    tpu.wait_dma2 semaphore(%arg14 : memref<!tpu.dma_semaphore, #tpu.memory_space<semaphore_mem>>) src(%dma_wait3A_373 : memref<128x64xf32, #tpu.memory_space<hbm>>) dst(%dma_wait3A_370 : memref<128x64xf32, #tpu.memory_space<vmem>>)
    %dma_wait3A_374 = arith.constant 3 : i32
    %dma_wait3A_375 = arith.constant 0 : i32
    %dma_wait3A_376 = arith.constant 0 : i32
    %dma_wait3A_377 = tpu.memref_slice %arg8[%dma_wait3A_374, %dma_wait3A_375, %dma_wait3A_376] : memref<4x128x64xf32, #tpu.memory_space<vmem>> -> memref<1x128x64xf32, #tpu.memory_space<vmem>>
    %dma_wait3A_378 = tpu.memref_squeeze %dma_wait3A_377 : memref<1x128x64xf32, #tpu.memory_space<vmem>> -> memref<128x64xf32, #tpu.memory_space<vmem>>
    %dma_wait3A_379 = arith.constant 0 : i32
    %dma_wait3A_380 = arith.constant 0 : i32
    %dma_wait3A_381 = tpu.memref_slice %arg2[%dma_wait3A_379, %dma_wait3A_380] : memref<20480x64xf32, #tpu.memory_space<hbm>> -> memref<128x64xf32, #tpu.memory_space<hbm>>
    %dma_wait3A_382 = arith.constant 0 : i32
    %dma_wait3A_383 = arith.constant 0 : i32
    %dma_wait3A_384 = tpu.memref_slice %arg8[%dma_wait3A_374, %dma_wait3A_382, %dma_wait3A_383] : memref<4x128x64xf32, #tpu.memory_space<vmem>> -> memref<1x128x64xf32, #tpu.memory_space<vmem>>
    %dma_wait3A_385 = tpu.memref_squeeze %dma_wait3A_384 : memref<1x128x64xf32, #tpu.memory_space<vmem>> -> memref<128x64xf32, #tpu.memory_space<vmem>>
    %dma_wait3A_386 = arith.constant 0 : i32
    %dma_wait3A_387 = arith.constant 0 : i32
    %dma_wait3A_388 = tpu.memref_slice %arg2[%dma_wait3A_386, %dma_wait3A_387] : memref<20480x64xf32, #tpu.memory_space<hbm>> -> memref<128x64xf32, #tpu.memory_space<hbm>>
    tpu.wait_dma2 semaphore(%arg13 : memref<!tpu.dma_semaphore, #tpu.memory_space<semaphore_mem>>) src(%dma_wait3A_388 : memref<128x64xf32, #tpu.memory_space<hbm>>) dst(%dma_wait3A_385 : memref<128x64xf32, #tpu.memory_space<vmem>>)
    %dma_start3A_389 = arith.constant 3 : i32
    %dma_start3A_390 = arith.constant 159 : i32
    %dma_start3A_391 = arith.constant 0 : i32
    %dma_start3A_392 = arith.constant 0 : i32
    %dma_start3A_393 = tpu.memref_slice %arg8[%dma_start3A_389, %dma_start3A_391, %dma_start3A_392] : memref<4x128x64xf32, #tpu.memory_space<vmem>> -> memref<1x128x64xf32, #tpu.memory_space<vmem>>
    %dma_start3A_394 = tpu.memref_squeeze %dma_start3A_393 : memref<1x128x64xf32, #tpu.memory_space<vmem>> -> memref<128x64xf32, #tpu.memory_space<vmem>>
    %dma_start3A_395 = arith.constant 0 : i32
    %dma_start3A_396 = tpu.memref_slice %arg7[%dma_start3A_390, %dma_start3A_395] : memref<160x128xi32, #tpu.memory_space<vmem>> -> memref<1x128xi32, #tpu.memory_space<vmem>>
    %dma_start3A_397 = tpu.memref_squeeze %dma_start3A_396 : memref<1x128xi32, #tpu.memory_space<vmem>> -> memref<128xi32, #tpu.memory_space<vmem>>
    %dma_start3A_398 = arith.constant 0 : i32
    %dma_start3A_399 = arith.constant 0 : i32
    %dma_start3A_400 = tpu.memref_slice %arg9[%dma_start3A_398, %dma_start3A_399] : memref<10240x64xf32, #tpu.memory_space<vmem_shared>> -> memref<10240x64xf32, #tpu.memory_space<vmem_shared>>
    tpu.enqueue_indirect_dma source(%dma_start3A_394 : memref<128x64xf32, #tpu.memory_space<vmem>>) target(%dma_start3A_400 : memref<10240x64xf32, #tpu.memory_space<vmem_shared>>) offsets(%dma_start3A_397 : memref<128xi32, #tpu.memory_space<vmem>>) semaphore(%arg17 : memref<!tpu.dma_semaphore, #tpu.memory_space<semaphore_mem>>) {add = true}
    %dma_wait3A_401 = arith.constant 1 : i32
    %dma_wait3A_402 = arith.constant 0 : i32
    %dma_wait3A_403 = arith.constant 0 : i32
    %dma_wait3A_404 = tpu.memref_slice %arg8[%dma_wait3A_401, %dma_wait3A_402, %dma_wait3A_403] : memref<4x128x64xf32, #tpu.memory_space<vmem>> -> memref<1x128x64xf32, #tpu.memory_space<vmem>>
    %dma_wait3A_405 = tpu.memref_squeeze %dma_wait3A_404 : memref<1x128x64xf32, #tpu.memory_space<vmem>> -> memref<128x64xf32, #tpu.memory_space<vmem>>
    %dma_wait3A_406 = arith.constant 0 : i32
    %dma_wait3A_407 = arith.constant 0 : i32
    %dma_wait3A_408 = tpu.memref_slice %arg2[%dma_wait3A_406, %dma_wait3A_407] : memref<20480x64xf32, #tpu.memory_space<hbm>> -> memref<128x64xf32, #tpu.memory_space<hbm>>
    %dma_wait3A_409 = arith.constant 0 : i32
    %dma_wait3A_410 = arith.constant 0 : i32
    %dma_wait3A_411 = tpu.memref_slice %arg8[%dma_wait3A_401, %dma_wait3A_409, %dma_wait3A_410] : memref<4x128x64xf32, #tpu.memory_space<vmem>> -> memref<1x128x64xf32, #tpu.memory_space<vmem>>
    %dma_wait3A_412 = tpu.memref_squeeze %dma_wait3A_411 : memref<1x128x64xf32, #tpu.memory_space<vmem>> -> memref<128x64xf32, #tpu.memory_space<vmem>>
    %dma_wait3A_413 = arith.constant 0 : i32
    %dma_wait3A_414 = arith.constant 0 : i32
    %dma_wait3A_415 = tpu.memref_slice %arg2[%dma_wait3A_413, %dma_wait3A_414] : memref<20480x64xf32, #tpu.memory_space<hbm>> -> memref<128x64xf32, #tpu.memory_space<hbm>>
    tpu.wait_dma2 semaphore(%arg15 : memref<!tpu.dma_semaphore, #tpu.memory_space<semaphore_mem>>) src(%dma_wait3A_415 : memref<128x64xf32, #tpu.memory_space<hbm>>) dst(%dma_wait3A_412 : memref<128x64xf32, #tpu.memory_space<vmem>>)
    %dma_wait3A_416 = arith.constant 2 : i32
    %dma_wait3A_417 = arith.constant 0 : i32
    %dma_wait3A_418 = arith.constant 0 : i32
    %dma_wait3A_419 = tpu.memref_slice %arg8[%dma_wait3A_416, %dma_wait3A_417, %dma_wait3A_418] : memref<4x128x64xf32, #tpu.memory_space<vmem>> -> memref<1x128x64xf32, #tpu.memory_space<vmem>>
    %dma_wait3A_420 = tpu.memref_squeeze %dma_wait3A_419 : memref<1x128x64xf32, #tpu.memory_space<vmem>> -> memref<128x64xf32, #tpu.memory_space<vmem>>
    %dma_wait3A_421 = arith.constant 0 : i32
    %dma_wait3A_422 = arith.constant 0 : i32
    %dma_wait3A_423 = tpu.memref_slice %arg2[%dma_wait3A_421, %dma_wait3A_422] : memref<20480x64xf32, #tpu.memory_space<hbm>> -> memref<128x64xf32, #tpu.memory_space<hbm>>
    %dma_wait3A_424 = arith.constant 0 : i32
    %dma_wait3A_425 = arith.constant 0 : i32
    %dma_wait3A_426 = tpu.memref_slice %arg8[%dma_wait3A_416, %dma_wait3A_424, %dma_wait3A_425] : memref<4x128x64xf32, #tpu.memory_space<vmem>> -> memref<1x128x64xf32, #tpu.memory_space<vmem>>
    %dma_wait3A_427 = tpu.memref_squeeze %dma_wait3A_426 : memref<1x128x64xf32, #tpu.memory_space<vmem>> -> memref<128x64xf32, #tpu.memory_space<vmem>>
    %dma_wait3A_428 = arith.constant 0 : i32
    %dma_wait3A_429 = arith.constant 0 : i32
    %dma_wait3A_430 = tpu.memref_slice %arg2[%dma_wait3A_428, %dma_wait3A_429] : memref<20480x64xf32, #tpu.memory_space<hbm>> -> memref<128x64xf32, #tpu.memory_space<hbm>>
    tpu.wait_dma2 semaphore(%arg16 : memref<!tpu.dma_semaphore, #tpu.memory_space<semaphore_mem>>) src(%dma_wait3A_430 : memref<128x64xf32, #tpu.memory_space<hbm>>) dst(%dma_wait3A_427 : memref<128x64xf32, #tpu.memory_space<vmem>>)
    %dma_wait3A_431 = arith.constant 3 : i32
    %dma_wait3A_432 = arith.constant 0 : i32
    %dma_wait3A_433 = arith.constant 0 : i32
    %dma_wait3A_434 = tpu.memref_slice %arg8[%dma_wait3A_431, %dma_wait3A_432, %dma_wait3A_433] : memref<4x128x64xf32, #tpu.memory_space<vmem>> -> memref<1x128x64xf32, #tpu.memory_space<vmem>>
    %dma_wait3A_435 = tpu.memref_squeeze %dma_wait3A_434 : memref<1x128x64xf32, #tpu.memory_space<vmem>> -> memref<128x64xf32, #tpu.memory_space<vmem>>
    %dma_wait3A_436 = arith.constant 0 : i32
    %dma_wait3A_437 = arith.constant 0 : i32
    %dma_wait3A_438 = tpu.memref_slice %arg2[%dma_wait3A_436, %dma_wait3A_437] : memref<20480x64xf32, #tpu.memory_space<hbm>> -> memref<128x64xf32, #tpu.memory_space<hbm>>
    %dma_wait3A_439 = arith.constant 0 : i32
    %dma_wait3A_440 = arith.constant 0 : i32
    %dma_wait3A_441 = tpu.memref_slice %arg8[%dma_wait3A_431, %dma_wait3A_439, %dma_wait3A_440] : memref<4x128x64xf32, #tpu.memory_space<vmem>> -> memref<1x128x64xf32, #tpu.memory_space<vmem>>
    %dma_wait3A_442 = tpu.memref_squeeze %dma_wait3A_441 : memref<1x128x64xf32, #tpu.memory_space<vmem>> -> memref<128x64xf32, #tpu.memory_space<vmem>>
    %dma_wait3A_443 = arith.constant 0 : i32
    %dma_wait3A_444 = arith.constant 0 : i32
    %dma_wait3A_445 = tpu.memref_slice %arg2[%dma_wait3A_443, %dma_wait3A_444] : memref<20480x64xf32, #tpu.memory_space<hbm>> -> memref<128x64xf32, #tpu.memory_space<hbm>>
    tpu.wait_dma2 semaphore(%arg17 : memref<!tpu.dma_semaphore, #tpu.memory_space<semaphore_mem>>) src(%dma_wait3A_445 : memref<128x64xf32, #tpu.memory_space<hbm>>) dst(%dma_wait3A_442 : memref<128x64xf32, #tpu.memory_space<vmem>>)
    %barrier3A_446 = arith.constant 0 : index
    tpu.barrier barrier_id(%barrier3A_446)
    "tpu.region"() ({
      %run_scoped3A_447 = tpu.sem_alloc : memref<!tpu.dma_semaphore, #tpu.memory_space<semaphore_mem>>
      %dma_start3A_448 = arith.constant 0 : i32
      %dma_start3A_449 = tpu.memref_slice %arg5[%arg0, %mul3A_12, %dma_start3A_448] : memref<2x10240x64xf32, #tpu.memory_space<hbm>> -> memref<1x640x64xf32, #tpu.memory_space<hbm>>
      %dma_start3A_450 = tpu.memref_squeeze %dma_start3A_449 : memref<1x640x64xf32, #tpu.memory_space<hbm>> -> memref<640x64xf32, #tpu.memory_space<hbm>>
      %dma_start3A_451 = arith.constant 0 : i32
      %dma_start3A_452 = tpu.memref_slice %arg9[%mul3A_12, %dma_start3A_451] : memref<10240x64xf32, #tpu.memory_space<vmem_shared>> -> memref<640x64xf32, #tpu.memory_space<vmem_shared>>
      tpu.enqueue_dma source(%dma_start3A_452 : memref<640x64xf32, #tpu.memory_space<vmem_shared>>) target(%dma_start3A_450 : memref<640x64xf32, #tpu.memory_space<hbm>>) target_semaphore(%run_scoped3A_447 : memref<!tpu.dma_semaphore, #tpu.memory_space<semaphore_mem>>)
      %dma_wait3A_453 = arith.constant 0 : i32
      %dma_wait3A_454 = tpu.memref_slice %arg5[%arg0, %mul3A_12, %dma_wait3A_453] : memref<2x10240x64xf32, #tpu.memory_space<hbm>> -> memref<1x640x64xf32, #tpu.memory_space<hbm>>
      %dma_wait3A_455 = tpu.memref_squeeze %dma_wait3A_454 : memref<1x640x64xf32, #tpu.memory_space<hbm>> -> memref<640x64xf32, #tpu.memory_space<hbm>>
      %dma_wait3A_456 = arith.constant 0 : i32
      %dma_wait3A_457 = tpu.memref_slice %arg9[%mul3A_12, %dma_wait3A_456] : memref<10240x64xf32, #tpu.memory_space<vmem_shared>> -> memref<640x64xf32, #tpu.memory_space<vmem_shared>>
      tpu.wait_dma2 semaphore(%run_scoped3A_447 : memref<!tpu.dma_semaphore, #tpu.memory_space<semaphore_mem>>) src(%dma_wait3A_457 : memref<640x64xf32, #tpu.memory_space<vmem_shared>>) dst(%dma_wait3A_455 : memref<640x64xf32, #tpu.memory_space<hbm>>)
      tpu.yield
    }) : () -> ()
    return
  }
}

#map = affine_map<(d0, d1) -> (0, 0)>
#map1 = affine_map<(d0, d1) -> (0, 0, 0)>
module attributes {stable_mosaic.version = 14 : i64} {
  func.func @_scatter_body(%arg0: i32, %arg1: i32, %arg2: memref<20480x64xf32, #tpu.memory_space<hbm>>, %arg3: memref<16x20480xi32, #tpu.memory_space<hbm>>, %arg4: memref<16x160x128xi32, #tpu.memory_space<hbm>>, %arg5: memref<2x10240x64xf32, #tpu.memory_space<hbm>>, %arg6: memref<20480xi32, #tpu.memory_space<vmem>>, %arg7: memref<160x128xi32, #tpu.memory_space<vmem>>, %arg8: memref<4x128x64xf32, #tpu.memory_space<vmem>>, %arg9: memref<10240x64xf32, #tpu.memory_space<vmem_shared>>, %arg10: memref<!tpu.dma_semaphore, #tpu.memory_space<semaphore_mem>>, %arg11: memref<!tpu.dma_semaphore, #tpu.memory_space<semaphore_mem>>, %arg12: memref<!tpu.dma_semaphore, #tpu.memory_space<semaphore_mem>>, %arg13: memref<!tpu.dma_semaphore, #tpu.memory_space<semaphore_mem>>, %arg14: memref<!tpu.dma_semaphore, #tpu.memory_space<semaphore_mem>>, %arg15: memref<!tpu.dma_semaphore, #tpu.memory_space<semaphore_mem>>, %arg16: memref<!tpu.dma_semaphore, #tpu.memory_space<semaphore_mem>>, %arg17: memref<!tpu.dma_semaphore, #tpu.memory_space<semaphore_mem>>) attributes {dimension_semantics = [#tpu.dimension_semantics<core_parallel>, #tpu.dimension_semantics<subcore_parallel>], iteration_bounds = array<i64: 2, 16>, scalar_prefetch = 0 : i64, scratch_operands = 12 : i64, tpu.core_type = #tpu.core_type<sc_vector_subcore>, window_params = [{transform_indices = #map}, {transform_indices = #map}, {transform_indices = #map1}, {transform_indices = #map1}]} {
    "tpu.region"() ({
      %run_scoped3A_447 = tpu.sem_alloc : memref<!tpu.dma_semaphore, #tpu.memory_space<semaphore_mem>>
      %dma_start3A_448 = arith.constant 0 : i32
      %dma_start3A_449 = tpu.memref_slice %arg3[%arg1, %dma_start3A_448] : memref<16x20480xi32, #tpu.memory_space<hbm>> -> memref<1x20480xi32, #tpu.memory_space<hbm>>
      %dma_start3A_450 = tpu.memref_squeeze %dma_start3A_449 : memref<1x20480xi32, #tpu.memory_space<hbm>> -> memref<20480xi32, #tpu.memory_space<hbm>>
      %dma_start3A_451 = arith.constant 0 : i32
      %dma_start3A_452 = tpu.memref_slice %arg3[%arg1, %dma_start3A_451] : memref<16x20480xi32, #tpu.memory_space<hbm>> -> memref<1x20480xi32, #tpu.memory_space<hbm>>
      %dma_start3A_453 = tpu.memref_squeeze %dma_start3A_452 : memref<1x20480xi32, #tpu.memory_space<hbm>> -> memref<20480xi32, #tpu.memory_space<hbm>>
      tpu.enqueue_dma source(%dma_start3A_453 : memref<20480xi32, #tpu.memory_space<hbm>>) target(%arg6 : memref<20480xi32, #tpu.memory_space<vmem>>) target_semaphore(%run_scoped3A_447 : memref<!tpu.dma_semaphore, #tpu.memory_space<semaphore_mem>>)
      %dma_wait3A_454 = arith.constant 0 : i32
      %dma_wait3A_455 = tpu.memref_slice %arg3[%arg1, %dma_wait3A_454] : memref<16x20480xi32, #tpu.memory_space<hbm>> -> memref<1x20480xi32, #tpu.memory_space<hbm>>
      %dma_wait3A_456 = tpu.memref_squeeze %dma_wait3A_455 : memref<1x20480xi32, #tpu.memory_space<hbm>> -> memref<20480xi32, #tpu.memory_space<hbm>>
      %dma_wait3A_457 = arith.constant 0 : i32
      %dma_wait3A_458 = tpu.memref_slice %arg3[%arg1, %dma_wait3A_457] : memref<16x20480xi32, #tpu.memory_space<hbm>> -> memref<1x20480xi32, #tpu.memory_space<hbm>>
      %dma_wait3A_459 = tpu.memref_squeeze %dma_wait3A_458 : memref<1x20480xi32, #tpu.memory_space<hbm>> -> memref<20480xi32, #tpu.memory_space<hbm>>
      tpu.wait_dma2 semaphore(%run_scoped3A_447 : memref<!tpu.dma_semaphore, #tpu.memory_space<semaphore_mem>>) src(%dma_wait3A_459 : memref<20480xi32, #tpu.memory_space<hbm>>) dst(%arg6 : memref<20480xi32, #tpu.memory_space<vmem>>)
      tpu.yield
    }) : () -> ()
    "tpu.region"() ({
      %run_scoped3A_447 = tpu.sem_alloc : memref<!tpu.dma_semaphore, #tpu.memory_space<semaphore_mem>>
      %dma_start3A_448 = arith.constant 0 : i32
      %dma_start3A_449 = arith.constant 0 : i32
      %dma_start3A_450 = tpu.memref_slice %arg4[%arg1, %dma_start3A_448, %dma_start3A_449] : memref<16x160x128xi32, #tpu.memory_space<hbm>> -> memref<1x160x128xi32, #tpu.memory_space<hbm>>
      %dma_start3A_451 = tpu.memref_squeeze %dma_start3A_450 : memref<1x160x128xi32, #tpu.memory_space<hbm>> -> memref<160x128xi32, #tpu.memory_space<hbm>>
      %dma_start3A_452 = arith.constant 0 : i32
      %dma_start3A_453 = arith.constant 0 : i32
      %dma_start3A_454 = tpu.memref_slice %arg4[%arg1, %dma_start3A_452, %dma_start3A_453] : memref<16x160x128xi32, #tpu.memory_space<hbm>> -> memref<1x160x128xi32, #tpu.memory_space<hbm>>
      %dma_start3A_455 = tpu.memref_squeeze %dma_start3A_454 : memref<1x160x128xi32, #tpu.memory_space<hbm>> -> memref<160x128xi32, #tpu.memory_space<hbm>>
      tpu.enqueue_dma source(%dma_start3A_455 : memref<160x128xi32, #tpu.memory_space<hbm>>) target(%arg7 : memref<160x128xi32, #tpu.memory_space<vmem>>) target_semaphore(%run_scoped3A_447 : memref<!tpu.dma_semaphore, #tpu.memory_space<semaphore_mem>>)
      %dma_wait3A_456 = arith.constant 0 : i32
      %dma_wait3A_457 = arith.constant 0 : i32
      %dma_wait3A_458 = tpu.memref_slice %arg4[%arg1, %dma_wait3A_456, %dma_wait3A_457] : memref<16x160x128xi32, #tpu.memory_space<hbm>> -> memref<1x160x128xi32, #tpu.memory_space<hbm>>
      %dma_wait3A_459 = tpu.memref_squeeze %dma_wait3A_458 : memref<1x160x128xi32, #tpu.memory_space<hbm>> -> memref<160x128xi32, #tpu.memory_space<hbm>>
      %dma_wait3A_460 = arith.constant 0 : i32
      %dma_wait3A_461 = arith.constant 0 : i32
      %dma_wait3A_462 = tpu.memref_slice %arg4[%arg1, %dma_wait3A_460, %dma_wait3A_461] : memref<16x160x128xi32, #tpu.memory_space<hbm>> -> memref<1x160x128xi32, #tpu.memory_space<hbm>>
      %dma_wait3A_463 = tpu.memref_squeeze %dma_wait3A_462 : memref<1x160x128xi32, #tpu.memory_space<hbm>> -> memref<160x128xi32, #tpu.memory_space<hbm>>
      tpu.wait_dma2 semaphore(%run_scoped3A_447 : memref<!tpu.dma_semaphore, #tpu.memory_space<semaphore_mem>>) src(%dma_wait3A_463 : memref<160x128xi32, #tpu.memory_space<hbm>>) dst(%arg7 : memref<160x128xi32, #tpu.memory_space<vmem>>)
      tpu.yield
    }) : () -> ()
    %scan3A = arith.constant 0 : i32
    %scan3A_0 = arith.constant 0 : i32
    %scan3A_1 = arith.constant 1280 : i32
    %scan3A_2 = arith.addi %scan3A_0, %scan3A_1 : i32
    %scan3A_3 = arith.constant 1 : i32
    scf.for %scan3A_447 = %scan3A_0 to %scan3A_2 step %scan3A_3  : i32 {
      %mul3A_448 = arith.constant 16 : i32
      %mul3A_449 = arith.muli %scan3A_447, %mul3A_448 : i32
      %get3A = arith.index_cast %mul3A_449 : i32 to index
      %get3A_450 = tpu.vector_load %arg6[%get3A] {strides = array<i32>} : memref<20480xi32, #tpu.memory_space<vmem>>, vector<16xi32>,
      %get3A_451 = vector.shape_cast %get3A_450 : vector<16xi32> to vector<16xi32>
      %mul3A_452 = arith.constant 2 : i32
      %mul3A_453 = vector.broadcast %mul3A_452 : i32 to vector<16xi32>
      %mul3A_454 = arith.muli %get3A_451, %mul3A_453 : vector<16xi32>
      %add3A_455 = vector.broadcast %arg0 : i32 to vector<16xi32>
      %add3A_456 = arith.addi %mul3A_454, %add3A_455 : vector<16xi32>
      %mul3A_457 = arith.constant 16 : i32
      %mul3A_458 = arith.muli %scan3A_447, %mul3A_457 : i32
      %swap3A = arith.index_cast %mul3A_458 : i32 to index
      %swap3A_459 = tpu.vector_load %arg6[%swap3A] {strides = array<i32>} : memref<20480xi32, #tpu.memory_space<vmem>>, vector<16xi32>,
      %swap3A_460 = vector.shape_cast %swap3A_459 : vector<16xi32> to vector<16xi32>
      %swap3A_461 = vector.shape_cast %add3A_456 : vector<16xi32> to vector<16xi32>
      tpu.vector_store %arg6[%swap3A], %swap3A_461 {strides = array<i32>} : memref<20480xi32, #tpu.memory_space<vmem>>, vector<16xi32>,
    }
    %scan3A_4 = arith.constant 1280 : i32
    %broadcast_in_dim3A = arith.constant 0.000000e+00 : f32
    %broadcast_in_dim3A_5 = vector.broadcast %broadcast_in_dim3A : f32 to vector<16xf32>
    %scan3A_6 = arith.constant 0 : i32
    %scan3A_7 = arith.constant 0 : i32
    %scan3A_8 = arith.constant 128 : i32
    %scan3A_9 = arith.addi %scan3A_7, %scan3A_8 : i32
    %scan3A_10 = arith.constant 1 : i32
    scf.for %scan3A_447 = %scan3A_7 to %scan3A_9 step %scan3A_10  : i32 {
      %swap3A = arith.constant 0 : i32
      %swap3A_448 = arith.index_cast %swap3A : i32 to index
      %swap3A_449 = arith.index_cast %scan3A_447 : i32 to index
      %swap3A_450 = arith.constant 0 : index
      %swap3A_451 = tpu.vector_load %arg8[%swap3A_448, %swap3A_449, %swap3A_450] {strides = array<i32>} : memref<4x128x64xf32, #tpu.memory_space<vmem>>, vector<1x1x16xf32>,
      %swap3A_452 = vector.shape_cast %swap3A_451 : vector<1x1x16xf32> to vector<16xf32>
      %swap3A_453 = vector.shape_cast %broadcast_in_dim3A_5 : vector<16xf32> to vector<1x1x16xf32>
      tpu.vector_store %arg8[%swap3A_448, %swap3A_449, %swap3A_450], %swap3A_453 {strides = array<i32>} : memref<4x128x64xf32, #tpu.memory_space<vmem>>, vector<1x1x16xf32>,
      %swap3A_454 = arith.constant 0 : i32
      %swap3A_455 = arith.index_cast %swap3A_454 : i32 to index
      %swap3A_456 = arith.index_cast %scan3A_447 : i32 to index
      %swap3A_457 = arith.constant 16 : index
      %swap3A_458 = tpu.vector_load %arg8[%swap3A_455, %swap3A_456, %swap3A_457] {strides = array<i32>} : memref<4x128x64xf32, #tpu.memory_space<vmem>>, vector<1x1x16xf32>,
      %swap3A_459 = vector.shape_cast %swap3A_458 : vector<1x1x16xf32> to vector<16xf32>
      %swap3A_460 = vector.shape_cast %broadcast_in_dim3A_5 : vector<16xf32> to vector<1x1x16xf32>
      tpu.vector_store %arg8[%swap3A_455, %swap3A_456, %swap3A_457], %swap3A_460 {strides = array<i32>} : memref<4x128x64xf32, #tpu.memory_space<vmem>>, vector<1x1x16xf32>,
      %swap3A_461 = arith.constant 0 : i32
      %swap3A_462 = arith.index_cast %swap3A_461 : i32 to index
      %swap3A_463 = arith.index_cast %scan3A_447 : i32 to index
      %swap3A_464 = arith.constant 32 : index
      %swap3A_465 = tpu.vector_load %arg8[%swap3A_462, %swap3A_463, %swap3A_464] {strides = array<i32>} : memref<4x128x64xf32, #tpu.memory_space<vmem>>, vector<1x1x16xf32>,
      %swap3A_466 = vector.shape_cast %swap3A_465 : vector<1x1x16xf32> to vector<16xf32>
      %swap3A_467 = vector.shape_cast %broadcast_in_dim3A_5 : vector<16xf32> to vector<1x1x16xf32>
      tpu.vector_store %arg8[%swap3A_462, %swap3A_463, %swap3A_464], %swap3A_467 {strides = array<i32>} : memref<4x128x64xf32, #tpu.memory_space<vmem>>, vector<1x1x16xf32>,
      %swap3A_468 = arith.constant 0 : i32
      %swap3A_469 = arith.index_cast %swap3A_468 : i32 to index
      %swap3A_470 = arith.index_cast %scan3A_447 : i32 to index
      %swap3A_471 = arith.constant 48 : index
      %swap3A_472 = tpu.vector_load %arg8[%swap3A_469, %swap3A_470, %swap3A_471] {strides = array<i32>} : memref<4x128x64xf32, #tpu.memory_space<vmem>>, vector<1x1x16xf32>,
      %swap3A_473 = vector.shape_cast %swap3A_472 : vector<1x1x16xf32> to vector<16xf32>
      %swap3A_474 = vector.shape_cast %broadcast_in_dim3A_5 : vector<16xf32> to vector<1x1x16xf32>
      tpu.vector_store %arg8[%swap3A_469, %swap3A_470, %swap3A_471], %swap3A_474 {strides = array<i32>} : memref<4x128x64xf32, #tpu.memory_space<vmem>>, vector<1x1x16xf32>,
      %swap3A_475 = arith.constant 1 : i32
      %swap3A_476 = arith.index_cast %swap3A_475 : i32 to index
      %swap3A_477 = arith.index_cast %scan3A_447 : i32 to index
      %swap3A_478 = arith.constant 0 : index
      %swap3A_479 = tpu.vector_load %arg8[%swap3A_476, %swap3A_477, %swap3A_478] {strides = array<i32>} : memref<4x128x64xf32, #tpu.memory_space<vmem>>, vector<1x1x16xf32>,
      %swap3A_480 = vector.shape_cast %swap3A_479 : vector<1x1x16xf32> to vector<16xf32>
      %swap3A_481 = vector.shape_cast %broadcast_in_dim3A_5 : vector<16xf32> to vector<1x1x16xf32>
      tpu.vector_store %arg8[%swap3A_476, %swap3A_477, %swap3A_478], %swap3A_481 {strides = array<i32>} : memref<4x128x64xf32, #tpu.memory_space<vmem>>, vector<1x1x16xf32>,
      %swap3A_482 = arith.constant 1 : i32
      %swap3A_483 = arith.index_cast %swap3A_482 : i32 to index
      %swap3A_484 = arith.index_cast %scan3A_447 : i32 to index
      %swap3A_485 = arith.constant 16 : index
      %swap3A_486 = tpu.vector_load %arg8[%swap3A_483, %swap3A_484, %swap3A_485] {strides = array<i32>} : memref<4x128x64xf32, #tpu.memory_space<vmem>>, vector<1x1x16xf32>,
      %swap3A_487 = vector.shape_cast %swap3A_486 : vector<1x1x16xf32> to vector<16xf32>
      %swap3A_488 = vector.shape_cast %broadcast_in_dim3A_5 : vector<16xf32> to vector<1x1x16xf32>
      tpu.vector_store %arg8[%swap3A_483, %swap3A_484, %swap3A_485], %swap3A_488 {strides = array<i32>} : memref<4x128x64xf32, #tpu.memory_space<vmem>>, vector<1x1x16xf32>,
      %swap3A_489 = arith.constant 1 : i32
      %swap3A_490 = arith.index_cast %swap3A_489 : i32 to index
      %swap3A_491 = arith.index_cast %scan3A_447 : i32 to index
      %swap3A_492 = arith.constant 32 : index
      %swap3A_493 = tpu.vector_load %arg8[%swap3A_490, %swap3A_491, %swap3A_492] {strides = array<i32>} : memref<4x128x64xf32, #tpu.memory_space<vmem>>, vector<1x1x16xf32>,
      %swap3A_494 = vector.shape_cast %swap3A_493 : vector<1x1x16xf32> to vector<16xf32>
      %swap3A_495 = vector.shape_cast %broadcast_in_dim3A_5 : vector<16xf32> to vector<1x1x16xf32>
      tpu.vector_store %arg8[%swap3A_490, %swap3A_491, %swap3A_492], %swap3A_495 {strides = array<i32>} : memref<4x128x64xf32, #tpu.memory_space<vmem>>, vector<1x1x16xf32>,
      %swap3A_496 = arith.constant 1 : i32
      %swap3A_497 = arith.index_cast %swap3A_496 : i32 to index
      %swap3A_498 = arith.index_cast %scan3A_447 : i32 to index
      %swap3A_499 = arith.constant 48 : index
      %swap3A_500 = tpu.vector_load %arg8[%swap3A_497, %swap3A_498, %swap3A_499] {strides = array<i32>} : memref<4x128x64xf32, #tpu.memory_space<vmem>>, vector<1x1x16xf32>,
      %swap3A_501 = vector.shape_cast %swap3A_500 : vector<1x1x16xf32> to vector<16xf32>
      %swap3A_502 = vector.shape_cast %broadcast_in_dim3A_5 : vector<16xf32> to vector<1x1x16xf32>
      tpu.vector_store %arg8[%swap3A_497, %swap3A_498, %swap3A_499], %swap3A_502 {strides = array<i32>} : memref<4x128x64xf32, #tpu.memory_space<vmem>>, vector<1x1x16xf32>,
      %swap3A_503 = arith.constant 2 : i32
      %swap3A_504 = arith.index_cast %swap3A_503 : i32 to index
      %swap3A_505 = arith.index_cast %scan3A_447 : i32 to index
      %swap3A_506 = arith.constant 0 : index
      %swap3A_507 = tpu.vector_load %arg8[%swap3A_504, %swap3A_505, %swap3A_506] {strides = array<i32>} : memref<4x128x64xf32, #tpu.memory_space<vmem>>, vector<1x1x16xf32>,
      %swap3A_508 = vector.shape_cast %swap3A_507 : vector<1x1x16xf32> to vector<16xf32>
      %swap3A_509 = vector.shape_cast %broadcast_in_dim3A_5 : vector<16xf32> to vector<1x1x16xf32>
      tpu.vector_store %arg8[%swap3A_504, %swap3A_505, %swap3A_506], %swap3A_509 {strides = array<i32>} : memref<4x128x64xf32, #tpu.memory_space<vmem>>, vector<1x1x16xf32>,
      %swap3A_510 = arith.constant 2 : i32
      %swap3A_511 = arith.index_cast %swap3A_510 : i32 to index
      %swap3A_512 = arith.index_cast %scan3A_447 : i32 to index
      %swap3A_513 = arith.constant 16 : index
      %swap3A_514 = tpu.vector_load %arg8[%swap3A_511, %swap3A_512, %swap3A_513] {strides = array<i32>} : memref<4x128x64xf32, #tpu.memory_space<vmem>>, vector<1x1x16xf32>,
      %swap3A_515 = vector.shape_cast %swap3A_514 : vector<1x1x16xf32> to vector<16xf32>
      %swap3A_516 = vector.shape_cast %broadcast_in_dim3A_5 : vector<16xf32> to vector<1x1x16xf32>
      tpu.vector_store %arg8[%swap3A_511, %swap3A_512, %swap3A_513], %swap3A_516 {strides = array<i32>} : memref<4x128x64xf32, #tpu.memory_space<vmem>>, vector<1x1x16xf32>,
      %swap3A_517 = arith.constant 2 : i32
      %swap3A_518 = arith.index_cast %swap3A_517 : i32 to index
      %swap3A_519 = arith.index_cast %scan3A_447 : i32 to index
      %swap3A_520 = arith.constant 32 : index
      %swap3A_521 = tpu.vector_load %arg8[%swap3A_518, %swap3A_519, %swap3A_520] {strides = array<i32>} : memref<4x128x64xf32, #tpu.memory_space<vmem>>, vector<1x1x16xf32>,
      %swap3A_522 = vector.shape_cast %swap3A_521 : vector<1x1x16xf32> to vector<16xf32>
      %swap3A_523 = vector.shape_cast %broadcast_in_dim3A_5 : vector<16xf32> to vector<1x1x16xf32>
      tpu.vector_store %arg8[%swap3A_518, %swap3A_519, %swap3A_520], %swap3A_523 {strides = array<i32>} : memref<4x128x64xf32, #tpu.memory_space<vmem>>, vector<1x1x16xf32>,
      %swap3A_524 = arith.constant 2 : i32
      %swap3A_525 = arith.index_cast %swap3A_524 : i32 to index
      %swap3A_526 = arith.index_cast %scan3A_447 : i32 to index
      %swap3A_527 = arith.constant 48 : index
      %swap3A_528 = tpu.vector_load %arg8[%swap3A_525, %swap3A_526, %swap3A_527] {strides = array<i32>} : memref<4x128x64xf32, #tpu.memory_space<vmem>>, vector<1x1x16xf32>,
      %swap3A_529 = vector.shape_cast %swap3A_528 : vector<1x1x16xf32> to vector<16xf32>
      %swap3A_530 = vector.shape_cast %broadcast_in_dim3A_5 : vector<16xf32> to vector<1x1x16xf32>
      tpu.vector_store %arg8[%swap3A_525, %swap3A_526, %swap3A_527], %swap3A_530 {strides = array<i32>} : memref<4x128x64xf32, #tpu.memory_space<vmem>>, vector<1x1x16xf32>,
      %swap3A_531 = arith.constant 3 : i32
      %swap3A_532 = arith.index_cast %swap3A_531 : i32 to index
      %swap3A_533 = arith.index_cast %scan3A_447 : i32 to index
      %swap3A_534 = arith.constant 0 : index
      %swap3A_535 = tpu.vector_load %arg8[%swap3A_532, %swap3A_533, %swap3A_534] {strides = array<i32>} : memref<4x128x64xf32, #tpu.memory_space<vmem>>, vector<1x1x16xf32>,
      %swap3A_536 = vector.shape_cast %swap3A_535 : vector<1x1x16xf32> to vector<16xf32>
      %swap3A_537 = vector.shape_cast %broadcast_in_dim3A_5 : vector<16xf32> to vector<1x1x16xf32>
      tpu.vector_store %arg8[%swap3A_532, %swap3A_533, %swap3A_534], %swap3A_537 {strides = array<i32>} : memref<4x128x64xf32, #tpu.memory_space<vmem>>, vector<1x1x16xf32>,
      %swap3A_538 = arith.constant 3 : i32
      %swap3A_539 = arith.index_cast %swap3A_538 : i32 to index
      %swap3A_540 = arith.index_cast %scan3A_447 : i32 to index
      %swap3A_541 = arith.constant 16 : index
      %swap3A_542 = tpu.vector_load %arg8[%swap3A_539, %swap3A_540, %swap3A_541] {strides = array<i32>} : memref<4x128x64xf32, #tpu.memory_space<vmem>>, vector<1x1x16xf32>,
      %swap3A_543 = vector.shape_cast %swap3A_542 : vector<1x1x16xf32> to vector<16xf32>
      %swap3A_544 = vector.shape_cast %broadcast_in_dim3A_5 : vector<16xf32> to vector<1x1x16xf32>
      tpu.vector_store %arg8[%swap3A_539, %swap3A_540, %swap3A_541], %swap3A_544 {strides = array<i32>} : memref<4x128x64xf32, #tpu.memory_space<vmem>>, vector<1x1x16xf32>,
      %swap3A_545 = arith.constant 3 : i32
      %swap3A_546 = arith.index_cast %swap3A_545 : i32 to index
      %swap3A_547 = arith.index_cast %scan3A_447 : i32 to index
      %swap3A_548 = arith.constant 32 : index
      %swap3A_549 = tpu.vector_load %arg8[%swap3A_546, %swap3A_547, %swap3A_548] {strides = array<i32>} : memref<4x128x64xf32, #tpu.memory_space<vmem>>, vector<1x1x16xf32>,
      %swap3A_550 = vector.shape_cast %swap3A_549 : vector<1x1x16xf32> to vector<16xf32>
      %swap3A_551 = vector.shape_cast %broadcast_in_dim3A_5 : vector<16xf32> to vector<1x1x16xf32>
      tpu.vector_store %arg8[%swap3A_546, %swap3A_547, %swap3A_548], %swap3A_551 {strides = array<i32>} : memref<4x128x64xf32, #tpu.memory_space<vmem>>, vector<1x1x16xf32>,
      %swap3A_552 = arith.constant 3 : i32
      %swap3A_553 = arith.index_cast %swap3A_552 : i32 to index
      %swap3A_554 = arith.index_cast %scan3A_447 : i32 to index
      %swap3A_555 = arith.constant 48 : index
      %swap3A_556 = tpu.vector_load %arg8[%swap3A_553, %swap3A_554, %swap3A_555] {strides = array<i32>} : memref<4x128x64xf32, #tpu.memory_space<vmem>>, vector<1x1x16xf32>,
      %swap3A_557 = vector.shape_cast %swap3A_556 : vector<1x1x16xf32> to vector<16xf32>
      %swap3A_558 = vector.shape_cast %broadcast_in_dim3A_5 : vector<16xf32> to vector<1x1x16xf32>
      tpu.vector_store %arg8[%swap3A_553, %swap3A_554, %swap3A_555], %swap3A_558 {strides = array<i32>} : memref<4x128x64xf32, #tpu.memory_space<vmem>>, vector<1x1x16xf32>,
    }
    %scan3A_11 = arith.constant 128 : i32
    %mul3A = arith.constant 640 : i32
    %mul3A_12 = arith.muli %arg1, %mul3A : i32
    %add3A = arith.constant 0 : i32
    %add3A_13 = arith.addi %mul3A_12, %add3A : i32
    %run_scoped3A = arith.constant 0 : i32
    "tpu.region"() ({
      %run_scoped3A_447 = tpu.sem_alloc : memref<!tpu.dma_semaphore, #tpu.memory_space<semaphore_mem>>
      %dma_start3A_448 = arith.constant 0 : i32
      %dma_start3A_449 = arith.constant 0 : i32
      %dma_start3A_450 = tpu.memref_slice %arg8[%run_scoped3A, %dma_start3A_448, %dma_start3A_449] : memref<4x128x64xf32, #tpu.memory_space<vmem>> -> memref<1x128x64xf32, #tpu.memory_space<vmem>>
      %dma_start3A_451 = tpu.memref_squeeze %dma_start3A_450 : memref<1x128x64xf32, #tpu.memory_space<vmem>> -> memref<128x64xf32, #tpu.memory_space<vmem>>
      %dma_start3A_452 = arith.constant 0 : i32
      %dma_start3A_453 = tpu.memref_slice %arg9[%add3A_13, %dma_start3A_452] : memref<10240x64xf32, #tpu.memory_space<vmem_shared>> -> memref<128x64xf32, #tpu.memory_space<vmem_shared>>
      %dma_start3A_454 = arith.constant 0 : i32
      %dma_start3A_455 = tpu.memref_slice %arg9[%add3A_13, %dma_start3A_454] : memref<10240x64xf32, #tpu.memory_space<vmem_shared>> -> memref<128x64xf32, #tpu.memory_space<vmem_shared>>
      %dma_start3A_456 = arith.constant 0 : i32
      %dma_start3A_457 = arith.constant 0 : i32
      %dma_start3A_458 = tpu.memref_slice %arg8[%run_scoped3A, %dma_start3A_456, %dma_start3A_457] : memref<4x128x64xf32, #tpu.memory_space<vmem>> -> memref<1x128x64xf32, #tpu.memory_space<vmem>>
      %dma_start3A_459 = tpu.memref_squeeze %dma_start3A_458 : memref<1x128x64xf32, #tpu.memory_space<vmem>> -> memref<128x64xf32, #tpu.memory_space<vmem>>
      tpu.enqueue_dma source(%dma_start3A_459 : memref<128x64xf32, #tpu.memory_space<vmem>>) target(%dma_start3A_455 : memref<128x64xf32, #tpu.memory_space<vmem_shared>>) target_semaphore(%run_scoped3A_447 : memref<!tpu.dma_semaphore, #tpu.memory_space<semaphore_mem>>)
      %dma_wait3A_460 = arith.constant 0 : i32
      %dma_wait3A_461 = arith.constant 0 : i32
      %dma_wait3A_462 = tpu.memref_slice %arg8[%run_scoped3A, %dma_wait3A_460, %dma_wait3A_461] : memref<4x128x64xf32, #tpu.memory_space<vmem>> -> memref<1x128x64xf32, #tpu.memory_space<vmem>>
      %dma_wait3A_463 = tpu.memref_squeeze %dma_wait3A_462 : memref<1x128x64xf32, #tpu.memory_space<vmem>> -> memref<128x64xf32, #tpu.memory_space<vmem>>
      %dma_wait3A_464 = arith.constant 0 : i32
      %dma_wait3A_465 = tpu.memref_slice %arg9[%add3A_13, %dma_wait3A_464] : memref<10240x64xf32, #tpu.memory_space<vmem_shared>> -> memref<128x64xf32, #tpu.memory_space<vmem_shared>>
      %dma_wait3A_466 = arith.constant 0 : i32
      %dma_wait3A_467 = tpu.memref_slice %arg9[%add3A_13, %dma_wait3A_466] : memref<10240x64xf32, #tpu.memory_space<vmem_shared>> -> memref<128x64xf32, #tpu.memory_space<vmem_shared>>
      %dma_wait3A_468 = arith.constant 0 : i32
      %dma_wait3A_469 = arith.constant 0 : i32
      %dma_wait3A_470 = tpu.memref_slice %arg8[%run_scoped3A, %dma_wait3A_468, %dma_wait3A_469] : memref<4x128x64xf32, #tpu.memory_space<vmem>> -> memref<1x128x64xf32, #tpu.memory_space<vmem>>
      %dma_wait3A_471 = tpu.memref_squeeze %dma_wait3A_470 : memref<1x128x64xf32, #tpu.memory_space<vmem>> -> memref<128x64xf32, #tpu.memory_space<vmem>>
      tpu.wait_dma2 semaphore(%run_scoped3A_447 : memref<!tpu.dma_semaphore, #tpu.memory_space<semaphore_mem>>) src(%dma_wait3A_471 : memref<128x64xf32, #tpu.memory_space<vmem>>) dst(%dma_wait3A_467 : memref<128x64xf32, #tpu.memory_space<vmem_shared>>)
      tpu.yield
    }) : () -> ()
    %add3A_14 = arith.constant 128 : i32
    %add3A_15 = arith.addi %mul3A_12, %add3A_14 : i32
    %run_scoped3A_16 = arith.constant 0 : i32
    "tpu.region"() ({
      %run_scoped3A_447 = tpu.sem_alloc : memref<!tpu.dma_semaphore, #tpu.memory_space<semaphore_mem>>
      %dma_start3A_448 = arith.constant 0 : i32
      %dma_start3A_449 = arith.constant 0 : i32
      %dma_start3A_450 = tpu.memref_slice %arg8[%run_scoped3A_16, %dma_start3A_448, %dma_start3A_449] : memref<4x128x64xf32, #tpu.memory_space<vmem>> -> memref<1x128x64xf32, #tpu.memory_space<vmem>>
      %dma_start3A_451 = tpu.memref_squeeze %dma_start3A_450 : memref<1x128x64xf32, #tpu.memory_space<vmem>> -> memref<128x64xf32, #tpu.memory_space<vmem>>
      %dma_start3A_452 = arith.constant 0 : i32
      %dma_start3A_453 = tpu.memref_slice %arg9[%add3A_15, %dma_start3A_452] : memref<10240x64xf32, #tpu.memory_space<vmem_shared>> -> memref<128x64xf32, #tpu.memory_space<vmem_shared>>
      %dma_start3A_454 = arith.constant 0 : i32
      %dma_start3A_455 = tpu.memref_slice %arg9[%add3A_15, %dma_start3A_454] : memref<10240x64xf32, #tpu.memory_space<vmem_shared>> -> memref<128x64xf32, #tpu.memory_space<vmem_shared>>
      %dma_start3A_456 = arith.constant 0 : i32
      %dma_start3A_457 = arith.constant 0 : i32
      %dma_start3A_458 = tpu.memref_slice %arg8[%run_scoped3A_16, %dma_start3A_456, %dma_start3A_457] : memref<4x128x64xf32, #tpu.memory_space<vmem>> -> memref<1x128x64xf32, #tpu.memory_space<vmem>>
      %dma_start3A_459 = tpu.memref_squeeze %dma_start3A_458 : memref<1x128x64xf32, #tpu.memory_space<vmem>> -> memref<128x64xf32, #tpu.memory_space<vmem>>
      tpu.enqueue_dma source(%dma_start3A_459 : memref<128x64xf32, #tpu.memory_space<vmem>>) target(%dma_start3A_455 : memref<128x64xf32, #tpu.memory_space<vmem_shared>>) target_semaphore(%run_scoped3A_447 : memref<!tpu.dma_semaphore, #tpu.memory_space<semaphore_mem>>)
      %dma_wait3A_460 = arith.constant 0 : i32
      %dma_wait3A_461 = arith.constant 0 : i32
      %dma_wait3A_462 = tpu.memref_slice %arg8[%run_scoped3A_16, %dma_wait3A_460, %dma_wait3A_461] : memref<4x128x64xf32, #tpu.memory_space<vmem>> -> memref<1x128x64xf32, #tpu.memory_space<vmem>>
      %dma_wait3A_463 = tpu.memref_squeeze %dma_wait3A_462 : memref<1x128x64xf32, #tpu.memory_space<vmem>> -> memref<128x64xf32, #tpu.memory_space<vmem>>
      %dma_wait3A_464 = arith.constant 0 : i32
      %dma_wait3A_465 = tpu.memref_slice %arg9[%add3A_15, %dma_wait3A_464] : memref<10240x64xf32, #tpu.memory_space<vmem_shared>> -> memref<128x64xf32, #tpu.memory_space<vmem_shared>>
      %dma_wait3A_466 = arith.constant 0 : i32
      %dma_wait3A_467 = tpu.memref_slice %arg9[%add3A_15, %dma_wait3A_466] : memref<10240x64xf32, #tpu.memory_space<vmem_shared>> -> memref<128x64xf32, #tpu.memory_space<vmem_shared>>
      %dma_wait3A_468 = arith.constant 0 : i32
      %dma_wait3A_469 = arith.constant 0 : i32
      %dma_wait3A_470 = tpu.memref_slice %arg8[%run_scoped3A_16, %dma_wait3A_468, %dma_wait3A_469] : memref<4x128x64xf32, #tpu.memory_space<vmem>> -> memref<1x128x64xf32, #tpu.memory_space<vmem>>
      %dma_wait3A_471 = tpu.memref_squeeze %dma_wait3A_470 : memref<1x128x64xf32, #tpu.memory_space<vmem>> -> memref<128x64xf32, #tpu.memory_space<vmem>>
      tpu.wait_dma2 semaphore(%run_scoped3A_447 : memref<!tpu.dma_semaphore, #tpu.memory_space<semaphore_mem>>) src(%dma_wait3A_471 : memref<128x64xf32, #tpu.memory_space<vmem>>) dst(%dma_wait3A_467 : memref<128x64xf32, #tpu.memory_space<vmem_shared>>)
      tpu.yield
    }) : () -> ()
    %add3A_17 = arith.constant 256 : i32
    %add3A_18 = arith.addi %mul3A_12, %add3A_17 : i32
    %run_scoped3A_19 = arith.constant 0 : i32
    "tpu.region"() ({
      %run_scoped3A_447 = tpu.sem_alloc : memref<!tpu.dma_semaphore, #tpu.memory_space<semaphore_mem>>
      %dma_start3A_448 = arith.constant 0 : i32
      %dma_start3A_449 = arith.constant 0 : i32
      %dma_start3A_450 = tpu.memref_slice %arg8[%run_scoped3A_19, %dma_start3A_448, %dma_start3A_449] : memref<4x128x64xf32, #tpu.memory_space<vmem>> -> memref<1x128x64xf32, #tpu.memory_space<vmem>>
      %dma_start3A_451 = tpu.memref_squeeze %dma_start3A_450 : memref<1x128x64xf32, #tpu.memory_space<vmem>> -> memref<128x64xf32, #tpu.memory_space<vmem>>
      %dma_start3A_452 = arith.constant 0 : i32
      %dma_start3A_453 = tpu.memref_slice %arg9[%add3A_18, %dma_start3A_452] : memref<10240x64xf32, #tpu.memory_space<vmem_shared>> -> memref<128x64xf32, #tpu.memory_space<vmem_shared>>
      %dma_start3A_454 = arith.constant 0 : i32
      %dma_start3A_455 = tpu.memref_slice %arg9[%add3A_18, %dma_start3A_454] : memref<10240x64xf32, #tpu.memory_space<vmem_shared>> -> memref<128x64xf32, #tpu.memory_space<vmem_shared>>
      %dma_start3A_456 = arith.constant 0 : i32
      %dma_start3A_457 = arith.constant 0 : i32
      %dma_start3A_458 = tpu.memref_slice %arg8[%run_scoped3A_19, %dma_start3A_456, %dma_start3A_457] : memref<4x128x64xf32, #tpu.memory_space<vmem>> -> memref<1x128x64xf32, #tpu.memory_space<vmem>>
      %dma_start3A_459 = tpu.memref_squeeze %dma_start3A_458 : memref<1x128x64xf32, #tpu.memory_space<vmem>> -> memref<128x64xf32, #tpu.memory_space<vmem>>
      tpu.enqueue_dma source(%dma_start3A_459 : memref<128x64xf32, #tpu.memory_space<vmem>>) target(%dma_start3A_455 : memref<128x64xf32, #tpu.memory_space<vmem_shared>>) target_semaphore(%run_scoped3A_447 : memref<!tpu.dma_semaphore, #tpu.memory_space<semaphore_mem>>)
      %dma_wait3A_460 = arith.constant 0 : i32
      %dma_wait3A_461 = arith.constant 0 : i32
      %dma_wait3A_462 = tpu.memref_slice %arg8[%run_scoped3A_19, %dma_wait3A_460, %dma_wait3A_461] : memref<4x128x64xf32, #tpu.memory_space<vmem>> -> memref<1x128x64xf32, #tpu.memory_space<vmem>>
      %dma_wait3A_463 = tpu.memref_squeeze %dma_wait3A_462 : memref<1x128x64xf32, #tpu.memory_space<vmem>> -> memref<128x64xf32, #tpu.memory_space<vmem>>
      %dma_wait3A_464 = arith.constant 0 : i32
      %dma_wait3A_465 = tpu.memref_slice %arg9[%add3A_18, %dma_wait3A_464] : memref<10240x64xf32, #tpu.memory_space<vmem_shared>> -> memref<128x64xf32, #tpu.memory_space<vmem_shared>>
      %dma_wait3A_466 = arith.constant 0 : i32
      %dma_wait3A_467 = tpu.memref_slice %arg9[%add3A_18, %dma_wait3A_466] : memref<10240x64xf32, #tpu.memory_space<vmem_shared>> -> memref<128x64xf32, #tpu.memory_space<vmem_shared>>
      %dma_wait3A_468 = arith.constant 0 : i32
      %dma_wait3A_469 = arith.constant 0 : i32
      %dma_wait3A_470 = tpu.memref_slice %arg8[%run_scoped3A_19, %dma_wait3A_468, %dma_wait3A_469] : memref<4x128x64xf32, #tpu.memory_space<vmem>> -> memref<1x128x64xf32, #tpu.memory_space<vmem>>
      %dma_wait3A_471 = tpu.memref_squeeze %dma_wait3A_470 : memref<1x128x64xf32, #tpu.memory_space<vmem>> -> memref<128x64xf32, #tpu.memory_space<vmem>>
      tpu.wait_dma2 semaphore(%run_scoped3A_447 : memref<!tpu.dma_semaphore, #tpu.memory_space<semaphore_mem>>) src(%dma_wait3A_471 : memref<128x64xf32, #tpu.memory_space<vmem>>) dst(%dma_wait3A_467 : memref<128x64xf32, #tpu.memory_space<vmem_shared>>)
      tpu.yield
    }) : () -> ()
    %add3A_20 = arith.constant 384 : i32
    %add3A_21 = arith.addi %mul3A_12, %add3A_20 : i32
    %run_scoped3A_22 = arith.constant 0 : i32
    "tpu.region"() ({
      %run_scoped3A_447 = tpu.sem_alloc : memref<!tpu.dma_semaphore, #tpu.memory_space<semaphore_mem>>
      %dma_start3A_448 = arith.constant 0 : i32
      %dma_start3A_449 = arith.constant 0 : i32
      %dma_start3A_450 = tpu.memref_slice %arg8[%run_scoped3A_22, %dma_start3A_448, %dma_start3A_449] : memref<4x128x64xf32, #tpu.memory_space<vmem>> -> memref<1x128x64xf32, #tpu.memory_space<vmem>>
      %dma_start3A_451 = tpu.memref_squeeze %dma_start3A_450 : memref<1x128x64xf32, #tpu.memory_space<vmem>> -> memref<128x64xf32, #tpu.memory_space<vmem>>
      %dma_start3A_452 = arith.constant 0 : i32
      %dma_start3A_453 = tpu.memref_slice %arg9[%add3A_21, %dma_start3A_452] : memref<10240x64xf32, #tpu.memory_space<vmem_shared>> -> memref<128x64xf32, #tpu.memory_space<vmem_shared>>
      %dma_start3A_454 = arith.constant 0 : i32
      %dma_start3A_455 = tpu.memref_slice %arg9[%add3A_21, %dma_start3A_454] : memref<10240x64xf32, #tpu.memory_space<vmem_shared>> -> memref<128x64xf32, #tpu.memory_space<vmem_shared>>
      %dma_start3A_456 = arith.constant 0 : i32
      %dma_start3A_457 = arith.constant 0 : i32
      %dma_start3A_458 = tpu.memref_slice %arg8[%run_scoped3A_22, %dma_start3A_456, %dma_start3A_457] : memref<4x128x64xf32, #tpu.memory_space<vmem>> -> memref<1x128x64xf32, #tpu.memory_space<vmem>>
      %dma_start3A_459 = tpu.memref_squeeze %dma_start3A_458 : memref<1x128x64xf32, #tpu.memory_space<vmem>> -> memref<128x64xf32, #tpu.memory_space<vmem>>
      tpu.enqueue_dma source(%dma_start3A_459 : memref<128x64xf32, #tpu.memory_space<vmem>>) target(%dma_start3A_455 : memref<128x64xf32, #tpu.memory_space<vmem_shared>>) target_semaphore(%run_scoped3A_447 : memref<!tpu.dma_semaphore, #tpu.memory_space<semaphore_mem>>)
      %dma_wait3A_460 = arith.constant 0 : i32
      %dma_wait3A_461 = arith.constant 0 : i32
      %dma_wait3A_462 = tpu.memref_slice %arg8[%run_scoped3A_22, %dma_wait3A_460, %dma_wait3A_461] : memref<4x128x64xf32, #tpu.memory_space<vmem>> -> memref<1x128x64xf32, #tpu.memory_space<vmem>>
      %dma_wait3A_463 = tpu.memref_squeeze %dma_wait3A_462 : memref<1x128x64xf32, #tpu.memory_space<vmem>> -> memref<128x64xf32, #tpu.memory_space<vmem>>
      %dma_wait3A_464 = arith.constant 0 : i32
      %dma_wait3A_465 = tpu.memref_slice %arg9[%add3A_21, %dma_wait3A_464] : memref<10240x64xf32, #tpu.memory_space<vmem_shared>> -> memref<128x64xf32, #tpu.memory_space<vmem_shared>>
      %dma_wait3A_466 = arith.constant 0 : i32
      %dma_wait3A_467 = tpu.memref_slice %arg9[%add3A_21, %dma_wait3A_466] : memref<10240x64xf32, #tpu.memory_space<vmem_shared>> -> memref<128x64xf32, #tpu.memory_space<vmem_shared>>
      %dma_wait3A_468 = arith.constant 0 : i32
      %dma_wait3A_469 = arith.constant 0 : i32
      %dma_wait3A_470 = tpu.memref_slice %arg8[%run_scoped3A_22, %dma_wait3A_468, %dma_wait3A_469] : memref<4x128x64xf32, #tpu.memory_space<vmem>> -> memref<1x128x64xf32, #tpu.memory_space<vmem>>
      %dma_wait3A_471 = tpu.memref_squeeze %dma_wait3A_470 : memref<1x128x64xf32, #tpu.memory_space<vmem>> -> memref<128x64xf32, #tpu.memory_space<vmem>>
      tpu.wait_dma2 semaphore(%run_scoped3A_447 : memref<!tpu.dma_semaphore, #tpu.memory_space<semaphore_mem>>) src(%dma_wait3A_471 : memref<128x64xf32, #tpu.memory_space<vmem>>) dst(%dma_wait3A_467 : memref<128x64xf32, #tpu.memory_space<vmem_shared>>)
      tpu.yield
    }) : () -> ()
    %add3A_23 = arith.constant 512 : i32
    %add3A_24 = arith.addi %mul3A_12, %add3A_23 : i32
    %run_scoped3A_25 = arith.constant 0 : i32
    "tpu.region"() ({
      %run_scoped3A_447 = tpu.sem_alloc : memref<!tpu.dma_semaphore, #tpu.memory_space<semaphore_mem>>
      %dma_start3A_448 = arith.constant 0 : i32
      %dma_start3A_449 = arith.constant 0 : i32
      %dma_start3A_450 = tpu.memref_slice %arg8[%run_scoped3A_25, %dma_start3A_448, %dma_start3A_449] : memref<4x128x64xf32, #tpu.memory_space<vmem>> -> memref<1x128x64xf32, #tpu.memory_space<vmem>>
      %dma_start3A_451 = tpu.memref_squeeze %dma_start3A_450 : memref<1x128x64xf32, #tpu.memory_space<vmem>> -> memref<128x64xf32, #tpu.memory_space<vmem>>
      %dma_start3A_452 = arith.constant 0 : i32
      %dma_start3A_453 = tpu.memref_slice %arg9[%add3A_24, %dma_start3A_452] : memref<10240x64xf32, #tpu.memory_space<vmem_shared>> -> memref<128x64xf32, #tpu.memory_space<vmem_shared>>
      %dma_start3A_454 = arith.constant 0 : i32
      %dma_start3A_455 = tpu.memref_slice %arg9[%add3A_24, %dma_start3A_454] : memref<10240x64xf32, #tpu.memory_space<vmem_shared>> -> memref<128x64xf32, #tpu.memory_space<vmem_shared>>
      %dma_start3A_456 = arith.constant 0 : i32
      %dma_start3A_457 = arith.constant 0 : i32
      %dma_start3A_458 = tpu.memref_slice %arg8[%run_scoped3A_25, %dma_start3A_456, %dma_start3A_457] : memref<4x128x64xf32, #tpu.memory_space<vmem>> -> memref<1x128x64xf32, #tpu.memory_space<vmem>>
      %dma_start3A_459 = tpu.memref_squeeze %dma_start3A_458 : memref<1x128x64xf32, #tpu.memory_space<vmem>> -> memref<128x64xf32, #tpu.memory_space<vmem>>
      tpu.enqueue_dma source(%dma_start3A_459 : memref<128x64xf32, #tpu.memory_space<vmem>>) target(%dma_start3A_455 : memref<128x64xf32, #tpu.memory_space<vmem_shared>>) target_semaphore(%run_scoped3A_447 : memref<!tpu.dma_semaphore, #tpu.memory_space<semaphore_mem>>)
      %dma_wait3A_460 = arith.constant 0 : i32
      %dma_wait3A_461 = arith.constant 0 : i32
      %dma_wait3A_462 = tpu.memref_slice %arg8[%run_scoped3A_25, %dma_wait3A_460, %dma_wait3A_461] : memref<4x128x64xf32, #tpu.memory_space<vmem>> -> memref<1x128x64xf32, #tpu.memory_space<vmem>>
      %dma_wait3A_463 = tpu.memref_squeeze %dma_wait3A_462 : memref<1x128x64xf32, #tpu.memory_space<vmem>> -> memref<128x64xf32, #tpu.memory_space<vmem>>
      %dma_wait3A_464 = arith.constant 0 : i32
      %dma_wait3A_465 = tpu.memref_slice %arg9[%add3A_24, %dma_wait3A_464] : memref<10240x64xf32, #tpu.memory_space<vmem_shared>> -> memref<128x64xf32, #tpu.memory_space<vmem_shared>>
      %dma_wait3A_466 = arith.constant 0 : i32
      %dma_wait3A_467 = tpu.memref_slice %arg9[%add3A_24, %dma_wait3A_466] : memref<10240x64xf32, #tpu.memory_space<vmem_shared>> -> memref<128x64xf32, #tpu.memory_space<vmem_shared>>
      %dma_wait3A_468 = arith.constant 0 : i32
      %dma_wait3A_469 = arith.constant 0 : i32
      %dma_wait3A_470 = tpu.memref_slice %arg8[%run_scoped3A_25, %dma_wait3A_468, %dma_wait3A_469] : memref<4x128x64xf32, #tpu.memory_space<vmem>> -> memref<1x128x64xf32, #tpu.memory_space<vmem>>
      %dma_wait3A_471 = tpu.memref_squeeze %dma_wait3A_470 : memref<1x128x64xf32, #tpu.memory_space<vmem>> -> memref<128x64xf32, #tpu.memory_space<vmem>>
      tpu.wait_dma2 semaphore(%run_scoped3A_447 : memref<!tpu.dma_semaphore, #tpu.memory_space<semaphore_mem>>) src(%dma_wait3A_471 : memref<128x64xf32, #tpu.memory_space<vmem>>) dst(%dma_wait3A_467 : memref<128x64xf32, #tpu.memory_space<vmem_shared>>)
      tpu.yield
    }) : () -> ()
    %barrier3A = arith.constant 0 : index
    tpu.barrier barrier_id(%barrier3A)
    %dma_start3A = arith.constant 0 : i32
    %dma_start3A_26 = arith.constant 0 : i32
    %dma_start3A_27 = arith.constant 0 : i32
    %dma_start3A_28 = tpu.memref_slice %arg8[%dma_start3A, %dma_start3A_26, %dma_start3A_27] : memref<4x128x64xf32, #tpu.memory_space<vmem>> -> memref<1x128x64xf32, #tpu.memory_space<vmem>>
    %dma_start3A_29 = tpu.memref_squeeze %dma_start3A_28 : memref<1x128x64xf32, #tpu.memory_space<vmem>> -> memref<128x64xf32, #tpu.memory_space<vmem>>
    %dma_start3A_30 = arith.constant 0 : i32
    %dma_start3A_31 = tpu.memref_slice %arg6[%dma_start3A_30] : memref<20480xi32, #tpu.memory_space<vmem>> -> memref<128xi32, #tpu.memory_space<vmem>>
    %dma_start3A_32 = arith.constant 0 : i32
    %dma_start3A_33 = arith.constant 0 : i32
    %dma_start3A_34 = tpu.memref_slice %arg2[%dma_start3A_32, %dma_start3A_33] : memref<20480x64xf32, #tpu.memory_space<hbm>> -> memref<20480x64xf32, #tpu.memory_space<hbm>>
    tpu.enqueue_indirect_dma source(%dma_start3A_34 : memref<20480x64xf32, #tpu.memory_space<hbm>>) target(%dma_start3A_29 : memref<128x64xf32, #tpu.memory_space<vmem>>) offsets(%dma_start3A_31 : memref<128xi32, #tpu.memory_space<vmem>>) semaphore(%arg10 : memref<!tpu.dma_semaphore, #tpu.memory_space<semaphore_mem>>)
    %dma_start3A_35 = arith.constant 1 : i32
    %dma_start3A_36 = arith.constant 0 : i32
    %dma_start3A_37 = arith.constant 0 : i32
    %dma_start3A_38 = tpu.memref_slice %arg8[%dma_start3A_35, %dma_start3A_36, %dma_start3A_37] : memref<4x128x64xf32, #tpu.memory_space<vmem>> -> memref<1x128x64xf32, #tpu.memory_space<vmem>>
    %dma_start3A_39 = tpu.memref_squeeze %dma_start3A_38 : memref<1x128x64xf32, #tpu.memory_space<vmem>> -> memref<128x64xf32, #tpu.memory_space<vmem>>
    %dma_start3A_40 = arith.constant 128 : i32
    %dma_start3A_41 = tpu.memref_slice %arg6[%dma_start3A_40] : memref<20480xi32, #tpu.memory_space<vmem>> -> memref<128xi32, #tpu.memory_space<vmem>>
    %dma_start3A_42 = arith.constant 0 : i32
    %dma_start3A_43 = arith.constant 0 : i32
    %dma_start3A_44 = tpu.memref_slice %arg2[%dma_start3A_42, %dma_start3A_43] : memref<20480x64xf32, #tpu.memory_space<hbm>> -> memref<20480x64xf32, #tpu.memory_space<hbm>>
    tpu.enqueue_indirect_dma source(%dma_start3A_44 : memref<20480x64xf32, #tpu.memory_space<hbm>>) target(%dma_start3A_39 : memref<128x64xf32, #tpu.memory_space<vmem>>) offsets(%dma_start3A_41 : memref<128xi32, #tpu.memory_space<vmem>>) semaphore(%arg11 : memref<!tpu.dma_semaphore, #tpu.memory_space<semaphore_mem>>)
    %dma_wait3A = arith.constant 0 : i32
    %dma_wait3A_45 = arith.constant 0 : i32
    %dma_wait3A_46 = arith.constant 0 : i32
    %dma_wait3A_47 = tpu.memref_slice %arg8[%dma_wait3A, %dma_wait3A_45, %dma_wait3A_46] : memref<4x128x64xf32, #tpu.memory_space<vmem>> -> memref<1x128x64xf32, #tpu.memory_space<vmem>>
    %dma_wait3A_48 = tpu.memref_squeeze %dma_wait3A_47 : memref<1x128x64xf32, #tpu.memory_space<vmem>> -> memref<128x64xf32, #tpu.memory_space<vmem>>
    %dma_wait3A_49 = arith.constant 0 : i32
    %dma_wait3A_50 = arith.constant 0 : i32
    %dma_wait3A_51 = tpu.memref_slice %arg2[%dma_wait3A_49, %dma_wait3A_50] : memref<20480x64xf32, #tpu.memory_space<hbm>> -> memref<128x64xf32, #tpu.memory_space<hbm>>
    %dma_wait3A_52 = arith.constant 0 : i32
    %dma_wait3A_53 = arith.constant 0 : i32
    %dma_wait3A_54 = tpu.memref_slice %arg8[%dma_wait3A, %dma_wait3A_52, %dma_wait3A_53] : memref<4x128x64xf32, #tpu.memory_space<vmem>> -> memref<1x128x64xf32, #tpu.memory_space<vmem>>
    %dma_wait3A_55 = tpu.memref_squeeze %dma_wait3A_54 : memref<1x128x64xf32, #tpu.memory_space<vmem>> -> memref<128x64xf32, #tpu.memory_space<vmem>>
    %dma_wait3A_56 = arith.constant 0 : i32
    %dma_wait3A_57 = arith.constant 0 : i32
    %dma_wait3A_58 = tpu.memref_slice %arg2[%dma_wait3A_56, %dma_wait3A_57] : memref<20480x64xf32, #tpu.memory_space<hbm>> -> memref<128x64xf32, #tpu.memory_space<hbm>>
    tpu.wait_dma2 semaphore(%arg10 : memref<!tpu.dma_semaphore, #tpu.memory_space<semaphore_mem>>) src(%dma_wait3A_58 : memref<128x64xf32, #tpu.memory_space<hbm>>) dst(%dma_wait3A_55 : memref<128x64xf32, #tpu.memory_space<vmem>>)
    %dma_start3A_59 = arith.constant 0 : i32
    %dma_start3A_60 = arith.constant 0 : i32
    %dma_start3A_61 = arith.constant 0 : i32
    %dma_start3A_62 = arith.constant 0 : i32
    %dma_start3A_63 = tpu.memref_slice %arg8[%dma_start3A_59, %dma_start3A_61, %dma_start3A_62] : memref<4x128x64xf32, #tpu.memory_space<vmem>> -> memref<1x128x64xf32, #tpu.memory_space<vmem>>
    %dma_start3A_64 = tpu.memref_squeeze %dma_start3A_63 : memref<1x128x64xf32, #tpu.memory_space<vmem>> -> memref<128x64xf32, #tpu.memory_space<vmem>>
    %dma_start3A_65 = arith.constant 0 : i32
    %dma_start3A_66 = tpu.memref_slice %arg7[%dma_start3A_60, %dma_start3A_65] : memref<160x128xi32, #tpu.memory_space<vmem>> -> memref<1x128xi32, #tpu.memory_space<vmem>>
    %dma_start3A_67 = tpu.memref_squeeze %dma_start3A_66 : memref<1x128xi32, #tpu.memory_space<vmem>> -> memref<128xi32, #tpu.memory_space<vmem>>
    %dma_start3A_68 = arith.constant 0 : i32
    %dma_start3A_69 = arith.constant 0 : i32
    %dma_start3A_70 = tpu.memref_slice %arg9[%dma_start3A_68, %dma_start3A_69] : memref<10240x64xf32, #tpu.memory_space<vmem_shared>> -> memref<10240x64xf32, #tpu.memory_space<vmem_shared>>
    tpu.enqueue_indirect_dma source(%dma_start3A_64 : memref<128x64xf32, #tpu.memory_space<vmem>>) target(%dma_start3A_70 : memref<10240x64xf32, #tpu.memory_space<vmem_shared>>) offsets(%dma_start3A_67 : memref<128xi32, #tpu.memory_space<vmem>>) semaphore(%arg14 : memref<!tpu.dma_semaphore, #tpu.memory_space<semaphore_mem>>) {add = true}
    %dma_start3A_71 = arith.constant 2 : i32
    %dma_start3A_72 = arith.constant 0 : i32
    %dma_start3A_73 = arith.constant 0 : i32
    %dma_start3A_74 = tpu.memref_slice %arg8[%dma_start3A_71, %dma_start3A_72, %dma_start3A_73] : memref<4x128x64xf32, #tpu.memory_space<vmem>> -> memref<1x128x64xf32, #tpu.memory_space<vmem>>
    %dma_start3A_75 = tpu.memref_squeeze %dma_start3A_74 : memref<1x128x64xf32, #tpu.memory_space<vmem>> -> memref<128x64xf32, #tpu.memory_space<vmem>>
    %dma_start3A_76 = arith.constant 256 : i32
    %dma_start3A_77 = tpu.memref_slice %arg6[%dma_start3A_76] : memref<20480xi32, #tpu.memory_space<vmem>> -> memref<128xi32, #tpu.memory_space<vmem>>
    %dma_start3A_78 = arith.constant 0 : i32
    %dma_start3A_79 = arith.constant 0 : i32
    %dma_start3A_80 = tpu.memref_slice %arg2[%dma_start3A_78, %dma_start3A_79] : memref<20480x64xf32, #tpu.memory_space<hbm>> -> memref<20480x64xf32, #tpu.memory_space<hbm>>
    tpu.enqueue_indirect_dma source(%dma_start3A_80 : memref<20480x64xf32, #tpu.memory_space<hbm>>) target(%dma_start3A_75 : memref<128x64xf32, #tpu.memory_space<vmem>>) offsets(%dma_start3A_77 : memref<128xi32, #tpu.memory_space<vmem>>) semaphore(%arg12 : memref<!tpu.dma_semaphore, #tpu.memory_space<semaphore_mem>>)
    %dma_wait3A_81 = arith.constant 1 : i32
    %dma_wait3A_82 = arith.constant 0 : i32
    %dma_wait3A_83 = arith.constant 0 : i32
    %dma_wait3A_84 = tpu.memref_slice %arg8[%dma_wait3A_81, %dma_wait3A_82, %dma_wait3A_83] : memref<4x128x64xf32, #tpu.memory_space<vmem>> -> memref<1x128x64xf32, #tpu.memory_space<vmem>>
    %dma_wait3A_85 = tpu.memref_squeeze %dma_wait3A_84 : memref<1x128x64xf32, #tpu.memory_space<vmem>> -> memref<128x64xf32, #tpu.memory_space<vmem>>
    %dma_wait3A_86 = arith.constant 0 : i32
    %dma_wait3A_87 = arith.constant 0 : i32
    %dma_wait3A_88 = tpu.memref_slice %arg2[%dma_wait3A_86, %dma_wait3A_87] : memref<20480x64xf32, #tpu.memory_space<hbm>> -> memref<128x64xf32, #tpu.memory_space<hbm>>
    %dma_wait3A_89 = arith.constant 0 : i32
    %dma_wait3A_90 = arith.constant 0 : i32
    %dma_wait3A_91 = tpu.memref_slice %arg8[%dma_wait3A_81, %dma_wait3A_89, %dma_wait3A_90] : memref<4x128x64xf32, #tpu.memory_space<vmem>> -> memref<1x128x64xf32, #tpu.memory_space<vmem>>
    %dma_wait3A_92 = tpu.memref_squeeze %dma_wait3A_91 : memref<1x128x64xf32, #tpu.memory_space<vmem>> -> memref<128x64xf32, #tpu.memory_space<vmem>>
    %dma_wait3A_93 = arith.constant 0 : i32
    %dma_wait3A_94 = arith.constant 0 : i32
    %dma_wait3A_95 = tpu.memref_slice %arg2[%dma_wait3A_93, %dma_wait3A_94] : memref<20480x64xf32, #tpu.memory_space<hbm>> -> memref<128x64xf32, #tpu.memory_space<hbm>>
    tpu.wait_dma2 semaphore(%arg11 : memref<!tpu.dma_semaphore, #tpu.memory_space<semaphore_mem>>) src(%dma_wait3A_95 : memref<128x64xf32, #tpu.memory_space<hbm>>) dst(%dma_wait3A_92 : memref<128x64xf32, #tpu.memory_space<vmem>>)
    %dma_start3A_96 = arith.constant 1 : i32
    %dma_start3A_97 = arith.constant 1 : i32
    %dma_start3A_98 = arith.constant 0 : i32
    %dma_start3A_99 = arith.constant 0 : i32
    %dma_start3A_100 = tpu.memref_slice %arg8[%dma_start3A_96, %dma_start3A_98, %dma_start3A_99] : memref<4x128x64xf32, #tpu.memory_space<vmem>> -> memref<1x128x64xf32, #tpu.memory_space<vmem>>
    %dma_start3A_101 = tpu.memref_squeeze %dma_start3A_100 : memref<1x128x64xf32, #tpu.memory_space<vmem>> -> memref<128x64xf32, #tpu.memory_space<vmem>>
    %dma_start3A_102 = arith.constant 0 : i32
    %dma_start3A_103 = tpu.memref_slice %arg7[%dma_start3A_97, %dma_start3A_102] : memref<160x128xi32, #tpu.memory_space<vmem>> -> memref<1x128xi32, #tpu.memory_space<vmem>>
    %dma_start3A_104 = tpu.memref_squeeze %dma_start3A_103 : memref<1x128xi32, #tpu.memory_space<vmem>> -> memref<128xi32, #tpu.memory_space<vmem>>
    %dma_start3A_105 = arith.constant 0 : i32
    %dma_start3A_106 = arith.constant 0 : i32
    %dma_start3A_107 = tpu.memref_slice %arg9[%dma_start3A_105, %dma_start3A_106] : memref<10240x64xf32, #tpu.memory_space<vmem_shared>> -> memref<10240x64xf32, #tpu.memory_space<vmem_shared>>
    tpu.enqueue_indirect_dma source(%dma_start3A_101 : memref<128x64xf32, #tpu.memory_space<vmem>>) target(%dma_start3A_107 : memref<10240x64xf32, #tpu.memory_space<vmem_shared>>) offsets(%dma_start3A_104 : memref<128xi32, #tpu.memory_space<vmem>>) semaphore(%arg15 : memref<!tpu.dma_semaphore, #tpu.memory_space<semaphore_mem>>) {add = true}
    %dma_start3A_108 = arith.constant 3 : i32
    %dma_start3A_109 = arith.constant 0 : i32
    %dma_start3A_110 = arith.constant 0 : i32
    %dma_start3A_111 = tpu.memref_slice %arg8[%dma_start3A_108, %dma_start3A_109, %dma_start3A_110] : memref<4x128x64xf32, #tpu.memory_space<vmem>> -> memref<1x128x64xf32, #tpu.memory_space<vmem>>
    %dma_start3A_112 = tpu.memref_squeeze %dma_start3A_111 : memref<1x128x64xf32, #tpu.memory_space<vmem>> -> memref<128x64xf32, #tpu.memory_space<vmem>>
    %dma_start3A_113 = arith.constant 384 : i32
    %dma_start3A_114 = tpu.memref_slice %arg6[%dma_start3A_113] : memref<20480xi32, #tpu.memory_space<vmem>> -> memref<128xi32, #tpu.memory_space<vmem>>
    %dma_start3A_115 = arith.constant 0 : i32
    %dma_start3A_116 = arith.constant 0 : i32
    %dma_start3A_117 = tpu.memref_slice %arg2[%dma_start3A_115, %dma_start3A_116] : memref<20480x64xf32, #tpu.memory_space<hbm>> -> memref<20480x64xf32, #tpu.memory_space<hbm>>
    tpu.enqueue_indirect_dma source(%dma_start3A_117 : memref<20480x64xf32, #tpu.memory_space<hbm>>) target(%dma_start3A_112 : memref<128x64xf32, #tpu.memory_space<vmem>>) offsets(%dma_start3A_114 : memref<128xi32, #tpu.memory_space<vmem>>) semaphore(%arg13 : memref<!tpu.dma_semaphore, #tpu.memory_space<semaphore_mem>>)
    %dma_wait3A_118 = arith.constant 2 : i32
    %dma_wait3A_119 = arith.constant 0 : i32
    %dma_wait3A_120 = arith.constant 0 : i32
    %dma_wait3A_121 = tpu.memref_slice %arg8[%dma_wait3A_118, %dma_wait3A_119, %dma_wait3A_120] : memref<4x128x64xf32, #tpu.memory_space<vmem>> -> memref<1x128x64xf32, #tpu.memory_space<vmem>>
    %dma_wait3A_122 = tpu.memref_squeeze %dma_wait3A_121 : memref<1x128x64xf32, #tpu.memory_space<vmem>> -> memref<128x64xf32, #tpu.memory_space<vmem>>
    %dma_wait3A_123 = arith.constant 0 : i32
    %dma_wait3A_124 = arith.constant 0 : i32
    %dma_wait3A_125 = tpu.memref_slice %arg2[%dma_wait3A_123, %dma_wait3A_124] : memref<20480x64xf32, #tpu.memory_space<hbm>> -> memref<128x64xf32, #tpu.memory_space<hbm>>
    %dma_wait3A_126 = arith.constant 0 : i32
    %dma_wait3A_127 = arith.constant 0 : i32
    %dma_wait3A_128 = tpu.memref_slice %arg8[%dma_wait3A_118, %dma_wait3A_126, %dma_wait3A_127] : memref<4x128x64xf32, #tpu.memory_space<vmem>> -> memref<1x128x64xf32, #tpu.memory_space<vmem>>
    %dma_wait3A_129 = tpu.memref_squeeze %dma_wait3A_128 : memref<1x128x64xf32, #tpu.memory_space<vmem>> -> memref<128x64xf32, #tpu.memory_space<vmem>>
    %dma_wait3A_130 = arith.constant 0 : i32
    %dma_wait3A_131 = arith.constant 0 : i32
    %dma_wait3A_132 = tpu.memref_slice %arg2[%dma_wait3A_130, %dma_wait3A_131] : memref<20480x64xf32, #tpu.memory_space<hbm>> -> memref<128x64xf32, #tpu.memory_space<hbm>>
    tpu.wait_dma2 semaphore(%arg12 : memref<!tpu.dma_semaphore, #tpu.memory_space<semaphore_mem>>) src(%dma_wait3A_132 : memref<128x64xf32, #tpu.memory_space<hbm>>) dst(%dma_wait3A_129 : memref<128x64xf32, #tpu.memory_space<vmem>>)
    %dma_start3A_133 = arith.constant 2 : i32
    %dma_start3A_134 = arith.constant 2 : i32
    %dma_start3A_135 = arith.constant 0 : i32
    %dma_start3A_136 = arith.constant 0 : i32
    %dma_start3A_137 = tpu.memref_slice %arg8[%dma_start3A_133, %dma_start3A_135, %dma_start3A_136] : memref<4x128x64xf32, #tpu.memory_space<vmem>> -> memref<1x128x64xf32, #tpu.memory_space<vmem>>
    %dma_start3A_138 = tpu.memref_squeeze %dma_start3A_137 : memref<1x128x64xf32, #tpu.memory_space<vmem>> -> memref<128x64xf32, #tpu.memory_space<vmem>>
    %dma_start3A_139 = arith.constant 0 : i32
    %dma_start3A_140 = tpu.memref_slice %arg7[%dma_start3A_134, %dma_start3A_139] : memref<160x128xi32, #tpu.memory_space<vmem>> -> memref<1x128xi32, #tpu.memory_space<vmem>>
    %dma_start3A_141 = tpu.memref_squeeze %dma_start3A_140 : memref<1x128xi32, #tpu.memory_space<vmem>> -> memref<128xi32, #tpu.memory_space<vmem>>
    %dma_start3A_142 = arith.constant 0 : i32
    %dma_start3A_143 = arith.constant 0 : i32
    %dma_start3A_144 = tpu.memref_slice %arg9[%dma_start3A_142, %dma_start3A_143] : memref<10240x64xf32, #tpu.memory_space<vmem_shared>> -> memref<10240x64xf32, #tpu.memory_space<vmem_shared>>
    tpu.enqueue_indirect_dma source(%dma_start3A_138 : memref<128x64xf32, #tpu.memory_space<vmem>>) target(%dma_start3A_144 : memref<10240x64xf32, #tpu.memory_space<vmem_shared>>) offsets(%dma_start3A_141 : memref<128xi32, #tpu.memory_space<vmem>>) semaphore(%arg16 : memref<!tpu.dma_semaphore, #tpu.memory_space<semaphore_mem>>) {add = true}
    %dma_wait3A_145 = arith.constant 0 : i32
    %dma_wait3A_146 = arith.constant 0 : i32
    %dma_wait3A_147 = arith.constant 0 : i32
    %dma_wait3A_148 = tpu.memref_slice %arg8[%dma_wait3A_145, %dma_wait3A_146, %dma_wait3A_147] : memref<4x128x64xf32, #tpu.memory_space<vmem>> -> memref<1x128x64xf32, #tpu.memory_space<vmem>>
    %dma_wait3A_149 = tpu.memref_squeeze %dma_wait3A_148 : memref<1x128x64xf32, #tpu.memory_space<vmem>> -> memref<128x64xf32, #tpu.memory_space<vmem>>
    %dma_wait3A_150 = arith.constant 0 : i32
    %dma_wait3A_151 = arith.constant 0 : i32
    %dma_wait3A_152 = tpu.memref_slice %arg2[%dma_wait3A_150, %dma_wait3A_151] : memref<20480x64xf32, #tpu.memory_space<hbm>> -> memref<128x64xf32, #tpu.memory_space<hbm>>
    %dma_wait3A_153 = arith.constant 0 : i32
    %dma_wait3A_154 = arith.constant 0 : i32
    %dma_wait3A_155 = tpu.memref_slice %arg8[%dma_wait3A_145, %dma_wait3A_153, %dma_wait3A_154] : memref<4x128x64xf32, #tpu.memory_space<vmem>> -> memref<1x128x64xf32, #tpu.memory_space<vmem>>
    %dma_wait3A_156 = tpu.memref_squeeze %dma_wait3A_155 : memref<1x128x64xf32, #tpu.memory_space<vmem>> -> memref<128x64xf32, #tpu.memory_space<vmem>>
    %dma_wait3A_157 = arith.constant 0 : i32
    %dma_wait3A_158 = arith.constant 0 : i32
    %dma_wait3A_159 = tpu.memref_slice %arg2[%dma_wait3A_157, %dma_wait3A_158] : memref<20480x64xf32, #tpu.memory_space<hbm>> -> memref<128x64xf32, #tpu.memory_space<hbm>>
    tpu.wait_dma2 semaphore(%arg14 : memref<!tpu.dma_semaphore, #tpu.memory_space<semaphore_mem>>) src(%dma_wait3A_159 : memref<128x64xf32, #tpu.memory_space<hbm>>) dst(%dma_wait3A_156 : memref<128x64xf32, #tpu.memory_space<vmem>>)
    %dma_start3A_160 = arith.constant 0 : i32
    %dma_start3A_161 = arith.constant 0 : i32
    %dma_start3A_162 = arith.constant 0 : i32
    %dma_start3A_163 = tpu.memref_slice %arg8[%dma_start3A_160, %dma_start3A_161, %dma_start3A_162] : memref<4x128x64xf32, #tpu.memory_space<vmem>> -> memref<1x128x64xf32, #tpu.memory_space<vmem>>
    %dma_start3A_164 = tpu.memref_squeeze %dma_start3A_163 : memref<1x128x64xf32, #tpu.memory_space<vmem>> -> memref<128x64xf32, #tpu.memory_space<vmem>>
    %dma_start3A_165 = arith.constant 512 : i32
    %dma_start3A_166 = tpu.memref_slice %arg6[%dma_start3A_165] : memref<20480xi32, #tpu.memory_space<vmem>> -> memref<128xi32, #tpu.memory_space<vmem>>
    %dma_start3A_167 = arith.constant 0 : i32
    %dma_start3A_168 = arith.constant 0 : i32
    %dma_start3A_169 = tpu.memref_slice %arg2[%dma_start3A_167, %dma_start3A_168] : memref<20480x64xf32, #tpu.memory_space<hbm>> -> memref<20480x64xf32, #tpu.memory_space<hbm>>
    tpu.enqueue_indirect_dma source(%dma_start3A_169 : memref<20480x64xf32, #tpu.memory_space<hbm>>) target(%dma_start3A_164 : memref<128x64xf32, #tpu.memory_space<vmem>>) offsets(%dma_start3A_166 : memref<128xi32, #tpu.memory_space<vmem>>) semaphore(%arg10 : memref<!tpu.dma_semaphore, #tpu.memory_space<semaphore_mem>>)
    %dma_wait3A_170 = arith.constant 3 : i32
    %dma_wait3A_171 = arith.constant 0 : i32
    %dma_wait3A_172 = arith.constant 0 : i32
    %dma_wait3A_173 = tpu.memref_slice %arg8[%dma_wait3A_170, %dma_wait3A_171, %dma_wait3A_172] : memref<4x128x64xf32, #tpu.memory_space<vmem>> -> memref<1x128x64xf32, #tpu.memory_space<vmem>>
    %dma_wait3A_174 = tpu.memref_squeeze %dma_wait3A_173 : memref<1x128x64xf32, #tpu.memory_space<vmem>> -> memref<128x64xf32, #tpu.memory_space<vmem>>
    %dma_wait3A_175 = arith.constant 0 : i32
    %dma_wait3A_176 = arith.constant 0 : i32
    %dma_wait3A_177 = tpu.memref_slice %arg2[%dma_wait3A_175, %dma_wait3A_176] : memref<20480x64xf32, #tpu.memory_space<hbm>> -> memref<128x64xf32, #tpu.memory_space<hbm>>
    %dma_wait3A_178 = arith.constant 0 : i32
    %dma_wait3A_179 = arith.constant 0 : i32
    %dma_wait3A_180 = tpu.memref_slice %arg8[%dma_wait3A_170, %dma_wait3A_178, %dma_wait3A_179] : memref<4x128x64xf32, #tpu.memory_space<vmem>> -> memref<1x128x64xf32, #tpu.memory_space<vmem>>
    %dma_wait3A_181 = tpu.memref_squeeze %dma_wait3A_180 : memref<1x128x64xf32, #tpu.memory_space<vmem>> -> memref<128x64xf32, #tpu.memory_space<vmem>>
    %dma_wait3A_182 = arith.constant 0 : i32
    %dma_wait3A_183 = arith.constant 0 : i32
    %dma_wait3A_184 = tpu.memref_slice %arg2[%dma_wait3A_182, %dma_wait3A_183] : memref<20480x64xf32, #tpu.memory_space<hbm>> -> memref<128x64xf32, #tpu.memory_space<hbm>>
    tpu.wait_dma2 semaphore(%arg13 : memref<!tpu.dma_semaphore, #tpu.memory_space<semaphore_mem>>) src(%dma_wait3A_184 : memref<128x64xf32, #tpu.memory_space<hbm>>) dst(%dma_wait3A_181 : memref<128x64xf32, #tpu.memory_space<vmem>>)
    %dma_start3A_185 = arith.constant 3 : i32
    %dma_start3A_186 = arith.constant 3 : i32
    %dma_start3A_187 = arith.constant 0 : i32
    %dma_start3A_188 = arith.constant 0 : i32
    %dma_start3A_189 = tpu.memref_slice %arg8[%dma_start3A_185, %dma_start3A_187, %dma_start3A_188] : memref<4x128x64xf32, #tpu.memory_space<vmem>> -> memref<1x128x64xf32, #tpu.memory_space<vmem>>
    %dma_start3A_190 = tpu.memref_squeeze %dma_start3A_189 : memref<1x128x64xf32, #tpu.memory_space<vmem>> -> memref<128x64xf32, #tpu.memory_space<vmem>>
    %dma_start3A_191 = arith.constant 0 : i32
    %dma_start3A_192 = tpu.memref_slice %arg7[%dma_start3A_186, %dma_start3A_191] : memref<160x128xi32, #tpu.memory_space<vmem>> -> memref<1x128xi32, #tpu.memory_space<vmem>>
    %dma_start3A_193 = tpu.memref_squeeze %dma_start3A_192 : memref<1x128xi32, #tpu.memory_space<vmem>> -> memref<128xi32, #tpu.memory_space<vmem>>
    %dma_start3A_194 = arith.constant 0 : i32
    %dma_start3A_195 = arith.constant 0 : i32
    %dma_start3A_196 = tpu.memref_slice %arg9[%dma_start3A_194, %dma_start3A_195] : memref<10240x64xf32, #tpu.memory_space<vmem_shared>> -> memref<10240x64xf32, #tpu.memory_space<vmem_shared>>
    tpu.enqueue_indirect_dma source(%dma_start3A_190 : memref<128x64xf32, #tpu.memory_space<vmem>>) target(%dma_start3A_196 : memref<10240x64xf32, #tpu.memory_space<vmem_shared>>) offsets(%dma_start3A_193 : memref<128xi32, #tpu.memory_space<vmem>>) semaphore(%arg17 : memref<!tpu.dma_semaphore, #tpu.memory_space<semaphore_mem>>) {add = true}
    %dma_wait3A_197 = arith.constant 1 : i32
    %dma_wait3A_198 = arith.constant 0 : i32
    %dma_wait3A_199 = arith.constant 0 : i32
    %dma_wait3A_200 = tpu.memref_slice %arg8[%dma_wait3A_197, %dma_wait3A_198, %dma_wait3A_199] : memref<4x128x64xf32, #tpu.memory_space<vmem>> -> memref<1x128x64xf32, #tpu.memory_space<vmem>>
    %dma_wait3A_201 = tpu.memref_squeeze %dma_wait3A_200 : memref<1x128x64xf32, #tpu.memory_space<vmem>> -> memref<128x64xf32, #tpu.memory_space<vmem>>
    %dma_wait3A_202 = arith.constant 0 : i32
    %dma_wait3A_203 = arith.constant 0 : i32
    %dma_wait3A_204 = tpu.memref_slice %arg2[%dma_wait3A_202, %dma_wait3A_203] : memref<20480x64xf32, #tpu.memory_space<hbm>> -> memref<128x64xf32, #tpu.memory_space<hbm>>
    %dma_wait3A_205 = arith.constant 0 : i32
    %dma_wait3A_206 = arith.constant 0 : i32
    %dma_wait3A_207 = tpu.memref_slice %arg8[%dma_wait3A_197, %dma_wait3A_205, %dma_wait3A_206] : memref<4x128x64xf32, #tpu.memory_space<vmem>> -> memref<1x128x64xf32, #tpu.memory_space<vmem>>
    %dma_wait3A_208 = tpu.memref_squeeze %dma_wait3A_207 : memref<1x128x64xf32, #tpu.memory_space<vmem>> -> memref<128x64xf32, #tpu.memory_space<vmem>>
    %dma_wait3A_209 = arith.constant 0 : i32
    %dma_wait3A_210 = arith.constant 0 : i32
    %dma_wait3A_211 = tpu.memref_slice %arg2[%dma_wait3A_209, %dma_wait3A_210] : memref<20480x64xf32, #tpu.memory_space<hbm>> -> memref<128x64xf32, #tpu.memory_space<hbm>>
    tpu.wait_dma2 semaphore(%arg15 : memref<!tpu.dma_semaphore, #tpu.memory_space<semaphore_mem>>) src(%dma_wait3A_211 : memref<128x64xf32, #tpu.memory_space<hbm>>) dst(%dma_wait3A_208 : memref<128x64xf32, #tpu.memory_space<vmem>>)
    %dma_start3A_212 = arith.constant 1 : i32
    %dma_start3A_213 = arith.constant 0 : i32
    %dma_start3A_214 = arith.constant 0 : i32
    %dma_start3A_215 = tpu.memref_slice %arg8[%dma_start3A_212, %dma_start3A_213, %dma_start3A_214] : memref<4x128x64xf32, #tpu.memory_space<vmem>> -> memref<1x128x64xf32, #tpu.memory_space<vmem>>
    %dma_start3A_216 = tpu.memref_squeeze %dma_start3A_215 : memref<1x128x64xf32, #tpu.memory_space<vmem>> -> memref<128x64xf32, #tpu.memory_space<vmem>>
    %dma_start3A_217 = arith.constant 640 : i32
    %dma_start3A_218 = tpu.memref_slice %arg6[%dma_start3A_217] : memref<20480xi32, #tpu.memory_space<vmem>> -> memref<128xi32, #tpu.memory_space<vmem>>
    %dma_start3A_219 = arith.constant 0 : i32
    %dma_start3A_220 = arith.constant 0 : i32
    %dma_start3A_221 = tpu.memref_slice %arg2[%dma_start3A_219, %dma_start3A_220] : memref<20480x64xf32, #tpu.memory_space<hbm>> -> memref<20480x64xf32, #tpu.memory_space<hbm>>
    tpu.enqueue_indirect_dma source(%dma_start3A_221 : memref<20480x64xf32, #tpu.memory_space<hbm>>) target(%dma_start3A_216 : memref<128x64xf32, #tpu.memory_space<vmem>>) offsets(%dma_start3A_218 : memref<128xi32, #tpu.memory_space<vmem>>) semaphore(%arg11 : memref<!tpu.dma_semaphore, #tpu.memory_space<semaphore_mem>>)
    %scan3A_222 = arith.constant 0 : i32
    %scan3A_223 = arith.constant 1 : i32
    %scan3A_224 = arith.constant 38 : i32
    %scan3A_225 = arith.addi %scan3A_223, %scan3A_224 : i32
    %scan3A_226 = arith.constant 1 : i32
    scf.for %scan3A_447 = %scan3A_223 to %scan3A_225 step %scan3A_226  : i32 {
      %mul3A_448 = arith.constant 4 : i32
      %mul3A_449 = arith.muli %scan3A_447, %mul3A_448 : i32
      %dma_wait3A_450 = arith.constant 0 : i32
      %dma_wait3A_451 = arith.constant 0 : i32
      %dma_wait3A_452 = arith.constant 0 : i32
      %dma_wait3A_453 = tpu.memref_slice %arg8[%dma_wait3A_450, %dma_wait3A_451, %dma_wait3A_452] : memref<4x128x64xf32, #tpu.memory_space<vmem>> -> memref<1x128x64xf32, #tpu.memory_space<vmem>>
      %dma_wait3A_454 = tpu.memref_squeeze %dma_wait3A_453 : memref<1x128x64xf32, #tpu.memory_space<vmem>> -> memref<128x64xf32, #tpu.memory_space<vmem>>
      %dma_wait3A_455 = arith.constant 0 : i32
      %dma_wait3A_456 = arith.constant 0 : i32
      %dma_wait3A_457 = tpu.memref_slice %arg2[%dma_wait3A_455, %dma_wait3A_456] : memref<20480x64xf32, #tpu.memory_space<hbm>> -> memref<128x64xf32, #tpu.memory_space<hbm>>
      %dma_wait3A_458 = arith.constant 0 : i32
      %dma_wait3A_459 = arith.constant 0 : i32
      %dma_wait3A_460 = tpu.memref_slice %arg8[%dma_wait3A_450, %dma_wait3A_458, %dma_wait3A_459] : memref<4x128x64xf32, #tpu.memory_space<vmem>> -> memref<1x128x64xf32, #tpu.memory_space<vmem>>
      %dma_wait3A_461 = tpu.memref_squeeze %dma_wait3A_460 : memref<1x128x64xf32, #tpu.memory_space<vmem>> -> memref<128x64xf32, #tpu.memory_space<vmem>>
      %dma_wait3A_462 = arith.constant 0 : i32
      %dma_wait3A_463 = arith.constant 0 : i32
      %dma_wait3A_464 = tpu.memref_slice %arg2[%dma_wait3A_462, %dma_wait3A_463] : memref<20480x64xf32, #tpu.memory_space<hbm>> -> memref<128x64xf32, #tpu.memory_space<hbm>>
      tpu.wait_dma2 semaphore(%arg10 : memref<!tpu.dma_semaphore, #tpu.memory_space<semaphore_mem>>) src(%dma_wait3A_464 : memref<128x64xf32, #tpu.memory_space<hbm>>) dst(%dma_wait3A_461 : memref<128x64xf32, #tpu.memory_space<vmem>>)
      %add3A_465 = arith.constant 0 : i32
      %add3A_466 = arith.addi %mul3A_449, %add3A_465 : i32
      %dma_start3A_467 = arith.constant 0 : i32
      %dma_start3A_468 = arith.constant 0 : i32
      %dma_start3A_469 = arith.constant 0 : i32
      %dma_start3A_470 = tpu.memref_slice %arg8[%dma_start3A_467, %dma_start3A_468, %dma_start3A_469] : memref<4x128x64xf32, #tpu.memory_space<vmem>> -> memref<1x128x64xf32, #tpu.memory_space<vmem>>
      %dma_start3A_471 = tpu.memref_squeeze %dma_start3A_470 : memref<1x128x64xf32, #tpu.memory_space<vmem>> -> memref<128x64xf32, #tpu.memory_space<vmem>>
      %dma_start3A_472 = arith.constant 0 : i32
      %dma_start3A_473 = tpu.memref_slice %arg7[%add3A_466, %dma_start3A_472] : memref<160x128xi32, #tpu.memory_space<vmem>> -> memref<1x128xi32, #tpu.memory_space<vmem>>
      %dma_start3A_474 = tpu.memref_squeeze %dma_start3A_473 : memref<1x128xi32, #tpu.memory_space<vmem>> -> memref<128xi32, #tpu.memory_space<vmem>>
      %dma_start3A_475 = arith.constant 0 : i32
      %dma_start3A_476 = arith.constant 0 : i32
      %dma_start3A_477 = tpu.memref_slice %arg9[%dma_start3A_475, %dma_start3A_476] : memref<10240x64xf32, #tpu.memory_space<vmem_shared>> -> memref<10240x64xf32, #tpu.memory_space<vmem_shared>>
      tpu.enqueue_indirect_dma source(%dma_start3A_471 : memref<128x64xf32, #tpu.memory_space<vmem>>) target(%dma_start3A_477 : memref<10240x64xf32, #tpu.memory_space<vmem_shared>>) offsets(%dma_start3A_474 : memref<128xi32, #tpu.memory_space<vmem>>) semaphore(%arg14 : memref<!tpu.dma_semaphore, #tpu.memory_space<semaphore_mem>>) {add = true}
      %dma_wait3A_478 = arith.constant 2 : i32
      %dma_wait3A_479 = arith.constant 0 : i32
      %dma_wait3A_480 = arith.constant 0 : i32
      %dma_wait3A_481 = tpu.memref_slice %arg8[%dma_wait3A_478, %dma_wait3A_479, %dma_wait3A_480] : memref<4x128x64xf32, #tpu.memory_space<vmem>> -> memref<1x128x64xf32, #tpu.memory_space<vmem>>
      %dma_wait3A_482 = tpu.memref_squeeze %dma_wait3A_481 : memref<1x128x64xf32, #tpu.memory_space<vmem>> -> memref<128x64xf32, #tpu.memory_space<vmem>>
      %dma_wait3A_483 = arith.constant 0 : i32
      %dma_wait3A_484 = arith.constant 0 : i32
      %dma_wait3A_485 = tpu.memref_slice %arg2[%dma_wait3A_483, %dma_wait3A_484] : memref<20480x64xf32, #tpu.memory_space<hbm>> -> memref<128x64xf32, #tpu.memory_space<hbm>>
      %dma_wait3A_486 = arith.constant 0 : i32
      %dma_wait3A_487 = arith.constant 0 : i32
      %dma_wait3A_488 = tpu.memref_slice %arg8[%dma_wait3A_478, %dma_wait3A_486, %dma_wait3A_487] : memref<4x128x64xf32, #tpu.memory_space<vmem>> -> memref<1x128x64xf32, #tpu.memory_space<vmem>>
      %dma_wait3A_489 = tpu.memref_squeeze %dma_wait3A_488 : memref<1x128x64xf32, #tpu.memory_space<vmem>> -> memref<128x64xf32, #tpu.memory_space<vmem>>
      %dma_wait3A_490 = arith.constant 0 : i32
      %dma_wait3A_491 = arith.constant 0 : i32
      %dma_wait3A_492 = tpu.memref_slice %arg2[%dma_wait3A_490, %dma_wait3A_491] : memref<20480x64xf32, #tpu.memory_space<hbm>> -> memref<128x64xf32, #tpu.memory_space<hbm>>
      tpu.wait_dma2 semaphore(%arg16 : memref<!tpu.dma_semaphore, #tpu.memory_space<semaphore_mem>>) src(%dma_wait3A_492 : memref<128x64xf32, #tpu.memory_space<hbm>>) dst(%dma_wait3A_489 : memref<128x64xf32, #tpu.memory_space<vmem>>)
      %add3A_493 = arith.constant 0 : i32
      %add3A_494 = arith.addi %mul3A_449, %add3A_493 : i32
      %add3A_495 = arith.constant 2 : i32
      %add3A_496 = arith.addi %add3A_494, %add3A_495 : i32
      %mul3A_497 = arith.constant 128 : i32
      %mul3A_498 = arith.muli %add3A_496, %mul3A_497 : i32
      %dma_start3A_499 = arith.constant 2 : i32
      %dma_start3A_500 = arith.constant 0 : i32
      %dma_start3A_501 = arith.constant 0 : i32
      %dma_start3A_502 = tpu.memref_slice %arg8[%dma_start3A_499, %dma_start3A_500, %dma_start3A_501] : memref<4x128x64xf32, #tpu.memory_space<vmem>> -> memref<1x128x64xf32, #tpu.memory_space<vmem>>
      %dma_start3A_503 = tpu.memref_squeeze %dma_start3A_502 : memref<1x128x64xf32, #tpu.memory_space<vmem>> -> memref<128x64xf32, #tpu.memory_space<vmem>>
      %dma_start3A_504 = tpu.memref_slice %arg6[%mul3A_498] : memref<20480xi32, #tpu.memory_space<vmem>> -> memref<128xi32, #tpu.memory_space<vmem>>
      %dma_start3A_505 = arith.constant 0 : i32
      %dma_start3A_506 = arith.constant 0 : i32
      %dma_start3A_507 = tpu.memref_slice %arg2[%dma_start3A_505, %dma_start3A_506] : memref<20480x64xf32, #tpu.memory_space<hbm>> -> memref<20480x64xf32, #tpu.memory_space<hbm>>
      tpu.enqueue_indirect_dma source(%dma_start3A_507 : memref<20480x64xf32, #tpu.memory_space<hbm>>) target(%dma_start3A_503 : memref<128x64xf32, #tpu.memory_space<vmem>>) offsets(%dma_start3A_504 : memref<128xi32, #tpu.memory_space<vmem>>) semaphore(%arg12 : memref<!tpu.dma_semaphore, #tpu.memory_space<semaphore_mem>>)
      %dma_wait3A_508 = arith.constant 1 : i32
      %dma_wait3A_509 = arith.constant 0 : i32
      %dma_wait3A_510 = arith.constant 0 : i32
      %dma_wait3A_511 = tpu.memref_slice %arg8[%dma_wait3A_508, %dma_wait3A_509, %dma_wait3A_510] : memref<4x128x64xf32, #tpu.memory_space<vmem>> -> memref<1x128x64xf32, #tpu.memory_space<vmem>>
      %dma_wait3A_512 = tpu.memref_squeeze %dma_wait3A_511 : memref<1x128x64xf32, #tpu.memory_space<vmem>> -> memref<128x64xf32, #tpu.memory_space<vmem>>
      %dma_wait3A_513 = arith.constant 0 : i32
      %dma_wait3A_514 = arith.constant 0 : i32
      %dma_wait3A_515 = tpu.memref_slice %arg2[%dma_wait3A_513, %dma_wait3A_514] : memref<20480x64xf32, #tpu.memory_space<hbm>> -> memref<128x64xf32, #tpu.memory_space<hbm>>
      %dma_wait3A_516 = arith.constant 0 : i32
      %dma_wait3A_517 = arith.constant 0 : i32
      %dma_wait3A_518 = tpu.memref_slice %arg8[%dma_wait3A_508, %dma_wait3A_516, %dma_wait3A_517] : memref<4x128x64xf32, #tpu.memory_space<vmem>> -> memref<1x128x64xf32, #tpu.memory_space<vmem>>
      %dma_wait3A_519 = tpu.memref_squeeze %dma_wait3A_518 : memref<1x128x64xf32, #tpu.memory_space<vmem>> -> memref<128x64xf32, #tpu.memory_space<vmem>>
      %dma_wait3A_520 = arith.constant 0 : i32
      %dma_wait3A_521 = arith.constant 0 : i32
      %dma_wait3A_522 = tpu.memref_slice %arg2[%dma_wait3A_520, %dma_wait3A_521] : memref<20480x64xf32, #tpu.memory_space<hbm>> -> memref<128x64xf32, #tpu.memory_space<hbm>>
      tpu.wait_dma2 semaphore(%arg11 : memref<!tpu.dma_semaphore, #tpu.memory_space<semaphore_mem>>) src(%dma_wait3A_522 : memref<128x64xf32, #tpu.memory_space<hbm>>) dst(%dma_wait3A_519 : memref<128x64xf32, #tpu.memory_space<vmem>>)
      %add3A_523 = arith.constant 1 : i32
      %add3A_524 = arith.addi %mul3A_449, %add3A_523 : i32
      %dma_start3A_525 = arith.constant 1 : i32
      %dma_start3A_526 = arith.constant 0 : i32
      %dma_start3A_527 = arith.constant 0 : i32
      %dma_start3A_528 = tpu.memref_slice %arg8[%dma_start3A_525, %dma_start3A_526, %dma_start3A_527] : memref<4x128x64xf32, #tpu.memory_space<vmem>> -> memref<1x128x64xf32, #tpu.memory_space<vmem>>
      %dma_start3A_529 = tpu.memref_squeeze %dma_start3A_528 : memref<1x128x64xf32, #tpu.memory_space<vmem>> -> memref<128x64xf32, #tpu.memory_space<vmem>>
      %dma_start3A_530 = arith.constant 0 : i32
      %dma_start3A_531 = tpu.memref_slice %arg7[%add3A_524, %dma_start3A_530] : memref<160x128xi32, #tpu.memory_space<vmem>> -> memref<1x128xi32, #tpu.memory_space<vmem>>
      %dma_start3A_532 = tpu.memref_squeeze %dma_start3A_531 : memref<1x128xi32, #tpu.memory_space<vmem>> -> memref<128xi32, #tpu.memory_space<vmem>>
      %dma_start3A_533 = arith.constant 0 : i32
      %dma_start3A_534 = arith.constant 0 : i32
      %dma_start3A_535 = tpu.memref_slice %arg9[%dma_start3A_533, %dma_start3A_534] : memref<10240x64xf32, #tpu.memory_space<vmem_shared>> -> memref<10240x64xf32, #tpu.memory_space<vmem_shared>>
      tpu.enqueue_indirect_dma source(%dma_start3A_529 : memref<128x64xf32, #tpu.memory_space<vmem>>) target(%dma_start3A_535 : memref<10240x64xf32, #tpu.memory_space<vmem_shared>>) offsets(%dma_start3A_532 : memref<128xi32, #tpu.memory_space<vmem>>) semaphore(%arg15 : memref<!tpu.dma_semaphore, #tpu.memory_space<semaphore_mem>>) {add = true}
      %dma_wait3A_536 = arith.constant 3 : i32
      %dma_wait3A_537 = arith.constant 0 : i32
      %dma_wait3A_538 = arith.constant 0 : i32
      %dma_wait3A_539 = tpu.memref_slice %arg8[%dma_wait3A_536, %dma_wait3A_537, %dma_wait3A_538] : memref<4x128x64xf32, #tpu.memory_space<vmem>> -> memref<1x128x64xf32, #tpu.memory_space<vmem>>
      %dma_wait3A_540 = tpu.memref_squeeze %dma_wait3A_539 : memref<1x128x64xf32, #tpu.memory_space<vmem>> -> memref<128x64xf32, #tpu.memory_space<vmem>>
      %dma_wait3A_541 = arith.constant 0 : i32
      %dma_wait3A_542 = arith.constant 0 : i32
      %dma_wait3A_543 = tpu.memref_slice %arg2[%dma_wait3A_541, %dma_wait3A_542] : memref<20480x64xf32, #tpu.memory_space<hbm>> -> memref<128x64xf32, #tpu.memory_space<hbm>>
      %dma_wait3A_544 = arith.constant 0 : i32
      %dma_wait3A_545 = arith.constant 0 : i32
      %dma_wait3A_546 = tpu.memref_slice %arg8[%dma_wait3A_536, %dma_wait3A_544, %dma_wait3A_545] : memref<4x128x64xf32, #tpu.memory_space<vmem>> -> memref<1x128x64xf32, #tpu.memory_space<vmem>>
      %dma_wait3A_547 = tpu.memref_squeeze %dma_wait3A_546 : memref<1x128x64xf32, #tpu.memory_space<vmem>> -> memref<128x64xf32, #tpu.memory_space<vmem>>
      %dma_wait3A_548 = arith.constant 0 : i32
      %dma_wait3A_549 = arith.constant 0 : i32
      %dma_wait3A_550 = tpu.memref_slice %arg2[%dma_wait3A_548, %dma_wait3A_549] : memref<20480x64xf32, #tpu.memory_space<hbm>> -> memref<128x64xf32, #tpu.memory_space<hbm>>
      tpu.wait_dma2 semaphore(%arg17 : memref<!tpu.dma_semaphore, #tpu.memory_space<semaphore_mem>>) src(%dma_wait3A_550 : memref<128x64xf32, #tpu.memory_space<hbm>>) dst(%dma_wait3A_547 : memref<128x64xf32, #tpu.memory_space<vmem>>)
      %add3A_551 = arith.constant 1 : i32
      %add3A_552 = arith.addi %mul3A_449, %add3A_551 : i32
      %add3A_553 = arith.constant 2 : i32
      %add3A_554 = arith.addi %add3A_552, %add3A_553 : i32
      %mul3A_555 = arith.constant 128 : i32
      %mul3A_556 = arith.muli %add3A_554, %mul3A_555 : i32
      %dma_start3A_557 = arith.constant 3 : i32
      %dma_start3A_558 = arith.constant 0 : i32
      %dma_start3A_559 = arith.constant 0 : i32
      %dma_start3A_560 = tpu.memref_slice %arg8[%dma_start3A_557, %dma_start3A_558, %dma_start3A_559] : memref<4x128x64xf32, #tpu.memory_space<vmem>> -> memref<1x128x64xf32, #tpu.memory_space<vmem>>
      %dma_start3A_561 = tpu.memref_squeeze %dma_start3A_560 : memref<1x128x64xf32, #tpu.memory_space<vmem>> -> memref<128x64xf32, #tpu.memory_space<vmem>>
      %dma_start3A_562 = tpu.memref_slice %arg6[%mul3A_556] : memref<20480xi32, #tpu.memory_space<vmem>> -> memref<128xi32, #tpu.memory_space<vmem>>
      %dma_start3A_563 = arith.constant 0 : i32
      %dma_start3A_564 = arith.constant 0 : i32
      %dma_start3A_565 = tpu.memref_slice %arg2[%dma_start3A_563, %dma_start3A_564] : memref<20480x64xf32, #tpu.memory_space<hbm>> -> memref<20480x64xf32, #tpu.memory_space<hbm>>
      tpu.enqueue_indirect_dma source(%dma_start3A_565 : memref<20480x64xf32, #tpu.memory_space<hbm>>) target(%dma_start3A_561 : memref<128x64xf32, #tpu.memory_space<vmem>>) offsets(%dma_start3A_562 : memref<128xi32, #tpu.memory_space<vmem>>) semaphore(%arg13 : memref<!tpu.dma_semaphore, #tpu.memory_space<semaphore_mem>>)
      %dma_wait3A_566 = arith.constant 2 : i32
      %dma_wait3A_567 = arith.constant 0 : i32
      %dma_wait3A_568 = arith.constant 0 : i32
      %dma_wait3A_569 = tpu.memref_slice %arg8[%dma_wait3A_566, %dma_wait3A_567, %dma_wait3A_568] : memref<4x128x64xf32, #tpu.memory_space<vmem>> -> memref<1x128x64xf32, #tpu.memory_space<vmem>>
      %dma_wait3A_570 = tpu.memref_squeeze %dma_wait3A_569 : memref<1x128x64xf32, #tpu.memory_space<vmem>> -> memref<128x64xf32, #tpu.memory_space<vmem>>
      %dma_wait3A_571 = arith.constant 0 : i32
      %dma_wait3A_572 = arith.constant 0 : i32
      %dma_wait3A_573 = tpu.memref_slice %arg2[%dma_wait3A_571, %dma_wait3A_572] : memref<20480x64xf32, #tpu.memory_space<hbm>> -> memref<128x64xf32, #tpu.memory_space<hbm>>
      %dma_wait3A_574 = arith.constant 0 : i32
      %dma_wait3A_575 = arith.constant 0 : i32
      %dma_wait3A_576 = tpu.memref_slice %arg8[%dma_wait3A_566, %dma_wait3A_574, %dma_wait3A_575] : memref<4x128x64xf32, #tpu.memory_space<vmem>> -> memref<1x128x64xf32, #tpu.memory_space<vmem>>
      %dma_wait3A_577 = tpu.memref_squeeze %dma_wait3A_576 : memref<1x128x64xf32, #tpu.memory_space<vmem>> -> memref<128x64xf32, #tpu.memory_space<vmem>>
      %dma_wait3A_578 = arith.constant 0 : i32
      %dma_wait3A_579 = arith.constant 0 : i32
      %dma_wait3A_580 = tpu.memref_slice %arg2[%dma_wait3A_578, %dma_wait3A_579] : memref<20480x64xf32, #tpu.memory_space<hbm>> -> memref<128x64xf32, #tpu.memory_space<hbm>>
      tpu.wait_dma2 semaphore(%arg12 : memref<!tpu.dma_semaphore, #tpu.memory_space<semaphore_mem>>) src(%dma_wait3A_580 : memref<128x64xf32, #tpu.memory_space<hbm>>) dst(%dma_wait3A_577 : memref<128x64xf32, #tpu.memory_space<vmem>>)
      %add3A_581 = arith.constant 2 : i32
      %add3A_582 = arith.addi %mul3A_449, %add3A_581 : i32
      %dma_start3A_583 = arith.constant 2 : i32
      %dma_start3A_584 = arith.constant 0 : i32
      %dma_start3A_585 = arith.constant 0 : i32
      %dma_start3A_586 = tpu.memref_slice %arg8[%dma_start3A_583, %dma_start3A_584, %dma_start3A_585] : memref<4x128x64xf32, #tpu.memory_space<vmem>> -> memref<1x128x64xf32, #tpu.memory_space<vmem>>
      %dma_start3A_587 = tpu.memref_squeeze %dma_start3A_586 : memref<1x128x64xf32, #tpu.memory_space<vmem>> -> memref<128x64xf32, #tpu.memory_space<vmem>>
      %dma_start3A_588 = arith.constant 0 : i32
      %dma_start3A_589 = tpu.memref_slice %arg7[%add3A_582, %dma_start3A_588] : memref<160x128xi32, #tpu.memory_space<vmem>> -> memref<1x128xi32, #tpu.memory_space<vmem>>
      %dma_start3A_590 = tpu.memref_squeeze %dma_start3A_589 : memref<1x128xi32, #tpu.memory_space<vmem>> -> memref<128xi32, #tpu.memory_space<vmem>>
      %dma_start3A_591 = arith.constant 0 : i32
      %dma_start3A_592 = arith.constant 0 : i32
      %dma_start3A_593 = tpu.memref_slice %arg9[%dma_start3A_591, %dma_start3A_592] : memref<10240x64xf32, #tpu.memory_space<vmem_shared>> -> memref<10240x64xf32, #tpu.memory_space<vmem_shared>>
      tpu.enqueue_indirect_dma source(%dma_start3A_587 : memref<128x64xf32, #tpu.memory_space<vmem>>) target(%dma_start3A_593 : memref<10240x64xf32, #tpu.memory_space<vmem_shared>>) offsets(%dma_start3A_590 : memref<128xi32, #tpu.memory_space<vmem>>) semaphore(%arg16 : memref<!tpu.dma_semaphore, #tpu.memory_space<semaphore_mem>>) {add = true}
      %dma_wait3A_594 = arith.constant 0 : i32
      %dma_wait3A_595 = arith.constant 0 : i32
      %dma_wait3A_596 = arith.constant 0 : i32
      %dma_wait3A_597 = tpu.memref_slice %arg8[%dma_wait3A_594, %dma_wait3A_595, %dma_wait3A_596] : memref<4x128x64xf32, #tpu.memory_space<vmem>> -> memref<1x128x64xf32, #tpu.memory_space<vmem>>
      %dma_wait3A_598 = tpu.memref_squeeze %dma_wait3A_597 : memref<1x128x64xf32, #tpu.memory_space<vmem>> -> memref<128x64xf32, #tpu.memory_space<vmem>>
      %dma_wait3A_599 = arith.constant 0 : i32
      %dma_wait3A_600 = arith.constant 0 : i32
      %dma_wait3A_601 = tpu.memref_slice %arg2[%dma_wait3A_599, %dma_wait3A_600] : memref<20480x64xf32, #tpu.memory_space<hbm>> -> memref<128x64xf32, #tpu.memory_space<hbm>>
      %dma_wait3A_602 = arith.constant 0 : i32
      %dma_wait3A_603 = arith.constant 0 : i32
      %dma_wait3A_604 = tpu.memref_slice %arg8[%dma_wait3A_594, %dma_wait3A_602, %dma_wait3A_603] : memref<4x128x64xf32, #tpu.memory_space<vmem>> -> memref<1x128x64xf32, #tpu.memory_space<vmem>>
      %dma_wait3A_605 = tpu.memref_squeeze %dma_wait3A_604 : memref<1x128x64xf32, #tpu.memory_space<vmem>> -> memref<128x64xf32, #tpu.memory_space<vmem>>
      %dma_wait3A_606 = arith.constant 0 : i32
      %dma_wait3A_607 = arith.constant 0 : i32
      %dma_wait3A_608 = tpu.memref_slice %arg2[%dma_wait3A_606, %dma_wait3A_607] : memref<20480x64xf32, #tpu.memory_space<hbm>> -> memref<128x64xf32, #tpu.memory_space<hbm>>
      tpu.wait_dma2 semaphore(%arg14 : memref<!tpu.dma_semaphore, #tpu.memory_space<semaphore_mem>>) src(%dma_wait3A_608 : memref<128x64xf32, #tpu.memory_space<hbm>>) dst(%dma_wait3A_605 : memref<128x64xf32, #tpu.memory_space<vmem>>)
      %add3A_609 = arith.constant 2 : i32
      %add3A_610 = arith.addi %mul3A_449, %add3A_609 : i32
      %add3A_611 = arith.constant 2 : i32
      %add3A_612 = arith.addi %add3A_610, %add3A_611 : i32
      %mul3A_613 = arith.constant 128 : i32
      %mul3A_614 = arith.muli %add3A_612, %mul3A_613 : i32
      %dma_start3A_615 = arith.constant 0 : i32
      %dma_start3A_616 = arith.constant 0 : i32
      %dma_start3A_617 = arith.constant 0 : i32
      %dma_start3A_618 = tpu.memref_slice %arg8[%dma_start3A_615, %dma_start3A_616, %dma_start3A_617] : memref<4x128x64xf32, #tpu.memory_space<vmem>> -> memref<1x128x64xf32, #tpu.memory_space<vmem>>
      %dma_start3A_619 = tpu.memref_squeeze %dma_start3A_618 : memref<1x128x64xf32, #tpu.memory_space<vmem>> -> memref<128x64xf32, #tpu.memory_space<vmem>>
      %dma_start3A_620 = tpu.memref_slice %arg6[%mul3A_614] : memref<20480xi32, #tpu.memory_space<vmem>> -> memref<128xi32, #tpu.memory_space<vmem>>
      %dma_start3A_621 = arith.constant 0 : i32
      %dma_start3A_622 = arith.constant 0 : i32
      %dma_start3A_623 = tpu.memref_slice %arg2[%dma_start3A_621, %dma_start3A_622] : memref<20480x64xf32, #tpu.memory_space<hbm>> -> memref<20480x64xf32, #tpu.memory_space<hbm>>
      tpu.enqueue_indirect_dma source(%dma_start3A_623 : memref<20480x64xf32, #tpu.memory_space<hbm>>) target(%dma_start3A_619 : memref<128x64xf32, #tpu.memory_space<vmem>>) offsets(%dma_start3A_620 : memref<128xi32, #tpu.memory_space<vmem>>) semaphore(%arg10 : memref<!tpu.dma_semaphore, #tpu.memory_space<semaphore_mem>>)
      %dma_wait3A_624 = arith.constant 3 : i32
      %dma_wait3A_625 = arith.constant 0 : i32
      %dma_wait3A_626 = arith.constant 0 : i32
      %dma_wait3A_627 = tpu.memref_slice %arg8[%dma_wait3A_624, %dma_wait3A_625, %dma_wait3A_626] : memref<4x128x64xf32, #tpu.memory_space<vmem>> -> memref<1x128x64xf32, #tpu.memory_space<vmem>>
      %dma_wait3A_628 = tpu.memref_squeeze %dma_wait3A_627 : memref<1x128x64xf32, #tpu.memory_space<vmem>> -> memref<128x64xf32, #tpu.memory_space<vmem>>
      %dma_wait3A_629 = arith.constant 0 : i32
      %dma_wait3A_630 = arith.constant 0 : i32
      %dma_wait3A_631 = tpu.memref_slice %arg2[%dma_wait3A_629, %dma_wait3A_630] : memref<20480x64xf32, #tpu.memory_space<hbm>> -> memref<128x64xf32, #tpu.memory_space<hbm>>
      %dma_wait3A_632 = arith.constant 0 : i32
      %dma_wait3A_633 = arith.constant 0 : i32
      %dma_wait3A_634 = tpu.memref_slice %arg8[%dma_wait3A_624, %dma_wait3A_632, %dma_wait3A_633] : memref<4x128x64xf32, #tpu.memory_space<vmem>> -> memref<1x128x64xf32, #tpu.memory_space<vmem>>
      %dma_wait3A_635 = tpu.memref_squeeze %dma_wait3A_634 : memref<1x128x64xf32, #tpu.memory_space<vmem>> -> memref<128x64xf32, #tpu.memory_space<vmem>>
      %dma_wait3A_636 = arith.constant 0 : i32
      %dma_wait3A_637 = arith.constant 0 : i32
      %dma_wait3A_638 = tpu.memref_slice %arg2[%dma_wait3A_636, %dma_wait3A_637] : memref<20480x64xf32, #tpu.memory_space<hbm>> -> memref<128x64xf32, #tpu.memory_space<hbm>>
      tpu.wait_dma2 semaphore(%arg13 : memref<!tpu.dma_semaphore, #tpu.memory_space<semaphore_mem>>) src(%dma_wait3A_638 : memref<128x64xf32, #tpu.memory_space<hbm>>) dst(%dma_wait3A_635 : memref<128x64xf32, #tpu.memory_space<vmem>>)
      %add3A_639 = arith.constant 3 : i32
      %add3A_640 = arith.addi %mul3A_449, %add3A_639 : i32
      %dma_start3A_641 = arith.constant 3 : i32
      %dma_start3A_642 = arith.constant 0 : i32
      %dma_start3A_643 = arith.constant 0 : i32
      %dma_start3A_644 = tpu.memref_slice %arg8[%dma_start3A_641, %dma_start3A_642, %dma_start3A_643] : memref<4x128x64xf32, #tpu.memory_space<vmem>> -> memref<1x128x64xf32, #tpu.memory_space<vmem>>
      %dma_start3A_645 = tpu.memref_squeeze %dma_start3A_644 : memref<1x128x64xf32, #tpu.memory_space<vmem>> -> memref<128x64xf32, #tpu.memory_space<vmem>>
      %dma_start3A_646 = arith.constant 0 : i32
      %dma_start3A_647 = tpu.memref_slice %arg7[%add3A_640, %dma_start3A_646] : memref<160x128xi32, #tpu.memory_space<vmem>> -> memref<1x128xi32, #tpu.memory_space<vmem>>
      %dma_start3A_648 = tpu.memref_squeeze %dma_start3A_647 : memref<1x128xi32, #tpu.memory_space<vmem>> -> memref<128xi32, #tpu.memory_space<vmem>>
      %dma_start3A_649 = arith.constant 0 : i32
      %dma_start3A_650 = arith.constant 0 : i32
      %dma_start3A_651 = tpu.memref_slice %arg9[%dma_start3A_649, %dma_start3A_650] : memref<10240x64xf32, #tpu.memory_space<vmem_shared>> -> memref<10240x64xf32, #tpu.memory_space<vmem_shared>>
      tpu.enqueue_indirect_dma source(%dma_start3A_645 : memref<128x64xf32, #tpu.memory_space<vmem>>) target(%dma_start3A_651 : memref<10240x64xf32, #tpu.memory_space<vmem_shared>>) offsets(%dma_start3A_648 : memref<128xi32, #tpu.memory_space<vmem>>) semaphore(%arg17 : memref<!tpu.dma_semaphore, #tpu.memory_space<semaphore_mem>>) {add = true}
      %dma_wait3A_652 = arith.constant 1 : i32
      %dma_wait3A_653 = arith.constant 0 : i32
      %dma_wait3A_654 = arith.constant 0 : i32
      %dma_wait3A_655 = tpu.memref_slice %arg8[%dma_wait3A_652, %dma_wait3A_653, %dma_wait3A_654] : memref<4x128x64xf32, #tpu.memory_space<vmem>> -> memref<1x128x64xf32, #tpu.memory_space<vmem>>
      %dma_wait3A_656 = tpu.memref_squeeze %dma_wait3A_655 : memref<1x128x64xf32, #tpu.memory_space<vmem>> -> memref<128x64xf32, #tpu.memory_space<vmem>>
      %dma_wait3A_657 = arith.constant 0 : i32
      %dma_wait3A_658 = arith.constant 0 : i32
      %dma_wait3A_659 = tpu.memref_slice %arg2[%dma_wait3A_657, %dma_wait3A_658] : memref<20480x64xf32, #tpu.memory_space<hbm>> -> memref<128x64xf32, #tpu.memory_space<hbm>>
      %dma_wait3A_660 = arith.constant 0 : i32
      %dma_wait3A_661 = arith.constant 0 : i32
      %dma_wait3A_662 = tpu.memref_slice %arg8[%dma_wait3A_652, %dma_wait3A_660, %dma_wait3A_661] : memref<4x128x64xf32, #tpu.memory_space<vmem>> -> memref<1x128x64xf32, #tpu.memory_space<vmem>>
      %dma_wait3A_663 = tpu.memref_squeeze %dma_wait3A_662 : memref<1x128x64xf32, #tpu.memory_space<vmem>> -> memref<128x64xf32, #tpu.memory_space<vmem>>
      %dma_wait3A_664 = arith.constant 0 : i32
      %dma_wait3A_665 = arith.constant 0 : i32
      %dma_wait3A_666 = tpu.memref_slice %arg2[%dma_wait3A_664, %dma_wait3A_665] : memref<20480x64xf32, #tpu.memory_space<hbm>> -> memref<128x64xf32, #tpu.memory_space<hbm>>
      tpu.wait_dma2 semaphore(%arg15 : memref<!tpu.dma_semaphore, #tpu.memory_space<semaphore_mem>>) src(%dma_wait3A_666 : memref<128x64xf32, #tpu.memory_space<hbm>>) dst(%dma_wait3A_663 : memref<128x64xf32, #tpu.memory_space<vmem>>)
      %add3A_667 = arith.constant 3 : i32
      %add3A_668 = arith.addi %mul3A_449, %add3A_667 : i32
      %add3A_669 = arith.constant 2 : i32
      %add3A_670 = arith.addi %add3A_668, %add3A_669 : i32
      %mul3A_671 = arith.constant 128 : i32
      %mul3A_672 = arith.muli %add3A_670, %mul3A_671 : i32
      %dma_start3A_673 = arith.constant 1 : i32
      %dma_start3A_674 = arith.constant 0 : i32
      %dma_start3A_675 = arith.constant 0 : i32
      %dma_start3A_676 = tpu.memref_slice %arg8[%dma_start3A_673, %dma_start3A_674, %dma_start3A_675] : memref<4x128x64xf32, #tpu.memory_space<vmem>> -> memref<1x128x64xf32, #tpu.memory_space<vmem>>
      %dma_start3A_677 = tpu.memref_squeeze %dma_start3A_676 : memref<1x128x64xf32, #tpu.memory_space<vmem>> -> memref<128x64xf32, #tpu.memory_space<vmem>>
      %dma_start3A_678 = tpu.memref_slice %arg6[%mul3A_672] : memref<20480xi32, #tpu.memory_space<vmem>> -> memref<128xi32, #tpu.memory_space<vmem>>
      %dma_start3A_679 = arith.constant 0 : i32
      %dma_start3A_680 = arith.constant 0 : i32
      %dma_start3A_681 = tpu.memref_slice %arg2[%dma_start3A_679, %dma_start3A_680] : memref<20480x64xf32, #tpu.memory_space<hbm>> -> memref<20480x64xf32, #tpu.memory_space<hbm>>
      tpu.enqueue_indirect_dma source(%dma_start3A_681 : memref<20480x64xf32, #tpu.memory_space<hbm>>) target(%dma_start3A_677 : memref<128x64xf32, #tpu.memory_space<vmem>>) offsets(%dma_start3A_678 : memref<128xi32, #tpu.memory_space<vmem>>) semaphore(%arg11 : memref<!tpu.dma_semaphore, #tpu.memory_space<semaphore_mem>>)
    }
    %scan3A_227 = arith.constant 38 : i32
    %dma_wait3A_228 = arith.constant 0 : i32
    %dma_wait3A_229 = arith.constant 0 : i32
    %dma_wait3A_230 = arith.constant 0 : i32
    %dma_wait3A_231 = tpu.memref_slice %arg8[%dma_wait3A_228, %dma_wait3A_229, %dma_wait3A_230] : memref<4x128x64xf32, #tpu.memory_space<vmem>> -> memref<1x128x64xf32, #tpu.memory_space<vmem>>
    %dma_wait3A_232 = tpu.memref_squeeze %dma_wait3A_231 : memref<1x128x64xf32, #tpu.memory_space<vmem>> -> memref<128x64xf32, #tpu.memory_space<vmem>>
    %dma_wait3A_233 = arith.constant 0 : i32
    %dma_wait3A_234 = arith.constant 0 : i32
    %dma_wait3A_235 = tpu.memref_slice %arg2[%dma_wait3A_233, %dma_wait3A_234] : memref<20480x64xf32, #tpu.memory_space<hbm>> -> memref<128x64xf32, #tpu.memory_space<hbm>>
    %dma_wait3A_236 = arith.constant 0 : i32
    %dma_wait3A_237 = arith.constant 0 : i32
    %dma_wait3A_238 = tpu.memref_slice %arg8[%dma_wait3A_228, %dma_wait3A_236, %dma_wait3A_237] : memref<4x128x64xf32, #tpu.memory_space<vmem>> -> memref<1x128x64xf32, #tpu.memory_space<vmem>>
    %dma_wait3A_239 = tpu.memref_squeeze %dma_wait3A_238 : memref<1x128x64xf32, #tpu.memory_space<vmem>> -> memref<128x64xf32, #tpu.memory_space<vmem>>
    %dma_wait3A_240 = arith.constant 0 : i32
    %dma_wait3A_241 = arith.constant 0 : i32
    %dma_wait3A_242 = tpu.memref_slice %arg2[%dma_wait3A_240, %dma_wait3A_241] : memref<20480x64xf32, #tpu.memory_space<hbm>> -> memref<128x64xf32, #tpu.memory_space<hbm>>
    tpu.wait_dma2 semaphore(%arg10 : memref<!tpu.dma_semaphore, #tpu.memory_space<semaphore_mem>>) src(%dma_wait3A_242 : memref<128x64xf32, #tpu.memory_space<hbm>>) dst(%dma_wait3A_239 : memref<128x64xf32, #tpu.memory_space<vmem>>)
    %dma_start3A_243 = arith.constant 0 : i32
    %dma_start3A_244 = arith.constant 156 : i32
    %dma_start3A_245 = arith.constant 0 : i32
    %dma_start3A_246 = arith.constant 0 : i32
    %dma_start3A_247 = tpu.memref_slice %arg8[%dma_start3A_243, %dma_start3A_245, %dma_start3A_246] : memref<4x128x64xf32, #tpu.memory_space<vmem>> -> memref<1x128x64xf32, #tpu.memory_space<vmem>>
    %dma_start3A_248 = tpu.memref_squeeze %dma_start3A_247 : memref<1x128x64xf32, #tpu.memory_space<vmem>> -> memref<128x64xf32, #tpu.memory_space<vmem>>
    %dma_start3A_249 = arith.constant 0 : i32
    %dma_start3A_250 = tpu.memref_slice %arg7[%dma_start3A_244, %dma_start3A_249] : memref<160x128xi32, #tpu.memory_space<vmem>> -> memref<1x128xi32, #tpu.memory_space<vmem>>
    %dma_start3A_251 = tpu.memref_squeeze %dma_start3A_250 : memref<1x128xi32, #tpu.memory_space<vmem>> -> memref<128xi32, #tpu.memory_space<vmem>>
    %dma_start3A_252 = arith.constant 0 : i32
    %dma_start3A_253 = arith.constant 0 : i32
    %dma_start3A_254 = tpu.memref_slice %arg9[%dma_start3A_252, %dma_start3A_253] : memref<10240x64xf32, #tpu.memory_space<vmem_shared>> -> memref<10240x64xf32, #tpu.memory_space<vmem_shared>>
    tpu.enqueue_indirect_dma source(%dma_start3A_248 : memref<128x64xf32, #tpu.memory_space<vmem>>) target(%dma_start3A_254 : memref<10240x64xf32, #tpu.memory_space<vmem_shared>>) offsets(%dma_start3A_251 : memref<128xi32, #tpu.memory_space<vmem>>) semaphore(%arg14 : memref<!tpu.dma_semaphore, #tpu.memory_space<semaphore_mem>>) {add = true}
    %dma_wait3A_255 = arith.constant 2 : i32
    %dma_wait3A_256 = arith.constant 0 : i32
    %dma_wait3A_257 = arith.constant 0 : i32
    %dma_wait3A_258 = tpu.memref_slice %arg8[%dma_wait3A_255, %dma_wait3A_256, %dma_wait3A_257] : memref<4x128x64xf32, #tpu.memory_space<vmem>> -> memref<1x128x64xf32, #tpu.memory_space<vmem>>
    %dma_wait3A_259 = tpu.memref_squeeze %dma_wait3A_258 : memref<1x128x64xf32, #tpu.memory_space<vmem>> -> memref<128x64xf32, #tpu.memory_space<vmem>>
    %dma_wait3A_260 = arith.constant 0 : i32
    %dma_wait3A_261 = arith.constant 0 : i32
    %dma_wait3A_262 = tpu.memref_slice %arg2[%dma_wait3A_260, %dma_wait3A_261] : memref<20480x64xf32, #tpu.memory_space<hbm>> -> memref<128x64xf32, #tpu.memory_space<hbm>>
    %dma_wait3A_263 = arith.constant 0 : i32
    %dma_wait3A_264 = arith.constant 0 : i32
    %dma_wait3A_265 = tpu.memref_slice %arg8[%dma_wait3A_255, %dma_wait3A_263, %dma_wait3A_264] : memref<4x128x64xf32, #tpu.memory_space<vmem>> -> memref<1x128x64xf32, #tpu.memory_space<vmem>>
    %dma_wait3A_266 = tpu.memref_squeeze %dma_wait3A_265 : memref<1x128x64xf32, #tpu.memory_space<vmem>> -> memref<128x64xf32, #tpu.memory_space<vmem>>
    %dma_wait3A_267 = arith.constant 0 : i32
    %dma_wait3A_268 = arith.constant 0 : i32
    %dma_wait3A_269 = tpu.memref_slice %arg2[%dma_wait3A_267, %dma_wait3A_268] : memref<20480x64xf32, #tpu.memory_space<hbm>> -> memref<128x64xf32, #tpu.memory_space<hbm>>
    tpu.wait_dma2 semaphore(%arg16 : memref<!tpu.dma_semaphore, #tpu.memory_space<semaphore_mem>>) src(%dma_wait3A_269 : memref<128x64xf32, #tpu.memory_space<hbm>>) dst(%dma_wait3A_266 : memref<128x64xf32, #tpu.memory_space<vmem>>)
    %dma_start3A_270 = arith.constant 2 : i32
    %dma_start3A_271 = arith.constant 0 : i32
    %dma_start3A_272 = arith.constant 0 : i32
    %dma_start3A_273 = tpu.memref_slice %arg8[%dma_start3A_270, %dma_start3A_271, %dma_start3A_272] : memref<4x128x64xf32, #tpu.memory_space<vmem>> -> memref<1x128x64xf32, #tpu.memory_space<vmem>>
    %dma_start3A_274 = tpu.memref_squeeze %dma_start3A_273 : memref<1x128x64xf32, #tpu.memory_space<vmem>> -> memref<128x64xf32, #tpu.memory_space<vmem>>
    %dma_start3A_275 = arith.constant 20224 : i32
    %dma_start3A_276 = tpu.memref_slice %arg6[%dma_start3A_275] : memref<20480xi32, #tpu.memory_space<vmem>> -> memref<128xi32, #tpu.memory_space<vmem>>
    %dma_start3A_277 = arith.constant 0 : i32
    %dma_start3A_278 = arith.constant 0 : i32
    %dma_start3A_279 = tpu.memref_slice %arg2[%dma_start3A_277, %dma_start3A_278] : memref<20480x64xf32, #tpu.memory_space<hbm>> -> memref<20480x64xf32, #tpu.memory_space<hbm>>
    tpu.enqueue_indirect_dma source(%dma_start3A_279 : memref<20480x64xf32, #tpu.memory_space<hbm>>) target(%dma_start3A_274 : memref<128x64xf32, #tpu.memory_space<vmem>>) offsets(%dma_start3A_276 : memref<128xi32, #tpu.memory_space<vmem>>) semaphore(%arg12 : memref<!tpu.dma_semaphore, #tpu.memory_space<semaphore_mem>>)
    %dma_wait3A_280 = arith.constant 1 : i32
    %dma_wait3A_281 = arith.constant 0 : i32
    %dma_wait3A_282 = arith.constant 0 : i32
    %dma_wait3A_283 = tpu.memref_slice %arg8[%dma_wait3A_280, %dma_wait3A_281, %dma_wait3A_282] : memref<4x128x64xf32, #tpu.memory_space<vmem>> -> memref<1x128x64xf32, #tpu.memory_space<vmem>>
    %dma_wait3A_284 = tpu.memref_squeeze %dma_wait3A_283 : memref<1x128x64xf32, #tpu.memory_space<vmem>> -> memref<128x64xf32, #tpu.memory_space<vmem>>
    %dma_wait3A_285 = arith.constant 0 : i32
    %dma_wait3A_286 = arith.constant 0 : i32
    %dma_wait3A_287 = tpu.memref_slice %arg2[%dma_wait3A_285, %dma_wait3A_286] : memref<20480x64xf32, #tpu.memory_space<hbm>> -> memref<128x64xf32, #tpu.memory_space<hbm>>
    %dma_wait3A_288 = arith.constant 0 : i32
    %dma_wait3A_289 = arith.constant 0 : i32
    %dma_wait3A_290 = tpu.memref_slice %arg8[%dma_wait3A_280, %dma_wait3A_288, %dma_wait3A_289] : memref<4x128x64xf32, #tpu.memory_space<vmem>> -> memref<1x128x64xf32, #tpu.memory_space<vmem>>
    %dma_wait3A_291 = tpu.memref_squeeze %dma_wait3A_290 : memref<1x128x64xf32, #tpu.memory_space<vmem>> -> memref<128x64xf32, #tpu.memory_space<vmem>>
    %dma_wait3A_292 = arith.constant 0 : i32
    %dma_wait3A_293 = arith.constant 0 : i32
    %dma_wait3A_294 = tpu.memref_slice %arg2[%dma_wait3A_292, %dma_wait3A_293] : memref<20480x64xf32, #tpu.memory_space<hbm>> -> memref<128x64xf32, #tpu.memory_space<hbm>>
    tpu.wait_dma2 semaphore(%arg11 : memref<!tpu.dma_semaphore, #tpu.memory_space<semaphore_mem>>) src(%dma_wait3A_294 : memref<128x64xf32, #tpu.memory_space<hbm>>) dst(%dma_wait3A_291 : memref<128x64xf32, #tpu.memory_space<vmem>>)
    %dma_start3A_295 = arith.constant 1 : i32
    %dma_start3A_296 = arith.constant 157 : i32
    %dma_start3A_297 = arith.constant 0 : i32
    %dma_start3A_298 = arith.constant 0 : i32
    %dma_start3A_299 = tpu.memref_slice %arg8[%dma_start3A_295, %dma_start3A_297, %dma_start3A_298] : memref<4x128x64xf32, #tpu.memory_space<vmem>> -> memref<1x128x64xf32, #tpu.memory_space<vmem>>
    %dma_start3A_300 = tpu.memref_squeeze %dma_start3A_299 : memref<1x128x64xf32, #tpu.memory_space<vmem>> -> memref<128x64xf32, #tpu.memory_space<vmem>>
    %dma_start3A_301 = arith.constant 0 : i32
    %dma_start3A_302 = tpu.memref_slice %arg7[%dma_start3A_296, %dma_start3A_301] : memref<160x128xi32, #tpu.memory_space<vmem>> -> memref<1x128xi32, #tpu.memory_space<vmem>>
    %dma_start3A_303 = tpu.memref_squeeze %dma_start3A_302 : memref<1x128xi32, #tpu.memory_space<vmem>> -> memref<128xi32, #tpu.memory_space<vmem>>
    %dma_start3A_304 = arith.constant 0 : i32
    %dma_start3A_305 = arith.constant 0 : i32
    %dma_start3A_306 = tpu.memref_slice %arg9[%dma_start3A_304, %dma_start3A_305] : memref<10240x64xf32, #tpu.memory_space<vmem_shared>> -> memref<10240x64xf32, #tpu.memory_space<vmem_shared>>
    tpu.enqueue_indirect_dma source(%dma_start3A_300 : memref<128x64xf32, #tpu.memory_space<vmem>>) target(%dma_start3A_306 : memref<10240x64xf32, #tpu.memory_space<vmem_shared>>) offsets(%dma_start3A_303 : memref<128xi32, #tpu.memory_space<vmem>>) semaphore(%arg15 : memref<!tpu.dma_semaphore, #tpu.memory_space<semaphore_mem>>) {add = true}
    %dma_wait3A_307 = arith.constant 3 : i32
    %dma_wait3A_308 = arith.constant 0 : i32
    %dma_wait3A_309 = arith.constant 0 : i32
    %dma_wait3A_310 = tpu.memref_slice %arg8[%dma_wait3A_307, %dma_wait3A_308, %dma_wait3A_309] : memref<4x128x64xf32, #tpu.memory_space<vmem>> -> memref<1x128x64xf32, #tpu.memory_space<vmem>>
    %dma_wait3A_311 = tpu.memref_squeeze %dma_wait3A_310 : memref<1x128x64xf32, #tpu.memory_space<vmem>> -> memref<128x64xf32, #tpu.memory_space<vmem>>
    %dma_wait3A_312 = arith.constant 0 : i32
    %dma_wait3A_313 = arith.constant 0 : i32
    %dma_wait3A_314 = tpu.memref_slice %arg2[%dma_wait3A_312, %dma_wait3A_313] : memref<20480x64xf32, #tpu.memory_space<hbm>> -> memref<128x64xf32, #tpu.memory_space<hbm>>
    %dma_wait3A_315 = arith.constant 0 : i32
    %dma_wait3A_316 = arith.constant 0 : i32
    %dma_wait3A_317 = tpu.memref_slice %arg8[%dma_wait3A_307, %dma_wait3A_315, %dma_wait3A_316] : memref<4x128x64xf32, #tpu.memory_space<vmem>> -> memref<1x128x64xf32, #tpu.memory_space<vmem>>
    %dma_wait3A_318 = tpu.memref_squeeze %dma_wait3A_317 : memref<1x128x64xf32, #tpu.memory_space<vmem>> -> memref<128x64xf32, #tpu.memory_space<vmem>>
    %dma_wait3A_319 = arith.constant 0 : i32
    %dma_wait3A_320 = arith.constant 0 : i32
    %dma_wait3A_321 = tpu.memref_slice %arg2[%dma_wait3A_319, %dma_wait3A_320] : memref<20480x64xf32, #tpu.memory_space<hbm>> -> memref<128x64xf32, #tpu.memory_space<hbm>>
    tpu.wait_dma2 semaphore(%arg17 : memref<!tpu.dma_semaphore, #tpu.memory_space<semaphore_mem>>) src(%dma_wait3A_321 : memref<128x64xf32, #tpu.memory_space<hbm>>) dst(%dma_wait3A_318 : memref<128x64xf32, #tpu.memory_space<vmem>>)
    %dma_start3A_322 = arith.constant 3 : i32
    %dma_start3A_323 = arith.constant 0 : i32
    %dma_start3A_324 = arith.constant 0 : i32
    %dma_start3A_325 = tpu.memref_slice %arg8[%dma_start3A_322, %dma_start3A_323, %dma_start3A_324] : memref<4x128x64xf32, #tpu.memory_space<vmem>> -> memref<1x128x64xf32, #tpu.memory_space<vmem>>
    %dma_start3A_326 = tpu.memref_squeeze %dma_start3A_325 : memref<1x128x64xf32, #tpu.memory_space<vmem>> -> memref<128x64xf32, #tpu.memory_space<vmem>>
    %dma_start3A_327 = arith.constant 20352 : i32
    %dma_start3A_328 = tpu.memref_slice %arg6[%dma_start3A_327] : memref<20480xi32, #tpu.memory_space<vmem>> -> memref<128xi32, #tpu.memory_space<vmem>>
    %dma_start3A_329 = arith.constant 0 : i32
    %dma_start3A_330 = arith.constant 0 : i32
    %dma_start3A_331 = tpu.memref_slice %arg2[%dma_start3A_329, %dma_start3A_330] : memref<20480x64xf32, #tpu.memory_space<hbm>> -> memref<20480x64xf32, #tpu.memory_space<hbm>>
    tpu.enqueue_indirect_dma source(%dma_start3A_331 : memref<20480x64xf32, #tpu.memory_space<hbm>>) target(%dma_start3A_326 : memref<128x64xf32, #tpu.memory_space<vmem>>) offsets(%dma_start3A_328 : memref<128xi32, #tpu.memory_space<vmem>>) semaphore(%arg13 : memref<!tpu.dma_semaphore, #tpu.memory_space<semaphore_mem>>)
    %dma_wait3A_332 = arith.constant 2 : i32
    %dma_wait3A_333 = arith.constant 0 : i32
    %dma_wait3A_334 = arith.constant 0 : i32
    %dma_wait3A_335 = tpu.memref_slice %arg8[%dma_wait3A_332, %dma_wait3A_333, %dma_wait3A_334] : memref<4x128x64xf32, #tpu.memory_space<vmem>> -> memref<1x128x64xf32, #tpu.memory_space<vmem>>
    %dma_wait3A_336 = tpu.memref_squeeze %dma_wait3A_335 : memref<1x128x64xf32, #tpu.memory_space<vmem>> -> memref<128x64xf32, #tpu.memory_space<vmem>>
    %dma_wait3A_337 = arith.constant 0 : i32
    %dma_wait3A_338 = arith.constant 0 : i32
    %dma_wait3A_339 = tpu.memref_slice %arg2[%dma_wait3A_337, %dma_wait3A_338] : memref<20480x64xf32, #tpu.memory_space<hbm>> -> memref<128x64xf32, #tpu.memory_space<hbm>>
    %dma_wait3A_340 = arith.constant 0 : i32
    %dma_wait3A_341 = arith.constant 0 : i32
    %dma_wait3A_342 = tpu.memref_slice %arg8[%dma_wait3A_332, %dma_wait3A_340, %dma_wait3A_341] : memref<4x128x64xf32, #tpu.memory_space<vmem>> -> memref<1x128x64xf32, #tpu.memory_space<vmem>>
    %dma_wait3A_343 = tpu.memref_squeeze %dma_wait3A_342 : memref<1x128x64xf32, #tpu.memory_space<vmem>> -> memref<128x64xf32, #tpu.memory_space<vmem>>
    %dma_wait3A_344 = arith.constant 0 : i32
    %dma_wait3A_345 = arith.constant 0 : i32
    %dma_wait3A_346 = tpu.memref_slice %arg2[%dma_wait3A_344, %dma_wait3A_345] : memref<20480x64xf32, #tpu.memory_space<hbm>> -> memref<128x64xf32, #tpu.memory_space<hbm>>
    tpu.wait_dma2 semaphore(%arg12 : memref<!tpu.dma_semaphore, #tpu.memory_space<semaphore_mem>>) src(%dma_wait3A_346 : memref<128x64xf32, #tpu.memory_space<hbm>>) dst(%dma_wait3A_343 : memref<128x64xf32, #tpu.memory_space<vmem>>)
    %dma_start3A_347 = arith.constant 2 : i32
    %dma_start3A_348 = arith.constant 158 : i32
    %dma_start3A_349 = arith.constant 0 : i32
    %dma_start3A_350 = arith.constant 0 : i32
    %dma_start3A_351 = tpu.memref_slice %arg8[%dma_start3A_347, %dma_start3A_349, %dma_start3A_350] : memref<4x128x64xf32, #tpu.memory_space<vmem>> -> memref<1x128x64xf32, #tpu.memory_space<vmem>>
    %dma_start3A_352 = tpu.memref_squeeze %dma_start3A_351 : memref<1x128x64xf32, #tpu.memory_space<vmem>> -> memref<128x64xf32, #tpu.memory_space<vmem>>
    %dma_start3A_353 = arith.constant 0 : i32
    %dma_start3A_354 = tpu.memref_slice %arg7[%dma_start3A_348, %dma_start3A_353] : memref<160x128xi32, #tpu.memory_space<vmem>> -> memref<1x128xi32, #tpu.memory_space<vmem>>
    %dma_start3A_355 = tpu.memref_squeeze %dma_start3A_354 : memref<1x128xi32, #tpu.memory_space<vmem>> -> memref<128xi32, #tpu.memory_space<vmem>>
    %dma_start3A_356 = arith.constant 0 : i32
    %dma_start3A_357 = arith.constant 0 : i32
    %dma_start3A_358 = tpu.memref_slice %arg9[%dma_start3A_356, %dma_start3A_357] : memref<10240x64xf32, #tpu.memory_space<vmem_shared>> -> memref<10240x64xf32, #tpu.memory_space<vmem_shared>>
    tpu.enqueue_indirect_dma source(%dma_start3A_352 : memref<128x64xf32, #tpu.memory_space<vmem>>) target(%dma_start3A_358 : memref<10240x64xf32, #tpu.memory_space<vmem_shared>>) offsets(%dma_start3A_355 : memref<128xi32, #tpu.memory_space<vmem>>) semaphore(%arg16 : memref<!tpu.dma_semaphore, #tpu.memory_space<semaphore_mem>>) {add = true}
    %dma_wait3A_359 = arith.constant 0 : i32
    %dma_wait3A_360 = arith.constant 0 : i32
    %dma_wait3A_361 = arith.constant 0 : i32
    %dma_wait3A_362 = tpu.memref_slice %arg8[%dma_wait3A_359, %dma_wait3A_360, %dma_wait3A_361] : memref<4x128x64xf32, #tpu.memory_space<vmem>> -> memref<1x128x64xf32, #tpu.memory_space<vmem>>
    %dma_wait3A_363 = tpu.memref_squeeze %dma_wait3A_362 : memref<1x128x64xf32, #tpu.memory_space<vmem>> -> memref<128x64xf32, #tpu.memory_space<vmem>>
    %dma_wait3A_364 = arith.constant 0 : i32
    %dma_wait3A_365 = arith.constant 0 : i32
    %dma_wait3A_366 = tpu.memref_slice %arg2[%dma_wait3A_364, %dma_wait3A_365] : memref<20480x64xf32, #tpu.memory_space<hbm>> -> memref<128x64xf32, #tpu.memory_space<hbm>>
    %dma_wait3A_367 = arith.constant 0 : i32
    %dma_wait3A_368 = arith.constant 0 : i32
    %dma_wait3A_369 = tpu.memref_slice %arg8[%dma_wait3A_359, %dma_wait3A_367, %dma_wait3A_368] : memref<4x128x64xf32, #tpu.memory_space<vmem>> -> memref<1x128x64xf32, #tpu.memory_space<vmem>>
    %dma_wait3A_370 = tpu.memref_squeeze %dma_wait3A_369 : memref<1x128x64xf32, #tpu.memory_space<vmem>> -> memref<128x64xf32, #tpu.memory_space<vmem>>
    %dma_wait3A_371 = arith.constant 0 : i32
    %dma_wait3A_372 = arith.constant 0 : i32
    %dma_wait3A_373 = tpu.memref_slice %arg2[%dma_wait3A_371, %dma_wait3A_372] : memref<20480x64xf32, #tpu.memory_space<hbm>> -> memref<128x64xf32, #tpu.memory_space<hbm>>
    tpu.wait_dma2 semaphore(%arg14 : memref<!tpu.dma_semaphore, #tpu.memory_space<semaphore_mem>>) src(%dma_wait3A_373 : memref<128x64xf32, #tpu.memory_space<hbm>>) dst(%dma_wait3A_370 : memref<128x64xf32, #tpu.memory_space<vmem>>)
    %dma_wait3A_374 = arith.constant 3 : i32
    %dma_wait3A_375 = arith.constant 0 : i32
    %dma_wait3A_376 = arith.constant 0 : i32
    %dma_wait3A_377 = tpu.memref_slice %arg8[%dma_wait3A_374, %dma_wait3A_375, %dma_wait3A_376] : memref<4x128x64xf32, #tpu.memory_space<vmem>> -> memref<1x128x64xf32, #tpu.memory_space<vmem>>
    %dma_wait3A_378 = tpu.memref_squeeze %dma_wait3A_377 : memref<1x128x64xf32, #tpu.memory_space<vmem>> -> memref<128x64xf32, #tpu.memory_space<vmem>>
    %dma_wait3A_379 = arith.constant 0 : i32
    %dma_wait3A_380 = arith.constant 0 : i32
    %dma_wait3A_381 = tpu.memref_slice %arg2[%dma_wait3A_379, %dma_wait3A_380] : memref<20480x64xf32, #tpu.memory_space<hbm>> -> memref<128x64xf32, #tpu.memory_space<hbm>>
    %dma_wait3A_382 = arith.constant 0 : i32
    %dma_wait3A_383 = arith.constant 0 : i32
    %dma_wait3A_384 = tpu.memref_slice %arg8[%dma_wait3A_374, %dma_wait3A_382, %dma_wait3A_383] : memref<4x128x64xf32, #tpu.memory_space<vmem>> -> memref<1x128x64xf32, #tpu.memory_space<vmem>>
    %dma_wait3A_385 = tpu.memref_squeeze %dma_wait3A_384 : memref<1x128x64xf32, #tpu.memory_space<vmem>> -> memref<128x64xf32, #tpu.memory_space<vmem>>
    %dma_wait3A_386 = arith.constant 0 : i32
    %dma_wait3A_387 = arith.constant 0 : i32
    %dma_wait3A_388 = tpu.memref_slice %arg2[%dma_wait3A_386, %dma_wait3A_387] : memref<20480x64xf32, #tpu.memory_space<hbm>> -> memref<128x64xf32, #tpu.memory_space<hbm>>
    tpu.wait_dma2 semaphore(%arg13 : memref<!tpu.dma_semaphore, #tpu.memory_space<semaphore_mem>>) src(%dma_wait3A_388 : memref<128x64xf32, #tpu.memory_space<hbm>>) dst(%dma_wait3A_385 : memref<128x64xf32, #tpu.memory_space<vmem>>)
    %dma_start3A_389 = arith.constant 3 : i32
    %dma_start3A_390 = arith.constant 159 : i32
    %dma_start3A_391 = arith.constant 0 : i32
    %dma_start3A_392 = arith.constant 0 : i32
    %dma_start3A_393 = tpu.memref_slice %arg8[%dma_start3A_389, %dma_start3A_391, %dma_start3A_392] : memref<4x128x64xf32, #tpu.memory_space<vmem>> -> memref<1x128x64xf32, #tpu.memory_space<vmem>>
    %dma_start3A_394 = tpu.memref_squeeze %dma_start3A_393 : memref<1x128x64xf32, #tpu.memory_space<vmem>> -> memref<128x64xf32, #tpu.memory_space<vmem>>
    %dma_start3A_395 = arith.constant 0 : i32
    %dma_start3A_396 = tpu.memref_slice %arg7[%dma_start3A_390, %dma_start3A_395] : memref<160x128xi32, #tpu.memory_space<vmem>> -> memref<1x128xi32, #tpu.memory_space<vmem>>
    %dma_start3A_397 = tpu.memref_squeeze %dma_start3A_396 : memref<1x128xi32, #tpu.memory_space<vmem>> -> memref<128xi32, #tpu.memory_space<vmem>>
    %dma_start3A_398 = arith.constant 0 : i32
    %dma_start3A_399 = arith.constant 0 : i32
    %dma_start3A_400 = tpu.memref_slice %arg9[%dma_start3A_398, %dma_start3A_399] : memref<10240x64xf32, #tpu.memory_space<vmem_shared>> -> memref<10240x64xf32, #tpu.memory_space<vmem_shared>>
    tpu.enqueue_indirect_dma source(%dma_start3A_394 : memref<128x64xf32, #tpu.memory_space<vmem>>) target(%dma_start3A_400 : memref<10240x64xf32, #tpu.memory_space<vmem_shared>>) offsets(%dma_start3A_397 : memref<128xi32, #tpu.memory_space<vmem>>) semaphore(%arg17 : memref<!tpu.dma_semaphore, #tpu.memory_space<semaphore_mem>>) {add = true}
    %dma_wait3A_401 = arith.constant 1 : i32
    %dma_wait3A_402 = arith.constant 0 : i32
    %dma_wait3A_403 = arith.constant 0 : i32
    %dma_wait3A_404 = tpu.memref_slice %arg8[%dma_wait3A_401, %dma_wait3A_402, %dma_wait3A_403] : memref<4x128x64xf32, #tpu.memory_space<vmem>> -> memref<1x128x64xf32, #tpu.memory_space<vmem>>
    %dma_wait3A_405 = tpu.memref_squeeze %dma_wait3A_404 : memref<1x128x64xf32, #tpu.memory_space<vmem>> -> memref<128x64xf32, #tpu.memory_space<vmem>>
    %dma_wait3A_406 = arith.constant 0 : i32
    %dma_wait3A_407 = arith.constant 0 : i32
    %dma_wait3A_408 = tpu.memref_slice %arg2[%dma_wait3A_406, %dma_wait3A_407] : memref<20480x64xf32, #tpu.memory_space<hbm>> -> memref<128x64xf32, #tpu.memory_space<hbm>>
    %dma_wait3A_409 = arith.constant 0 : i32
    %dma_wait3A_410 = arith.constant 0 : i32
    %dma_wait3A_411 = tpu.memref_slice %arg8[%dma_wait3A_401, %dma_wait3A_409, %dma_wait3A_410] : memref<4x128x64xf32, #tpu.memory_space<vmem>> -> memref<1x128x64xf32, #tpu.memory_space<vmem>>
    %dma_wait3A_412 = tpu.memref_squeeze %dma_wait3A_411 : memref<1x128x64xf32, #tpu.memory_space<vmem>> -> memref<128x64xf32, #tpu.memory_space<vmem>>
    %dma_wait3A_413 = arith.constant 0 : i32
    %dma_wait3A_414 = arith.constant 0 : i32
    %dma_wait3A_415 = tpu.memref_slice %arg2[%dma_wait3A_413, %dma_wait3A_414] : memref<20480x64xf32, #tpu.memory_space<hbm>> -> memref<128x64xf32, #tpu.memory_space<hbm>>
    tpu.wait_dma2 semaphore(%arg15 : memref<!tpu.dma_semaphore, #tpu.memory_space<semaphore_mem>>) src(%dma_wait3A_415 : memref<128x64xf32, #tpu.memory_space<hbm>>) dst(%dma_wait3A_412 : memref<128x64xf32, #tpu.memory_space<vmem>>)
    %dma_wait3A_416 = arith.constant 2 : i32
    %dma_wait3A_417 = arith.constant 0 : i32
    %dma_wait3A_418 = arith.constant 0 : i32
    %dma_wait3A_419 = tpu.memref_slice %arg8[%dma_wait3A_416, %dma_wait3A_417, %dma_wait3A_418] : memref<4x128x64xf32, #tpu.memory_space<vmem>> -> memref<1x128x64xf32, #tpu.memory_space<vmem>>
    %dma_wait3A_420 = tpu.memref_squeeze %dma_wait3A_419 : memref<1x128x64xf32, #tpu.memory_space<vmem>> -> memref<128x64xf32, #tpu.memory_space<vmem>>
    %dma_wait3A_421 = arith.constant 0 : i32
    %dma_wait3A_422 = arith.constant 0 : i32
    %dma_wait3A_423 = tpu.memref_slice %arg2[%dma_wait3A_421, %dma_wait3A_422] : memref<20480x64xf32, #tpu.memory_space<hbm>> -> memref<128x64xf32, #tpu.memory_space<hbm>>
    %dma_wait3A_424 = arith.constant 0 : i32
    %dma_wait3A_425 = arith.constant 0 : i32
    %dma_wait3A_426 = tpu.memref_slice %arg8[%dma_wait3A_416, %dma_wait3A_424, %dma_wait3A_425] : memref<4x128x64xf32, #tpu.memory_space<vmem>> -> memref<1x128x64xf32, #tpu.memory_space<vmem>>
    %dma_wait3A_427 = tpu.memref_squeeze %dma_wait3A_426 : memref<1x128x64xf32, #tpu.memory_space<vmem>> -> memref<128x64xf32, #tpu.memory_space<vmem>>
    %dma_wait3A_428 = arith.constant 0 : i32
    %dma_wait3A_429 = arith.constant 0 : i32
    %dma_wait3A_430 = tpu.memref_slice %arg2[%dma_wait3A_428, %dma_wait3A_429] : memref<20480x64xf32, #tpu.memory_space<hbm>> -> memref<128x64xf32, #tpu.memory_space<hbm>>
    tpu.wait_dma2 semaphore(%arg16 : memref<!tpu.dma_semaphore, #tpu.memory_space<semaphore_mem>>) src(%dma_wait3A_430 : memref<128x64xf32, #tpu.memory_space<hbm>>) dst(%dma_wait3A_427 : memref<128x64xf32, #tpu.memory_space<vmem>>)
    %dma_wait3A_431 = arith.constant 3 : i32
    %dma_wait3A_432 = arith.constant 0 : i32
    %dma_wait3A_433 = arith.constant 0 : i32
    %dma_wait3A_434 = tpu.memref_slice %arg8[%dma_wait3A_431, %dma_wait3A_432, %dma_wait3A_433] : memref<4x128x64xf32, #tpu.memory_space<vmem>> -> memref<1x128x64xf32, #tpu.memory_space<vmem>>
    %dma_wait3A_435 = tpu.memref_squeeze %dma_wait3A_434 : memref<1x128x64xf32, #tpu.memory_space<vmem>> -> memref<128x64xf32, #tpu.memory_space<vmem>>
    %dma_wait3A_436 = arith.constant 0 : i32
    %dma_wait3A_437 = arith.constant 0 : i32
    %dma_wait3A_438 = tpu.memref_slice %arg2[%dma_wait3A_436, %dma_wait3A_437] : memref<20480x64xf32, #tpu.memory_space<hbm>> -> memref<128x64xf32, #tpu.memory_space<hbm>>
    %dma_wait3A_439 = arith.constant 0 : i32
    %dma_wait3A_440 = arith.constant 0 : i32
    %dma_wait3A_441 = tpu.memref_slice %arg8[%dma_wait3A_431, %dma_wait3A_439, %dma_wait3A_440] : memref<4x128x64xf32, #tpu.memory_space<vmem>> -> memref<1x128x64xf32, #tpu.memory_space<vmem>>
    %dma_wait3A_442 = tpu.memref_squeeze %dma_wait3A_441 : memref<1x128x64xf32, #tpu.memory_space<vmem>> -> memref<128x64xf32, #tpu.memory_space<vmem>>
    %dma_wait3A_443 = arith.constant 0 : i32
    %dma_wait3A_444 = arith.constant 0 : i32
    %dma_wait3A_445 = tpu.memref_slice %arg2[%dma_wait3A_443, %dma_wait3A_444] : memref<20480x64xf32, #tpu.memory_space<hbm>> -> memref<128x64xf32, #tpu.memory_space<hbm>>
    tpu.wait_dma2 semaphore(%arg17 : memref<!tpu.dma_semaphore, #tpu.memory_space<semaphore_mem>>) src(%dma_wait3A_445 : memref<128x64xf32, #tpu.memory_space<hbm>>) dst(%dma_wait3A_442 : memref<128x64xf32, #tpu.memory_space<vmem>>)
    %barrier3A_446 = arith.constant 0 : index
    tpu.barrier barrier_id(%barrier3A_446)
    "tpu.region"() ({
      %run_scoped3A_447 = tpu.sem_alloc : memref<!tpu.dma_semaphore, #tpu.memory_space<semaphore_mem>>
      %dma_start3A_448 = arith.constant 0 : i32
      %dma_start3A_449 = tpu.memref_slice %arg5[%arg0, %mul3A_12, %dma_start3A_448] : memref<2x10240x64xf32, #tpu.memory_space<hbm>> -> memref<1x640x64xf32, #tpu.memory_space<hbm>>
      %dma_start3A_450 = tpu.memref_squeeze %dma_start3A_449 : memref<1x640x64xf32, #tpu.memory_space<hbm>> -> memref<640x64xf32, #tpu.memory_space<hbm>>
      %dma_start3A_451 = arith.constant 0 : i32
      %dma_start3A_452 = tpu.memref_slice %arg9[%mul3A_12, %dma_start3A_451] : memref<10240x64xf32, #tpu.memory_space<vmem_shared>> -> memref<640x64xf32, #tpu.memory_space<vmem_shared>>
      tpu.enqueue_dma source(%dma_start3A_452 : memref<640x64xf32, #tpu.memory_space<vmem_shared>>) target(%dma_start3A_450 : memref<640x64xf32, #tpu.memory_space<hbm>>) target_semaphore(%run_scoped3A_447 : memref<!tpu.dma_semaphore, #tpu.memory_space<semaphore_mem>>)
      %dma_wait3A_453 = arith.constant 0 : i32
      %dma_wait3A_454 = tpu.memref_slice %arg5[%arg0, %mul3A_12, %dma_wait3A_453] : memref<2x10240x64xf32, #tpu.memory_space<hbm>> -> memref<1x640x64xf32, #tpu.memory_space<hbm>>
      %dma_wait3A_455 = tpu.memref_squeeze %dma_wait3A_454 : memref<1x640x64xf32, #tpu.memory_space<hbm>> -> memref<640x64xf32, #tpu.memory_space<hbm>>
      %dma_wait3A_456 = arith.constant 0 : i32
      %dma_wait3A_457 = tpu.memref_slice %arg9[%mul3A_12, %dma_wait3A_456] : memref<10240x64xf32, #tpu.memory_space<vmem_shared>> -> memref<640x64xf32, #tpu.memory_space<vmem_shared>>
      tpu.wait_dma2 semaphore(%run_scoped3A_447 : memref<!tpu.dma_semaphore, #tpu.memory_space<semaphore_mem>>) src(%dma_wait3A_457 : memref<640x64xf32, #tpu.memory_space<vmem_shared>>) dst(%dma_wait3A_455 : memref<640x64xf32, #tpu.memory_space<hbm>>)
      tpu.yield
    }) : () -> ()
    return
  }
}

module attributes {stable_mosaic.version = 14 : i64} {
  func.func @_tc1_body(%arg0: i32, %arg1: memref<2x512x16xf32, #tpu.memory_space<vmem>>, %arg2: memref<512x128xf32, #tpu.memory_space<vmem>>, %arg3: memref<128x128xf32, #tpu.memory_space<vmem>>, %arg4: memref<512x128xf32, #tpu.memory_space<vmem>>) attributes {dimension_semantics = [#tpu.dimension_semantics<arbitrary>], iteration_bounds = array<i64: 20>, scalar_prefetch = 0 : i64, scratch_operands = 0 : i64, tpu.core_type = #tpu.core_type<tc>, window_params = [{transform_indices = @transform_0, window_bounds = array<i64: 2, 512, 16>}, {transform_indices = @transform_1, window_bounds = array<i64: 512, 128>}, {pipeline_mode = #tpu.pipeline_mode<synchronous>, transform_indices = @transform_2, window_bounds = array<i64: 128, 128>}, {transform_indices = @transform_3, window_bounds = array<i64: 512, 128>}]} {
    %get3A = arith.constant 0 : index
    %get3A_0 = arith.constant 0 : index
    %get3A_1 = arith.constant 0 : index
    %get3A_2 = vector.load %arg1[%get3A, %get3A_0, %get3A_1] : memref<2x512x16xf32, #tpu.memory_space<vmem>>, vector<2x512x16xf32>
    %slice3A = vector.extract_strided_slice %get3A_2 {offsets = [0, 0, 0], sizes = [1, 512, 1], strides = [1, 1, 1]} : vector<2x512x16xf32> to vector<1x512x1xf32>
    %squeeze3A = vector.shape_cast %slice3A : vector<1x512x1xf32> to vector<512x1xf32>
    %slice3A_3 = vector.extract_strided_slice %get3A_2 {offsets = [1, 0, 0], sizes = [1, 512, 1], strides = [1, 1, 1]} : vector<2x512x16xf32> to vector<1x512x1xf32>
    %squeeze3A_4 = vector.shape_cast %slice3A_3 : vector<1x512x1xf32> to vector<512x1xf32>
    %add3A = arith.addf %squeeze3A, %squeeze3A_4 : vector<512x1xf32>
    %add3A_5 = arith.constant 1.000000e+00 : f32
    %add3A_6 = vector.broadcast %add3A_5 : f32 to vector<512x1xf32>
    %add3A_7 = arith.addf %add3A, %add3A_6 : vector<512x1xf32>
    %rsqrt3A = math.rsqrt %add3A_7 : vector<512x1xf32>
    %get3A_8 = arith.constant 0 : index
    %get3A_9 = arith.constant 0 : index
    %get3A_10 = vector.load %arg2[%get3A_8, %get3A_9] : memref<512x128xf32, #tpu.memory_space<vmem>>, vector<512x128xf32>
    %get3A_11 = arith.constant 0 : index
    %get3A_12 = arith.constant 0 : index
    %get3A_13 = vector.load %arg3[%get3A_11, %get3A_12] : memref<128x128xf32, #tpu.memory_space<vmem>>, vector<128x128xf32>
    %dot_general3A = arith.constant dense<0.000000e+00> : vector<512x128xf32>
    %dot_general3A_14 = tpu.matmul %get3A_10, %get3A_13, %dot_general3A {dimension_numbers = #tpu.dot_dimension_numbers<[1], [0], [0], [1], [0, 0, 1, 1], [], []>, transpose_lhs_hint = false} : vector<512x128xf32>, vector<128x128xf32>, vector<512x128xf32> -> vector<512x128xf32>
    %mul3A = vector.broadcast %rsqrt3A : vector<512x1xf32> to vector<512x128xf32>
    %mul3A_15 = arith.mulf %dot_general3A_14, %mul3A : vector<512x128xf32>
    %swap3A = arith.constant 0 : index
    %swap3A_16 = arith.constant 0 : index
    %swap3A_17 = vector.load %arg4[%swap3A, %swap3A_16] : memref<512x128xf32, #tpu.memory_space<vmem>>, vector<512x128xf32>
    tpu.vector_store %arg4[%swap3A, %swap3A_16], %mul3A_15 {strides = array<i32>} : memref<512x128xf32, #tpu.memory_space<vmem>>, vector<512x128xf32>,
    return
  }
  func.func @transform_0(%arg0: i32) -> (i32, i32, i32) {
    %c0_i32 = arith.constant 0 : i32
    %c0_i32_0 = arith.constant 0 : i32
    %c0_i32_1 = arith.constant 0 : i32
    return %c0_i32, %arg0, %c0_i32_0 : i32, i32, i32
  }
  func.func @transform_1(%arg0: i32) -> (i32, i32) {
    %c0_i32 = arith.constant 0 : i32
    %c0_i32_0 = arith.constant 0 : i32
    return %arg0, %c0_i32 : i32, i32
  }
  func.func @transform_2(%arg0: i32) -> (i32, i32) {
    %c0_i32 = arith.constant 0 : i32
    %c0_i32_0 = arith.constant 0 : i32
    %c0_i32_1 = arith.constant 0 : i32
    return %c0_i32, %c0_i32_0 : i32, i32
  }
  func.func @transform_3(%arg0: i32) -> (i32, i32) {
    %c0_i32 = arith.constant 0 : i32
    %c0_i32_0 = arith.constant 0 : i32
    return %arg0, %c0_i32 : i32, i32
  }
}

module attributes {stable_mosaic.version = 14 : i64} {
  func.func @_tc2_body(%arg0: i32, %arg1: memref<2x512x16xf32, #tpu.memory_space<vmem>>, %arg2: memref<2x512x64xf32, #tpu.memory_space<vmem>>, %arg3: memref<512x128xf32, #tpu.memory_space<vmem>>, %arg4: memref<1x128xf32, #tpu.memory_space<vmem>>, %arg5: memref<128x128xf32, #tpu.memory_space<vmem>>, %arg6: memref<512x128xf32, #tpu.memory_space<vmem>>) attributes {dimension_semantics = [#tpu.dimension_semantics<arbitrary>], iteration_bounds = array<i64: 20>, scalar_prefetch = 0 : i64, scratch_operands = 0 : i64, tpu.core_type = #tpu.core_type<tc>, window_params = [{transform_indices = @transform_0, window_bounds = array<i64: 2, 512, 16>}, {transform_indices = @transform_1, window_bounds = array<i64: 2, 512, 64>}, {transform_indices = @transform_2, window_bounds = array<i64: 512, 128>}, {pipeline_mode = #tpu.pipeline_mode<synchronous>, transform_indices = @transform_3, window_bounds = array<i64: 1, 128>}, {pipeline_mode = #tpu.pipeline_mode<synchronous>, transform_indices = @transform_4, window_bounds = array<i64: 128, 128>}, {transform_indices = @transform_5, window_bounds = array<i64: 512, 128>}]} {
    %get3A = arith.constant 0 : index
    %get3A_0 = arith.constant 0 : index
    %get3A_1 = arith.constant 0 : index
    %get3A_2 = vector.load %arg1[%get3A, %get3A_0, %get3A_1] : memref<2x512x16xf32, #tpu.memory_space<vmem>>, vector<2x512x16xf32>
    %slice3A = vector.extract_strided_slice %get3A_2 {offsets = [0, 0, 0], sizes = [1, 512, 1], strides = [1, 1, 1]} : vector<2x512x16xf32> to vector<1x512x1xf32>
    %squeeze3A = vector.shape_cast %slice3A : vector<1x512x1xf32> to vector<512x1xf32>
    %slice3A_3 = vector.extract_strided_slice %get3A_2 {offsets = [1, 0, 0], sizes = [1, 512, 1], strides = [1, 1, 1]} : vector<2x512x16xf32> to vector<1x512x1xf32>
    %squeeze3A_4 = vector.shape_cast %slice3A_3 : vector<1x512x1xf32> to vector<512x1xf32>
    %add3A = arith.addf %squeeze3A, %squeeze3A_4 : vector<512x1xf32>
    %add3A_5 = arith.constant 1.000000e+00 : f32
    %add3A_6 = vector.broadcast %add3A_5 : f32 to vector<512x1xf32>
    %add3A_7 = arith.addf %add3A, %add3A_6 : vector<512x1xf32>
    %rsqrt3A = math.rsqrt %add3A_7 : vector<512x1xf32>
    %get3A_8 = arith.constant 0 : index
    %get3A_9 = arith.constant 0 : index
    %get3A_10 = arith.constant 0 : index
    %get3A_11 = vector.load %arg2[%get3A_8, %get3A_9, %get3A_10] : memref<2x512x64xf32, #tpu.memory_space<vmem>>, vector<2x512x64xf32>
    %slice3A_12 = vector.extract_strided_slice %get3A_11 {offsets = [0, 0, 0], sizes = [1, 512, 64], strides = [1, 1, 1]} : vector<2x512x64xf32> to vector<1x512x64xf32>
    %squeeze3A_13 = vector.shape_cast %slice3A_12 : vector<1x512x64xf32> to vector<512x64xf32>
    %slice3A_14 = vector.extract_strided_slice %get3A_11 {offsets = [1, 0, 0], sizes = [1, 512, 64], strides = [1, 1, 1]} : vector<2x512x64xf32> to vector<1x512x64xf32>
    %squeeze3A_15 = vector.shape_cast %slice3A_14 : vector<1x512x64xf32> to vector<512x64xf32>
    %concatenate3A = tpu.concatenate %squeeze3A_13, %squeeze3A_15 in 1 : vector<512x64xf32>, vector<512x64xf32> -> vector<512x128xf32>
    %get3A_16 = arith.constant 0 : index
    %get3A_17 = arith.constant 0 : index
    %get3A_18 = vector.load %arg3[%get3A_16, %get3A_17] : memref<512x128xf32, #tpu.memory_space<vmem>>, vector<512x128xf32>
    %add3A_19 = arith.addf %concatenate3A, %get3A_18 : vector<512x128xf32>
    %mul3A = vector.broadcast %rsqrt3A : vector<512x1xf32> to vector<512x128xf32>
    %mul3A_20 = arith.mulf %add3A_19, %mul3A : vector<512x128xf32>
    %get3A_21 = arith.constant 0 : index
    %get3A_22 = arith.constant 0 : index
    %get3A_23 = vector.load %arg4[%get3A_21, %get3A_22] : memref<1x128xf32, #tpu.memory_space<vmem>>, vector<1x128xf32>
    %add3A_24 = vector.broadcast %get3A_23 : vector<1x128xf32> to vector<512x128xf32>
    %add3A_25 = arith.addf %mul3A_20, %add3A_24 : vector<512x128xf32>
    %max3A = arith.constant 0.000000e+00 : f32
    %max3A_26 = vector.broadcast %max3A : f32 to vector<512x128xf32>
    %max3A_27 = arith.maximumf %add3A_25, %max3A_26 : vector<512x128xf32>
    %get3A_28 = arith.constant 0 : index
    %get3A_29 = arith.constant 0 : index
    %get3A_30 = vector.load %arg5[%get3A_28, %get3A_29] : memref<128x128xf32, #tpu.memory_space<vmem>>, vector<128x128xf32>
    %dot_general3A = arith.constant dense<0.000000e+00> : vector<512x128xf32>
    %dot_general3A_31 = tpu.matmul %max3A_27, %get3A_30, %dot_general3A {dimension_numbers = #tpu.dot_dimension_numbers<[1], [0], [0], [1], [0, 0, 1, 1], [], []>, transpose_lhs_hint = false} : vector<512x128xf32>, vector<128x128xf32>, vector<512x128xf32> -> vector<512x128xf32>
    %mul3A_32 = vector.broadcast %rsqrt3A : vector<512x1xf32> to vector<512x128xf32>
    %mul3A_33 = arith.mulf %dot_general3A_31, %mul3A_32 : vector<512x128xf32>
    %swap3A = arith.constant 0 : index
    %swap3A_34 = arith.constant 0 : index
    %swap3A_35 = vector.load %arg6[%swap3A, %swap3A_34] : memref<512x128xf32, #tpu.memory_space<vmem>>, vector<512x128xf32>
    tpu.vector_store %arg6[%swap3A, %swap3A_34], %mul3A_33 {strides = array<i32>} : memref<512x128xf32, #tpu.memory_space<vmem>>, vector<512x128xf32>,
    return
  }
  func.func @transform_0(%arg0: i32) -> (i32, i32, i32) {
    %c0_i32 = arith.constant 0 : i32
    %c0_i32_0 = arith.constant 0 : i32
    %c0_i32_1 = arith.constant 0 : i32
    return %c0_i32, %arg0, %c0_i32_0 : i32, i32, i32
  }
  func.func @transform_1(%arg0: i32) -> (i32, i32, i32) {
    %c0_i32 = arith.constant 0 : i32
    %c0_i32_0 = arith.constant 0 : i32
    %c0_i32_1 = arith.constant 0 : i32
    return %c0_i32, %arg0, %c0_i32_0 : i32, i32, i32
  }
  func.func @transform_2(%arg0: i32) -> (i32, i32) {
    %c0_i32 = arith.constant 0 : i32
    %c0_i32_0 = arith.constant 0 : i32
    return %arg0, %c0_i32 : i32, i32
  }
  func.func @transform_3(%arg0: i32) -> (i32, i32) {
    %c0_i32 = arith.constant 0 : i32
    %c0_i32_0 = arith.constant 0 : i32
    %c0_i32_1 = arith.constant 0 : i32
    return %c0_i32, %c0_i32_0 : i32, i32
  }
  func.func @transform_4(%arg0: i32) -> (i32, i32) {
    %c0_i32 = arith.constant 0 : i32
    %c0_i32_0 = arith.constant 0 : i32
    %c0_i32_1 = arith.constant 0 : i32
    return %c0_i32, %c0_i32_0 : i32, i32
  }
  func.func @transform_5(%arg0: i32) -> (i32, i32) {
    %c0_i32 = arith.constant 0 : i32
    %c0_i32_0 = arith.constant 0 : i32
    return %arg0, %c0_i32 : i32, i32
  }
}

module attributes {stable_mosaic.version = 14 : i64} {
  func.func @_tc3_body(%arg0: i32, %arg1: memref<2x512x16xf32, #tpu.memory_space<vmem>>, %arg2: memref<2x512x64xf32, #tpu.memory_space<vmem>>, %arg3: memref<512x128xf32, #tpu.memory_space<vmem>>, %arg4: memref<1x128xf32, #tpu.memory_space<vmem>>, %arg5: memref<512x128xf32, #tpu.memory_space<vmem>>) attributes {dimension_semantics = [#tpu.dimension_semantics<arbitrary>], iteration_bounds = array<i64: 20>, scalar_prefetch = 0 : i64, scratch_operands = 0 : i64, tpu.core_type = #tpu.core_type<tc>, window_params = [{transform_indices = @transform_0, window_bounds = array<i64: 2, 512, 16>}, {transform_indices = @transform_1, window_bounds = array<i64: 2, 512, 64>}, {transform_indices = @transform_2, window_bounds = array<i64: 512, 128>}, {pipeline_mode = #tpu.pipeline_mode<synchronous>, transform_indices = @transform_3, window_bounds = array<i64: 1, 128>}, {transform_indices = @transform_4, window_bounds = array<i64: 512, 128>}]} {
    %get3A = arith.constant 0 : index
    %get3A_0 = arith.constant 0 : index
    %get3A_1 = arith.constant 0 : index
    %get3A_2 = vector.load %arg1[%get3A, %get3A_0, %get3A_1] : memref<2x512x16xf32, #tpu.memory_space<vmem>>, vector<2x512x16xf32>
    %slice3A = vector.extract_strided_slice %get3A_2 {offsets = [0, 0, 0], sizes = [1, 512, 1], strides = [1, 1, 1]} : vector<2x512x16xf32> to vector<1x512x1xf32>
    %squeeze3A = vector.shape_cast %slice3A : vector<1x512x1xf32> to vector<512x1xf32>
    %slice3A_3 = vector.extract_strided_slice %get3A_2 {offsets = [1, 0, 0], sizes = [1, 512, 1], strides = [1, 1, 1]} : vector<2x512x16xf32> to vector<1x512x1xf32>
    %squeeze3A_4 = vector.shape_cast %slice3A_3 : vector<1x512x1xf32> to vector<512x1xf32>
    %add3A = arith.addf %squeeze3A, %squeeze3A_4 : vector<512x1xf32>
    %add3A_5 = arith.constant 1.000000e+00 : f32
    %add3A_6 = vector.broadcast %add3A_5 : f32 to vector<512x1xf32>
    %add3A_7 = arith.addf %add3A, %add3A_6 : vector<512x1xf32>
    %rsqrt3A = math.rsqrt %add3A_7 : vector<512x1xf32>
    %get3A_8 = arith.constant 0 : index
    %get3A_9 = arith.constant 0 : index
    %get3A_10 = arith.constant 0 : index
    %get3A_11 = vector.load %arg2[%get3A_8, %get3A_9, %get3A_10] : memref<2x512x64xf32, #tpu.memory_space<vmem>>, vector<2x512x64xf32>
    %slice3A_12 = vector.extract_strided_slice %get3A_11 {offsets = [0, 0, 0], sizes = [1, 512, 64], strides = [1, 1, 1]} : vector<2x512x64xf32> to vector<1x512x64xf32>
    %squeeze3A_13 = vector.shape_cast %slice3A_12 : vector<1x512x64xf32> to vector<512x64xf32>
    %slice3A_14 = vector.extract_strided_slice %get3A_11 {offsets = [1, 0, 0], sizes = [1, 512, 64], strides = [1, 1, 1]} : vector<2x512x64xf32> to vector<1x512x64xf32>
    %squeeze3A_15 = vector.shape_cast %slice3A_14 : vector<1x512x64xf32> to vector<512x64xf32>
    %concatenate3A = tpu.concatenate %squeeze3A_13, %squeeze3A_15 in 1 : vector<512x64xf32>, vector<512x64xf32> -> vector<512x128xf32>
    %get3A_16 = arith.constant 0 : index
    %get3A_17 = arith.constant 0 : index
    %get3A_18 = vector.load %arg3[%get3A_16, %get3A_17] : memref<512x128xf32, #tpu.memory_space<vmem>>, vector<512x128xf32>
    %add3A_19 = arith.addf %concatenate3A, %get3A_18 : vector<512x128xf32>
    %mul3A = vector.broadcast %rsqrt3A : vector<512x1xf32> to vector<512x128xf32>
    %mul3A_20 = arith.mulf %add3A_19, %mul3A : vector<512x128xf32>
    %get3A_21 = arith.constant 0 : index
    %get3A_22 = arith.constant 0 : index
    %get3A_23 = vector.load %arg4[%get3A_21, %get3A_22] : memref<1x128xf32, #tpu.memory_space<vmem>>, vector<1x128xf32>
    %add3A_24 = vector.broadcast %get3A_23 : vector<1x128xf32> to vector<512x128xf32>
    %add3A_25 = arith.addf %mul3A_20, %add3A_24 : vector<512x128xf32>
    %swap3A = arith.constant 0 : index
    %swap3A_26 = arith.constant 0 : index
    %swap3A_27 = vector.load %arg5[%swap3A, %swap3A_26] : memref<512x128xf32, #tpu.memory_space<vmem>>, vector<512x128xf32>
    tpu.vector_store %arg5[%swap3A, %swap3A_26], %add3A_25 {strides = array<i32>} : memref<512x128xf32, #tpu.memory_space<vmem>>, vector<512x128xf32>,
    return
  }
  func.func @transform_0(%arg0: i32) -> (i32, i32, i32) {
    %c0_i32 = arith.constant 0 : i32
    %c0_i32_0 = arith.constant 0 : i32
    %c0_i32_1 = arith.constant 0 : i32
    return %c0_i32, %arg0, %c0_i32_0 : i32, i32, i32
  }
  func.func @transform_1(%arg0: i32) -> (i32, i32, i32) {
    %c0_i32 = arith.constant 0 : i32
    %c0_i32_0 = arith.constant 0 : i32
    %c0_i32_1 = arith.constant 0 : i32
    return %c0_i32, %arg0, %c0_i32_0 : i32, i32, i32
  }
  func.func @transform_2(%arg0: i32) -> (i32, i32) {
    %c0_i32 = arith.constant 0 : i32
    %c0_i32_0 = arith.constant 0 : i32
    return %arg0, %c0_i32 : i32, i32
  }
  func.func @transform_3(%arg0: i32) -> (i32, i32) {
    %c0_i32 = arith.constant 0 : i32
    %c0_i32_0 = arith.constant 0 : i32
    %c0_i32_1 = arith.constant 0 : i32
    return %c0_i32, %c0_i32_0 : i32, i32
  }
  func.func @transform_4(%arg0: i32) -> (i32, i32) {
    %c0_i32 = arith.constant 0 : i32
    %c0_i32_0 = arith.constant 0 : i32
    return %arg0, %c0_i32 : i32, i32
  }
}

</mosaic_0001>

<sc_bundles>
// kernel: kernel.11.cloned.1.call-start
scs
__scs_entry_jumppad:
0x0: {  	(pc) =	sbr.rel $0x88, $3  }
0x1: {  	(tag) =	ssettag $0x0;
	lr =	simm.s32 $0x1  }
0x2: {  	[smem:$0x3F9B] =	sst lr;
	_ =	strace $0xD0000000  }
0x3: {  	_ = 	snop  }
0x4: {  	_ = 	snop  }
0x5: {  	_ = 	snop  }
0x6: {  	_ = 	snop  }
0x7: {  	_ = 	snop  }
__scs_overlays_trampoline_lowered:
0x8: {  	[smem:$0x3FAA] =	sst s0  }
0x9: {  	[smem:$0x3FAB] =	sst s1  }
0xa: {  	[smem:$0x3FAC] =	sst s2  }
0xb: {  	[smem:$0x3FAD] =	sst s3  }
0xc: {  	[smem:$0x3FAE] =	sst s4  }
0xd: {  	[smem:$0x3FAF] =	sst s5  }
0xe: {  	[smem:$0x3FB0] =	sst s6  }
0xf: {  	[smem:$0x3FB1] =	sst s7  }
0x10: {  	[smem:$0x3FB2] =	sst s8  }
0x11: {  	[smem:$0x3FB3] =	sst s9;
	s0 =	simm.s32 @!p0 $0x0  }
0x12: {  	s1 =	sld [smem:$0x3F99];
	s0 =	simm.s32 @p0 $0x1  }
0x13: {  	[smem:$0x3FB4] =	sst s0;
	s0 =	simm.s32 @!p1 $0x0  }
0x14: {  	s2 =	sld [smem:$0x3F98];
	s0 =	simm.s32 @p1 $0x1  }
0x15: {  	[smem:$0x3FB5] =	sst s0;
	s0 =	simm.s32 @!p2 $0x0  }
0x16: {  	s3 =	sld [smem:$0x3FDB];
	s0 =	simm.s32 @p2 $0x1  }
0x17: {  	s4 =	simm.s32 $0x1BF5;
	[smem:$0x3FB7] =	sst s0  }
0x18: {  	s0 =	sld [smem:$0x3F9A];
	_ =	swait.ge [sflag:s4], $0x0  }
0x19: {  	s7 =	sld [smem:$0x3F9B]  }
0x1a: {  	s8 =	sadd.s32 $0xFFFFE003, lr  }
0x1b: {  	s9 =	sadd.s32 $0xFFFFFEF7, lr;
	s5 =	simm.s32 $0xFFFFFFFF;
	p2 =	slt.u32 s8, $0xFFFFF086  }
0x1c: {  	p1 =	slt.u32 s9, $0xF7A;
	s5 =	simm.s32 @!p2 $0x0  }
0x1d: {  	s5 =	simm.s32 @p1 $0x1;
	p0 =	seq.s32 s7, s2  }
0x1e: {  	s7 =	smul.u32 @!p0 $0xF7A, s2;
	p2 =	seq.s32 @!p0 s5, $0x0  }
0x1f: {  	s9 =	smul.u32 $0xF7A, s1;
	s8 =	simm.s32 @!p0 $0x1BF5;
	p2 =	por !p2, p0  }
0x20: {  	[sflag:s8] =	ssyncset.s32 @!p0 $0xFFFFF086;
	s6 =	sadd.s32 @!p0 s3, s7;
	s7 =	simm.s32 @!p0 $0x108  }
0x21: {  	s3 =	sadd.s32 s3, s9;
	s6 =	sadd.s32 @!p0 $0x88, s6;
	s7 =	simm.s32 @p2 $0x1082  }
0x22: {  	[simem:s7], [sflag:s8] =	dma.local @!p0 [hbm:s6], $0xF7A  }
0x23: {  	s9 =	sor.u32 $0xD0000000, s2;
	s6 =	simm.s32 $0x108;
	_ =	swait.ge @!p0 [sflag:s8], $0x0  }
0x24: {  	s3 =	sadd.s32 $0x88, s3;
	s6 =	simm.s32 @!p1 $0x1082;
	[sflag:s4] =	ssyncset.s32 $0xFFFFF086  }
0x25: {  	[simem:s6], [sflag:s4] =	dma.local [hbm:s3], $0xF7A  }
0x26: {  	[smem:$0x3F9B] =	sst s1;
	(tag) =	ssettag s2;
	_ =	strace s9  }
0x27: {  	s1 =	sld [smem:$0x3FAB]  }
0x28: {  	s2 =	sld [smem:$0x3FAC]  }
0x29: {  	s4 =	sld [smem:$0x3FAE]  }
0x2a: {  	p0 =	seq.s32 s5, $0x0;
	s5 =	sld [smem:$0x3FAF]  }
0x2b: {  	s6 =	sld [smem:$0x3FB0]  }
0x2c: {  	s7 =	sld [smem:$0x3FB1]  }
0x2d: {  	s3 =	simm.s32 $0x108;
	s8 =	sld [smem:$0x3FB2]  }
0x2e: {  	s3 =	simm.s32 @!p0 $0x1082;
	s9 =	sld [smem:$0x3FB3]  }
0x2f: {  	lr =	sadd.s32 s0, s3;
	s0 =	sld [smem:$0x3FAA]  }
0x30: {  	s3 =	sld [smem:$0x3FAD]  }
0x31: {  	[smem:$0x3FB6] =	sst s10  }
0x32: {  	s10 =	sld [smem:$0x3FB4];
	_ =	sdelay $0x3  }
0x33: {  	p0 =	seq.s32 s10, $0x1;
	s10 =	sld [smem:$0x3FB6];
	_ =	sdelay $0x3  }
0x34: {  	[smem:$0x3FB6] =	sst s10  }
0x35: {  	s10 =	sld [smem:$0x3FB5];
	_ =	sdelay $0x3  }
0x36: {  	p1 =	seq.s32 s10, $0x1;
	s10 =	sld [smem:$0x3FB6];
	_ =	sdelay $0x3  }
0x37: {  	[smem:$0x3FB6] =	sst s10  }
0x38: {  	s10 =	sld [smem:$0x3FB7]  }
0x39: {  	_ = 	snop;
	(pc) =	sbr.ind lr, $3  }
0x3a: {  	_ = 	snop  }
0x3b: {  	_ = 	snop  }
0x3c: {  	p2 =	seq.s32 s10, $0x1;
	s10 =	sld [smem:$0x3FB6]  }
0x3d: {  	_ =	shalt  }
0x3e: {  	_ =	shalt  }
0x3f: {  	_ =	shalt  }
0x40: {  	_ =	shalt  }
0x41: {  	_ =	shalt  }
0x42: {  	_ =	shalt  }
0x43: {  	_ =	shalt  }
0x44: {  	_ =	shalt  }
0x45: {  	_ =	shalt  }
0x46: {  	_ =	shalt  }
0x47: {  	_ =	shalt  }
0x48: {  	_ =	shalt  }
0x49: {  	_ =	shalt  }
0x4a: {  	_ =	shalt  }
0x4b: {  	_ =	shalt  }
0x4c: {  	_ =	shalt  }
0x4d: {  	_ =	shalt  }
0x4e: {  	_ =	shalt  }
0x4f: {  	_ =	shalt  }
0x50: {  	_ =	shalt  }
0x51: {  	_ =	shalt  }
0x52: {  	_ =	shalt  }
0x53: {  	_ =	shalt  }
0x54: {  	_ =	shalt  }
0x55: {  	_ =	shalt  }
0x56: {  	_ =	shalt  }
0x57: {  	_ =	shalt  }
0x58: {  	_ =	shalt  }
0x59: {  	_ =	shalt  }
0x5a: {  	_ =	shalt  }
0x5b: {  	_ =	shalt  }
0x5c: {  	_ =	shalt  }
0x5d: {  	_ =	shalt  }
0x5e: {  	_ =	shalt  }
0x5f: {  	_ =	shalt  }
0x60: {  	_ =	shalt  }
0x61: {  	_ =	shalt  }
0x62: {  	_ =	shalt  }
0x63: {  	_ =	shalt  }
0x64: {  	_ =	shalt  }
0x65: {  	_ =	shalt  }
0x66: {  	_ =	shalt  }
0x67: {  	_ =	shalt  }
0x68: {  	_ =	shalt  }
0x69: {  	_ =	shalt  }
0x6a: {  	_ =	shalt  }
0x6b: {  	_ =	shalt  }
0x6c: {  	_ =	shalt  }
0x6d: {  	_ =	shalt  }
0x6e: {  	_ =	shalt  }
0x6f: {  	_ =	shalt  }
0x70: {  	_ =	shalt  }
0x71: {  	_ =	shalt  }
0x72: {  	_ =	shalt  }
0x73: {  	_ =	shalt  }
0x74: {  	_ =	shalt  }
0x75: {  	_ =	shalt  }
0x76: {  	_ =	shalt  }
0x77: {  	_ =	shalt  }
0x78: {  	_ =	shalt  }
0x79: {  	_ =	shalt  }
0x7a: {  	_ =	shalt  }
0x7b: {  	_ =	shalt  }
0x7c: {  	_ =	shalt  }
0x7d: {  	_ =	shalt  }
0x7e: {  	_ =	shalt  }
0x7f: {  	_ =	shalt  }
0x80: {  	_ =	shalt  }
0x81: {  	_ =	shalt  }
0x82: {  	_ =	shalt  }
0x83: {  	_ =	shalt  }
0x84: {  	_ =	shalt  }
0x85: {  	_ =	shalt  }
0x86: {  	_ =	shalt  }
0x87: {  	_ =	shalt  }
.Lfunc_end0:
.L_simem_size_0:
called_computation.1_lowered:
.L_overlay_start_0:
0x88: {  	s2 =	sld [smem:$0x3FD9]  }
0x89: {  	s3 =	sld [smem:$0x3FFE];
	_ =	sdelay $0x1  }
0x8a: {  	s1 =	srdreg.scid  }
0x8b: {  	s0 =	sand.u32 $0x1, s1  }
0x8c: {  	s17 =	sshll.u32 s0, $0xA;
	s2 =	sadd.s32 s3, s2  }
0x8d: {  	s2 =	sadd.s32 s2, s17  }
0x8e: {  	[smem:$0x3FC2] =	sst s2  }
0x8f: {  	_ = 	snop  }
0x90: {  	s2 =	sld [smem:$0x3FD0];
	(tm) =	ssettm $0x1  }
0x91: {  	s18 =	sld [smem:$0x3FFB];
	_ =	sdelay $0x3  }
0x92: {  	_ =	strace s18  }
0x93: {  	s3 =	sld [smem:$0x3FFC];
	_ =	sdelay $0x3  }
0x94: {  	_ =	strace s3  }
0x95: {  	s3 =	sld [smem:$0x3FFD];
	_ =	sdelay $0x3  }
0x96: {  	_ =	strace s3  }
0x97: {  	_ =	strace $0x8FFFFFFF  }
0x98: {  	s19 =	sld [smem:$0x3FDB];
	_ =	sdelay $0x1  }
0x99: {  	s4 =	simm.s32 $_scs_section_size  }
0x9a: {  	s5 =	simm.s32 $_size__tile_overlayer_lowered;
	s6 =	simm.s32 $_tile_overlayer_lowered  }
0x9b: {  	s22 =	simm.s32 $0x1BFF;
	s21 =	sshll.u32 s6, $0x1;
	s3 =	sadd.s32 s4, s19  }
0x9c: {  	s7 =	simm.s32 $0x0;
	s20 =	sshll.u32 s5, $0x1;
	s5 =	sadd.s32 s21, s3  }
0x9d: {  	[timem:s7], [sflag:s22] =	dma.local [hbm:s5], s20  }
0x9e: {  	_ =	swait.ge [sflag:s22], s20  }
0x9f: {  	s4 =	ssub.s32 $0x0, s20;
	[sflag:s22] =	ssyncset.done $0x0  }
0xa0: {  	[sflag:s22] =	ssyncadd.s32 s4;
	_ =	sdelay $0x1  }
0xa1: {  	s23 =	simm.s32 $0x1B8B  }
0xa2: {  	_ =	swait.ge [sflag:s23], $0x1  }
0xa3: {  	[sflag:s23] =	ssyncset.done $0x0  }
0xa4: {  	s25 =	simm.s32 $0x1B8E;
	s24 =	sld [smem:$0x3FFE];
	[sflag:s23] =	ssyncadd.s32 $0xFFFFFFFF  }
0xa5: {  	s26 =	simm.s32 $execute0_lowered;
	[smem:$0x3FD2] =	sst s25  }
0xa6: {  	s5 =	sshll.u32 s26, $0x1;
	_ =	strace $0x80000049;
	[dreg:$0x1] =	wrdreg $0xFFFFFFFF  }
0xa7: {  	s28 =	simm.s32 $_size_execute0_lowered;
	s3 =	sadd.s32 s3, s5;
	[dreg:$0x0] =	wrdreg $0x0  }
0xa8: {  	s5 =	sshll.u32 s28, $0x1;
	[dreg:$0x2] =	wrdreg s3  }
0xa9: {  	[dreg:$0x3] =	wrdreg s5  }
0xaa: {  	[dreg:$0x4] =	wrdreg $0xC0  }
0xab: {  	_ =	task [dreg:s7], $0x5FFFF  }
0xac: {  	[dreg:$0x1] =	wrdreg $0xFFFFFFFF  }
0xad: {  	[dreg:$0x0] =	wrdreg $0x60  }
0xae: {  	[dreg:$0x2] =	wrdreg s24  }
0xaf: {  	[dreg:$0x3] =	wrdreg s2  }
0xb0: {  	[dreg:$0x4] =	wrdreg $0x120000  }
0xb1: {  	[dreg:$0x5] =	wrdreg $0x9  }
0xb2: {  	_ =	task.clear_ibuf [dreg:s7], $0x6FFFF;
	_ =	strace $0x90000049  }
0xb3: {  	s29 =	simm.s32 $0x9;
	_ =	strace $0x8000004B  }
0xb4: {  	_ =	swait.ge [sflag:s29], $0x1  }
0xb5: {  	[sflag:s29] =	ssyncadd.s32 $0xFFFFFFFF  }
0xb6: {  	_ =	strace $0x9000004B  }
0xb7: {  	_ =	sfence  }
0xb8: {  	s30 =	sld [smem:$0x0];
	_ =	sdelay $0x2  }
0xb9: {  	s31 =	sshll.u32 s1, $0xD;
	s1 =	sshrl.u32 s1, $0x2  }
0xba: {  	s3 =	sand.u32 $0x4000, s31;
	s1 =	sadd.s32 s1, s30  }
0xbb: {  	s0 =	sor.u32 s3, s0;
	s1 =	sshll.u32 s1, $0x11  }
0xbc: {  	s0 =	sor.u32 s1, s0  }
0xbd: {  	s0 =	sadd.s32 $0x8F2B, s0  }
0xbe: {  	[sflag:s0] =	ssyncadd.remote.s32 $0x1  }
0xbf: {  	_ =	sfence.sel $0xFFFF  }
0xc0: {  	[dreg:$0x0] =	wrdreg $0xFFFFFFFF;
	(pc) =	sbr.abs _section_cstart, $3  }
0xc1: {  	[dreg:$0x1] =	wrdreg $0xFFFFFFFF  }
0xc2: {  	_ =	task.clear_ibuf [dreg:s7], $0x2FFFF;
	_ =	strace $0x9FFFFFFF  }
0xc3: {  	(tm) =	ssettm $0x7FFFFFFF  }
tec
execute0_lowered:
.L_overlay_start_1:
0x0: {  	(tag) =	ssettag $0x1  }
0x1: {  	s0 =	rddreg [dreg:$0x0]  }
0x2: {  	s1 =	rddreg [dreg:$0x1]  }
0x3: {  	s2 =	rddreg [dreg:$0x2]  }
0x4: {  	s9 =	stileid.u32;
	s4 =	srdreg.scid;
	s3 =	simm.s32 $0x0  }
0x5: {  	s14 =	simm.s32 $0x9;
	s15 =	simm.s32 $0x5000;
	s16 =	simm.s32 $0xA000  }
0x6: {  	s17 =	simm.s32 $0x80;
	s18 =	simm.s32 $0xC000;
	s19 =	simm.s32 $0x1  }
0x7: {  	s21 =	simm.s32 $0xE000;
	s22 =	simm.s32 $0x2;
	s25 =	simm.s32 $0x10000  }
0x8: {  	s26 =	simm.s32 $0x3;
	s29 =	simm.s32 $0x5;
	s7 =	smul.u32 $0xA000, s9  }
0x9: {  	s31 =	simm.s32 $0x4;
	s20 =	simm.s32 $0x6;
	s6 =	smul.u32 $0xA00, s9  }
0xa: {  	s24 =	simm.s32 $0x8;
	s23 =	sand.u32 $0x1, s4;
	s9 =	smul.u32 $0x28000, s9  }
0xb: {  	[smem:$0x7FF] =	sst s3;
	s4 =	sadd.s32 $0x15C00, s0;
	s5 =	smul.u32 $0xA0000, s23  }
0xc: {  	_ =	strace $0x8000004A;
	s8 =	ssub.s32 $0x2, s23;
	s10 =	sadd.s32 s6, s0  }
0xd: {  	s11 =	sshrl.u32 s8, $0x1;
	s28 =	sshrl.u32 s9, $0x2;
	s6 =	sadd.s32 s1, s6  }
0xe: {  	s1 =	simm.s32 $0x7;
	s5 =	sadd.s32 s7, s5;
	s13 =	ssub.s32 s8, s11  }
0xf: {  	s30 =	sadd.s32 s28, s2;
	s7 =	sadd.s32 s7, s2;
	s5 =	sshrl.u32 s5, $0x3  }
0x10: {  	s8 =	sadd.s32 $0x2000, s30;
	s9 =	sadd.s32 $0x4000, s30;
	s11 =	sadd.s32 $0x8000, s30  }
0x11: {  	s13 =	smax.u32 s13, $0x1;
	s0 =	sadd.s32 s5, s0;
	s5 =	sadd.s32 $0xBC00, s10  }
0x12: {  	v1 =	vimm.f32 $0.0e+00;
	v0 =	vmov s23;
	s10 =	sadd.s32 $0x6000, s30;
	s12 =	sadd.s32 $0x3DC00, s0;
	s0 =	simm.s32 $0x0  }
.LBB2_1:
0x13: {  	[tilespmem:s3], [sflag:$0x9] =	stream.linear.gather [hbm4b:s5+s3], $0x5000, $0x38;
	[tilespmem:$0x1C000] =	vst v63  }
0x14: {  	_ =	swait.ge [sflag:s14], $0x5000  }
0x15: {  	[sflag:s14] =	ssyncset.done $0x0  }
0x16: {  	[sflag:s14] =	ssyncadd.s32 $0xFFFFB000  }
0x17: {  	[tilespmem:s15], [sflag:$0x9] =	stream.linear.gather [hbm4b:s6+s3], $0x5000, $0x38;
	[tilespmem:$0x1C000] =	vst v63  }
0x18: {  	_ =	swait.ge [sflag:s14], $0x5000  }
0x19: {  	[sflag:s14] =	ssyncset.done $0x0  }
0x1a: {  	s23 =	simm.s32 $0x0;
	s28 =	simm.s32 $0x40;
	[sflag:s14] =	ssyncadd.s32 $0xFFFFB000  }
.LBB2_2:
0x1b: {  	p0 =	sne.s32 s28, $0x13FC0;
	v2 =	vld [tilespmem:s23+$0x0];
	_ =	sdelay $0x2  }
.Ltmp0:
0x1c: {  	(pc) =	sbr.rel @p0 .LBB2_2-.Ltmp0, $4  }
0x1d: {  	_ = 	snop  }
0x1e: {  	v2 =	vshll.u32 v2, $0x1  }
0x1f: {  	v2 =	vor.u32 v0, v2  }
0x20: {  	[tilespmem:s23+$0x0] =	vst v2;
	s23 =	sshra.s32 s28, $0x2;
	s28 =	sadd.s32 $0x40, s28  }
0x21: {  	v2 =	vld [tilespmem:s23+$0x0];
	_ =	sdelay $0x4  }
0x22: {  	v2 =	vshll.u32 v2, $0x1  }
0x23: {  	v2 =	vor.u32 v0, v2  }
0x24: {  	s28 =	simm.s32 $0x100;
	[tilespmem:s23+$0x0] =	vst v2;
	s23 =	simm.s32 $0x0  }
.LBB2_4:
0x25: {  	p0 =	sne.s32 s28, $0x7F00;
	[tilespmem:s23+$0x10030] =	vst v1  }
0x26: {  	[tilespmem:s23+$0xA000] =	vst v1  }
0x27: {  	[tilespmem:s23+$0xA010] =	vst v1  }
0x28: {  	[tilespmem:s23+$0xA020] =	vst v1  }
0x29: {  	[tilespmem:s23+$0xA030] =	vst v1  }
0x2a: {  	[tilespmem:s23+$0xC000] =	vst v1  }
0x2b: {  	[tilespmem:s23+$0xC010] =	vst v1  }
0x2c: {  	[tilespmem:s23+$0xC020] =	vst v1  }
0x2d: {  	[tilespmem:s23+$0xC030] =	vst v1  }
0x2e: {  	[tilespmem:s23+$0xE000] =	vst v1  }
0x2f: {  	[tilespmem:s23+$0xE010] =	vst v1  }
.Ltmp1:
0x30: {  	[tilespmem:s23+$0xE020] =	vst v1;
	(pc) =	sbr.rel @p0 .LBB2_4-.Ltmp1, $4  }
0x31: {  	[tilespmem:s23+$0xE030] =	vst v1  }
0x32: {  	[tilespmem:s23+$0x10000] =	vst v1  }
0x33: {  	[tilespmem:s23+$0x10010] =	vst v1  }
0x34: {  	[tilespmem:s23+$0x10020] =	vst v1;
	s23 =	sshra.s32 s28, $0x2;
	s28 =	sadd.s32 $0x100, s28  }
0x35: {  	[tilespmem:s23+$0x10030] =	vst v1  }
0x36: {  	[tilespmem:s23+$0xA000] =	vst v1  }
0x37: {  	[tilespmem:s23+$0xA010] =	vst v1  }
0x38: {  	[tilespmem:s23+$0xA020] =	vst v1  }
0x39: {  	[tilespmem:s23+$0xA030] =	vst v1  }
0x3a: {  	[tilespmem:s23+$0xC000] =	vst v1  }
0x3b: {  	[tilespmem:s23+$0xC010] =	vst v1  }
0x3c: {  	[tilespmem:s23+$0xC020] =	vst v1  }
0x3d: {  	[tilespmem:s23+$0xC030] =	vst v1  }
0x3e: {  	[tilespmem:s23+$0xE000] =	vst v1  }
0x3f: {  	[tilespmem:s23+$0xE010] =	vst v1  }
0x40: {  	[tilespmem:s23+$0xE020] =	vst v1  }
0x41: {  	[tilespmem:s23+$0xE030] =	vst v1  }
0x42: {  	[tilespmem:s23+$0x10000] =	vst v1  }
0x43: {  	[tilespmem:s23+$0x10010] =	vst v1  }
0x44: {  	[tilespmem:s23+$0x10020] =	vst v1  }
0x45: {  	[spmem:s7] =	stream.linear.scatter [tilespmem:s16], [sflag:$0x9], $0x2000, $0x38;
	[tilespmem:$0x1C000] =	vst v63  }
0x46: {  	_ =	swait.ge [sflag:s14], $0x2000  }
0x47: {  	[sflag:s14] =	ssyncset.done $0x0  }
0x48: {  	[sflag:s14] =	ssyncadd.s32 $0xFFFFE000  }
0x49: {  	[spmem:s8] =	stream.linear.scatter [tilespmem:s16], [sflag:$0x9], $0x2000, $0x38;
	[tilespmem:$0x1C000] =	vst v63  }
0x4a: {  	_ =	swait.ge [sflag:s14], $0x2000  }
0x4b: {  	[sflag:s14] =	ssyncset.done $0x0  }
0x4c: {  	[sflag:s14] =	ssyncadd.s32 $0xFFFFE000  }
0x4d: {  	[spmem:s9] =	stream.linear.scatter [tilespmem:s16], [sflag:$0x9], $0x2000, $0x38;
	[tilespmem:$0x1C000] =	vst v63  }
0x4e: {  	_ =	swait.ge [sflag:s14], $0x2000  }
0x4f: {  	[sflag:s14] =	ssyncset.done $0x0  }
0x50: {  	[sflag:s14] =	ssyncadd.s32 $0xFFFFE000  }
0x51: {  	[spmem:s10] =	stream.linear.scatter [tilespmem:s16], [sflag:$0x9], $0x2000, $0x38;
	[tilespmem:$0x1C000] =	vst v63  }
0x52: {  	_ =	swait.ge [sflag:s14], $0x2000  }
0x53: {  	[sflag:s14] =	ssyncset.done $0x0  }
0x54: {  	[sflag:s14] =	ssyncadd.s32 $0xFFFFE000  }
0x55: {  	[spmem:s11] =	stream.linear.scatter [tilespmem:s16], [sflag:$0x9], $0x2000, $0x38;
	[tilespmem:$0x1C000] =	vst v63  }
0x56: {  	_ =	swait.ge [sflag:s14], $0x2000  }
0x57: {  	[sflag:s14] =	ssyncset.done $0x0  }
0x58: {  	[sflag:s14] =	ssyncadd.s32 $0xFFFFE000  }
0x59: {  	s30 =	simm.s32 $0x0;
	[bflag:$0x0] =	sbarrier.arrive $0xFFFF  }
0x5a: {  	[tilespmem:s16], [sflag:$0x1] =	stream.indirect.gather [hbm4b:s4+s17], $0x40, s30, s17, $0xb8;
	[tilespmem:$0x1C000] =	vst v63  }
0x5b: {  	_ = 	snop  }
0x5c: {  	[tilespmem:s18], [sflag:$0x2] =	stream.indirect.gather [hbm4b:s4+s17], $0x40, s17, s17, $0xb8;
	[tilespmem:$0x1C000] =	vst v63  }
0x5d: {  	_ =	swait.ge [sflag:s19], $0x2000  }
0x5e: {  	[sflag:s19] =	ssyncset.done $0x0  }
0x5f: {  	[sflag:s19] =	ssyncadd.s32 $0xFFFFE000  }
0x60: {  	[spmem:s2] =	stream.indirect.scatter.add.f32 [tilespmem:s16], [sflag:$0x5], $0x40, s15, s17, $0xb8;
	[tilespmem:$0x1C000] =	vst v63  }
0x61: {  	s30 =	simm.s32 $0x100  }
0x62: {  	[tilespmem:s21], [sflag:$0x3] =	stream.indirect.gather [hbm4b:s4+s17], $0x40, s30, s17, $0xb8;
	[tilespmem:$0x1C000] =	vst v63  }
0x63: {  	_ =	swait.ge [sflag:s22], $0x2000  }
0x64: {  	[sflag:s22] =	ssyncset.done $0x0  }
0x65: {  	s30 =	simm.s32 $0x5080;
	[sflag:s22] =	ssyncadd.s32 $0xFFFFE000  }
0x66: {  	[spmem:s2] =	stream.indirect.scatter.add.f32 [tilespmem:s18], [sflag:$0x6], $0x40, s30, s17, $0xb8;
	[tilespmem:$0x1C000] =	vst v63  }
0x67: {  	s30 =	simm.s32 $0x180  }
0x68: {  	[tilespmem:s25], [sflag:$0x4] =	stream.indirect.gather [hbm4b:s4+s17], $0x40, s30, s17, $0xb8;
	[tilespmem:$0x1C000] =	vst v63  }
0x69: {  	_ =	swait.ge [sflag:s26], $0x2000  }
0x6a: {  	[sflag:s26] =	ssyncset.done $0x0  }
0x6b: {  	s30 =	simm.s32 $0x5100;
	[sflag:s26] =	ssyncadd.s32 $0xFFFFE000  }
0x6c: {  	[spmem:s2] =	stream.indirect.scatter.add.f32 [tilespmem:s21], [sflag:$0x7], $0x40, s30, s17, $0xb8;
	[tilespmem:$0x1C000] =	vst v63  }
0x6d: {  	_ =	swait.ge [sflag:s29], $0x2000  }
0x6e: {  	[sflag:s29] =	ssyncset.done $0x0  }
0x6f: {  	s30 =	simm.s32 $0x200;
	[sflag:s29] =	ssyncadd.s32 $0xFFFFE000  }
0x70: {  	[tilespmem:s16], [sflag:$0x1] =	stream.indirect.gather [hbm4b:s4+s17], $0x40, s30, s17, $0xb8;
	[tilespmem:$0x1C000] =	vst v63  }
0x71: {  	_ =	swait.ge [sflag:s31], $0x2000  }
0x72: {  	[sflag:s31] =	ssyncset.done $0x0  }
0x73: {  	s30 =	simm.s32 $0x5180;
	[sflag:s31] =	ssyncadd.s32 $0xFFFFE000  }
0x74: {  	[spmem:s2] =	stream.indirect.scatter.add.f32 [tilespmem:s25], [sflag:$0x8], $0x40, s30, s17, $0xb8;
	[tilespmem:$0x1C000] =	vst v63  }
0x75: {  	_ =	swait.ge [sflag:s20], $0x2000  }
0x76: {  	[sflag:s20] =	ssyncset.done $0x0  }
0x77: {  	s30 =	simm.s32 $0x280;
	[sflag:s20] =	ssyncadd.s32 $0xFFFFE000  }
0x78: {  	[tilespmem:s18], [sflag:$0x2] =	stream.indirect.gather [hbm4b:s4+s17], $0x40, s30, s17, $0xb8;
	[tilespmem:$0x1C000] =	vst v63  }
0x79: {  	_ =	swait.ge [sflag:s19], $0x2000  }
0x7a: {  	[sflag:s19] =	ssyncset.done $0x0  }
0x7b: {  	s30 =	simm.s32 $0x5200;
	[sflag:s19] =	ssyncadd.s32 $0xFFFFE000  }
0x7c: {  	[spmem:s2] =	stream.indirect.scatter.add.f32 [tilespmem:s16], [sflag:$0x5], $0x40, s30, s17, $0xb8;
	[tilespmem:$0x1C000] =	vst v63  }
0x7d: {  	_ =	swait.ge [sflag:s1], $0x2000  }
0x7e: {  	[sflag:s1] =	ssyncset.done $0x0  }
0x7f: {  	s30 =	simm.s32 $0x300;
	[sflag:s1] =	ssyncadd.s32 $0xFFFFE000  }
0x80: {  	[tilespmem:s21], [sflag:$0x3] =	stream.indirect.gather [hbm4b:s4+s17], $0x40, s30, s17, $0xb8;
	[tilespmem:$0x1C000] =	vst v63  }
0x81: {  	_ =	swait.ge [sflag:s22], $0x2000  }
0x82: {  	[sflag:s22] =	ssyncset.done $0x0  }
0x83: {  	s30 =	simm.s32 $0x5280;
	[sflag:s22] =	ssyncadd.s32 $0xFFFFE000  }
0x84: {  	[spmem:s2] =	stream.indirect.scatter.add.f32 [tilespmem:s18], [sflag:$0x6], $0x40, s30, s17, $0xb8;
	[tilespmem:$0x1C000] =	vst v63  }
0x85: {  	_ =	swait.ge [sflag:s24], $0x2000  }
0x86: {  	[sflag:s24] =	ssyncset.done $0x0  }
0x87: {  	s30 =	simm.s32 $0x380;
	[sflag:s24] =	ssyncadd.s32 $0xFFFFE000  }
0x88: {  	[tilespmem:s25], [sflag:$0x4] =	stream.indirect.gather [hbm4b:s4+s17], $0x40, s30, s17, $0xb8;
	[tilespmem:$0x1C000] =	vst v63  }
0x89: {  	_ =	swait.ge [sflag:s26], $0x2000  }
0x8a: {  	[sflag:s26] =	ssyncset.done $0x0  }
0x8b: {  	s30 =	simm.s32 $0x5300;
	[sflag:s26] =	ssyncadd.s32 $0xFFFFE000  }
0x8c: {  	[spmem:s2] =	stream.indirect.scatter.add.f32 [tilespmem:s21], [sflag:$0x7], $0x40, s30, s17, $0xb8;
	[tilespmem:$0x1C000] =	vst v63  }
0x8d: {  	_ =	swait.ge [sflag:s29], $0x2000  }
0x8e: {  	[sflag:s29] =	ssyncset.done $0x0  }
0x8f: {  	s30 =	simm.s32 $0x400;
	[sflag:s29] =	ssyncadd.s32 $0xFFFFE000  }
0x90: {  	[tilespmem:s16], [sflag:$0x1] =	stream.indirect.gather [hbm4b:s4+s17], $0x40, s30, s17, $0xb8;
	[tilespmem:$0x1C000] =	vst v63  }
0x91: {  	_ =	swait.ge [sflag:s31], $0x2000  }
0x92: {  	[sflag:s31] =	ssyncset.done $0x0  }
0x93: {  	s30 =	simm.s32 $0x5380;
	[sflag:s31] =	ssyncadd.s32 $0xFFFFE000  }
0x94: {  	[spmem:s2] =	stream.indirect.scatter.add.f32 [tilespmem:s25], [sflag:$0x8], $0x40, s30, s17, $0xb8;
	[tilespmem:$0x1C000] =	vst v63  }
0x95: {  	_ =	swait.ge [sflag:s20], $0x2000  }
0x96: {  	[sflag:s20] =	ssyncset.done $0x0  }
0x97: {  	s23 =	simm.s32 $0x800;
	s28 =	simm.s32 $0x480;
	[sflag:s20] =	ssyncadd.s32 $0xFFFFE000  }
.LBB2_6:
0x98: {  	[tilespmem:s18], [sflag:$0x2] =	stream.indirect.gather [hbm4b:s4+s17], $0x40, s28, s17, $0xb8;
	[tilespmem:$0x1C000] =	vst v63  }
0x99: {  	s28 =	smov.u32 s23  }
0x9a: {  	p0 =	sne.s32 s23, $0x12800;
	s23 =	sadd.s32 $0x800, s23;
	_ =	swait.ge [sflag:s19], $0x2000  }
0x9b: {  	s28 =	sshra.s32 s28, $0x2;
	[sflag:s19] =	ssyncset.done $0x0  }
0x9c: {  	s30 =	sadd.s32 $0x5200, s28;
	[sflag:s19] =	ssyncadd.s32 $0xFFFFE000  }
0x9d: {  	[spmem:s2] =	stream.indirect.scatter.add.f32 [tilespmem:s16], [sflag:$0x5], $0x40, s30, s17, $0xb8;
	[tilespmem:$0x1C000] =	vst v63  }
0x9e: {  	_ =	swait.ge [sflag:s1], $0x2000  }
0x9f: {  	[sflag:s1] =	ssyncset.done $0x0  }
0xa0: {  	s30 =	sadd.s32 $0x300, s28;
	[sflag:s1] =	ssyncadd.s32 $0xFFFFE000  }
0xa1: {  	[tilespmem:s21], [sflag:$0x3] =	stream.indirect.gather [hbm4b:s4+s17], $0x40, s30, s17, $0xb8;
	[tilespmem:$0x1C000] =	vst v63  }
0xa2: {  	_ =	swait.ge [sflag:s22], $0x2000  }
0xa3: {  	[sflag:s22] =	ssyncset.done $0x0  }
0xa4: {  	s30 =	sadd.s32 $0x5280, s28;
	[sflag:s22] =	ssyncadd.s32 $0xFFFFE000  }
0xa5: {  	[spmem:s2] =	stream.indirect.scatter.add.f32 [tilespmem:s18], [sflag:$0x6], $0x40, s30, s17, $0xb8;
	[tilespmem:$0x1C000] =	vst v63  }
0xa6: {  	_ =	swait.ge [sflag:s24], $0x2000  }
0xa7: {  	[sflag:s24] =	ssyncset.done $0x0  }
0xa8: {  	s30 =	sadd.s32 $0x380, s28;
	[sflag:s24] =	ssyncadd.s32 $0xFFFFE000  }
0xa9: {  	[tilespmem:s25], [sflag:$0x4] =	stream.indirect.gather [hbm4b:s4+s17], $0x40, s30, s17, $0xb8;
	[tilespmem:$0x1C000] =	vst v63  }
0xaa: {  	_ =	swait.ge [sflag:s26], $0x2000  }
0xab: {  	[sflag:s26] =	ssyncset.done $0x0  }
0xac: {  	s30 =	sadd.s32 $0x5300, s28;
	[sflag:s26] =	ssyncadd.s32 $0xFFFFE000  }
0xad: {  	[spmem:s2] =	stream.indirect.scatter.add.f32 [tilespmem:s21], [sflag:$0x7], $0x40, s30, s17, $0xb8;
	[tilespmem:$0x1C000] =	vst v63  }
0xae: {  	_ =	swait.ge [sflag:s29], $0x2000  }
0xaf: {  	[sflag:s29] =	ssyncset.done $0x0  }
0xb0: {  	s30 =	sadd.s32 $0x400, s28;
	[sflag:s29] =	ssyncadd.s32 $0xFFFFE000  }
0xb1: {  	[tilespmem:s16], [sflag:$0x1] =	stream.indirect.gather [hbm4b:s4+s17], $0x40, s30, s17, $0xb8;
	[tilespmem:$0x1C000] =	vst v63  }
0xb2: {  	_ =	swait.ge [sflag:s31], $0x2000  }
0xb3: {  	[sflag:s31] =	ssyncset.done $0x0  }
.Ltmp2:
0xb4: {  	s30 =	sadd.s32 $0x5380, s28;
	[sflag:s31] =	ssyncadd.s32 $0xFFFFE000;
	(pc) =	sbr.rel @p0 .LBB2_6-.Ltmp2, $4  }
0xb5: {  	[spmem:s2] =	stream.indirect.scatter.add.f32 [tilespmem:s25], [sflag:$0x8], $0x40, s30, s17, $0xb8;
	[tilespmem:$0x1C000] =	vst v63  }
0xb6: {  	_ =	swait.ge [sflag:s20], $0x2000  }
0xb7: {  	[sflag:s20] =	ssyncset.done $0x0  }
0xb8: {  	s28 =	sadd.s32 $0x480, s28;
	[sflag:s20] =	ssyncadd.s32 $0xFFFFE000  }
0xb9: {  	[tilespmem:s18], [sflag:$0x2] =	stream.indirect.gather [hbm4b:s4+s17], $0x40, s28, s17, $0xb8;
	[tilespmem:$0x1C000] =	vst v63  }
0xba: {  	_ =	swait.ge [sflag:s19], $0x2000  }
0xbb: {  	[sflag:s19] =	ssyncset.done $0x0  }
0xbc: {  	s23 =	simm.s32 $0x9E00;
	[sflag:s19] =	ssyncadd.s32 $0xFFFFE000  }
0xbd: {  	[spmem:s2] =	stream.indirect.scatter.add.f32 [tilespmem:s16], [sflag:$0x5], $0x40, s23, s17, $0xb8;
	[tilespmem:$0x1C000] =	vst v63  }
0xbe: {  	_ =	swait.ge [sflag:s1], $0x2000  }
0xbf: {  	[sflag:s1] =	ssyncset.done $0x0  }
0xc0: {  	s30 =	simm.s32 $0x4F00;
	[sflag:s1] =	ssyncadd.s32 $0xFFFFE000  }
0xc1: {  	[tilespmem:s21], [sflag:$0x3] =	stream.indirect.gather [hbm4b:s4+s17], $0x40, s30, s17, $0xb8;
	[tilespmem:$0x1C000] =	vst v63  }
0xc2: {  	_ =	swait.ge [sflag:s22], $0x2000  }
0xc3: {  	[sflag:s22] =	ssyncset.done $0x0  }
0xc4: {  	s28 =	simm.s32 $0x9E80;
	[sflag:s22] =	ssyncadd.s32 $0xFFFFE000  }
0xc5: {  	[spmem:s2] =	stream.indirect.scatter.add.f32 [tilespmem:s18], [sflag:$0x6], $0x40, s28, s17, $0xb8;
	[tilespmem:$0x1C000] =	vst v63  }
0xc6: {  	_ =	swait.ge [sflag:s24], $0x2000  }
0xc7: {  	[sflag:s24] =	ssyncset.done $0x0  }
0xc8: {  	s30 =	simm.s32 $0x4F80;
	[sflag:s24] =	ssyncadd.s32 $0xFFFFE000  }
0xc9: {  	[tilespmem:s25], [sflag:$0x4] =	stream.indirect.gather [hbm4b:s4+s17], $0x40, s30, s17, $0xb8;
	[tilespmem:$0x1C000] =	vst v63  }
0xca: {  	_ =	swait.ge [sflag:s26], $0x2000  }
0xcb: {  	[sflag:s26] =	ssyncset.done $0x0  }
0xcc: {  	s28 =	simm.s32 $0x9F00;
	[sflag:s26] =	ssyncadd.s32 $0xFFFFE000  }
0xcd: {  	[spmem:s2] =	stream.indirect.scatter.add.f32 [tilespmem:s21], [sflag:$0x7], $0x40, s28, s17, $0xb8;
	[tilespmem:$0x1C000] =	vst v63  }
0xce: {  	_ =	swait.ge [sflag:s29], $0x2000  }
0xcf: {  	[sflag:s29] =	ssyncset.done $0x0  }
0xd0: {  	[sflag:s29] =	ssyncadd.s32 $0xFFFFE000  }
0xd1: {  	_ =	swait.ge [sflag:s31], $0x2000  }
0xd2: {  	[sflag:s31] =	ssyncset.done $0x0  }
0xd3: {  	s30 =	simm.s32 $0x9F80;
	[sflag:s31] =	ssyncadd.s32 $0xFFFFE000  }
0xd4: {  	[spmem:s2] =	stream.indirect.scatter.add.f32 [tilespmem:s25], [sflag:$0x8], $0x40, s30, s17, $0xb8;
	[tilespmem:$0x1C000] =	vst v63  }
0xd5: {  	_ =	swait.ge [sflag:s20], $0x2000  }
0xd6: {  	[sflag:s20] =	ssyncset.done $0x0  }
0xd7: {  	[sflag:s20] =	ssyncadd.s32 $0xFFFFE000  }
0xd8: {  	_ =	swait.ge [sflag:s1], $0x2000  }
0xd9: {  	[sflag:s1] =	ssyncset.done $0x0  }
0xda: {  	[sflag:s1] =	ssyncadd.s32 $0xFFFFE000  }
0xdb: {  	s28 =	stileid.u32;
	_ =	swait.ge [sflag:s24], $0x2000  }
0xdc: {  	s0 =	sadd.s32 $0x1, s0;
	s23 =	sshll.u32 s28, $0x6;
	[sflag:s24] =	ssyncset.done $0x0  }
0xdd: {  	p0 =	sne.s32 s0, s13;
	s23 =	sor.u32 $0x1C09, s23;
	[sflag:s24] =	ssyncadd.s32 $0xFFFFE000  }
.Ltmp3:
0xde: {  	s30 =	sshrl.u32 s7, $0x3;
	[bflag:$0x0] =	sbarrier.arrive $0xFFFF;
	(pc) =	sbr.rel @p0 .LBB2_1-.Ltmp3, $4  }
0xdf: {  	[hbm:s12], [sflag:s23] =	dma.local [spmem:s30], $0x1400  }
0xe0: {  	_ =	swait.ge [sflag:s14], $0x1400  }
0xe1: {  	[sflag:s14] =	ssyncset.done $0x0  }
0xe2: {  	[sflag:s14] =	ssyncadd.s32 $0xFFFFEC00  }
0xe3: {  	_ =	sfence.sel $0x180000  }
0xe4: {  	[bflag:$0x0] =	sbarrier.arrive $0xFFFF  }
0xe5: {  	_ =	strace $0x9000004A  }
0xe6: {  	s0 =	stileid.u32;
	[bflag:$0x2] =	sbarrier.arrive $0xFFFF  }
0xe7: {  	p0 =	sne.s32 s0, $0x0;
	s0 =	rddreg [dreg:$0x3]  }
0xe8: {  	s0 =	sadd.s32 @!p0 $0x100000, s0  }
0xe9: {  	[sflag:s0] =	ssyncadd.tile.s32 @!p0 $0x1;
	_ =	shalt  }
.Lfunc_end2:
_tile_overlayer_lowered:
.L_overlay_start_2:
0xea: {  	(tag) =	ssettag $0x2  }
0xeb: {  	s0 =	rddreg [dreg:$0x0];
	s2 =	stileid.u32  }
0xec: {  	s1 =	rddreg [dreg:$0x1];
	p0 =	sne.s32 s2, $0x0  }
0xed: {  	s3 =	rddreg [dreg:$0x2];
	[bflag:$0x3] =	sbarrier.arrive $0xFFFF;
	s2 =	simm.s32 @!p0 $0x1C09  }
0xee: {  	[timem:s3], [sflag:s2] =	dma.local @!p0 [hbm:s0], s1  }
0xef: {  	s0 =	simm.s32 @!p0 $0x9  }
0xf0: {  	_ =	swait.ge @!p0 [sflag:s0], s1  }
0xf1: {  	s1 =	ssub.s32 @!p0 $0x0, s1;
	[sflag:s0] =	ssyncset.done @!p0 $0x0  }
0xf2: {  	[sflag:s0] =	ssyncadd.s32 @!p0 s1  }
0xf3: {  	[bflag:$0x3] =	sbarrier.arrive $0xFFFF  }
0xf4: {  	_ =	shalt  }

// kernel: kernel.14.cloned.1.call-start
scs
__scs_entry_jumppad:
0x0: {  	(pc) =	sbr.rel $0x88, $3  }
0x1: {  	(tag) =	ssettag $0x0;
	lr =	simm.s32 $0x1  }
0x2: {  	[smem:$0x3F9B] =	sst lr;
	_ =	strace $0xD0000000  }
0x3: {  	_ = 	snop  }
0x4: {  	_ = 	snop  }
0x5: {  	_ = 	snop  }
0x6: {  	_ = 	snop  }
0x7: {  	_ = 	snop  }
__scs_overlays_trampoline_lowered:
0x8: {  	[smem:$0x3FAA] =	sst s0  }
0x9: {  	[smem:$0x3FAB] =	sst s1  }
0xa: {  	[smem:$0x3FAC] =	sst s2  }
0xb: {  	[smem:$0x3FAD] =	sst s3  }
0xc: {  	[smem:$0x3FAE] =	sst s4  }
0xd: {  	[smem:$0x3FAF] =	sst s5  }
0xe: {  	[smem:$0x3FB0] =	sst s6  }
0xf: {  	[smem:$0x3FB1] =	sst s7  }
0x10: {  	[smem:$0x3FB2] =	sst s8  }
0x11: {  	[smem:$0x3FB3] =	sst s9;
	s0 =	simm.s32 @!p0 $0x0  }
0x12: {  	s1 =	sld [smem:$0x3F99];
	s0 =	simm.s32 @p0 $0x1  }
0x13: {  	[smem:$0x3FB4] =	sst s0;
	s0 =	simm.s32 @!p1 $0x0  }
0x14: {  	s2 =	sld [smem:$0x3F98];
	s0 =	simm.s32 @p1 $0x1  }
0x15: {  	[smem:$0x3FB5] =	sst s0;
	s0 =	simm.s32 @!p2 $0x0  }
0x16: {  	s3 =	sld [smem:$0x3FDB];
	s0 =	simm.s32 @p2 $0x1  }
0x17: {  	s4 =	simm.s32 $0x1BF5;
	[smem:$0x3FB7] =	sst s0  }
0x18: {  	s0 =	sld [smem:$0x3F9A];
	_ =	swait.ge [sflag:s4], $0x0  }
0x19: {  	s7 =	sld [smem:$0x3F9B]  }
0x1a: {  	s8 =	sadd.s32 $0xFFFFE003, lr  }
0x1b: {  	s9 =	sadd.s32 $0xFFFFFEF7, lr;
	s5 =	simm.s32 $0xFFFFFFFF;
	p2 =	slt.u32 s8, $0xFFFFF086  }
0x1c: {  	p1 =	slt.u32 s9, $0xF7A;
	s5 =	simm.s32 @!p2 $0x0  }
0x1d: {  	s5 =	simm.s32 @p1 $0x1;
	p0 =	seq.s32 s7, s2  }
0x1e: {  	s7 =	smul.u32 @!p0 $0xF7A, s2;
	p2 =	seq.s32 @!p0 s5, $0x0  }
0x1f: {  	s9 =	smul.u32 $0xF7A, s1;
	s8 =	simm.s32 @!p0 $0x1BF5;
	p2 =	por !p2, p0  }
0x20: {  	[sflag:s8] =	ssyncset.s32 @!p0 $0xFFFFF086;
	s6 =	sadd.s32 @!p0 s3, s7;
	s7 =	simm.s32 @!p0 $0x108  }
0x21: {  	s3 =	sadd.s32 s3, s9;
	s6 =	sadd.s32 @!p0 $0x88, s6;
	s7 =	simm.s32 @p2 $0x1082  }
0x22: {  	[simem:s7], [sflag:s8] =	dma.local @!p0 [hbm:s6], $0xF7A  }
0x23: {  	s9 =	sor.u32 $0xD0000000, s2;
	s6 =	simm.s32 $0x108;
	_ =	swait.ge @!p0 [sflag:s8], $0x0  }
0x24: {  	s3 =	sadd.s32 $0x88, s3;
	s6 =	simm.s32 @!p1 $0x1082;
	[sflag:s4] =	ssyncset.s32 $0xFFFFF086  }
0x25: {  	[simem:s6], [sflag:s4] =	dma.local [hbm:s3], $0xF7A  }
0x26: {  	[smem:$0x3F9B] =	sst s1;
	(tag) =	ssettag s2;
	_ =	strace s9  }
0x27: {  	s1 =	sld [smem:$0x3FAB]  }
0x28: {  	s2 =	sld [smem:$0x3FAC]  }
0x29: {  	s4 =	sld [smem:$0x3FAE]  }
0x2a: {  	p0 =	seq.s32 s5, $0x0;
	s5 =	sld [smem:$0x3FAF]  }
0x2b: {  	s6 =	sld [smem:$0x3FB0]  }
0x2c: {  	s7 =	sld [smem:$0x3FB1]  }
0x2d: {  	s3 =	simm.s32 $0x108;
	s8 =	sld [smem:$0x3FB2]  }
0x2e: {  	s3 =	simm.s32 @!p0 $0x1082;
	s9 =	sld [smem:$0x3FB3]  }
0x2f: {  	lr =	sadd.s32 s0, s3;
	s0 =	sld [smem:$0x3FAA]  }
0x30: {  	s3 =	sld [smem:$0x3FAD]  }
0x31: {  	[smem:$0x3FB6] =	sst s10  }
0x32: {  	s10 =	sld [smem:$0x3FB4];
	_ =	sdelay $0x3  }
0x33: {  	p0 =	seq.s32 s10, $0x1;
	s10 =	sld [smem:$0x3FB6];
	_ =	sdelay $0x3  }
0x34: {  	[smem:$0x3FB6] =	sst s10  }
0x35: {  	s10 =	sld [smem:$0x3FB5];
	_ =	sdelay $0x3  }
0x36: {  	p1 =	seq.s32 s10, $0x1;
	s10 =	sld [smem:$0x3FB6];
	_ =	sdelay $0x3  }
0x37: {  	[smem:$0x3FB6] =	sst s10  }
0x38: {  	s10 =	sld [smem:$0x3FB7]  }
0x39: {  	_ = 	snop;
	(pc) =	sbr.ind lr, $3  }
0x3a: {  	_ = 	snop  }
0x3b: {  	_ = 	snop  }
0x3c: {  	p2 =	seq.s32 s10, $0x1;
	s10 =	sld [smem:$0x3FB6]  }
0x3d: {  	_ =	shalt  }
0x3e: {  	_ =	shalt  }
0x3f: {  	_ =	shalt  }
0x40: {  	_ =	shalt  }
0x41: {  	_ =	shalt  }
0x42: {  	_ =	shalt  }
0x43: {  	_ =	shalt  }
0x44: {  	_ =	shalt  }
0x45: {  	_ =	shalt  }
0x46: {  	_ =	shalt  }
0x47: {  	_ =	shalt  }
0x48: {  	_ =	shalt  }
0x49: {  	_ =	shalt  }
0x4a: {  	_ =	shalt  }
0x4b: {  	_ =	shalt  }
0x4c: {  	_ =	shalt  }
0x4d: {  	_ =	shalt  }
0x4e: {  	_ =	shalt  }
0x4f: {  	_ =	shalt  }
0x50: {  	_ =	shalt  }
0x51: {  	_ =	shalt  }
0x52: {  	_ =	shalt  }
0x53: {  	_ =	shalt  }
0x54: {  	_ =	shalt  }
0x55: {  	_ =	shalt  }
0x56: {  	_ =	shalt  }
0x57: {  	_ =	shalt  }
0x58: {  	_ =	shalt  }
0x59: {  	_ =	shalt  }
0x5a: {  	_ =	shalt  }
0x5b: {  	_ =	shalt  }
0x5c: {  	_ =	shalt  }
0x5d: {  	_ =	shalt  }
0x5e: {  	_ =	shalt  }
0x5f: {  	_ =	shalt  }
0x60: {  	_ =	shalt  }
0x61: {  	_ =	shalt  }
0x62: {  	_ =	shalt  }
0x63: {  	_ =	shalt  }
0x64: {  	_ =	shalt  }
0x65: {  	_ =	shalt  }
0x66: {  	_ =	shalt  }
0x67: {  	_ =	shalt  }
0x68: {  	_ =	shalt  }
0x69: {  	_ =	shalt  }
0x6a: {  	_ =	shalt  }
0x6b: {  	_ =	shalt  }
0x6c: {  	_ =	shalt  }
0x6d: {  	_ =	shalt  }
0x6e: {  	_ =	shalt  }
0x6f: {  	_ =	shalt  }
0x70: {  	_ =	shalt  }
0x71: {  	_ =	shalt  }
0x72: {  	_ =	shalt  }
0x73: {  	_ =	shalt  }
0x74: {  	_ =	shalt  }
0x75: {  	_ =	shalt  }
0x76: {  	_ =	shalt  }
0x77: {  	_ =	shalt  }
0x78: {  	_ =	shalt  }
0x79: {  	_ =	shalt  }
0x7a: {  	_ =	shalt  }
0x7b: {  	_ =	shalt  }
0x7c: {  	_ =	shalt  }
0x7d: {  	_ =	shalt  }
0x7e: {  	_ =	shalt  }
0x7f: {  	_ =	shalt  }
0x80: {  	_ =	shalt  }
0x81: {  	_ =	shalt  }
0x82: {  	_ =	shalt  }
0x83: {  	_ =	shalt  }
0x84: {  	_ =	shalt  }
0x85: {  	_ =	shalt  }
0x86: {  	_ =	shalt  }
0x87: {  	_ =	shalt  }
.Lfunc_end0:
.L_simem_size_0:
called_computation.2_lowered:
.L_overlay_start_0:
0x88: {  	s2 =	sld [smem:$0x3FD9]  }
0x89: {  	s3 =	sld [smem:$0x3FFE];
	_ =	sdelay $0x1  }
0x8a: {  	s1 =	srdreg.scid  }
0x8b: {  	s0 =	sand.u32 $0x1, s1  }
0x8c: {  	s17 =	sshll.u32 s0, $0xA;
	s2 =	sadd.s32 s3, s2  }
0x8d: {  	s2 =	sadd.s32 s2, s17  }
0x8e: {  	[smem:$0x3FC2] =	sst s2  }
0x8f: {  	_ = 	snop  }
0x90: {  	s2 =	sld [smem:$0x3FD0];
	(tm) =	ssettm $0x1  }
0x91: {  	s18 =	sld [smem:$0x3FFB];
	_ =	sdelay $0x3  }
0x92: {  	_ =	strace s18  }
0x93: {  	s3 =	sld [smem:$0x3FFC];
	_ =	sdelay $0x3  }
0x94: {  	_ =	strace s3  }
0x95: {  	s3 =	sld [smem:$0x3FFD];
	_ =	sdelay $0x3  }
0x96: {  	_ =	strace s3  }
0x97: {  	_ =	strace $0x8FFFFFFF  }
0x98: {  	s19 =	sld [smem:$0x3FDB];
	_ =	sdelay $0x1  }
0x99: {  	s4 =	simm.s32 $_scs_section_size  }
0x9a: {  	s5 =	simm.s32 $_size__tile_overlayer_lowered;
	s6 =	simm.s32 $_tile_overlayer_lowered  }
0x9b: {  	s22 =	simm.s32 $0x1BFF;
	s21 =	sshll.u32 s6, $0x1;
	s3 =	sadd.s32 s4, s19  }
0x9c: {  	s7 =	simm.s32 $0x0;
	s20 =	sshll.u32 s5, $0x1;
	s5 =	sadd.s32 s21, s3  }
0x9d: {  	[timem:s7], [sflag:s22] =	dma.local [hbm:s5], s20  }
0x9e: {  	_ =	swait.ge [sflag:s22], s20  }
0x9f: {  	s4 =	ssub.s32 $0x0, s20;
	[sflag:s22] =	ssyncset.done $0x0  }
0xa0: {  	[sflag:s22] =	ssyncadd.s32 s4;
	_ =	sdelay $0x1  }
0xa1: {  	s23 =	simm.s32 $0x1B8B  }
0xa2: {  	_ =	swait.ge [sflag:s23], $0x1  }
0xa3: {  	[sflag:s23] =	ssyncset.done $0x0  }
0xa4: {  	s25 =	simm.s32 $0x1B8E;
	s24 =	sld [smem:$0x3FFE];
	[sflag:s23] =	ssyncadd.s32 $0xFFFFFFFF  }
0xa5: {  	s26 =	simm.s32 $execute0_lowered;
	[smem:$0x3FD2] =	sst s25  }
0xa6: {  	s5 =	sshll.u32 s26, $0x1;
	_ =	strace $0x8000004C;
	[dreg:$0x1] =	wrdreg $0xFFFFFFFF  }
0xa7: {  	s28 =	simm.s32 $_size_execute0_lowered;
	s3 =	sadd.s32 s3, s5;
	[dreg:$0x0] =	wrdreg $0x0  }
0xa8: {  	s5 =	sshll.u32 s28, $0x1;
	[dreg:$0x2] =	wrdreg s3  }
0xa9: {  	[dreg:$0x3] =	wrdreg s5  }
0xaa: {  	[dreg:$0x4] =	wrdreg $0xC0  }
0xab: {  	_ =	task [dreg:s7], $0x5FFFF  }
0xac: {  	[dreg:$0x1] =	wrdreg $0xFFFFFFFF  }
0xad: {  	[dreg:$0x0] =	wrdreg $0x60  }
0xae: {  	[dreg:$0x2] =	wrdreg s24  }
0xaf: {  	[dreg:$0x3] =	wrdreg s2  }
0xb0: {  	[dreg:$0x4] =	wrdreg $0x120000  }
0xb1: {  	[dreg:$0x5] =	wrdreg $0x9  }
0xb2: {  	_ =	task.clear_ibuf [dreg:s7], $0x6FFFF;
	_ =	strace $0x9000004C  }
0xb3: {  	s29 =	simm.s32 $0x9;
	_ =	strace $0x8000004E  }
0xb4: {  	_ =	swait.ge [sflag:s29], $0x1  }
0xb5: {  	[sflag:s29] =	ssyncadd.s32 $0xFFFFFFFF  }
0xb6: {  	_ =	strace $0x9000004E  }
0xb7: {  	_ =	sfence  }
0xb8: {  	s30 =	sld [smem:$0x0];
	_ =	sdelay $0x2  }
0xb9: {  	s31 =	sshll.u32 s1, $0xD;
	s1 =	sshrl.u32 s1, $0x2  }
0xba: {  	s3 =	sand.u32 $0x4000, s31;
	s1 =	sadd.s32 s1, s30  }
0xbb: {  	s0 =	sor.u32 s3, s0;
	s1 =	sshll.u32 s1, $0x11  }
0xbc: {  	s0 =	sor.u32 s1, s0  }
0xbd: {  	s0 =	sadd.s32 $0x8F2B, s0  }
0xbe: {  	[sflag:s0] =	ssyncadd.remote.s32 $0x1  }
0xbf: {  	_ =	sfence.sel $0xFFFF  }
0xc0: {  	[dreg:$0x0] =	wrdreg $0xFFFFFFFF;
	(pc) =	sbr.abs _section_cstart, $3  }
0xc1: {  	[dreg:$0x1] =	wrdreg $0xFFFFFFFF  }
0xc2: {  	_ =	task.clear_ibuf [dreg:s7], $0x2FFFF;
	_ =	strace $0x9FFFFFFF  }
0xc3: {  	(tm) =	ssettm $0x7FFFFFFF  }
tec
execute0_lowered:
.L_overlay_start_1:
0x0: {  	(tag) =	ssettag $0x1  }
0x1: {  	s0 =	rddreg [dreg:$0x0]  }
0x2: {  	s1 =	rddreg [dreg:$0x1]  }
0x3: {  	s2 =	rddreg [dreg:$0x2]  }
0x4: {  	s9 =	stileid.u32;
	s4 =	srdreg.scid;
	s3 =	simm.s32 $0x0  }
0x5: {  	s14 =	simm.s32 $0x9;
	s15 =	simm.s32 $0x5000;
	s16 =	simm.s32 $0xA000  }
0x6: {  	s17 =	simm.s32 $0x80;
	s18 =	simm.s32 $0xC000;
	s19 =	simm.s32 $0x1  }
0x7: {  	s21 =	simm.s32 $0xE000;
	s22 =	simm.s32 $0x2;
	s25 =	simm.s32 $0x10000  }
0x8: {  	s26 =	simm.s32 $0x3;
	s29 =	simm.s32 $0x5;
	s7 =	smul.u32 $0xA000, s9  }
0x9: {  	s31 =	simm.s32 $0x4;
	s20 =	simm.s32 $0x6;
	s6 =	smul.u32 $0xA00, s9  }
0xa: {  	s24 =	simm.s32 $0x8;
	s23 =	sand.u32 $0x1, s4;
	s9 =	smul.u32 $0x28000, s9  }
0xb: {  	[smem:$0x7FF] =	sst s3;
	s4 =	sadd.s32 $0x15C00, s0;
	s5 =	smul.u32 $0xA0000, s23  }
0xc: {  	_ =	strace $0x8000004D;
	s8 =	ssub.s32 $0x2, s23;
	s10 =	sadd.s32 s6, s0  }
0xd: {  	s11 =	sshrl.u32 s8, $0x1;
	s28 =	sshrl.u32 s9, $0x2;
	s6 =	sadd.s32 s1, s6  }
0xe: {  	s1 =	simm.s32 $0x7;
	s5 =	sadd.s32 s7, s5;
	s13 =	ssub.s32 s8, s11  }
0xf: {  	s30 =	sadd.s32 s28, s2;
	s7 =	sadd.s32 s7, s2;
	s5 =	sshrl.u32 s5, $0x3  }
0x10: {  	s8 =	sadd.s32 $0x2000, s30;
	s9 =	sadd.s32 $0x4000, s30;
	s11 =	sadd.s32 $0x8000, s30  }
0x11: {  	s13 =	smax.u32 s13, $0x1;
	s0 =	sadd.s32 s5, s0;
	s5 =	sadd.s32 $0xBC00, s10  }
0x12: {  	v1 =	vimm.f32 $0.0e+00;
	v0 =	vmov s23;
	s10 =	sadd.s32 $0x6000, s30;
	s12 =	sadd.s32 $0x3DC00, s0;
	s0 =	simm.s32 $0x0  }
.LBB2_1:
0x13: {  	[tilespmem:s3], [sflag:$0x9] =	stream.linear.gather [hbm4b:s5+s3], $0x5000, $0x38;
	[tilespmem:$0x1C000] =	vst v63  }
0x14: {  	_ =	swait.ge [sflag:s14], $0x5000  }
0x15: {  	[sflag:s14] =	ssyncset.done $0x0  }
0x16: {  	[sflag:s14] =	ssyncadd.s32 $0xFFFFB000  }
0x17: {  	[tilespmem:s15], [sflag:$0x9] =	stream.linear.gather [hbm4b:s6+s3], $0x5000, $0x38;
	[tilespmem:$0x1C000] =	vst v63  }
0x18: {  	_ =	swait.ge [sflag:s14], $0x5000  }
0x19: {  	[sflag:s14] =	ssyncset.done $0x0  }
0x1a: {  	s23 =	simm.s32 $0x0;
	s28 =	simm.s32 $0x40;
	[sflag:s14] =	ssyncadd.s32 $0xFFFFB000  }
.LBB2_2:
0x1b: {  	p0 =	sne.s32 s28, $0x13FC0;
	v2 =	vld [tilespmem:s23+$0x0];
	_ =	sdelay $0x2  }
.Ltmp0:
0x1c: {  	(pc) =	sbr.rel @p0 .LBB2_2-.Ltmp0, $4  }
0x1d: {  	_ = 	snop  }
0x1e: {  	v2 =	vshll.u32 v2, $0x1  }
0x1f: {  	v2 =	vor.u32 v0, v2  }
0x20: {  	[tilespmem:s23+$0x0] =	vst v2;
	s23 =	sshra.s32 s28, $0x2;
	s28 =	sadd.s32 $0x40, s28  }
0x21: {  	v2 =	vld [tilespmem:s23+$0x0];
	_ =	sdelay $0x4  }
0x22: {  	v2 =	vshll.u32 v2, $0x1  }
0x23: {  	v2 =	vor.u32 v0, v2  }
0x24: {  	s28 =	simm.s32 $0x100;
	[tilespmem:s23+$0x0] =	vst v2;
	s23 =	simm.s32 $0x0  }
.LBB2_4:
0x25: {  	p0 =	sne.s32 s28, $0x7F00;
	[tilespmem:s23+$0x10030] =	vst v1  }
0x26: {  	[tilespmem:s23+$0xA000] =	vst v1  }
0x27: {  	[tilespmem:s23+$0xA010] =	vst v1  }
0x28: {  	[tilespmem:s23+$0xA020] =	vst v1  }
0x29: {  	[tilespmem:s23+$0xA030] =	vst v1  }
0x2a: {  	[tilespmem:s23+$0xC000] =	vst v1  }
0x2b: {  	[tilespmem:s23+$0xC010] =	vst v1  }
0x2c: {  	[tilespmem:s23+$0xC020] =	vst v1  }
0x2d: {  	[tilespmem:s23+$0xC030] =	vst v1  }
0x2e: {  	[tilespmem:s23+$0xE000] =	vst v1  }
0x2f: {  	[tilespmem:s23+$0xE010] =	vst v1  }
.Ltmp1:
0x30: {  	[tilespmem:s23+$0xE020] =	vst v1;
	(pc) =	sbr.rel @p0 .LBB2_4-.Ltmp1, $4  }
0x31: {  	[tilespmem:s23+$0xE030] =	vst v1  }
0x32: {  	[tilespmem:s23+$0x10000] =	vst v1  }
0x33: {  	[tilespmem:s23+$0x10010] =	vst v1  }
0x34: {  	[tilespmem:s23+$0x10020] =	vst v1;
	s23 =	sshra.s32 s28, $0x2;
	s28 =	sadd.s32 $0x100, s28  }
0x35: {  	[tilespmem:s23+$0x10030] =	vst v1  }
0x36: {  	[tilespmem:s23+$0xA000] =	vst v1  }
0x37: {  	[tilespmem:s23+$0xA010] =	vst v1  }
0x38: {  	[tilespmem:s23+$0xA020] =	vst v1  }
0x39: {  	[tilespmem:s23+$0xA030] =	vst v1  }
0x3a: {  	[tilespmem:s23+$0xC000] =	vst v1  }
0x3b: {  	[tilespmem:s23+$0xC010] =	vst v1  }
0x3c: {  	[tilespmem:s23+$0xC020] =	vst v1  }
0x3d: {  	[tilespmem:s23+$0xC030] =	vst v1  }
0x3e: {  	[tilespmem:s23+$0xE000] =	vst v1  }
0x3f: {  	[tilespmem:s23+$0xE010] =	vst v1  }
0x40: {  	[tilespmem:s23+$0xE020] =	vst v1  }
0x41: {  	[tilespmem:s23+$0xE030] =	vst v1  }
0x42: {  	[tilespmem:s23+$0x10000] =	vst v1  }
0x43: {  	[tilespmem:s23+$0x10010] =	vst v1  }
0x44: {  	[tilespmem:s23+$0x10020] =	vst v1  }
0x45: {  	[spmem:s7] =	stream.linear.scatter [tilespmem:s16], [sflag:$0x9], $0x2000, $0x38;
	[tilespmem:$0x1C000] =	vst v63  }
0x46: {  	_ =	swait.ge [sflag:s14], $0x2000  }
0x47: {  	[sflag:s14] =	ssyncset.done $0x0  }
0x48: {  	[sflag:s14] =	ssyncadd.s32 $0xFFFFE000  }
0x49: {  	[spmem:s8] =	stream.linear.scatter [tilespmem:s16], [sflag:$0x9], $0x2000, $0x38;
	[tilespmem:$0x1C000] =	vst v63  }
0x4a: {  	_ =	swait.ge [sflag:s14], $0x2000  }
0x4b: {  	[sflag:s14] =	ssyncset.done $0x0  }
0x4c: {  	[sflag:s14] =	ssyncadd.s32 $0xFFFFE000  }
0x4d: {  	[spmem:s9] =	stream.linear.scatter [tilespmem:s16], [sflag:$0x9], $0x2000, $0x38;
	[tilespmem:$0x1C000] =	vst v63  }
0x4e: {  	_ =	swait.ge [sflag:s14], $0x2000  }
0x4f: {  	[sflag:s14] =	ssyncset.done $0x0  }
0x50: {  	[sflag:s14] =	ssyncadd.s32 $0xFFFFE000  }
0x51: {  	[spmem:s10] =	stream.linear.scatter [tilespmem:s16], [sflag:$0x9], $0x2000, $0x38;
	[tilespmem:$0x1C000] =	vst v63  }
0x52: {  	_ =	swait.ge [sflag:s14], $0x2000  }
0x53: {  	[sflag:s14] =	ssyncset.done $0x0  }
0x54: {  	[sflag:s14] =	ssyncadd.s32 $0xFFFFE000  }
0x55: {  	[spmem:s11] =	stream.linear.scatter [tilespmem:s16], [sflag:$0x9], $0x2000, $0x38;
	[tilespmem:$0x1C000] =	vst v63  }
0x56: {  	_ =	swait.ge [sflag:s14], $0x2000  }
0x57: {  	[sflag:s14] =	ssyncset.done $0x0  }
0x58: {  	[sflag:s14] =	ssyncadd.s32 $0xFFFFE000  }
0x59: {  	s30 =	simm.s32 $0x0;
	[bflag:$0x0] =	sbarrier.arrive $0xFFFF  }
0x5a: {  	[tilespmem:s16], [sflag:$0x1] =	stream.indirect.gather [hbm4b:s4+s17], $0x40, s30, s17, $0xb8;
	[tilespmem:$0x1C000] =	vst v63  }
0x5b: {  	_ = 	snop  }
0x5c: {  	[tilespmem:s18], [sflag:$0x2] =	stream.indirect.gather [hbm4b:s4+s17], $0x40, s17, s17, $0xb8;
	[tilespmem:$0x1C000] =	vst v63  }
0x5d: {  	_ =	swait.ge [sflag:s19], $0x2000  }
0x5e: {  	[sflag:s19] =	ssyncset.done $0x0  }
0x5f: {  	[sflag:s19] =	ssyncadd.s32 $0xFFFFE000  }
0x60: {  	[spmem:s2] =	stream.indirect.scatter.add.f32 [tilespmem:s16], [sflag:$0x5], $0x40, s15, s17, $0xb8;
	[tilespmem:$0x1C000] =	vst v63  }
0x61: {  	s30 =	simm.s32 $0x100  }
0x62: {  	[tilespmem:s21], [sflag:$0x3] =	stream.indirect.gather [hbm4b:s4+s17], $0x40, s30, s17, $0xb8;
	[tilespmem:$0x1C000] =	vst v63  }
0x63: {  	_ =	swait.ge [sflag:s22], $0x2000  }
0x64: {  	[sflag:s22] =	ssyncset.done $0x0  }
0x65: {  	s30 =	simm.s32 $0x5080;
	[sflag:s22] =	ssyncadd.s32 $0xFFFFE000  }
0x66: {  	[spmem:s2] =	stream.indirect.scatter.add.f32 [tilespmem:s18], [sflag:$0x6], $0x40, s30, s17, $0xb8;
	[tilespmem:$0x1C000] =	vst v63  }
0x67: {  	s30 =	simm.s32 $0x180  }
0x68: {  	[tilespmem:s25], [sflag:$0x4] =	stream.indirect.gather [hbm4b:s4+s17], $0x40, s30, s17, $0xb8;
	[tilespmem:$0x1C000] =	vst v63  }
0x69: {  	_ =	swait.ge [sflag:s26], $0x2000  }
0x6a: {  	[sflag:s26] =	ssyncset.done $0x0  }
0x6b: {  	s30 =	simm.s32 $0x5100;
	[sflag:s26] =	ssyncadd.s32 $0xFFFFE000  }
0x6c: {  	[spmem:s2] =	stream.indirect.scatter.add.f32 [tilespmem:s21], [sflag:$0x7], $0x40, s30, s17, $0xb8;
	[tilespmem:$0x1C000] =	vst v63  }
0x6d: {  	_ =	swait.ge [sflag:s29], $0x2000  }
0x6e: {  	[sflag:s29] =	ssyncset.done $0x0  }
0x6f: {  	s30 =	simm.s32 $0x200;
	[sflag:s29] =	ssyncadd.s32 $0xFFFFE000  }
0x70: {  	[tilespmem:s16], [sflag:$0x1] =	stream.indirect.gather [hbm4b:s4+s17], $0x40, s30, s17, $0xb8;
	[tilespmem:$0x1C000] =	vst v63  }
0x71: {  	_ =	swait.ge [sflag:s31], $0x2000  }
0x72: {  	[sflag:s31] =	ssyncset.done $0x0  }
0x73: {  	s30 =	simm.s32 $0x5180;
	[sflag:s31] =	ssyncadd.s32 $0xFFFFE000  }
0x74: {  	[spmem:s2] =	stream.indirect.scatter.add.f32 [tilespmem:s25], [sflag:$0x8], $0x40, s30, s17, $0xb8;
	[tilespmem:$0x1C000] =	vst v63  }
0x75: {  	_ =	swait.ge [sflag:s20], $0x2000  }
0x76: {  	[sflag:s20] =	ssyncset.done $0x0  }
0x77: {  	s30 =	simm.s32 $0x280;
	[sflag:s20] =	ssyncadd.s32 $0xFFFFE000  }
0x78: {  	[tilespmem:s18], [sflag:$0x2] =	stream.indirect.gather [hbm4b:s4+s17], $0x40, s30, s17, $0xb8;
	[tilespmem:$0x1C000] =	vst v63  }
0x79: {  	_ =	swait.ge [sflag:s19], $0x2000  }
0x7a: {  	[sflag:s19] =	ssyncset.done $0x0  }
0x7b: {  	s30 =	simm.s32 $0x5200;
	[sflag:s19] =	ssyncadd.s32 $0xFFFFE000  }
0x7c: {  	[spmem:s2] =	stream.indirect.scatter.add.f32 [tilespmem:s16], [sflag:$0x5], $0x40, s30, s17, $0xb8;
	[tilespmem:$0x1C000] =	vst v63  }
0x7d: {  	_ =	swait.ge [sflag:s1], $0x2000  }
0x7e: {  	[sflag:s1] =	ssyncset.done $0x0  }
0x7f: {  	s30 =	simm.s32 $0x300;
	[sflag:s1] =	ssyncadd.s32 $0xFFFFE000  }
0x80: {  	[tilespmem:s21], [sflag:$0x3] =	stream.indirect.gather [hbm4b:s4+s17], $0x40, s30, s17, $0xb8;
	[tilespmem:$0x1C000] =	vst v63  }
0x81: {  	_ =	swait.ge [sflag:s22], $0x2000  }
0x82: {  	[sflag:s22] =	ssyncset.done $0x0  }
0x83: {  	s30 =	simm.s32 $0x5280;
	[sflag:s22] =	ssyncadd.s32 $0xFFFFE000  }
0x84: {  	[spmem:s2] =	stream.indirect.scatter.add.f32 [tilespmem:s18], [sflag:$0x6], $0x40, s30, s17, $0xb8;
	[tilespmem:$0x1C000] =	vst v63  }
0x85: {  	_ =	swait.ge [sflag:s24], $0x2000  }
0x86: {  	[sflag:s24] =	ssyncset.done $0x0  }
0x87: {  	s30 =	simm.s32 $0x380;
	[sflag:s24] =	ssyncadd.s32 $0xFFFFE000  }
0x88: {  	[tilespmem:s25], [sflag:$0x4] =	stream.indirect.gather [hbm4b:s4+s17], $0x40, s30, s17, $0xb8;
	[tilespmem:$0x1C000] =	vst v63  }
0x89: {  	_ =	swait.ge [sflag:s26], $0x2000  }
0x8a: {  	[sflag:s26] =	ssyncset.done $0x0  }
0x8b: {  	s30 =	simm.s32 $0x5300;
	[sflag:s26] =	ssyncadd.s32 $0xFFFFE000  }
0x8c: {  	[spmem:s2] =	stream.indirect.scatter.add.f32 [tilespmem:s21], [sflag:$0x7], $0x40, s30, s17, $0xb8;
	[tilespmem:$0x1C000] =	vst v63  }
0x8d: {  	_ =	swait.ge [sflag:s29], $0x2000  }
0x8e: {  	[sflag:s29] =	ssyncset.done $0x0  }
0x8f: {  	s30 =	simm.s32 $0x400;
	[sflag:s29] =	ssyncadd.s32 $0xFFFFE000  }
0x90: {  	[tilespmem:s16], [sflag:$0x1] =	stream.indirect.gather [hbm4b:s4+s17], $0x40, s30, s17, $0xb8;
	[tilespmem:$0x1C000] =	vst v63  }
0x91: {  	_ =	swait.ge [sflag:s31], $0x2000  }
0x92: {  	[sflag:s31] =	ssyncset.done $0x0  }
0x93: {  	s30 =	simm.s32 $0x5380;
	[sflag:s31] =	ssyncadd.s32 $0xFFFFE000  }
0x94: {  	[spmem:s2] =	stream.indirect.scatter.add.f32 [tilespmem:s25], [sflag:$0x8], $0x40, s30, s17, $0xb8;
	[tilespmem:$0x1C000] =	vst v63  }
0x95: {  	_ =	swait.ge [sflag:s20], $0x2000  }
0x96: {  	[sflag:s20] =	ssyncset.done $0x0  }
0x97: {  	s23 =	simm.s32 $0x800;
	s28 =	simm.s32 $0x480;
	[sflag:s20] =	ssyncadd.s32 $0xFFFFE000  }
.LBB2_6:
0x98: {  	[tilespmem:s18], [sflag:$0x2] =	stream.indirect.gather [hbm4b:s4+s17], $0x40, s28, s17, $0xb8;
	[tilespmem:$0x1C000] =	vst v63  }
0x99: {  	s28 =	smov.u32 s23  }
0x9a: {  	p0 =	sne.s32 s23, $0x12800;
	s23 =	sadd.s32 $0x800, s23;
	_ =	swait.ge [sflag:s19], $0x2000  }
0x9b: {  	s28 =	sshra.s32 s28, $0x2;
	[sflag:s19] =	ssyncset.done $0x0  }
0x9c: {  	s30 =	sadd.s32 $0x5200, s28;
	[sflag:s19] =	ssyncadd.s32 $0xFFFFE000  }
0x9d: {  	[spmem:s2] =	stream.indirect.scatter.add.f32 [tilespmem:s16], [sflag:$0x5], $0x40, s30, s17, $0xb8;
	[tilespmem:$0x1C000] =	vst v63  }
0x9e: {  	_ =	swait.ge [sflag:s1], $0x2000  }
0x9f: {  	[sflag:s1] =	ssyncset.done $0x0  }
0xa0: {  	s30 =	sadd.s32 $0x300, s28;
	[sflag:s1] =	ssyncadd.s32 $0xFFFFE000  }
0xa1: {  	[tilespmem:s21], [sflag:$0x3] =	stream.indirect.gather [hbm4b:s4+s17], $0x40, s30, s17, $0xb8;
	[tilespmem:$0x1C000] =	vst v63  }
0xa2: {  	_ =	swait.ge [sflag:s22], $0x2000  }
0xa3: {  	[sflag:s22] =	ssyncset.done $0x0  }
0xa4: {  	s30 =	sadd.s32 $0x5280, s28;
	[sflag:s22] =	ssyncadd.s32 $0xFFFFE000  }
0xa5: {  	[spmem:s2] =	stream.indirect.scatter.add.f32 [tilespmem:s18], [sflag:$0x6], $0x40, s30, s17, $0xb8;
	[tilespmem:$0x1C000] =	vst v63  }
0xa6: {  	_ =	swait.ge [sflag:s24], $0x2000  }
0xa7: {  	[sflag:s24] =	ssyncset.done $0x0  }
0xa8: {  	s30 =	sadd.s32 $0x380, s28;
	[sflag:s24] =	ssyncadd.s32 $0xFFFFE000  }
0xa9: {  	[tilespmem:s25], [sflag:$0x4] =	stream.indirect.gather [hbm4b:s4+s17], $0x40, s30, s17, $0xb8;
	[tilespmem:$0x1C000] =	vst v63  }
0xaa: {  	_ =	swait.ge [sflag:s26], $0x2000  }
0xab: {  	[sflag:s26] =	ssyncset.done $0x0  }
0xac: {  	s30 =	sadd.s32 $0x5300, s28;
	[sflag:s26] =	ssyncadd.s32 $0xFFFFE000  }
0xad: {  	[spmem:s2] =	stream.indirect.scatter.add.f32 [tilespmem:s21], [sflag:$0x7], $0x40, s30, s17, $0xb8;
	[tilespmem:$0x1C000] =	vst v63  }
0xae: {  	_ =	swait.ge [sflag:s29], $0x2000  }
0xaf: {  	[sflag:s29] =	ssyncset.done $0x0  }
0xb0: {  	s30 =	sadd.s32 $0x400, s28;
	[sflag:s29] =	ssyncadd.s32 $0xFFFFE000  }
0xb1: {  	[tilespmem:s16], [sflag:$0x1] =	stream.indirect.gather [hbm4b:s4+s17], $0x40, s30, s17, $0xb8;
	[tilespmem:$0x1C000] =	vst v63  }
0xb2: {  	_ =	swait.ge [sflag:s31], $0x2000  }
0xb3: {  	[sflag:s31] =	ssyncset.done $0x0  }
.Ltmp2:
0xb4: {  	s30 =	sadd.s32 $0x5380, s28;
	[sflag:s31] =	ssyncadd.s32 $0xFFFFE000;
	(pc) =	sbr.rel @p0 .LBB2_6-.Ltmp2, $4  }
0xb5: {  	[spmem:s2] =	stream.indirect.scatter.add.f32 [tilespmem:s25], [sflag:$0x8], $0x40, s30, s17, $0xb8;
	[tilespmem:$0x1C000] =	vst v63  }
0xb6: {  	_ =	swait.ge [sflag:s20], $0x2000  }
0xb7: {  	[sflag:s20] =	ssyncset.done $0x0  }
0xb8: {  	s28 =	sadd.s32 $0x480, s28;
	[sflag:s20] =	ssyncadd.s32 $0xFFFFE000  }
0xb9: {  	[tilespmem:s18], [sflag:$0x2] =	stream.indirect.gather [hbm4b:s4+s17], $0x40, s28, s17, $0xb8;
	[tilespmem:$0x1C000] =	vst v63  }
0xba: {  	_ =	swait.ge [sflag:s19], $0x2000  }
0xbb: {  	[sflag:s19] =	ssyncset.done $0x0  }
0xbc: {  	s23 =	simm.s32 $0x9E00;
	[sflag:s19] =	ssyncadd.s32 $0xFFFFE000  }
0xbd: {  	[spmem:s2] =	stream.indirect.scatter.add.f32 [tilespmem:s16], [sflag:$0x5], $0x40, s23, s17, $0xb8;
	[tilespmem:$0x1C000] =	vst v63  }
0xbe: {  	_ =	swait.ge [sflag:s1], $0x2000  }
0xbf: {  	[sflag:s1] =	ssyncset.done $0x0  }
0xc0: {  	s30 =	simm.s32 $0x4F00;
	[sflag:s1] =	ssyncadd.s32 $0xFFFFE000  }
0xc1: {  	[tilespmem:s21], [sflag:$0x3] =	stream.indirect.gather [hbm4b:s4+s17], $0x40, s30, s17, $0xb8;
	[tilespmem:$0x1C000] =	vst v63  }
0xc2: {  	_ =	swait.ge [sflag:s22], $0x2000  }
0xc3: {  	[sflag:s22] =	ssyncset.done $0x0  }
0xc4: {  	s28 =	simm.s32 $0x9E80;
	[sflag:s22] =	ssyncadd.s32 $0xFFFFE000  }
0xc5: {  	[spmem:s2] =	stream.indirect.scatter.add.f32 [tilespmem:s18], [sflag:$0x6], $0x40, s28, s17, $0xb8;
	[tilespmem:$0x1C000] =	vst v63  }
0xc6: {  	_ =	swait.ge [sflag:s24], $0x2000  }
0xc7: {  	[sflag:s24] =	ssyncset.done $0x0  }
0xc8: {  	s30 =	simm.s32 $0x4F80;
	[sflag:s24] =	ssyncadd.s32 $0xFFFFE000  }
0xc9: {  	[tilespmem:s25], [sflag:$0x4] =	stream.indirect.gather [hbm4b:s4+s17], $0x40, s30, s17, $0xb8;
	[tilespmem:$0x1C000] =	vst v63  }
0xca: {  	_ =	swait.ge [sflag:s26], $0x2000  }
0xcb: {  	[sflag:s26] =	ssyncset.done $0x0  }
0xcc: {  	s28 =	simm.s32 $0x9F00;
	[sflag:s26] =	ssyncadd.s32 $0xFFFFE000  }
0xcd: {  	[spmem:s2] =	stream.indirect.scatter.add.f32 [tilespmem:s21], [sflag:$0x7], $0x40, s28, s17, $0xb8;
	[tilespmem:$0x1C000] =	vst v63  }
0xce: {  	_ =	swait.ge [sflag:s29], $0x2000  }
0xcf: {  	[sflag:s29] =	ssyncset.done $0x0  }
0xd0: {  	[sflag:s29] =	ssyncadd.s32 $0xFFFFE000  }
0xd1: {  	_ =	swait.ge [sflag:s31], $0x2000  }
0xd2: {  	[sflag:s31] =	ssyncset.done $0x0  }
0xd3: {  	s30 =	simm.s32 $0x9F80;
	[sflag:s31] =	ssyncadd.s32 $0xFFFFE000  }
0xd4: {  	[spmem:s2] =	stream.indirect.scatter.add.f32 [tilespmem:s25], [sflag:$0x8], $0x40, s30, s17, $0xb8;
	[tilespmem:$0x1C000] =	vst v63  }
0xd5: {  	_ =	swait.ge [sflag:s20], $0x2000  }
0xd6: {  	[sflag:s20] =	ssyncset.done $0x0  }
0xd7: {  	[sflag:s20] =	ssyncadd.s32 $0xFFFFE000  }
0xd8: {  	_ =	swait.ge [sflag:s1], $0x2000  }
0xd9: {  	[sflag:s1] =	ssyncset.done $0x0  }
0xda: {  	[sflag:s1] =	ssyncadd.s32 $0xFFFFE000  }
0xdb: {  	s28 =	stileid.u32;
	_ =	swait.ge [sflag:s24], $0x2000  }
0xdc: {  	s0 =	sadd.s32 $0x1, s0;
	s23 =	sshll.u32 s28, $0x6;
	[sflag:s24] =	ssyncset.done $0x0  }
0xdd: {  	p0 =	sne.s32 s0, s13;
	s23 =	sor.u32 $0x1C09, s23;
	[sflag:s24] =	ssyncadd.s32 $0xFFFFE000  }
.Ltmp3:
0xde: {  	s30 =	sshrl.u32 s7, $0x3;
	[bflag:$0x0] =	sbarrier.arrive $0xFFFF;
	(pc) =	sbr.rel @p0 .LBB2_1-.Ltmp3, $4  }
0xdf: {  	[hbm:s12], [sflag:s23] =	dma.local [spmem:s30], $0x1400  }
0xe0: {  	_ =	swait.ge [sflag:s14], $0x1400  }
0xe1: {  	[sflag:s14] =	ssyncset.done $0x0  }
0xe2: {  	[sflag:s14] =	ssyncadd.s32 $0xFFFFEC00  }
0xe3: {  	_ =	sfence.sel $0x180000  }
0xe4: {  	[bflag:$0x0] =	sbarrier.arrive $0xFFFF  }
0xe5: {  	_ =	strace $0x9000004D  }
0xe6: {  	s0 =	stileid.u32;
	[bflag:$0x2] =	sbarrier.arrive $0xFFFF  }
0xe7: {  	p0 =	sne.s32 s0, $0x0;
	s0 =	rddreg [dreg:$0x3]  }
0xe8: {  	s0 =	sadd.s32 @!p0 $0x100000, s0  }
0xe9: {  	[sflag:s0] =	ssyncadd.tile.s32 @!p0 $0x1;
	_ =	shalt  }
.Lfunc_end2:
_tile_overlayer_lowered:
.L_overlay_start_2:
0xea: {  	(tag) =	ssettag $0x2  }
0xeb: {  	s0 =	rddreg [dreg:$0x0];
	s2 =	stileid.u32  }
0xec: {  	s1 =	rddreg [dreg:$0x1];
	p0 =	sne.s32 s2, $0x0  }
0xed: {  	s3 =	rddreg [dreg:$0x2];
	[bflag:$0x3] =	sbarrier.arrive $0xFFFF;
	s2 =	simm.s32 @!p0 $0x1C09  }
0xee: {  	[timem:s3], [sflag:s2] =	dma.local @!p0 [hbm:s0], s1  }
0xef: {  	s0 =	simm.s32 @!p0 $0x9  }
0xf0: {  	_ =	swait.ge @!p0 [sflag:s0], s1  }
0xf1: {  	s1 =	ssub.s32 @!p0 $0x0, s1;
	[sflag:s0] =	ssyncset.done @!p0 $0x0  }
0xf2: {  	[sflag:s0] =	ssyncadd.s32 @!p0 s1  }
0xf3: {  	[bflag:$0x3] =	sbarrier.arrive $0xFFFF  }
0xf4: {  	_ =	shalt  }

// kernel: kernel.8.cloned.1.call-start
scs
__scs_entry_jumppad:
0x0: {  	(pc) =	sbr.rel $0x88, $3  }
0x1: {  	(tag) =	ssettag $0x0;
	lr =	simm.s32 $0x1  }
0x2: {  	[smem:$0x3F9B] =	sst lr;
	_ =	strace $0xD0000000  }
0x3: {  	_ = 	snop  }
0x4: {  	_ = 	snop  }
0x5: {  	_ = 	snop  }
0x6: {  	_ = 	snop  }
0x7: {  	_ = 	snop  }
__scs_overlays_trampoline_lowered:
0x8: {  	[smem:$0x3FAA] =	sst s0  }
0x9: {  	[smem:$0x3FAB] =	sst s1  }
0xa: {  	[smem:$0x3FAC] =	sst s2  }
0xb: {  	[smem:$0x3FAD] =	sst s3  }
0xc: {  	[smem:$0x3FAE] =	sst s4  }
0xd: {  	[smem:$0x3FAF] =	sst s5  }
0xe: {  	[smem:$0x3FB0] =	sst s6  }
0xf: {  	[smem:$0x3FB1] =	sst s7  }
0x10: {  	[smem:$0x3FB2] =	sst s8  }
0x11: {  	[smem:$0x3FB3] =	sst s9;
	s0 =	simm.s32 @!p0 $0x0  }
0x12: {  	s1 =	sld [smem:$0x3F99];
	s0 =	simm.s32 @p0 $0x1  }
0x13: {  	[smem:$0x3FB4] =	sst s0;
	s0 =	simm.s32 @!p1 $0x0  }
0x14: {  	s2 =	sld [smem:$0x3F98];
	s0 =	simm.s32 @p1 $0x1  }
0x15: {  	[smem:$0x3FB5] =	sst s0;
	s0 =	simm.s32 @!p2 $0x0  }
0x16: {  	s3 =	sld [smem:$0x3FDB];
	s0 =	simm.s32 @p2 $0x1  }
0x17: {  	s4 =	simm.s32 $0x1BF5;
	[smem:$0x3FB7] =	sst s0  }
0x18: {  	s0 =	sld [smem:$0x3F9A];
	_ =	swait.ge [sflag:s4], $0x0  }
0x19: {  	s7 =	sld [smem:$0x3F9B]  }
0x1a: {  	s8 =	sadd.s32 $0xFFFFE003, lr  }
0x1b: {  	s9 =	sadd.s32 $0xFFFFFEF7, lr;
	s5 =	simm.s32 $0xFFFFFFFF;
	p2 =	slt.u32 s8, $0xFFFFF086  }
0x1c: {  	p1 =	slt.u32 s9, $0xF7A;
	s5 =	simm.s32 @!p2 $0x0  }
0x1d: {  	s5 =	simm.s32 @p1 $0x1;
	p0 =	seq.s32 s7, s2  }
0x1e: {  	s7 =	smul.u32 @!p0 $0xF7A, s2;
	p2 =	seq.s32 @!p0 s5, $0x0  }
0x1f: {  	s9 =	smul.u32 $0xF7A, s1;
	s8 =	simm.s32 @!p0 $0x1BF5;
	p2 =	por !p2, p0  }
0x20: {  	[sflag:s8] =	ssyncset.s32 @!p0 $0xFFFFF086;
	s6 =	sadd.s32 @!p0 s3, s7;
	s7 =	simm.s32 @!p0 $0x108  }
0x21: {  	s3 =	sadd.s32 s3, s9;
	s6 =	sadd.s32 @!p0 $0x88, s6;
	s7 =	simm.s32 @p2 $0x1082  }
0x22: {  	[simem:s7], [sflag:s8] =	dma.local @!p0 [hbm:s6], $0xF7A  }
0x23: {  	s9 =	sor.u32 $0xD0000000, s2;
	s6 =	simm.s32 $0x108;
	_ =	swait.ge @!p0 [sflag:s8], $0x0  }
0x24: {  	s3 =	sadd.s32 $0x88, s3;
	s6 =	simm.s32 @!p1 $0x1082;
	[sflag:s4] =	ssyncset.s32 $0xFFFFF086  }
0x25: {  	[simem:s6], [sflag:s4] =	dma.local [hbm:s3], $0xF7A  }
0x26: {  	[smem:$0x3F9B] =	sst s1;
	(tag) =	ssettag s2;
	_ =	strace s9  }
0x27: {  	s1 =	sld [smem:$0x3FAB]  }
0x28: {  	s2 =	sld [smem:$0x3FAC]  }
0x29: {  	s4 =	sld [smem:$0x3FAE]  }
0x2a: {  	p0 =	seq.s32 s5, $0x0;
	s5 =	sld [smem:$0x3FAF]  }
0x2b: {  	s6 =	sld [smem:$0x3FB0]  }
0x2c: {  	s7 =	sld [smem:$0x3FB1]  }
0x2d: {  	s3 =	simm.s32 $0x108;
	s8 =	sld [smem:$0x3FB2]  }
0x2e: {  	s3 =	simm.s32 @!p0 $0x1082;
	s9 =	sld [smem:$0x3FB3]  }
0x2f: {  	lr =	sadd.s32 s0, s3;
	s0 =	sld [smem:$0x3FAA]  }
0x30: {  	s3 =	sld [smem:$0x3FAD]  }
0x31: {  	[smem:$0x3FB6] =	sst s10  }
0x32: {  	s10 =	sld [smem:$0x3FB4];
	_ =	sdelay $0x3  }
0x33: {  	p0 =	seq.s32 s10, $0x1;
	s10 =	sld [smem:$0x3FB6];
	_ =	sdelay $0x3  }
0x34: {  	[smem:$0x3FB6] =	sst s10  }
0x35: {  	s10 =	sld [smem:$0x3FB5];
	_ =	sdelay $0x3  }
0x36: {  	p1 =	seq.s32 s10, $0x1;
	s10 =	sld [smem:$0x3FB6];
	_ =	sdelay $0x3  }
0x37: {  	[smem:$0x3FB6] =	sst s10  }
0x38: {  	s10 =	sld [smem:$0x3FB7]  }
0x39: {  	_ = 	snop;
	(pc) =	sbr.ind lr, $3  }
0x3a: {  	_ = 	snop  }
0x3b: {  	_ = 	snop  }
0x3c: {  	p2 =	seq.s32 s10, $0x1;
	s10 =	sld [smem:$0x3FB6]  }
0x3d: {  	_ =	shalt  }
0x3e: {  	_ =	shalt  }
0x3f: {  	_ =	shalt  }
0x40: {  	_ =	shalt  }
0x41: {  	_ =	shalt  }
0x42: {  	_ =	shalt  }
0x43: {  	_ =	shalt  }
0x44: {  	_ =	shalt  }
0x45: {  	_ =	shalt  }
0x46: {  	_ =	shalt  }
0x47: {  	_ =	shalt  }
0x48: {  	_ =	shalt  }
0x49: {  	_ =	shalt  }
0x4a: {  	_ =	shalt  }
0x4b: {  	_ =	shalt  }
0x4c: {  	_ =	shalt  }
0x4d: {  	_ =	shalt  }
0x4e: {  	_ =	shalt  }
0x4f: {  	_ =	shalt  }
0x50: {  	_ =	shalt  }
0x51: {  	_ =	shalt  }
0x52: {  	_ =	shalt  }
0x53: {  	_ =	shalt  }
0x54: {  	_ =	shalt  }
0x55: {  	_ =	shalt  }
0x56: {  	_ =	shalt  }
0x57: {  	_ =	shalt  }
0x58: {  	_ =	shalt  }
0x59: {  	_ =	shalt  }
0x5a: {  	_ =	shalt  }
0x5b: {  	_ =	shalt  }
0x5c: {  	_ =	shalt  }
0x5d: {  	_ =	shalt  }
0x5e: {  	_ =	shalt  }
0x5f: {  	_ =	shalt  }
0x60: {  	_ =	shalt  }
0x61: {  	_ =	shalt  }
0x62: {  	_ =	shalt  }
0x63: {  	_ =	shalt  }
0x64: {  	_ =	shalt  }
0x65: {  	_ =	shalt  }
0x66: {  	_ =	shalt  }
0x67: {  	_ =	shalt  }
0x68: {  	_ =	shalt  }
0x69: {  	_ =	shalt  }
0x6a: {  	_ =	shalt  }
0x6b: {  	_ =	shalt  }
0x6c: {  	_ =	shalt  }
0x6d: {  	_ =	shalt  }
0x6e: {  	_ =	shalt  }
0x6f: {  	_ =	shalt  }
0x70: {  	_ =	shalt  }
0x71: {  	_ =	shalt  }
0x72: {  	_ =	shalt  }
0x73: {  	_ =	shalt  }
0x74: {  	_ =	shalt  }
0x75: {  	_ =	shalt  }
0x76: {  	_ =	shalt  }
0x77: {  	_ =	shalt  }
0x78: {  	_ =	shalt  }
0x79: {  	_ =	shalt  }
0x7a: {  	_ =	shalt  }
0x7b: {  	_ =	shalt  }
0x7c: {  	_ =	shalt  }
0x7d: {  	_ =	shalt  }
0x7e: {  	_ =	shalt  }
0x7f: {  	_ =	shalt  }
0x80: {  	_ =	shalt  }
0x81: {  	_ =	shalt  }
0x82: {  	_ =	shalt  }
0x83: {  	_ =	shalt  }
0x84: {  	_ =	shalt  }
0x85: {  	_ =	shalt  }
0x86: {  	_ =	shalt  }
0x87: {  	_ =	shalt  }
.Lfunc_end0:
.L_simem_size_0:
called_computation_lowered:
.L_overlay_start_0:
0x88: {  	s2 =	sld [smem:$0x3FD9]  }
0x89: {  	s3 =	sld [smem:$0x3FFE];
	_ =	sdelay $0x1  }
0x8a: {  	s1 =	srdreg.scid  }
0x8b: {  	s0 =	sand.u32 $0x1, s1  }
0x8c: {  	s17 =	sshll.u32 s0, $0xA;
	s2 =	sadd.s32 s3, s2  }
0x8d: {  	s2 =	sadd.s32 s2, s17  }
0x8e: {  	[smem:$0x3FC2] =	sst s2  }
0x8f: {  	_ = 	snop  }
0x90: {  	s2 =	sld [smem:$0x3FD0];
	(tm) =	ssettm $0x1  }
0x91: {  	s18 =	sld [smem:$0x3FFB];
	_ =	sdelay $0x3  }
0x92: {  	_ =	strace s18  }
0x93: {  	s3 =	sld [smem:$0x3FFC];
	_ =	sdelay $0x3  }
0x94: {  	_ =	strace s3  }
0x95: {  	s3 =	sld [smem:$0x3FFD];
	_ =	sdelay $0x3  }
0x96: {  	_ =	strace s3  }
0x97: {  	_ =	strace $0x8FFFFFFF  }
0x98: {  	s19 =	sld [smem:$0x3FDB];
	_ =	sdelay $0x1  }
0x99: {  	s4 =	simm.s32 $_scs_section_size  }
0x9a: {  	s5 =	simm.s32 $_size__tile_overlayer_lowered;
	s6 =	simm.s32 $_tile_overlayer_lowered  }
0x9b: {  	s22 =	simm.s32 $0x1BFF;
	s21 =	sshll.u32 s6, $0x1;
	s3 =	sadd.s32 s4, s19  }
0x9c: {  	s7 =	simm.s32 $0x0;
	s20 =	sshll.u32 s5, $0x1;
	s5 =	sadd.s32 s21, s3  }
0x9d: {  	[timem:s7], [sflag:s22] =	dma.local [hbm:s5], s20  }
0x9e: {  	_ =	swait.ge [sflag:s22], s20  }
0x9f: {  	s4 =	ssub.s32 $0x0, s20;
	[sflag:s22] =	ssyncset.done $0x0  }
0xa0: {  	[sflag:s22] =	ssyncadd.s32 s4;
	_ =	sdelay $0x1  }
0xa1: {  	s23 =	simm.s32 $0x1B8B  }
0xa2: {  	_ =	swait.ge [sflag:s23], $0x1  }
0xa3: {  	[sflag:s23] =	ssyncset.done $0x0  }
0xa4: {  	s25 =	simm.s32 $0x1B8E;
	s24 =	sld [smem:$0x3FFE];
	[sflag:s23] =	ssyncadd.s32 $0xFFFFFFFF  }
0xa5: {  	s26 =	simm.s32 $execute0_lowered;
	[smem:$0x3FD2] =	sst s25  }
0xa6: {  	s5 =	sshll.u32 s26, $0x1;
	_ =	strace $0x80000046;
	[dreg:$0x1] =	wrdreg $0xFFFFFFFF  }
0xa7: {  	s28 =	simm.s32 $_size_execute0_lowered;
	s3 =	sadd.s32 s3, s5;
	[dreg:$0x0] =	wrdreg $0x0  }
0xa8: {  	s5 =	sshll.u32 s28, $0x1;
	[dreg:$0x2] =	wrdreg s3  }
0xa9: {  	[dreg:$0x3] =	wrdreg s5  }
0xaa: {  	[dreg:$0x4] =	wrdreg $0xC0  }
0xab: {  	_ =	task [dreg:s7], $0x5FFFF  }
0xac: {  	[dreg:$0x1] =	wrdreg $0xFFFFFFFF  }
0xad: {  	[dreg:$0x0] =	wrdreg $0x60  }
0xae: {  	[dreg:$0x2] =	wrdreg s2  }
0xaf: {  	[dreg:$0x3] =	wrdreg s24  }
0xb0: {  	[dreg:$0x4] =	wrdreg $0x60000  }
0xb1: {  	[dreg:$0x5] =	wrdreg $0x9  }
0xb2: {  	_ =	task.clear_ibuf [dreg:s7], $0x6FFFF;
	_ =	strace $0x90000046  }
0xb3: {  	s29 =	simm.s32 $0x9;
	_ =	strace $0x80000048  }
0xb4: {  	_ =	swait.ge [sflag:s29], $0x1  }
0xb5: {  	[sflag:s29] =	ssyncadd.s32 $0xFFFFFFFF  }
0xb6: {  	_ =	strace $0x90000048  }
0xb7: {  	_ =	sfence  }
0xb8: {  	s30 =	sld [smem:$0x0];
	_ =	sdelay $0x2  }
0xb9: {  	s31 =	sshll.u32 s1, $0xD;
	s1 =	sshrl.u32 s1, $0x2  }
0xba: {  	s3 =	sand.u32 $0x4000, s31;
	s1 =	sadd.s32 s1, s30  }
0xbb: {  	s0 =	sor.u32 s3, s0;
	s1 =	sshll.u32 s1, $0x11  }
0xbc: {  	s0 =	sor.u32 s1, s0  }
0xbd: {  	s0 =	sadd.s32 $0x8F2B, s0  }
0xbe: {  	[sflag:s0] =	ssyncadd.remote.s32 $0x1  }
0xbf: {  	_ =	sfence.sel $0xFFFF  }
0xc0: {  	[dreg:$0x0] =	wrdreg $0xFFFFFFFF;
	(pc) =	sbr.abs _section_cstart, $3  }
0xc1: {  	[dreg:$0x1] =	wrdreg $0xFFFFFFFF  }
0xc2: {  	_ =	task.clear_ibuf [dreg:s7], $0x2FFFF;
	_ =	strace $0x9FFFFFFF  }
0xc3: {  	(tm) =	ssettm $0x7FFFFFFF  }
tec
execute0_lowered:
.L_overlay_start_1:
0x0: {  	(tag) =	ssettag $0x1  }
0x1: {  	s4 =	rddreg [dreg:$0x0];
	s1 =	srdreg.scid  }
0x2: {  	s0 =	stileid.u32;
	s5 =	rddreg [dreg:$0x1]  }
0x3: {  	s2 =	rddreg [dreg:$0x2];
	s3 =	simm.s32 $0x0;
	s14 =	simm.s32 $0x5800  }
0x4: {  	s15 =	simm.s32 $0x80;
	s16 =	simm.s32 $0x5000;
	s6 =	smul.u32 $0x2800, s0  }
0x5: {  	s9 =	sand.u32 $0x1, s1;
	s1 =	rddreg [dreg:$0x3];
	s8 =	smul.u32 $0xA000, s0  }
0x6: {  	s19 =	simm.s32 $0x0;
	[smem:$0x7FF] =	sst s3;
	s12 =	smul.u32 $0xA00, s0  }
0x7: {  	s17 =	sshll.u32 s0, $0x6;
	s7 =	smul.u32 $0x28000, s9;
	_ =	strace $0x80000047  }
0x8: {  	s10 =	ssub.s32 $0x2, s9;
	s31 =	smul.u32 $0xA000, s9;
	s17 =	sor.u32 $0x1C01, s17  }
0x9: {  	s11 =	sshrl.u32 s10, $0x1;
	s8 =	sshrl.u32 s8, $0x2;
	s4 =	sadd.s32 s4, s12  }
0xa: {  	s7 =	sadd.s32 s6, s7;
	s11 =	ssub.s32 s10, s11;
	s30 =	sadd.s32 s8, s2  }
0xb: {  	s12 =	sshrl.u32 s31, $0x2;
	s7 =	sshrl.u32 s7, $0x3;
	s8 =	sadd.s32 $0x1800, s30  }
0xc: {  	s9 =	sadd.s32 $0x2000, s30;
	s11 =	smax.u32 s11, $0x1;
	s13 =	sadd.s32 s7, s5  }
0xd: {  	s5 =	sadd.s32 s6, s2;
	s6 =	sadd.s32 $0x800, s30;
	s7 =	sadd.s32 $0x1000, s30  }
0xe: {  	v0 =	vimm.f32 $1.000000000e+00;
	v1 =	vimm.f32 $0.0e+00;
	s10 =	sadd.s32 $0x1C00, s13;
	s13 =	simm.s32 $0x1;
	s18 =	sshrl.u32 s5, $0x3  }
.LBB2_1:
0xf: {  	[tilespmem:s3], [sflag:$0x1] =	stream.linear.gather [hbm4b:s4+s3], $0x5000, $0x38;
	[tilespmem:$0x8800] =	vst v63  }
0x10: {  	_ =	swait.ge [sflag:s13], $0x5000  }
0x11: {  	[sflag:s13] =	ssyncset.done $0x0  }
0x12: {  	s20 =	simm.s32 $0x40;
	s21 =	simm.s32 $0x0;
	[sflag:s13] =	ssyncadd.s32 $0xFFFFB000  }
.LBB2_2:
0x13: {  	p0 =	sne.s32 s20, $0x1FC0;
	[tilespmem:s21+$0x5000] =	vst v0;
	s22 =	smov.u32 s20;
	s20 =	sadd.s32 $0x40, s20  }
.Ltmp0:
0x14: {  	[tilespmem:s21+$0x5800] =	vst v1;
	(pc) =	sbr.rel @p0 .LBB2_2-.Ltmp0, $2  }
0x15: {  	_ =	sdelay $0x2  }
0x16: {  	s21 =	sshra.s32 s22, $0x2  }
0x17: {  	[tilespmem:s21+$0x5000] =	vst v0  }
0x18: {  	[tilespmem:s21+$0x5800] =	vst v1  }
0x19: {  	[spmem:s5] =	stream.linear.scatter [tilespmem:s14], [sflag:$0x1], $0x800, $0x38;
	[tilespmem:$0x8800] =	vst v63  }
0x1a: {  	_ =	swait.ge [sflag:s13], $0x800  }
0x1b: {  	[sflag:s13] =	ssyncset.done $0x0  }
0x1c: {  	[sflag:s13] =	ssyncadd.s32 $0xFFFFF800  }
0x1d: {  	[spmem:s6] =	stream.linear.scatter [tilespmem:s14], [sflag:$0x1], $0x800, $0x38;
	[tilespmem:$0x8800] =	vst v63  }
0x1e: {  	_ =	swait.ge [sflag:s13], $0x800  }
0x1f: {  	[sflag:s13] =	ssyncset.done $0x0  }
0x20: {  	[sflag:s13] =	ssyncadd.s32 $0xFFFFF800  }
0x21: {  	[spmem:s7] =	stream.linear.scatter [tilespmem:s14], [sflag:$0x1], $0x800, $0x38;
	[tilespmem:$0x8800] =	vst v63  }
0x22: {  	_ =	swait.ge [sflag:s13], $0x800  }
0x23: {  	[sflag:s13] =	ssyncset.done $0x0  }
0x24: {  	[sflag:s13] =	ssyncadd.s32 $0xFFFFF800  }
0x25: {  	[spmem:s8] =	stream.linear.scatter [tilespmem:s14], [sflag:$0x1], $0x800, $0x38;
	[tilespmem:$0x8800] =	vst v63  }
0x26: {  	_ =	swait.ge [sflag:s13], $0x800  }
0x27: {  	[sflag:s13] =	ssyncset.done $0x0  }
0x28: {  	[sflag:s13] =	ssyncadd.s32 $0xFFFFF800  }
0x29: {  	[spmem:s9] =	stream.linear.scatter [tilespmem:s14], [sflag:$0x1], $0x800, $0x38;
	[tilespmem:$0x8800] =	vst v63  }
0x2a: {  	_ =	swait.ge [sflag:s13], $0x800  }
0x2b: {  	[sflag:s13] =	ssyncset.done $0x0  }
0x2c: {  	[sflag:s13] =	ssyncadd.s32 $0xFFFFF800  }
0x2d: {  	s20 =	sadd.s32 $0x0, s12;
	[bflag:$0x0] =	sbarrier.arrive $0xFFFF  }
0x2e: {  	[spmem:s2] =	stream.indirect.scatter.add.f32 [tilespmem:s16], [sflag:$0x1], $0x10, s20, s15, $0xb8;
	[tilespmem:$0x8800] =	vst v63  }
0x2f: {  	s20 =	simm.s32 $0x200;
	_ =	swait.ge [sflag:s13], $0x800  }
.LBB2_4:
0x30: {  	s21 =	sshra.s32 s20, $0x2;
	[sflag:s13] =	ssyncset.done $0x0;
	p0 =	sne.s32 s20, $0x9E00  }
.Ltmp1:
0x31: {  	s21 =	sadd.s32 s21, s12;
	[sflag:s13] =	ssyncadd.s32 $0xFFFFF800;
	(pc) =	sbr.rel @p0 .LBB2_4-.Ltmp1, $3  }
0x32: {  	[spmem:s2] =	stream.indirect.scatter.add.f32 [tilespmem:s16], [sflag:$0x1], $0x10, s21, s15, $0xb8;
	[tilespmem:$0x8800] =	vst v63  }
0x33: {  	s20 =	sadd.s32 $0x200, s20;
	_ =	sdelay $0x1  }
0x34: {  	_ =	swait.ge [sflag:s13], $0x800  }
0x35: {  	[sflag:s13] =	ssyncset.done $0x0;
	s19 =	sadd.s32 $0x1, s19  }
0x36: {  	[sflag:s13] =	ssyncadd.s32 $0xFFFFF800;
	p0 =	sne.s32 s19, s11  }
.Ltmp2:
0x37: {  	[bflag:$0x0] =	sbarrier.arrive $0xFFFF;
	(pc) =	sbr.rel @p0 .LBB2_1-.Ltmp2, $4  }
0x38: {  	[hbm:s10], [sflag:s17] =	dma.local [spmem:s18], $0x500  }
0x39: {  	_ =	swait.ge [sflag:s13], $0x500  }
0x3a: {  	[sflag:s13] =	ssyncset.done $0x0  }
0x3b: {  	[sflag:s13] =	ssyncadd.s32 $0xFFFFFB00  }
0x3c: {  	_ =	sfence.sel $0x180000  }
0x3d: {  	[bflag:$0x0] =	sbarrier.arrive $0xFFFF  }
0x3e: {  	p0 =	sne.s32 s0, $0x0;
	_ =	strace $0x90000047  }
0x3f: {  	s0 =	sadd.s32 @!p0 $0x100000, s1;
	[bflag:$0x2] =	sbarrier.arrive $0xFFFF  }
0x40: {  	[sflag:s0] =	ssyncadd.tile.s32 @!p0 $0x1;
	_ =	shalt  }
.Lfunc_end2:
_tile_overlayer_lowered:
.L_overlay_start_2:
0x41: {  	(tag) =	ssettag $0x2  }
0x42: {  	s0 =	rddreg [dreg:$0x0];
	s2 =	stileid.u32  }
0x43: {  	s1 =	rddreg [dreg:$0x1];
	p0 =	sne.s32 s2, $0x0  }
0x44: {  	s3 =	rddreg [dreg:$0x2];
	[bflag:$0x3] =	sbarrier.arrive $0xFFFF;
	s2 =	simm.s32 @!p0 $0x1C01  }
0x45: {  	[timem:s3], [sflag:s2] =	dma.local @!p0 [hbm:s0], s1  }
0x46: {  	s0 =	simm.s32 @!p0 $0x1  }
0x47: {  	_ =	swait.ge @!p0 [sflag:s0], s1  }
0x48: {  	s1 =	ssub.s32 @!p0 $0x0, s1;
	[sflag:s0] =	ssyncset.done @!p0 $0x0  }
0x49: {  	[sflag:s0] =	ssyncadd.s32 @!p0 s1  }
0x4a: {  	[bflag:$0x3] =	sbarrier.arrive $0xFFFF  }
0x4b: {  	_ =	shalt  }

</sc_bundles>
